<compile_context>
chip_gen: v7x
topology: tpu7x:2x2x1
jax: 0.10.2.dev20260603
libtpu: 0.0.44.dev20260713+nightly
codegen_flags: <defaults>
</compile_context>

<pallas_src>
import jax
import jax.numpy as jnp
from jax import lax
from jax.experimental import pallas as pl
from jax.experimental.pallas import tpu as pltpu
from jax.experimental.pallas import tpu_sc as plsc

EPS_ = 1e-08
B_, C_ = 16384, 1000
NC_, NS_, L_ = 2, 16, 16
NW_ = NC_ * NS_
HSC_ = 4096
RPW_ = HSC_ // NW_
PC_ = 128
NP_ = 7
TC0_ = NP_ * PC_
TCN_ = C_ - TC0_
NSB_ = RPW_ // L_


_GDN = lax.GatherDimensionNumbers(
    offset_dims=(), collapsed_slice_dims=(0,), start_index_map=(0,))


def _perm(v, idx):
    return lax.gather(v, idx[:, None], _GDN, (1,),
                      mode=lax.GatherScatterMode.PROMISE_IN_BOUNDS)


def _transpose16(vs, lane):
    for d in (1, 2, 4, 8):
        nv = list(vs)
        for i in range(L_):
            if i & d:
                continue
            j = i | d
            a, b = vs[i], vs[j]
            sa = _perm(a, lane ^ d)
            sb = _perm(b, lane ^ d)
            nv[i] = jnp.where((lane & d) == 0, a, sb)
            nv[j] = jnp.where((lane & d) == 0, sa, b)
        vs = nv
    return vs


def _sc_body(xt_hbm, y_hbm, w_hbm, out_hbm, idx_v, xb, wb2, sv,
             sx0, sx1, sw0, sw1):
    wid = lax.axis_index("s") * NC_ + lax.axis_index("c")
    col0 = wid * RPW_
    pltpu.sync_copy(y_hbm.at[pl.ds(col0, RPW_)], idx_v)
    sx = (sx0, sx1)
    sw = (sw0, sw1)
    lane = jnp.arange(L_, dtype=jnp.int32)

    def start(p, b):
        c0 = pl.multiple_of(p * PC_, PC_)
        pltpu.async_copy(
            xt_hbm.at[pl.ds(c0, PC_), pl.ds(col0, RPW_)], xb.at[b], sx[b])
        pltpu.async_copy(
            w_hbm.at[idx_v, pl.ds(c0, PC_)], wb2.at[b], sw[b])

    def wait(b):
        pltpu.make_async_copy(
            xt_hbm.at[pl.ds(0, PC_), pl.ds(0, RPW_)], xb.at[b], sx[b]).wait()
        pltpu.make_async_copy(
            w_hbm.at[idx_v, pl.ds(0, PC_)], wb2.at[b], sw[b]).wait()

    zero = jnp.zeros((L_,), jnp.float32)
    for sb in range(NSB_):
        sv[pl.ds(sb * L_, L_)] = zero

    def compute(b):
        def sb_body(sb, carry):
            acc0 = sv[pl.ds(sb * L_, L_)]

            def k_body(k, acc, sb=sb):
                vs = [wb2[b, sb * L_ + r, pl.ds(k * L_, L_)]
                      for r in range(L_)]
                cols = _transpose16(vs, lane)
                for cc in range(L_):
                    acc = acc + (xb[b, k * L_ + cc, pl.ds(sb * L_, L_)]
                                 * cols[cc])
                return acc

            acc = lax.fori_loop(0, PC_ // L_, k_body, acc0)
            sv[pl.ds(sb * L_, L_)] = acc
            return carry

        lax.fori_loop(0, NSB_, sb_body, 0)

    start(0, 0)

    def piece_pair(j, carry):
        p0 = j * 2
        start(p0 + 1, 1)
        wait(0)
        compute(0)
        start(p0 + 2, 0)
        wait(1)
        compute(1)
        return carry

    lax.fori_loop(0, (NP_ - 1) // 2, piece_pair, 0)
    wait(0)
    compute(0)

    pltpu.sync_copy(sv, out_hbm.at[pl.ds(col0, RPW_)])


_sc_call = pl.kernel(
    _sc_body,
    out_type=jax.ShapeDtypeStruct((HSC_,), jnp.float32),
    mesh=plsc.VectorSubcoreMesh(
        core_axis_name="c", subcore_axis_name="s",
        num_cores=NC_, num_subcores=NS_),
    scratch_types=[
        pltpu.VMEM((RPW_,), jnp.int32),
        pltpu.VMEM((2, PC_, RPW_), jnp.float32),
        pltpu.VMEM((2, RPW_, PC_), jnp.float32),
        pltpu.VMEM((RPW_,), jnp.float32),
        pltpu.SemaphoreType.DMA,
        pltpu.SemaphoreType.DMA,
        pltpu.SemaphoreType.DMA,
        pltpu.SemaphoreType.DMA,
    ],
)

BLK_ = 2048


def _tc_body(y_ref, xt_ref, w_ref, out_ref):
    i = pl.program_id(0)
    y_row = y_ref[0]
    classes = jax.lax.broadcasted_iota(jnp.int32, (C_, BLK_), 0)
    onehot_t = (classes == y_row).astype(jnp.bfloat16)
    w_b = w_ref[...].astype(jnp.bfloat16)
    wy_t = jax.lax.dot_general(
        w_b, onehot_t, (((0,), (0,)), ((), ())),
        preferred_element_type=jnp.float32)
    s = jnp.sum(wy_t * xt_ref[...], axis=0, keepdims=True)
    part = jnp.sum(-jnp.log(s + EPS_)).reshape(1, 1)

    @pl.when(i == 0)
    def _():
        out_ref[...] = jnp.zeros((1, 1), jnp.float32)

    out_ref[...] += part


def _fin_body(s_ref, y_ref, xt_ref, w_ref, t_ref, out_ref):
    y_row = y_ref[...]
    classes = jax.lax.broadcasted_iota(jnp.int32, (C_, HSC_), 0)
    onehot_t = (classes == y_row).astype(jnp.bfloat16)
    w_tail = w_ref[...].astype(jnp.bfloat16)
    wy_t = jax.lax.dot_general(
        w_tail, onehot_t, (((0,), (0,)), ((), ())),
        preferred_element_type=jnp.float32)
    s_tail = jnp.sum(wy_t * xt_ref[0:TCN_, :], axis=0, keepdims=True)
    s = s_ref[...] + s_tail
    out_ref[...] = (jnp.sum(-jnp.log(s + EPS_)).reshape(1, 1)
                    + t_ref[...])


@jax.jit
def kernel(x, y, w):
    y32 = y.astype(jnp.int32)
    xt = x.T
    s_sc = _sc_call(xt, y32, w)

    nblk = (B_ - HSC_) // BLK_
    off = HSC_ // BLK_
    y3 = y32.reshape(B_ // BLK_, 1, BLK_)
    tc_tot = pl.pallas_call(
        _tc_body,
        grid=(nblk,),
        in_specs=[
            pl.BlockSpec((1, 1, BLK_), lambda i: (i + off, 0, 0)),
            pl.BlockSpec((C_, BLK_), lambda i: (0, i + off)),
            pl.BlockSpec((C_, C_), lambda i: (0, 0)),
        ],
        out_specs=pl.BlockSpec((1, 1), lambda i: (0, 0)),
        out_shape=jax.ShapeDtypeStruct((1, 1), jnp.float32),
    )(y3, xt, w)

    total = pl.pallas_call(
        _fin_body,
        grid=(1,),
        in_specs=[
            pl.BlockSpec((1, HSC_), lambda i: (0, 0)),
            pl.BlockSpec((1, HSC_), lambda i: (0, 0)),
            pl.BlockSpec((PC_, HSC_), lambda i: (NP_, 0)),
            pl.BlockSpec((C_, TCN_), lambda i: (0, 0)),
            pl.BlockSpec((1, 1), lambda i: (0, 0)),
        ],
        out_specs=pl.BlockSpec((1, 1), lambda i: (0, 0)),
        out_shape=jax.ShapeDtypeStruct((1, 1), jnp.float32),
    )(s_sc.reshape(1, HSC_), y32.reshape(1, B_), xt, w[:, TC0_:], tc_tot)
    return total[0, 0] / B_

# --- scband reference (transcript-rebuilt; emitter-appended) ---
"""Pipeline reference for scband-sim-loss-13743895347743 (READ-ONLY COPY).

The authoritative reference and input builder live on the scoring server;
editing this copy changes nothing except your own understanding.
"""

import jax, jax.numpy as jnp
import numpy as np

EPS = 1e-08

def setup_inputs(seed: int = 0) -> dict:
    key = jax.random.key(seed)
    k1, k2, k3 = jax.random.split(key, 3)
    B, C = 16384, 1000
    x = jax.random.uniform(k1, (B, C), dtype=jnp.float32)
    y = jax.random.randint(k2, (B,), 0, C, dtype=jnp.int64)
    w = jax.random.uniform(k3, (C, C), dtype=jnp.float32)
    return {"x": x, "y": y, "w": w}

def reference(x, y, w):
    # w[y, :] -> row gather from the class-similarity matrix
    wy = jnp.take(w, y, axis=0)            # [B, C]
    s = jnp.sum(wy * x, axis=1)            # [B]
    return jnp.mean(-jnp.log(s + EPS))     # scalar

if __name__ == "__main__":
    import jax
    _d = setup_inputs()
    print(jax.jit(kernel)(*tuple(_d.values())))

</pallas_src>

<mosaic_0001>
#map = affine_map<(d0, d1) -> (0, 0)>
#map1 = affine_map<(d0, d1) -> (0)>
module attributes {stable_mosaic.version = 14 : i64} {
  func.func @_sc_body(%arg0: i32, %arg1: i32, %arg2: memref<1000x16384xf32, #tpu.memory_space<hbm>>, %arg3: memref<16384xi32, #tpu.memory_space<hbm>>, %arg4: memref<1000x1000xf32, #tpu.memory_space<hbm>>, %arg5: memref<4096xf32, #tpu.memory_space<hbm>>, %arg6: memref<128xi32, #tpu.memory_space<vmem>>, %arg7: memref<2x128x128xf32, #tpu.memory_space<vmem>>, %arg8: memref<2x128x128xf32, #tpu.memory_space<vmem>>, %arg9: memref<128xf32, #tpu.memory_space<vmem>>, %arg10: memref<!tpu.dma_semaphore, #tpu.memory_space<semaphore_mem>>, %arg11: memref<!tpu.dma_semaphore, #tpu.memory_space<semaphore_mem>>, %arg12: memref<!tpu.dma_semaphore, #tpu.memory_space<semaphore_mem>>, %arg13: memref<!tpu.dma_semaphore, #tpu.memory_space<semaphore_mem>>) attributes {dimension_semantics = [#tpu.dimension_semantics<core_parallel>, #tpu.dimension_semantics<subcore_parallel>], iteration_bounds = array<i64: 2, 16>, scalar_prefetch = 0 : i64, scratch_operands = 8 : i64, tpu.core_type = #tpu.core_type<sc_vector_subcore>, window_params = [{transform_indices = #map}, {transform_indices = #map1}, {transform_indices = #map}, {transform_indices = #map1}]} {
    %mul3A = arith.constant 2 : i32
    %mul3A_0 = arith.muli %arg1, %mul3A : i32
    %add3A = arith.addi %mul3A_0, %arg0 : i32
    %mul3A_1 = arith.constant 128 : i32
    %mul3A_2 = arith.muli %add3A, %mul3A_1 : i32
    "tpu.region"() ({
      %run_scoped3A = tpu.sem_alloc : memref<!tpu.dma_semaphore, #tpu.memory_space<semaphore_mem>>
      %dma_start3A_86 = tpu.memref_slice %arg3[%mul3A_2] : memref<16384xi32, #tpu.memory_space<hbm>> -> memref<128xi32, #tpu.memory_space<hbm>>
      %dma_start3A_87 = tpu.memref_slice %arg3[%mul3A_2] : memref<16384xi32, #tpu.memory_space<hbm>> -> memref<128xi32, #tpu.memory_space<hbm>>
      tpu.enqueue_dma source(%dma_start3A_87 : memref<128xi32, #tpu.memory_space<hbm>>) target(%arg6 : memref<128xi32, #tpu.memory_space<vmem>>) target_semaphore(%run_scoped3A : memref<!tpu.dma_semaphore, #tpu.memory_space<semaphore_mem>>)
      %dma_wait3A_88 = tpu.memref_slice %arg3[%mul3A_2] : memref<16384xi32, #tpu.memory_space<hbm>> -> memref<128xi32, #tpu.memory_space<hbm>>
      %dma_wait3A_89 = tpu.memref_slice %arg3[%mul3A_2] : memref<16384xi32, #tpu.memory_space<hbm>> -> memref<128xi32, #tpu.memory_space<hbm>>
      tpu.wait_dma2 semaphore(%run_scoped3A : memref<!tpu.dma_semaphore, #tpu.memory_space<semaphore_mem>>) src(%dma_wait3A_89 : memref<128xi32, #tpu.memory_space<hbm>>) dst(%arg6 : memref<128xi32, #tpu.memory_space<vmem>>)
      tpu.yield
    }) : () -> ()
    %iota3A = tpu.iota {dimensions = array<i32: 0>} : vector<16xi32>
    %broadcast_in_dim3A = arith.constant 0.000000e+00 : f32
    %broadcast_in_dim3A_3 = vector.broadcast %broadcast_in_dim3A : f32 to vector<16xf32>
    %swap3A = arith.constant 0 : index
    %swap3A_4 = tpu.vector_load %arg9[%swap3A] {strides = array<i32>} : memref<128xf32, #tpu.memory_space<vmem>>, vector<16xf32>,
    %swap3A_5 = vector.shape_cast %swap3A_4 : vector<16xf32> to vector<16xf32>
    %swap3A_6 = vector.shape_cast %broadcast_in_dim3A_3 : vector<16xf32> to vector<16xf32>
    tpu.vector_store %arg9[%swap3A], %swap3A_6 {strides = array<i32>} : memref<128xf32, #tpu.memory_space<vmem>>, vector<16xf32>,
    %swap3A_7 = arith.constant 16 : index
    %swap3A_8 = tpu.vector_load %arg9[%swap3A_7] {strides = array<i32>} : memref<128xf32, #tpu.memory_space<vmem>>, vector<16xf32>,
    %swap3A_9 = vector.shape_cast %swap3A_8 : vector<16xf32> to vector<16xf32>
    %swap3A_10 = vector.shape_cast %broadcast_in_dim3A_3 : vector<16xf32> to vector<16xf32>
    tpu.vector_store %arg9[%swap3A_7], %swap3A_10 {strides = array<i32>} : memref<128xf32, #tpu.memory_space<vmem>>, vector<16xf32>,
    %swap3A_11 = arith.constant 32 : index
    %swap3A_12 = tpu.vector_load %arg9[%swap3A_11] {strides = array<i32>} : memref<128xf32, #tpu.memory_space<vmem>>, vector<16xf32>,
    %swap3A_13 = vector.shape_cast %swap3A_12 : vector<16xf32> to vector<16xf32>
    %swap3A_14 = vector.shape_cast %broadcast_in_dim3A_3 : vector<16xf32> to vector<16xf32>
    tpu.vector_store %arg9[%swap3A_11], %swap3A_14 {strides = array<i32>} : memref<128xf32, #tpu.memory_space<vmem>>, vector<16xf32>,
    %swap3A_15 = arith.constant 48 : index
    %swap3A_16 = tpu.vector_load %arg9[%swap3A_15] {strides = array<i32>} : memref<128xf32, #tpu.memory_space<vmem>>, vector<16xf32>,
    %swap3A_17 = vector.shape_cast %swap3A_16 : vector<16xf32> to vector<16xf32>
    %swap3A_18 = vector.shape_cast %broadcast_in_dim3A_3 : vector<16xf32> to vector<16xf32>
    tpu.vector_store %arg9[%swap3A_15], %swap3A_18 {strides = array<i32>} : memref<128xf32, #tpu.memory_space<vmem>>, vector<16xf32>,
    %swap3A_19 = arith.constant 64 : index
    %swap3A_20 = tpu.vector_load %arg9[%swap3A_19] {strides = array<i32>} : memref<128xf32, #tpu.memory_space<vmem>>, vector<16xf32>,
    %swap3A_21 = vector.shape_cast %swap3A_20 : vector<16xf32> to vector<16xf32>
    %swap3A_22 = vector.shape_cast %broadcast_in_dim3A_3 : vector<16xf32> to vector<16xf32>
    tpu.vector_store %arg9[%swap3A_19], %swap3A_22 {strides = array<i32>} : memref<128xf32, #tpu.memory_space<vmem>>, vector<16xf32>,
    %swap3A_23 = arith.constant 80 : index
    %swap3A_24 = tpu.vector_load %arg9[%swap3A_23] {strides = array<i32>} : memref<128xf32, #tpu.memory_space<vmem>>, vector<16xf32>,
    %swap3A_25 = vector.shape_cast %swap3A_24 : vector<16xf32> to vector<16xf32>
    %swap3A_26 = vector.shape_cast %broadcast_in_dim3A_3 : vector<16xf32> to vector<16xf32>
    tpu.vector_store %arg9[%swap3A_23], %swap3A_26 {strides = array<i32>} : memref<128xf32, #tpu.memory_space<vmem>>, vector<16xf32>,
    %swap3A_27 = arith.constant 96 : index
    %swap3A_28 = tpu.vector_load %arg9[%swap3A_27] {strides = array<i32>} : memref<128xf32, #tpu.memory_space<vmem>>, vector<16xf32>,
    %swap3A_29 = vector.shape_cast %swap3A_28 : vector<16xf32> to vector<16xf32>
    %swap3A_30 = vector.shape_cast %broadcast_in_dim3A_3 : vector<16xf32> to vector<16xf32>
    tpu.vector_store %arg9[%swap3A_27], %swap3A_30 {strides = array<i32>} : memref<128xf32, #tpu.memory_space<vmem>>, vector<16xf32>,
    %swap3A_31 = arith.constant 112 : index
    %swap3A_32 = tpu.vector_load %arg9[%swap3A_31] {strides = array<i32>} : memref<128xf32, #tpu.memory_space<vmem>>, vector<16xf32>,
    %swap3A_33 = vector.shape_cast %swap3A_32 : vector<16xf32> to vector<16xf32>
    %swap3A_34 = vector.shape_cast %broadcast_in_dim3A_3 : vector<16xf32> to vector<16xf32>
    tpu.vector_store %arg9[%swap3A_31], %swap3A_34 {strides = array<i32>} : memref<128xf32, #tpu.memory_space<vmem>>, vector<16xf32>,
    %multiple_of3A = arith.constant 0 : i32
    %multiple_of3A_35 = tpu.assume_multiple %multiple_of3A, 128 : i32
    %dma_start3A = arith.constant 0 : i32
    %dma_start3A_36 = arith.constant 0 : i32
    %dma_start3A_37 = arith.constant 0 : i32
    %dma_start3A_38 = tpu.memref_slice %arg7[%dma_start3A, %dma_start3A_36, %dma_start3A_37] : memref<2x128x128xf32, #tpu.memory_space<vmem>> -> memref<1x128x128xf32, #tpu.memory_space<vmem>>
    %dma_start3A_39 = tpu.memref_squeeze %dma_start3A_38 : memref<1x128x128xf32, #tpu.memory_space<vmem>> -> memref<128x128xf32, #tpu.memory_space<vmem>>
    %dma_start3A_40 = tpu.memref_slice %arg2[%multiple_of3A_35, %mul3A_2] : memref<1000x16384xf32, #tpu.memory_space<hbm>> -> memref<128x128xf32, #tpu.memory_space<hbm>>
    %dma_start3A_41 = arith.constant 0 : i32
    %dma_start3A_42 = arith.constant 0 : i32
    %dma_start3A_43 = tpu.memref_slice %arg7[%dma_start3A, %dma_start3A_41, %dma_start3A_42] : memref<2x128x128xf32, #tpu.memory_space<vmem>> -> memref<1x128x128xf32, #tpu.memory_space<vmem>>
    %dma_start3A_44 = tpu.memref_squeeze %dma_start3A_43 : memref<1x128x128xf32, #tpu.memory_space<vmem>> -> memref<128x128xf32, #tpu.memory_space<vmem>>
    %dma_start3A_45 = tpu.memref_slice %arg2[%multiple_of3A_35, %mul3A_2] : memref<1000x16384xf32, #tpu.memory_space<hbm>> -> memref<128x128xf32, #tpu.memory_space<hbm>>
    tpu.enqueue_dma source(%dma_start3A_45 : memref<128x128xf32, #tpu.memory_space<hbm>>) target(%dma_start3A_44 : memref<128x128xf32, #tpu.memory_space<vmem>>) target_semaphore(%arg10 : memref<!tpu.dma_semaphore, #tpu.memory_space<semaphore_mem>>)
    %dma_start3A_46 = arith.constant 0 : i32
    %dma_start3A_47 = arith.constant 0 : i32
    %dma_start3A_48 = arith.constant 0 : i32
    %dma_start3A_49 = tpu.memref_slice %arg8[%dma_start3A_46, %dma_start3A_47, %dma_start3A_48] : memref<2x128x128xf32, #tpu.memory_space<vmem>> -> memref<1x128x128xf32, #tpu.memory_space<vmem>>
    %dma_start3A_50 = tpu.memref_squeeze %dma_start3A_49 : memref<1x128x128xf32, #tpu.memory_space<vmem>> -> memref<128x128xf32, #tpu.memory_space<vmem>>
    %dma_start3A_51 = arith.constant 0 : i32
    %dma_start3A_52 = tpu.memref_slice %arg4[%dma_start3A_51, %multiple_of3A_35] : memref<1000x1000xf32, #tpu.memory_space<hbm>> -> memref<1000x128xf32, #tpu.memory_space<hbm>>
    tpu.enqueue_indirect_dma source(%dma_start3A_52 : memref<1000x128xf32, #tpu.memory_space<hbm>>) target(%dma_start3A_50 : memref<128x128xf32, #tpu.memory_space<vmem>>) offsets(%arg6 : memref<128xi32, #tpu.memory_space<vmem>>) semaphore(%arg12 : memref<!tpu.dma_semaphore, #tpu.memory_space<semaphore_mem>>)
    %scan3A = arith.constant 0 : i32
    %scan3A_53 = arith.constant 0 : i32
    %scan3A_54 = arith.constant 3 : i32
    %scan3A_55 = arith.addi %scan3A_53, %scan3A_54 : i32
    %scan3A_56 = arith.constant 1 : i32
    scf.for %scan3A_86 = %scan3A_53 to %scan3A_55 step %scan3A_56  : i32 {
      %mul3A_87 = arith.constant 2 : i32
      %mul3A_88 = arith.muli %scan3A_86, %mul3A_87 : i32
      %add3A_89 = arith.constant 1 : i32
      %add3A_90 = arith.addi %mul3A_88, %add3A_89 : i32
      %mul3A_91 = arith.constant 128 : i32
      %mul3A_92 = arith.muli %add3A_90, %mul3A_91 : i32
      %multiple_of3A_93 = tpu.assume_multiple %mul3A_92, 128 : i32
      %dma_start3A_94 = arith.constant 1 : i32
      %dma_start3A_95 = arith.constant 0 : i32
      %dma_start3A_96 = arith.constant 0 : i32
      %dma_start3A_97 = tpu.memref_slice %arg7[%dma_start3A_94, %dma_start3A_95, %dma_start3A_96] : memref<2x128x128xf32, #tpu.memory_space<vmem>> -> memref<1x128x128xf32, #tpu.memory_space<vmem>>
      %dma_start3A_98 = tpu.memref_squeeze %dma_start3A_97 : memref<1x128x128xf32, #tpu.memory_space<vmem>> -> memref<128x128xf32, #tpu.memory_space<vmem>>
      %dma_start3A_99 = tpu.memref_slice %arg2[%multiple_of3A_93, %mul3A_2] : memref<1000x16384xf32, #tpu.memory_space<hbm>> -> memref<128x128xf32, #tpu.memory_space<hbm>>
      %dma_start3A_100 = arith.constant 0 : i32
      %dma_start3A_101 = arith.constant 0 : i32
      %dma_start3A_102 = tpu.memref_slice %arg7[%dma_start3A_94, %dma_start3A_100, %dma_start3A_101] : memref<2x128x128xf32, #tpu.memory_space<vmem>> -> memref<1x128x128xf32, #tpu.memory_space<vmem>>
      %dma_start3A_103 = tpu.memref_squeeze %dma_start3A_102 : memref<1x128x128xf32, #tpu.memory_space<vmem>> -> memref<128x128xf32, #tpu.memory_space<vmem>>
      %dma_start3A_104 = tpu.memref_slice %arg2[%multiple_of3A_93, %mul3A_2] : memref<1000x16384xf32, #tpu.memory_space<hbm>> -> memref<128x128xf32, #tpu.memory_space<hbm>>
      tpu.enqueue_dma source(%dma_start3A_104 : memref<128x128xf32, #tpu.memory_space<hbm>>) target(%dma_start3A_103 : memref<128x128xf32, #tpu.memory_space<vmem>>) target_semaphore(%arg11 : memref<!tpu.dma_semaphore, #tpu.memory_space<semaphore_mem>>)
      %dma_start3A_105 = arith.constant 1 : i32
      %dma_start3A_106 = arith.constant 0 : i32
      %dma_start3A_107 = arith.constant 0 : i32
      %dma_start3A_108 = tpu.memref_slice %arg8[%dma_start3A_105, %dma_start3A_106, %dma_start3A_107] : memref<2x128x128xf32, #tpu.memory_space<vmem>> -> memref<1x128x128xf32, #tpu.memory_space<vmem>>
      %dma_start3A_109 = tpu.memref_squeeze %dma_start3A_108 : memref<1x128x128xf32, #tpu.memory_space<vmem>> -> memref<128x128xf32, #tpu.memory_space<vmem>>
      %dma_start3A_110 = arith.constant 0 : i32
      %dma_start3A_111 = tpu.memref_slice %arg4[%dma_start3A_110, %multiple_of3A_93] : memref<1000x1000xf32, #tpu.memory_space<hbm>> -> memref<1000x128xf32, #tpu.memory_space<hbm>>
      tpu.enqueue_indirect_dma source(%dma_start3A_111 : memref<1000x128xf32, #tpu.memory_space<hbm>>) target(%dma_start3A_109 : memref<128x128xf32, #tpu.memory_space<vmem>>) offsets(%arg6 : memref<128xi32, #tpu.memory_space<vmem>>) semaphore(%arg13 : memref<!tpu.dma_semaphore, #tpu.memory_space<semaphore_mem>>)
      %dma_wait3A_112 = arith.constant 0 : i32
      %dma_wait3A_113 = arith.constant 0 : i32
      %dma_wait3A_114 = arith.constant 0 : i32
      %dma_wait3A_115 = tpu.memref_slice %arg7[%dma_wait3A_112, %dma_wait3A_113, %dma_wait3A_114] : memref<2x128x128xf32, #tpu.memory_space<vmem>> -> memref<1x128x128xf32, #tpu.memory_space<vmem>>
      %dma_wait3A_116 = tpu.memref_squeeze %dma_wait3A_115 : memref<1x128x128xf32, #tpu.memory_space<vmem>> -> memref<128x128xf32, #tpu.memory_space<vmem>>
      %dma_wait3A_117 = arith.constant 0 : i32
      %dma_wait3A_118 = arith.constant 0 : i32
      %dma_wait3A_119 = tpu.memref_slice %arg2[%dma_wait3A_117, %dma_wait3A_118] : memref<1000x16384xf32, #tpu.memory_space<hbm>> -> memref<128x128xf32, #tpu.memory_space<hbm>>
      %dma_wait3A_120 = arith.constant 0 : i32
      %dma_wait3A_121 = arith.constant 0 : i32
      %dma_wait3A_122 = tpu.memref_slice %arg7[%dma_wait3A_112, %dma_wait3A_120, %dma_wait3A_121] : memref<2x128x128xf32, #tpu.memory_space<vmem>> -> memref<1x128x128xf32, #tpu.memory_space<vmem>>
      %dma_wait3A_123 = tpu.memref_squeeze %dma_wait3A_122 : memref<1x128x128xf32, #tpu.memory_space<vmem>> -> memref<128x128xf32, #tpu.memory_space<vmem>>
      %dma_wait3A_124 = arith.constant 0 : i32
      %dma_wait3A_125 = arith.constant 0 : i32
      %dma_wait3A_126 = tpu.memref_slice %arg2[%dma_wait3A_124, %dma_wait3A_125] : memref<1000x16384xf32, #tpu.memory_space<hbm>> -> memref<128x128xf32, #tpu.memory_space<hbm>>
      tpu.wait_dma2 semaphore(%arg10 : memref<!tpu.dma_semaphore, #tpu.memory_space<semaphore_mem>>) src(%dma_wait3A_126 : memref<128x128xf32, #tpu.memory_space<hbm>>) dst(%dma_wait3A_123 : memref<128x128xf32, #tpu.memory_space<vmem>>)
      %dma_wait3A_127 = arith.constant 0 : i32
      %dma_wait3A_128 = arith.constant 0 : i32
      %dma_wait3A_129 = arith.constant 0 : i32
      %dma_wait3A_130 = tpu.memref_slice %arg8[%dma_wait3A_127, %dma_wait3A_128, %dma_wait3A_129] : memref<2x128x128xf32, #tpu.memory_space<vmem>> -> memref<1x128x128xf32, #tpu.memory_space<vmem>>
      %dma_wait3A_131 = tpu.memref_squeeze %dma_wait3A_130 : memref<1x128x128xf32, #tpu.memory_space<vmem>> -> memref<128x128xf32, #tpu.memory_space<vmem>>
      %dma_wait3A_132 = arith.constant 0 : i32
      %dma_wait3A_133 = arith.constant 0 : i32
      %dma_wait3A_134 = tpu.memref_slice %arg4[%dma_wait3A_132, %dma_wait3A_133] : memref<1000x1000xf32, #tpu.memory_space<hbm>> -> memref<1000x128xf32, #tpu.memory_space<hbm>>
      tpu.wait_indirect_dma semaphore(%arg12 : memref<!tpu.dma_semaphore, #tpu.memory_space<semaphore_mem>>) src(%dma_wait3A_134 : memref<1000x128xf32, #tpu.memory_space<hbm>>) dst(%dma_wait3A_131 : memref<128x128xf32, #tpu.memory_space<vmem>>)
      %scan3A_135 = arith.constant 0 : i32
      %scan3A_136 = arith.constant 0 : i32
      %scan3A_137 = arith.constant 8 : i32
      %scan3A_138 = arith.addi %scan3A_136, %scan3A_137 : i32
      %scan3A_139 = arith.constant 1 : i32
      scf.for %scan3A_193 = %scan3A_136 to %scan3A_138 step %scan3A_139  : i32 {
        %mul3A_194 = arith.constant 16 : i32
        %mul3A_195 = arith.muli %scan3A_193, %mul3A_194 : i32
        %get3A = arith.index_cast %mul3A_195 : i32 to index
        %get3A_196 = tpu.vector_load %arg9[%get3A] {strides = array<i32>} : memref<128xf32, #tpu.memory_space<vmem>>, vector<16xf32>,
        %get3A_197 = vector.shape_cast %get3A_196 : vector<16xf32> to vector<16xf32>
        %scan3A_198 = arith.constant 0 : i32
        %scan3A_199 = arith.constant 8 : i32
        %scan3A_200 = arith.addi %scan3A_198, %scan3A_199 : i32
        %scan3A_201 = arith.constant 1 : i32
        %scan3A_202 = scf.for %scan3A_210 = %scan3A_198 to %scan3A_200 step %scan3A_201 iter_args(%scan3A_211 = %get3A_197) -> (vector<16xf32>)  : i32 {
          %mul3A_212 = arith.constant 16 : i32
          %mul3A_213 = arith.muli %scan3A_193, %mul3A_212 : i32
          %add3A_214 = arith.constant 0 : i32
          %add3A_215 = arith.addi %mul3A_213, %add3A_214 : i32
          %mul3A_216 = arith.constant 16 : i32
          %mul3A_217 = arith.muli %scan3A_210, %mul3A_216 : i32
          %get3A_218 = arith.constant 0 : i32
          %get3A_219 = arith.index_cast %get3A_218 : i32 to index
          %get3A_220 = arith.index_cast %add3A_215 : i32 to index
          %get3A_221 = arith.index_cast %mul3A_217 : i32 to index
          %get3A_222 = tpu.vector_load %arg8[%get3A_219, %get3A_220, %get3A_221] {strides = array<i32>} : memref<2x128x128xf32, #tpu.memory_space<vmem>>, vector<1x1x16xf32>,
          %get3A_223 = vector.shape_cast %get3A_222 : vector<1x1x16xf32> to vector<16xf32>
          %mul3A_224 = arith.constant 16 : i32
          %mul3A_225 = arith.muli %scan3A_193, %mul3A_224 : i32
          %add3A_226 = arith.constant 1 : i32
          %add3A_227 = arith.addi %mul3A_225, %add3A_226 : i32
          %mul3A_228 = arith.constant 16 : i32
          %mul3A_229 = arith.muli %scan3A_210, %mul3A_228 : i32
          %get3A_230 = arith.constant 0 : i32
          %get3A_231 = arith.index_cast %get3A_230 : i32 to index
          %get3A_232 = arith.index_cast %add3A_227 : i32 to index
          %get3A_233 = arith.index_cast %mul3A_229 : i32 to index
          %get3A_234 = tpu.vector_load %arg8[%get3A_231, %get3A_232, %get3A_233] {strides = array<i32>} : memref<2x128x128xf32, #tpu.memory_space<vmem>>, vector<1x1x16xf32>,
          %get3A_235 = vector.shape_cast %get3A_234 : vector<1x1x16xf32> to vector<16xf32>
          %mul3A_236 = arith.constant 16 : i32
          %mul3A_237 = arith.muli %scan3A_193, %mul3A_236 : i32
          %add3A_238 = arith.constant 2 : i32
          %add3A_239 = arith.addi %mul3A_237, %add3A_238 : i32
          %mul3A_240 = arith.constant 16 : i32
          %mul3A_241 = arith.muli %scan3A_210, %mul3A_240 : i32
          %get3A_242 = arith.constant 0 : i32
          %get3A_243 = arith.index_cast %get3A_242 : i32 to index
          %get3A_244 = arith.index_cast %add3A_239 : i32 to index
          %get3A_245 = arith.index_cast %mul3A_241 : i32 to index
          %get3A_246 = tpu.vector_load %arg8[%get3A_243, %get3A_244, %get3A_245] {strides = array<i32>} : memref<2x128x128xf32, #tpu.memory_space<vmem>>, vector<1x1x16xf32>,
          %get3A_247 = vector.shape_cast %get3A_246 : vector<1x1x16xf32> to vector<16xf32>
          %mul3A_248 = arith.constant 16 : i32
          %mul3A_249 = arith.muli %scan3A_193, %mul3A_248 : i32
          %add3A_250 = arith.constant 3 : i32
          %add3A_251 = arith.addi %mul3A_249, %add3A_250 : i32
          %mul3A_252 = arith.constant 16 : i32
          %mul3A_253 = arith.muli %scan3A_210, %mul3A_252 : i32
          %get3A_254 = arith.constant 0 : i32
          %get3A_255 = arith.index_cast %get3A_254 : i32 to index
          %get3A_256 = arith.index_cast %add3A_251 : i32 to index
          %get3A_257 = arith.index_cast %mul3A_253 : i32 to index
          %get3A_258 = tpu.vector_load %arg8[%get3A_255, %get3A_256, %get3A_257] {strides = array<i32>} : memref<2x128x128xf32, #tpu.memory_space<vmem>>, vector<1x1x16xf32>,
          %get3A_259 = vector.shape_cast %get3A_258 : vector<1x1x16xf32> to vector<16xf32>
          %mul3A_260 = arith.constant 16 : i32
          %mul3A_261 = arith.muli %scan3A_193, %mul3A_260 : i32
          %add3A_262 = arith.constant 4 : i32
          %add3A_263 = arith.addi %mul3A_261, %add3A_262 : i32
          %mul3A_264 = arith.constant 16 : i32
          %mul3A_265 = arith.muli %scan3A_210, %mul3A_264 : i32
          %get3A_266 = arith.constant 0 : i32
          %get3A_267 = arith.index_cast %get3A_266 : i32 to index
          %get3A_268 = arith.index_cast %add3A_263 : i32 to index
          %get3A_269 = arith.index_cast %mul3A_265 : i32 to index
          %get3A_270 = tpu.vector_load %arg8[%get3A_267, %get3A_268, %get3A_269] {strides = array<i32>} : memref<2x128x128xf32, #tpu.memory_space<vmem>>, vector<1x1x16xf32>,
          %get3A_271 = vector.shape_cast %get3A_270 : vector<1x1x16xf32> to vector<16xf32>
          %mul3A_272 = arith.constant 16 : i32
          %mul3A_273 = arith.muli %scan3A_193, %mul3A_272 : i32
          %add3A_274 = arith.constant 5 : i32
          %add3A_275 = arith.addi %mul3A_273, %add3A_274 : i32
          %mul3A_276 = arith.constant 16 : i32
          %mul3A_277 = arith.muli %scan3A_210, %mul3A_276 : i32
          %get3A_278 = arith.constant 0 : i32
          %get3A_279 = arith.index_cast %get3A_278 : i32 to index
          %get3A_280 = arith.index_cast %add3A_275 : i32 to index
          %get3A_281 = arith.index_cast %mul3A_277 : i32 to index
          %get3A_282 = tpu.vector_load %arg8[%get3A_279, %get3A_280, %get3A_281] {strides = array<i32>} : memref<2x128x128xf32, #tpu.memory_space<vmem>>, vector<1x1x16xf32>,
          %get3A_283 = vector.shape_cast %get3A_282 : vector<1x1x16xf32> to vector<16xf32>
          %mul3A_284 = arith.constant 16 : i32
          %mul3A_285 = arith.muli %scan3A_193, %mul3A_284 : i32
          %add3A_286 = arith.constant 6 : i32
          %add3A_287 = arith.addi %mul3A_285, %add3A_286 : i32
          %mul3A_288 = arith.constant 16 : i32
          %mul3A_289 = arith.muli %scan3A_210, %mul3A_288 : i32
          %get3A_290 = arith.constant 0 : i32
          %get3A_291 = arith.index_cast %get3A_290 : i32 to index
          %get3A_292 = arith.index_cast %add3A_287 : i32 to index
          %get3A_293 = arith.index_cast %mul3A_289 : i32 to index
          %get3A_294 = tpu.vector_load %arg8[%get3A_291, %get3A_292, %get3A_293] {strides = array<i32>} : memref<2x128x128xf32, #tpu.memory_space<vmem>>, vector<1x1x16xf32>,
          %get3A_295 = vector.shape_cast %get3A_294 : vector<1x1x16xf32> to vector<16xf32>
          %mul3A_296 = arith.constant 16 : i32
          %mul3A_297 = arith.muli %scan3A_193, %mul3A_296 : i32
          %add3A_298 = arith.constant 7 : i32
          %add3A_299 = arith.addi %mul3A_297, %add3A_298 : i32
          %mul3A_300 = arith.constant 16 : i32
          %mul3A_301 = arith.muli %scan3A_210, %mul3A_300 : i32
          %get3A_302 = arith.constant 0 : i32
          %get3A_303 = arith.index_cast %get3A_302 : i32 to index
          %get3A_304 = arith.index_cast %add3A_299 : i32 to index
          %get3A_305 = arith.index_cast %mul3A_301 : i32 to index
          %get3A_306 = tpu.vector_load %arg8[%get3A_303, %get3A_304, %get3A_305] {strides = array<i32>} : memref<2x128x128xf32, #tpu.memory_space<vmem>>, vector<1x1x16xf32>,
          %get3A_307 = vector.shape_cast %get3A_306 : vector<1x1x16xf32> to vector<16xf32>
          %mul3A_308 = arith.constant 16 : i32
          %mul3A_309 = arith.muli %scan3A_193, %mul3A_308 : i32
          %add3A_310 = arith.constant 8 : i32
          %add3A_311 = arith.addi %mul3A_309, %add3A_310 : i32
          %mul3A_312 = arith.constant 16 : i32
          %mul3A_313 = arith.muli %scan3A_210, %mul3A_312 : i32
          %get3A_314 = arith.constant 0 : i32
          %get3A_315 = arith.index_cast %get3A_314 : i32 to index
          %get3A_316 = arith.index_cast %add3A_311 : i32 to index
          %get3A_317 = arith.index_cast %mul3A_313 : i32 to index
          %get3A_318 = tpu.vector_load %arg8[%get3A_315, %get3A_316, %get3A_317] {strides = array<i32>} : memref<2x128x128xf32, #tpu.memory_space<vmem>>, vector<1x1x16xf32>,
          %get3A_319 = vector.shape_cast %get3A_318 : vector<1x1x16xf32> to vector<16xf32>
          %mul3A_320 = arith.constant 16 : i32
          %mul3A_321 = arith.muli %scan3A_193, %mul3A_320 : i32
          %add3A_322 = arith.constant 9 : i32
          %add3A_323 = arith.addi %mul3A_321, %add3A_322 : i32
          %mul3A_324 = arith.constant 16 : i32
          %mul3A_325 = arith.muli %scan3A_210, %mul3A_324 : i32
          %get3A_326 = arith.constant 0 : i32
          %get3A_327 = arith.index_cast %get3A_326 : i32 to index
          %get3A_328 = arith.index_cast %add3A_323 : i32 to index
          %get3A_329 = arith.index_cast %mul3A_325 : i32 to index
          %get3A_330 = tpu.vector_load %arg8[%get3A_327, %get3A_328, %get3A_329] {strides = array<i32>} : memref<2x128x128xf32, #tpu.memory_space<vmem>>, vector<1x1x16xf32>,
          %get3A_331 = vector.shape_cast %get3A_330 : vector<1x1x16xf32> to vector<16xf32>
          %mul3A_332 = arith.constant 16 : i32
          %mul3A_333 = arith.muli %scan3A_193, %mul3A_332 : i32
          %add3A_334 = arith.constant 10 : i32
          %add3A_335 = arith.addi %mul3A_333, %add3A_334 : i32
          %mul3A_336 = arith.constant 16 : i32
          %mul3A_337 = arith.muli %scan3A_210, %mul3A_336 : i32
          %get3A_338 = arith.constant 0 : i32
          %get3A_339 = arith.index_cast %get3A_338 : i32 to index
          %get3A_340 = arith.index_cast %add3A_335 : i32 to index
          %get3A_341 = arith.index_cast %mul3A_337 : i32 to index
          %get3A_342 = tpu.vector_load %arg8[%get3A_339, %get3A_340, %get3A_341] {strides = array<i32>} : memref<2x128x128xf32, #tpu.memory_space<vmem>>, vector<1x1x16xf32>,
          %get3A_343 = vector.shape_cast %get3A_342 : vector<1x1x16xf32> to vector<16xf32>
          %mul3A_344 = arith.constant 16 : i32
          %mul3A_345 = arith.muli %scan3A_193, %mul3A_344 : i32
          %add3A_346 = arith.constant 11 : i32
          %add3A_347 = arith.addi %mul3A_345, %add3A_346 : i32
          %mul3A_348 = arith.constant 16 : i32
          %mul3A_349 = arith.muli %scan3A_210, %mul3A_348 : i32
          %get3A_350 = arith.constant 0 : i32
          %get3A_351 = arith.index_cast %get3A_350 : i32 to index
          %get3A_352 = arith.index_cast %add3A_347 : i32 to index
          %get3A_353 = arith.index_cast %mul3A_349 : i32 to index
          %get3A_354 = tpu.vector_load %arg8[%get3A_351, %get3A_352, %get3A_353] {strides = array<i32>} : memref<2x128x128xf32, #tpu.memory_space<vmem>>, vector<1x1x16xf32>,
          %get3A_355 = vector.shape_cast %get3A_354 : vector<1x1x16xf32> to vector<16xf32>
          %mul3A_356 = arith.constant 16 : i32
          %mul3A_357 = arith.muli %scan3A_193, %mul3A_356 : i32
          %add3A_358 = arith.constant 12 : i32
          %add3A_359 = arith.addi %mul3A_357, %add3A_358 : i32
          %mul3A_360 = arith.constant 16 : i32
          %mul3A_361 = arith.muli %scan3A_210, %mul3A_360 : i32
          %get3A_362 = arith.constant 0 : i32
          %get3A_363 = arith.index_cast %get3A_362 : i32 to index
          %get3A_364 = arith.index_cast %add3A_359 : i32 to index
          %get3A_365 = arith.index_cast %mul3A_361 : i32 to index
          %get3A_366 = tpu.vector_load %arg8[%get3A_363, %get3A_364, %get3A_365] {strides = array<i32>} : memref<2x128x128xf32, #tpu.memory_space<vmem>>, vector<1x1x16xf32>,
          %get3A_367 = vector.shape_cast %get3A_366 : vector<1x1x16xf32> to vector<16xf32>
          %mul3A_368 = arith.constant 16 : i32
          %mul3A_369 = arith.muli %scan3A_193, %mul3A_368 : i32
          %add3A_370 = arith.constant 13 : i32
          %add3A_371 = arith.addi %mul3A_369, %add3A_370 : i32
          %mul3A_372 = arith.constant 16 : i32
          %mul3A_373 = arith.muli %scan3A_210, %mul3A_372 : i32
          %get3A_374 = arith.constant 0 : i32
          %get3A_375 = arith.index_cast %get3A_374 : i32 to index
          %get3A_376 = arith.index_cast %add3A_371 : i32 to index
          %get3A_377 = arith.index_cast %mul3A_373 : i32 to index
          %get3A_378 = tpu.vector_load %arg8[%get3A_375, %get3A_376, %get3A_377] {strides = array<i32>} : memref<2x128x128xf32, #tpu.memory_space<vmem>>, vector<1x1x16xf32>,
          %get3A_379 = vector.shape_cast %get3A_378 : vector<1x1x16xf32> to vector<16xf32>
          %mul3A_380 = arith.constant 16 : i32
          %mul3A_381 = arith.muli %scan3A_193, %mul3A_380 : i32
          %add3A_382 = arith.constant 14 : i32
          %add3A_383 = arith.addi %mul3A_381, %add3A_382 : i32
          %mul3A_384 = arith.constant 16 : i32
          %mul3A_385 = arith.muli %scan3A_210, %mul3A_384 : i32
          %get3A_386 = arith.constant 0 : i32
          %get3A_387 = arith.index_cast %get3A_386 : i32 to index
          %get3A_388 = arith.index_cast %add3A_383 : i32 to index
          %get3A_389 = arith.index_cast %mul3A_385 : i32 to index
          %get3A_390 = tpu.vector_load %arg8[%get3A_387, %get3A_388, %get3A_389] {strides = array<i32>} : memref<2x128x128xf32, #tpu.memory_space<vmem>>, vector<1x1x16xf32>,
          %get3A_391 = vector.shape_cast %get3A_390 : vector<1x1x16xf32> to vector<16xf32>
          %mul3A_392 = arith.constant 16 : i32
          %mul3A_393 = arith.muli %scan3A_193, %mul3A_392 : i32
          %add3A_394 = arith.constant 15 : i32
          %add3A_395 = arith.addi %mul3A_393, %add3A_394 : i32
          %mul3A_396 = arith.constant 16 : i32
          %mul3A_397 = arith.muli %scan3A_210, %mul3A_396 : i32
          %get3A_398 = arith.constant 0 : i32
          %get3A_399 = arith.index_cast %get3A_398 : i32 to index
          %get3A_400 = arith.index_cast %add3A_395 : i32 to index
          %get3A_401 = arith.index_cast %mul3A_397 : i32 to index
          %get3A_402 = tpu.vector_load %arg8[%get3A_399, %get3A_400, %get3A_401] {strides = array<i32>} : memref<2x128x128xf32, #tpu.memory_space<vmem>>, vector<1x1x16xf32>,
          %get3A_403 = vector.shape_cast %get3A_402 : vector<1x1x16xf32> to vector<16xf32>
          %xor3A = arith.constant 1 : i32
          %xor3A_404 = vector.broadcast %xor3A : i32 to vector<16xi32>
          %xor3A_405 = arith.xori %iota3A, %xor3A_404 : vector<16xi32>
          %broadcast_in_dim3A_406 = vector.shape_cast %xor3A_405 : vector<16xi32> to vector<16x1xi32>
          %gather3A = vector.shape_cast %broadcast_in_dim3A_406 : vector<16x1xi32> to vector<16xi32>
          %gather3A_407 = tpu.dynamic_gather %get3A_223[%gather3A] in [0] : vector<16xf32>, vector<16xi32> -> vector<16xf32>
          %xor3A_408 = arith.constant 1 : i32
          %xor3A_409 = vector.broadcast %xor3A_408 : i32 to vector<16xi32>
          %xor3A_410 = arith.xori %iota3A, %xor3A_409 : vector<16xi32>
          %broadcast_in_dim3A_411 = vector.shape_cast %xor3A_410 : vector<16xi32> to vector<16x1xi32>
          %gather3A_412 = vector.shape_cast %broadcast_in_dim3A_411 : vector<16x1xi32> to vector<16xi32>
          %gather3A_413 = tpu.dynamic_gather %get3A_235[%gather3A_412] in [0] : vector<16xf32>, vector<16xi32> -> vector<16xf32>
          %and3A = arith.constant 1 : i32
          %and3A_414 = vector.broadcast %and3A : i32 to vector<16xi32>
          %and3A_415 = arith.andi %iota3A, %and3A_414 : vector<16xi32>
          %eq3A = arith.constant 0 : i32
          %eq3A_416 = vector.broadcast %eq3A : i32 to vector<16xi32>
          %eq3A_417 = arith.cmpi eq, %and3A_415, %eq3A_416 : vector<16xi32>
          %select_n3A = arith.select %eq3A_417, %get3A_223, %gather3A_413 : vector<16xi1>, vector<16xf32>
          %and3A_418 = arith.constant 1 : i32
          %and3A_419 = vector.broadcast %and3A_418 : i32 to vector<16xi32>
          %and3A_420 = arith.andi %iota3A, %and3A_419 : vector<16xi32>
          %eq3A_421 = arith.constant 0 : i32
          %eq3A_422 = vector.broadcast %eq3A_421 : i32 to vector<16xi32>
          %eq3A_423 = arith.cmpi eq, %and3A_420, %eq3A_422 : vector<16xi32>
          %select_n3A_424 = arith.select %eq3A_423, %gather3A_407, %get3A_235 : vector<16xi1>, vector<16xf32>
          %xor3A_425 = arith.constant 1 : i32
          %xor3A_426 = vector.broadcast %xor3A_425 : i32 to vector<16xi32>
          %xor3A_427 = arith.xori %iota3A, %xor3A_426 : vector<16xi32>
          %broadcast_in_dim3A_428 = vector.shape_cast %xor3A_427 : vector<16xi32> to vector<16x1xi32>
          %gather3A_429 = vector.shape_cast %broadcast_in_dim3A_428 : vector<16x1xi32> to vector<16xi32>
          %gather3A_430 = tpu.dynamic_gather %get3A_247[%gather3A_429] in [0] : vector<16xf32>, vector<16xi32> -> vector<16xf32>
          %xor3A_431 = arith.constant 1 : i32
          %xor3A_432 = vector.broadcast %xor3A_431 : i32 to vector<16xi32>
          %xor3A_433 = arith.xori %iota3A, %xor3A_432 : vector<16xi32>
          %broadcast_in_dim3A_434 = vector.shape_cast %xor3A_433 : vector<16xi32> to vector<16x1xi32>
          %gather3A_435 = vector.shape_cast %broadcast_in_dim3A_434 : vector<16x1xi32> to vector<16xi32>
          %gather3A_436 = tpu.dynamic_gather %get3A_259[%gather3A_435] in [0] : vector<16xf32>, vector<16xi32> -> vector<16xf32>
          %and3A_437 = arith.constant 1 : i32
          %and3A_438 = vector.broadcast %and3A_437 : i32 to vector<16xi32>
          %and3A_439 = arith.andi %iota3A, %and3A_438 : vector<16xi32>
          %eq3A_440 = arith.constant 0 : i32
          %eq3A_441 = vector.broadcast %eq3A_440 : i32 to vector<16xi32>
          %eq3A_442 = arith.cmpi eq, %and3A_439, %eq3A_441 : vector<16xi32>
          %select_n3A_443 = arith.select %eq3A_442, %get3A_247, %gather3A_436 : vector<16xi1>, vector<16xf32>
          %and3A_444 = arith.constant 1 : i32
          %and3A_445 = vector.broadcast %and3A_444 : i32 to vector<16xi32>
          %and3A_446 = arith.andi %iota3A, %and3A_445 : vector<16xi32>
          %eq3A_447 = arith.constant 0 : i32
          %eq3A_448 = vector.broadcast %eq3A_447 : i32 to vector<16xi32>
          %eq3A_449 = arith.cmpi eq, %and3A_446, %eq3A_448 : vector<16xi32>
          %select_n3A_450 = arith.select %eq3A_449, %gather3A_430, %get3A_259 : vector<16xi1>, vector<16xf32>
          %xor3A_451 = arith.constant 1 : i32
          %xor3A_452 = vector.broadcast %xor3A_451 : i32 to vector<16xi32>
          %xor3A_453 = arith.xori %iota3A, %xor3A_452 : vector<16xi32>
          %broadcast_in_dim3A_454 = vector.shape_cast %xor3A_453 : vector<16xi32> to vector<16x1xi32>
          %gather3A_455 = vector.shape_cast %broadcast_in_dim3A_454 : vector<16x1xi32> to vector<16xi32>
          %gather3A_456 = tpu.dynamic_gather %get3A_271[%gather3A_455] in [0] : vector<16xf32>, vector<16xi32> -> vector<16xf32>
          %xor3A_457 = arith.constant 1 : i32
          %xor3A_458 = vector.broadcast %xor3A_457 : i32 to vector<16xi32>
          %xor3A_459 = arith.xori %iota3A, %xor3A_458 : vector<16xi32>
          %broadcast_in_dim3A_460 = vector.shape_cast %xor3A_459 : vector<16xi32> to vector<16x1xi32>
          %gather3A_461 = vector.shape_cast %broadcast_in_dim3A_460 : vector<16x1xi32> to vector<16xi32>
          %gather3A_462 = tpu.dynamic_gather %get3A_283[%gather3A_461] in [0] : vector<16xf32>, vector<16xi32> -> vector<16xf32>
          %and3A_463 = arith.constant 1 : i32
          %and3A_464 = vector.broadcast %and3A_463 : i32 to vector<16xi32>
          %and3A_465 = arith.andi %iota3A, %and3A_464 : vector<16xi32>
          %eq3A_466 = arith.constant 0 : i32
          %eq3A_467 = vector.broadcast %eq3A_466 : i32 to vector<16xi32>
          %eq3A_468 = arith.cmpi eq, %and3A_465, %eq3A_467 : vector<16xi32>
          %select_n3A_469 = arith.select %eq3A_468, %get3A_271, %gather3A_462 : vector<16xi1>, vector<16xf32>
          %and3A_470 = arith.constant 1 : i32
          %and3A_471 = vector.broadcast %and3A_470 : i32 to vector<16xi32>
          %and3A_472 = arith.andi %iota3A, %and3A_471 : vector<16xi32>
          %eq3A_473 = arith.constant 0 : i32
          %eq3A_474 = vector.broadcast %eq3A_473 : i32 to vector<16xi32>
          %eq3A_475 = arith.cmpi eq, %and3A_472, %eq3A_474 : vector<16xi32>
          %select_n3A_476 = arith.select %eq3A_475, %gather3A_456, %get3A_283 : vector<16xi1>, vector<16xf32>
          %xor3A_477 = arith.constant 1 : i32
          %xor3A_478 = vector.broadcast %xor3A_477 : i32 to vector<16xi32>
          %xor3A_479 = arith.xori %iota3A, %xor3A_478 : vector<16xi32>
          %broadcast_in_dim3A_480 = vector.shape_cast %xor3A_479 : vector<16xi32> to vector<16x1xi32>
          %gather3A_481 = vector.shape_cast %broadcast_in_dim3A_480 : vector<16x1xi32> to vector<16xi32>
          %gather3A_482 = tpu.dynamic_gather %get3A_295[%gather3A_481] in [0] : vector<16xf32>, vector<16xi32> -> vector<16xf32>
          %xor3A_483 = arith.constant 1 : i32
          %xor3A_484 = vector.broadcast %xor3A_483 : i32 to vector<16xi32>
          %xor3A_485 = arith.xori %iota3A, %xor3A_484 : vector<16xi32>
          %broadcast_in_dim3A_486 = vector.shape_cast %xor3A_485 : vector<16xi32> to vector<16x1xi32>
          %gather3A_487 = vector.shape_cast %broadcast_in_dim3A_486 : vector<16x1xi32> to vector<16xi32>
          %gather3A_488 = tpu.dynamic_gather %get3A_307[%gather3A_487] in [0] : vector<16xf32>, vector<16xi32> -> vector<16xf32>
          %and3A_489 = arith.constant 1 : i32
          %and3A_490 = vector.broadcast %and3A_489 : i32 to vector<16xi32>
          %and3A_491 = arith.andi %iota3A, %and3A_490 : vector<16xi32>
          %eq3A_492 = arith.constant 0 : i32
          %eq3A_493 = vector.broadcast %eq3A_492 : i32 to vector<16xi32>
          %eq3A_494 = arith.cmpi eq, %and3A_491, %eq3A_493 : vector<16xi32>
          %select_n3A_495 = arith.select %eq3A_494, %get3A_295, %gather3A_488 : vector<16xi1>, vector<16xf32>
          %and3A_496 = arith.constant 1 : i32
          %and3A_497 = vector.broadcast %and3A_496 : i32 to vector<16xi32>
          %and3A_498 = arith.andi %iota3A, %and3A_497 : vector<16xi32>
          %eq3A_499 = arith.constant 0 : i32
          %eq3A_500 = vector.broadcast %eq3A_499 : i32 to vector<16xi32>
          %eq3A_501 = arith.cmpi eq, %and3A_498, %eq3A_500 : vector<16xi32>
          %select_n3A_502 = arith.select %eq3A_501, %gather3A_482, %get3A_307 : vector<16xi1>, vector<16xf32>
          %xor3A_503 = arith.constant 1 : i32
          %xor3A_504 = vector.broadcast %xor3A_503 : i32 to vector<16xi32>
          %xor3A_505 = arith.xori %iota3A, %xor3A_504 : vector<16xi32>
          %broadcast_in_dim3A_506 = vector.shape_cast %xor3A_505 : vector<16xi32> to vector<16x1xi32>
          %gather3A_507 = vector.shape_cast %broadcast_in_dim3A_506 : vector<16x1xi32> to vector<16xi32>
          %gather3A_508 = tpu.dynamic_gather %get3A_319[%gather3A_507] in [0] : vector<16xf32>, vector<16xi32> -> vector<16xf32>
          %xor3A_509 = arith.constant 1 : i32
          %xor3A_510 = vector.broadcast %xor3A_509 : i32 to vector<16xi32>
          %xor3A_511 = arith.xori %iota3A, %xor3A_510 : vector<16xi32>
          %broadcast_in_dim3A_512 = vector.shape_cast %xor3A_511 : vector<16xi32> to vector<16x1xi32>
          %gather3A_513 = vector.shape_cast %broadcast_in_dim3A_512 : vector<16x1xi32> to vector<16xi32>
          %gather3A_514 = tpu.dynamic_gather %get3A_331[%gather3A_513] in [0] : vector<16xf32>, vector<16xi32> -> vector<16xf32>
          %and3A_515 = arith.constant 1 : i32
          %and3A_516 = vector.broadcast %and3A_515 : i32 to vector<16xi32>
          %and3A_517 = arith.andi %iota3A, %and3A_516 : vector<16xi32>
          %eq3A_518 = arith.constant 0 : i32
          %eq3A_519 = vector.broadcast %eq3A_518 : i32 to vector<16xi32>
          %eq3A_520 = arith.cmpi eq, %and3A_517, %eq3A_519 : vector<16xi32>
          %select_n3A_521 = arith.select %eq3A_520, %get3A_319, %gather3A_514 : vector<16xi1>, vector<16xf32>
          %and3A_522 = arith.constant 1 : i32
          %and3A_523 = vector.broadcast %and3A_522 : i32 to vector<16xi32>
          %and3A_524 = arith.andi %iota3A, %and3A_523 : vector<16xi32>
          %eq3A_525 = arith.constant 0 : i32
          %eq3A_526 = vector.broadcast %eq3A_525 : i32 to vector<16xi32>
          %eq3A_527 = arith.cmpi eq, %and3A_524, %eq3A_526 : vector<16xi32>
          %select_n3A_528 = arith.select %eq3A_527, %gather3A_508, %get3A_331 : vector<16xi1>, vector<16xf32>
          %xor3A_529 = arith.constant 1 : i32
          %xor3A_530 = vector.broadcast %xor3A_529 : i32 to vector<16xi32>
          %xor3A_531 = arith.xori %iota3A, %xor3A_530 : vector<16xi32>
          %broadcast_in_dim3A_532 = vector.shape_cast %xor3A_531 : vector<16xi32> to vector<16x1xi32>
          %gather3A_533 = vector.shape_cast %broadcast_in_dim3A_532 : vector<16x1xi32> to vector<16xi32>
          %gather3A_534 = tpu.dynamic_gather %get3A_343[%gather3A_533] in [0] : vector<16xf32>, vector<16xi32> -> vector<16xf32>
          %xor3A_535 = arith.constant 1 : i32
          %xor3A_536 = vector.broadcast %xor3A_535 : i32 to vector<16xi32>
          %xor3A_537 = arith.xori %iota3A, %xor3A_536 : vector<16xi32>
          %broadcast_in_dim3A_538 = vector.shape_cast %xor3A_537 : vector<16xi32> to vector<16x1xi32>
          %gather3A_539 = vector.shape_cast %broadcast_in_dim3A_538 : vector<16x1xi32> to vector<16xi32>
          %gather3A_540 = tpu.dynamic_gather %get3A_355[%gather3A_539] in [0] : vector<16xf32>, vector<16xi32> -> vector<16xf32>
          %and3A_541 = arith.constant 1 : i32
          %and3A_542 = vector.broadcast %and3A_541 : i32 to vector<16xi32>
          %and3A_543 = arith.andi %iota3A, %and3A_542 : vector<16xi32>
          %eq3A_544 = arith.constant 0 : i32
          %eq3A_545 = vector.broadcast %eq3A_544 : i32 to vector<16xi32>
          %eq3A_546 = arith.cmpi eq, %and3A_543, %eq3A_545 : vector<16xi32>
          %select_n3A_547 = arith.select %eq3A_546, %get3A_343, %gather3A_540 : vector<16xi1>, vector<16xf32>
          %and3A_548 = arith.constant 1 : i32
          %and3A_549 = vector.broadcast %and3A_548 : i32 to vector<16xi32>
          %and3A_550 = arith.andi %iota3A, %and3A_549 : vector<16xi32>
          %eq3A_551 = arith.constant 0 : i32
          %eq3A_552 = vector.broadcast %eq3A_551 : i32 to vector<16xi32>
          %eq3A_553 = arith.cmpi eq, %and3A_550, %eq3A_552 : vector<16xi32>
          %select_n3A_554 = arith.select %eq3A_553, %gather3A_534, %get3A_355 : vector<16xi1>, vector<16xf32>
          %xor3A_555 = arith.constant 1 : i32
          %xor3A_556 = vector.broadcast %xor3A_555 : i32 to vector<16xi32>
          %xor3A_557 = arith.xori %iota3A, %xor3A_556 : vector<16xi32>
          %broadcast_in_dim3A_558 = vector.shape_cast %xor3A_557 : vector<16xi32> to vector<16x1xi32>
          %gather3A_559 = vector.shape_cast %broadcast_in_dim3A_558 : vector<16x1xi32> to vector<16xi32>
          %gather3A_560 = tpu.dynamic_gather %get3A_367[%gather3A_559] in [0] : vector<16xf32>, vector<16xi32> -> vector<16xf32>
          %xor3A_561 = arith.constant 1 : i32
          %xor3A_562 = vector.broadcast %xor3A_561 : i32 to vector<16xi32>
          %xor3A_563 = arith.xori %iota3A, %xor3A_562 : vector<16xi32>
          %broadcast_in_dim3A_564 = vector.shape_cast %xor3A_563 : vector<16xi32> to vector<16x1xi32>
          %gather3A_565 = vector.shape_cast %broadcast_in_dim3A_564 : vector<16x1xi32> to vector<16xi32>
          %gather3A_566 = tpu.dynamic_gather %get3A_379[%gather3A_565] in [0] : vector<16xf32>, vector<16xi32> -> vector<16xf32>
          %and3A_567 = arith.constant 1 : i32
          %and3A_568 = vector.broadcast %and3A_567 : i32 to vector<16xi32>
          %and3A_569 = arith.andi %iota3A, %and3A_568 : vector<16xi32>
          %eq3A_570 = arith.constant 0 : i32
          %eq3A_571 = vector.broadcast %eq3A_570 : i32 to vector<16xi32>
          %eq3A_572 = arith.cmpi eq, %and3A_569, %eq3A_571 : vector<16xi32>
          %select_n3A_573 = arith.select %eq3A_572, %get3A_367, %gather3A_566 : vector<16xi1>, vector<16xf32>
          %and3A_574 = arith.constant 1 : i32
          %and3A_575 = vector.broadcast %and3A_574 : i32 to vector<16xi32>
          %and3A_576 = arith.andi %iota3A, %and3A_575 : vector<16xi32>
          %eq3A_577 = arith.constant 0 : i32
          %eq3A_578 = vector.broadcast %eq3A_577 : i32 to vector<16xi32>
          %eq3A_579 = arith.cmpi eq, %and3A_576, %eq3A_578 : vector<16xi32>
          %select_n3A_580 = arith.select %eq3A_579, %gather3A_560, %get3A_379 : vector<16xi1>, vector<16xf32>
          %xor3A_581 = arith.constant 1 : i32
          %xor3A_582 = vector.broadcast %xor3A_581 : i32 to vector<16xi32>
          %xor3A_583 = arith.xori %iota3A, %xor3A_582 : vector<16xi32>
          %broadcast_in_dim3A_584 = vector.shape_cast %xor3A_583 : vector<16xi32> to vector<16x1xi32>
          %gather3A_585 = vector.shape_cast %broadcast_in_dim3A_584 : vector<16x1xi32> to vector<16xi32>
          %gather3A_586 = tpu.dynamic_gather %get3A_391[%gather3A_585] in [0] : vector<16xf32>, vector<16xi32> -> vector<16xf32>
          %xor3A_587 = arith.constant 1 : i32
          %xor3A_588 = vector.broadcast %xor3A_587 : i32 to vector<16xi32>
          %xor3A_589 = arith.xori %iota3A, %xor3A_588 : vector<16xi32>
          %broadcast_in_dim3A_590 = vector.shape_cast %xor3A_589 : vector<16xi32> to vector<16x1xi32>
          %gather3A_591 = vector.shape_cast %broadcast_in_dim3A_590 : vector<16x1xi32> to vector<16xi32>
          %gather3A_592 = tpu.dynamic_gather %get3A_403[%gather3A_591] in [0] : vector<16xf32>, vector<16xi32> -> vector<16xf32>
          %and3A_593 = arith.constant 1 : i32
          %and3A_594 = vector.broadcast %and3A_593 : i32 to vector<16xi32>
          %and3A_595 = arith.andi %iota3A, %and3A_594 : vector<16xi32>
          %eq3A_596 = arith.constant 0 : i32
          %eq3A_597 = vector.broadcast %eq3A_596 : i32 to vector<16xi32>
          %eq3A_598 = arith.cmpi eq, %and3A_595, %eq3A_597 : vector<16xi32>
          %select_n3A_599 = arith.select %eq3A_598, %get3A_391, %gather3A_592 : vector<16xi1>, vector<16xf32>
          %and3A_600 = arith.constant 1 : i32
          %and3A_601 = vector.broadcast %and3A_600 : i32 to vector<16xi32>
          %and3A_602 = arith.andi %iota3A, %and3A_601 : vector<16xi32>
          %eq3A_603 = arith.constant 0 : i32
          %eq3A_604 = vector.broadcast %eq3A_603 : i32 to vector<16xi32>
          %eq3A_605 = arith.cmpi eq, %and3A_602, %eq3A_604 : vector<16xi32>
          %select_n3A_606 = arith.select %eq3A_605, %gather3A_586, %get3A_403 : vector<16xi1>, vector<16xf32>
          %xor3A_607 = arith.constant 2 : i32
          %xor3A_608 = vector.broadcast %xor3A_607 : i32 to vector<16xi32>
          %xor3A_609 = arith.xori %iota3A, %xor3A_608 : vector<16xi32>
          %broadcast_in_dim3A_610 = vector.shape_cast %xor3A_609 : vector<16xi32> to vector<16x1xi32>
          %gather3A_611 = vector.shape_cast %broadcast_in_dim3A_610 : vector<16x1xi32> to vector<16xi32>
          %gather3A_612 = tpu.dynamic_gather %select_n3A[%gather3A_611] in [0] : vector<16xf32>, vector<16xi32> -> vector<16xf32>
          %xor3A_613 = arith.constant 2 : i32
          %xor3A_614 = vector.broadcast %xor3A_613 : i32 to vector<16xi32>
          %xor3A_615 = arith.xori %iota3A, %xor3A_614 : vector<16xi32>
          %broadcast_in_dim3A_616 = vector.shape_cast %xor3A_615 : vector<16xi32> to vector<16x1xi32>
          %gather3A_617 = vector.shape_cast %broadcast_in_dim3A_616 : vector<16x1xi32> to vector<16xi32>
          %gather3A_618 = tpu.dynamic_gather %select_n3A_443[%gather3A_617] in [0] : vector<16xf32>, vector<16xi32> -> vector<16xf32>
          %and3A_619 = arith.constant 2 : i32
          %and3A_620 = vector.broadcast %and3A_619 : i32 to vector<16xi32>
          %and3A_621 = arith.andi %iota3A, %and3A_620 : vector<16xi32>
          %eq3A_622 = arith.constant 0 : i32
          %eq3A_623 = vector.broadcast %eq3A_622 : i32 to vector<16xi32>
          %eq3A_624 = arith.cmpi eq, %and3A_621, %eq3A_623 : vector<16xi32>
          %select_n3A_625 = arith.select %eq3A_624, %select_n3A, %gather3A_618 : vector<16xi1>, vector<16xf32>
          %and3A_626 = arith.constant 2 : i32
          %and3A_627 = vector.broadcast %and3A_626 : i32 to vector<16xi32>
          %and3A_628 = arith.andi %iota3A, %and3A_627 : vector<16xi32>
          %eq3A_629 = arith.constant 0 : i32
          %eq3A_630 = vector.broadcast %eq3A_629 : i32 to vector<16xi32>
          %eq3A_631 = arith.cmpi eq, %and3A_628, %eq3A_630 : vector<16xi32>
          %select_n3A_632 = arith.select %eq3A_631, %gather3A_612, %select_n3A_443 : vector<16xi1>, vector<16xf32>
          %xor3A_633 = arith.constant 2 : i32
          %xor3A_634 = vector.broadcast %xor3A_633 : i32 to vector<16xi32>
          %xor3A_635 = arith.xori %iota3A, %xor3A_634 : vector<16xi32>
          %broadcast_in_dim3A_636 = vector.shape_cast %xor3A_635 : vector<16xi32> to vector<16x1xi32>
          %gather3A_637 = vector.shape_cast %broadcast_in_dim3A_636 : vector<16x1xi32> to vector<16xi32>
          %gather3A_638 = tpu.dynamic_gather %select_n3A_424[%gather3A_637] in [0] : vector<16xf32>, vector<16xi32> -> vector<16xf32>
          %xor3A_639 = arith.constant 2 : i32
          %xor3A_640 = vector.broadcast %xor3A_639 : i32 to vector<16xi32>
          %xor3A_641 = arith.xori %iota3A, %xor3A_640 : vector<16xi32>
          %broadcast_in_dim3A_642 = vector.shape_cast %xor3A_641 : vector<16xi32> to vector<16x1xi32>
          %gather3A_643 = vector.shape_cast %broadcast_in_dim3A_642 : vector<16x1xi32> to vector<16xi32>
          %gather3A_644 = tpu.dynamic_gather %select_n3A_450[%gather3A_643] in [0] : vector<16xf32>, vector<16xi32> -> vector<16xf32>
          %and3A_645 = arith.constant 2 : i32
          %and3A_646 = vector.broadcast %and3A_645 : i32 to vector<16xi32>
          %and3A_647 = arith.andi %iota3A, %and3A_646 : vector<16xi32>
          %eq3A_648 = arith.constant 0 : i32
          %eq3A_649 = vector.broadcast %eq3A_648 : i32 to vector<16xi32>
          %eq3A_650 = arith.cmpi eq, %and3A_647, %eq3A_649 : vector<16xi32>
          %select_n3A_651 = arith.select %eq3A_650, %select_n3A_424, %gather3A_644 : vector<16xi1>, vector<16xf32>
          %and3A_652 = arith.constant 2 : i32
          %and3A_653 = vector.broadcast %and3A_652 : i32 to vector<16xi32>
          %and3A_654 = arith.andi %iota3A, %and3A_653 : vector<16xi32>
          %eq3A_655 = arith.constant 0 : i32
          %eq3A_656 = vector.broadcast %eq3A_655 : i32 to vector<16xi32>
          %eq3A_657 = arith.cmpi eq, %and3A_654, %eq3A_656 : vector<16xi32>
          %select_n3A_658 = arith.select %eq3A_657, %gather3A_638, %select_n3A_450 : vector<16xi1>, vector<16xf32>
          %xor3A_659 = arith.constant 2 : i32
          %xor3A_660 = vector.broadcast %xor3A_659 : i32 to vector<16xi32>
          %xor3A_661 = arith.xori %iota3A, %xor3A_660 : vector<16xi32>
          %broadcast_in_dim3A_662 = vector.shape_cast %xor3A_661 : vector<16xi32> to vector<16x1xi32>
          %gather3A_663 = vector.shape_cast %broadcast_in_dim3A_662 : vector<16x1xi32> to vector<16xi32>
          %gather3A_664 = tpu.dynamic_gather %select_n3A_469[%gather3A_663] in [0] : vector<16xf32>, vector<16xi32> -> vector<16xf32>
          %xor3A_665 = arith.constant 2 : i32
          %xor3A_666 = vector.broadcast %xor3A_665 : i32 to vector<16xi32>
          %xor3A_667 = arith.xori %iota3A, %xor3A_666 : vector<16xi32>
          %broadcast_in_dim3A_668 = vector.shape_cast %xor3A_667 : vector<16xi32> to vector<16x1xi32>
          %gather3A_669 = vector.shape_cast %broadcast_in_dim3A_668 : vector<16x1xi32> to vector<16xi32>
          %gather3A_670 = tpu.dynamic_gather %select_n3A_495[%gather3A_669] in [0] : vector<16xf32>, vector<16xi32> -> vector<16xf32>
          %and3A_671 = arith.constant 2 : i32
          %and3A_672 = vector.broadcast %and3A_671 : i32 to vector<16xi32>
          %and3A_673 = arith.andi %iota3A, %and3A_672 : vector<16xi32>
          %eq3A_674 = arith.constant 0 : i32
          %eq3A_675 = vector.broadcast %eq3A_674 : i32 to vector<16xi32>
          %eq3A_676 = arith.cmpi eq, %and3A_673, %eq3A_675 : vector<16xi32>
          %select_n3A_677 = arith.select %eq3A_676, %select_n3A_469, %gather3A_670 : vector<16xi1>, vector<16xf32>
          %and3A_678 = arith.constant 2 : i32
          %and3A_679 = vector.broadcast %and3A_678 : i32 to vector<16xi32>
          %and3A_680 = arith.andi %iota3A, %and3A_679 : vector<16xi32>
          %eq3A_681 = arith.constant 0 : i32
          %eq3A_682 = vector.broadcast %eq3A_681 : i32 to vector<16xi32>
          %eq3A_683 = arith.cmpi eq, %and3A_680, %eq3A_682 : vector<16xi32>
          %select_n3A_684 = arith.select %eq3A_683, %gather3A_664, %select_n3A_495 : vector<16xi1>, vector<16xf32>
          %xor3A_685 = arith.constant 2 : i32
          %xor3A_686 = vector.broadcast %xor3A_685 : i32 to vector<16xi32>
          %xor3A_687 = arith.xori %iota3A, %xor3A_686 : vector<16xi32>
          %broadcast_in_dim3A_688 = vector.shape_cast %xor3A_687 : vector<16xi32> to vector<16x1xi32>
          %gather3A_689 = vector.shape_cast %broadcast_in_dim3A_688 : vector<16x1xi32> to vector<16xi32>
          %gather3A_690 = tpu.dynamic_gather %select_n3A_476[%gather3A_689] in [0] : vector<16xf32>, vector<16xi32> -> vector<16xf32>
          %xor3A_691 = arith.constant 2 : i32
          %xor3A_692 = vector.broadcast %xor3A_691 : i32 to vector<16xi32>
          %xor3A_693 = arith.xori %iota3A, %xor3A_692 : vector<16xi32>
          %broadcast_in_dim3A_694 = vector.shape_cast %xor3A_693 : vector<16xi32> to vector<16x1xi32>
          %gather3A_695 = vector.shape_cast %broadcast_in_dim3A_694 : vector<16x1xi32> to vector<16xi32>
          %gather3A_696 = tpu.dynamic_gather %select_n3A_502[%gather3A_695] in [0] : vector<16xf32>, vector<16xi32> -> vector<16xf32>
          %and3A_697 = arith.constant 2 : i32
          %and3A_698 = vector.broadcast %and3A_697 : i32 to vector<16xi32>
          %and3A_699 = arith.andi %iota3A, %and3A_698 : vector<16xi32>
          %eq3A_700 = arith.constant 0 : i32
          %eq3A_701 = vector.broadcast %eq3A_700 : i32 to vector<16xi32>
          %eq3A_702 = arith.cmpi eq, %and3A_699, %eq3A_701 : vector<16xi32>
          %select_n3A_703 = arith.select %eq3A_702, %select_n3A_476, %gather3A_696 : vector<16xi1>, vector<16xf32>
          %and3A_704 = arith.constant 2 : i32
          %and3A_705 = vector.broadcast %and3A_704 : i32 to vector<16xi32>
          %and3A_706 = arith.andi %iota3A, %and3A_705 : vector<16xi32>
          %eq3A_707 = arith.constant 0 : i32
          %eq3A_708 = vector.broadcast %eq3A_707 : i32 to vector<16xi32>
          %eq3A_709 = arith.cmpi eq, %and3A_706, %eq3A_708 : vector<16xi32>
          %select_n3A_710 = arith.select %eq3A_709, %gather3A_690, %select_n3A_502 : vector<16xi1>, vector<16xf32>
          %xor3A_711 = arith.constant 2 : i32
          %xor3A_712 = vector.broadcast %xor3A_711 : i32 to vector<16xi32>
          %xor3A_713 = arith.xori %iota3A, %xor3A_712 : vector<16xi32>
          %broadcast_in_dim3A_714 = vector.shape_cast %xor3A_713 : vector<16xi32> to vector<16x1xi32>
          %gather3A_715 = vector.shape_cast %broadcast_in_dim3A_714 : vector<16x1xi32> to vector<16xi32>
          %gather3A_716 = tpu.dynamic_gather %select_n3A_521[%gather3A_715] in [0] : vector<16xf32>, vector<16xi32> -> vector<16xf32>
          %xor3A_717 = arith.constant 2 : i32
          %xor3A_718 = vector.broadcast %xor3A_717 : i32 to vector<16xi32>
          %xor3A_719 = arith.xori %iota3A, %xor3A_718 : vector<16xi32>
          %broadcast_in_dim3A_720 = vector.shape_cast %xor3A_719 : vector<16xi32> to vector<16x1xi32>
          %gather3A_721 = vector.shape_cast %broadcast_in_dim3A_720 : vector<16x1xi32> to vector<16xi32>
          %gather3A_722 = tpu.dynamic_gather %select_n3A_547[%gather3A_721] in [0] : vector<16xf32>, vector<16xi32> -> vector<16xf32>
          %and3A_723 = arith.constant 2 : i32
          %and3A_724 = vector.broadcast %and3A_723 : i32 to vector<16xi32>
          %and3A_725 = arith.andi %iota3A, %and3A_724 : vector<16xi32>
          %eq3A_726 = arith.constant 0 : i32
          %eq3A_727 = vector.broadcast %eq3A_726 : i32 to vector<16xi32>
          %eq3A_728 = arith.cmpi eq, %and3A_725, %eq3A_727 : vector<16xi32>
          %select_n3A_729 = arith.select %eq3A_728, %select_n3A_521, %gather3A_722 : vector<16xi1>, vector<16xf32>
          %and3A_730 = arith.constant 2 : i32
          %and3A_731 = vector.broadcast %and3A_730 : i32 to vector<16xi32>
          %and3A_732 = arith.andi %iota3A, %and3A_731 : vector<16xi32>
          %eq3A_733 = arith.constant 0 : i32
          %eq3A_734 = vector.broadcast %eq3A_733 : i32 to vector<16xi32>
          %eq3A_735 = arith.cmpi eq, %and3A_732, %eq3A_734 : vector<16xi32>
          %select_n3A_736 = arith.select %eq3A_735, %gather3A_716, %select_n3A_547 : vector<16xi1>, vector<16xf32>
          %xor3A_737 = arith.constant 2 : i32
          %xor3A_738 = vector.broadcast %xor3A_737 : i32 to vector<16xi32>
          %xor3A_739 = arith.xori %iota3A, %xor3A_738 : vector<16xi32>
          %broadcast_in_dim3A_740 = vector.shape_cast %xor3A_739 : vector<16xi32> to vector<16x1xi32>
          %gather3A_741 = vector.shape_cast %broadcast_in_dim3A_740 : vector<16x1xi32> to vector<16xi32>
          %gather3A_742 = tpu.dynamic_gather %select_n3A_528[%gather3A_741] in [0] : vector<16xf32>, vector<16xi32> -> vector<16xf32>
          %xor3A_743 = arith.constant 2 : i32
          %xor3A_744 = vector.broadcast %xor3A_743 : i32 to vector<16xi32>
          %xor3A_745 = arith.xori %iota3A, %xor3A_744 : vector<16xi32>
          %broadcast_in_dim3A_746 = vector.shape_cast %xor3A_745 : vector<16xi32> to vector<16x1xi32>
          %gather3A_747 = vector.shape_cast %broadcast_in_dim3A_746 : vector<16x1xi32> to vector<16xi32>
          %gather3A_748 = tpu.dynamic_gather %select_n3A_554[%gather3A_747] in [0] : vector<16xf32>, vector<16xi32> -> vector<16xf32>
          %and3A_749 = arith.constant 2 : i32
          %and3A_750 = vector.broadcast %and3A_749 : i32 to vector<16xi32>
          %and3A_751 = arith.andi %iota3A, %and3A_750 : vector<16xi32>
          %eq3A_752 = arith.constant 0 : i32
          %eq3A_753 = vector.broadcast %eq3A_752 : i32 to vector<16xi32>
          %eq3A_754 = arith.cmpi eq, %and3A_751, %eq3A_753 : vector<16xi32>
          %select_n3A_755 = arith.select %eq3A_754, %select_n3A_528, %gather3A_748 : vector<16xi1>, vector<16xf32>
          %and3A_756 = arith.constant 2 : i32
          %and3A_757 = vector.broadcast %and3A_756 : i32 to vector<16xi32>
          %and3A_758 = arith.andi %iota3A, %and3A_757 : vector<16xi32>
          %eq3A_759 = arith.constant 0 : i32
          %eq3A_760 = vector.broadcast %eq3A_759 : i32 to vector<16xi32>
          %eq3A_761 = arith.cmpi eq, %and3A_758, %eq3A_760 : vector<16xi32>
          %select_n3A_762 = arith.select %eq3A_761, %gather3A_742, %select_n3A_554 : vector<16xi1>, vector<16xf32>
          %xor3A_763 = arith.constant 2 : i32
          %xor3A_764 = vector.broadcast %xor3A_763 : i32 to vector<16xi32>
          %xor3A_765 = arith.xori %iota3A, %xor3A_764 : vector<16xi32>
          %broadcast_in_dim3A_766 = vector.shape_cast %xor3A_765 : vector<16xi32> to vector<16x1xi32>
          %gather3A_767 = vector.shape_cast %broadcast_in_dim3A_766 : vector<16x1xi32> to vector<16xi32>
          %gather3A_768 = tpu.dynamic_gather %select_n3A_573[%gather3A_767] in [0] : vector<16xf32>, vector<16xi32> -> vector<16xf32>
          %xor3A_769 = arith.constant 2 : i32
          %xor3A_770 = vector.broadcast %xor3A_769 : i32 to vector<16xi32>
          %xor3A_771 = arith.xori %iota3A, %xor3A_770 : vector<16xi32>
          %broadcast_in_dim3A_772 = vector.shape_cast %xor3A_771 : vector<16xi32> to vector<16x1xi32>
          %gather3A_773 = vector.shape_cast %broadcast_in_dim3A_772 : vector<16x1xi32> to vector<16xi32>
          %gather3A_774 = tpu.dynamic_gather %select_n3A_599[%gather3A_773] in [0] : vector<16xf32>, vector<16xi32> -> vector<16xf32>
          %and3A_775 = arith.constant 2 : i32
          %and3A_776 = vector.broadcast %and3A_775 : i32 to vector<16xi32>
          %and3A_777 = arith.andi %iota3A, %and3A_776 : vector<16xi32>
          %eq3A_778 = arith.constant 0 : i32
          %eq3A_779 = vector.broadcast %eq3A_778 : i32 to vector<16xi32>
          %eq3A_780 = arith.cmpi eq, %and3A_777, %eq3A_779 : vector<16xi32>
          %select_n3A_781 = arith.select %eq3A_780, %select_n3A_573, %gather3A_774 : vector<16xi1>, vector<16xf32>
          %and3A_782 = arith.constant 2 : i32
          %and3A_783 = vector.broadcast %and3A_782 : i32 to vector<16xi32>
          %and3A_784 = arith.andi %iota3A, %and3A_783 : vector<16xi32>
          %eq3A_785 = arith.constant 0 : i32
          %eq3A_786 = vector.broadcast %eq3A_785 : i32 to vector<16xi32>
          %eq3A_787 = arith.cmpi eq, %and3A_784, %eq3A_786 : vector<16xi32>
          %select_n3A_788 = arith.select %eq3A_787, %gather3A_768, %select_n3A_599 : vector<16xi1>, vector<16xf32>
          %xor3A_789 = arith.constant 2 : i32
          %xor3A_790 = vector.broadcast %xor3A_789 : i32 to vector<16xi32>
          %xor3A_791 = arith.xori %iota3A, %xor3A_790 : vector<16xi32>
          %broadcast_in_dim3A_792 = vector.shape_cast %xor3A_791 : vector<16xi32> to vector<16x1xi32>
          %gather3A_793 = vector.shape_cast %broadcast_in_dim3A_792 : vector<16x1xi32> to vector<16xi32>
          %gather3A_794 = tpu.dynamic_gather %select_n3A_580[%gather3A_793] in [0] : vector<16xf32>, vector<16xi32> -> vector<16xf32>
          %xor3A_795 = arith.constant 2 : i32
          %xor3A_796 = vector.broadcast %xor3A_795 : i32 to vector<16xi32>
          %xor3A_797 = arith.xori %iota3A, %xor3A_796 : vector<16xi32>
          %broadcast_in_dim3A_798 = vector.shape_cast %xor3A_797 : vector<16xi32> to vector<16x1xi32>
          %gather3A_799 = vector.shape_cast %broadcast_in_dim3A_798 : vector<16x1xi32> to vector<16xi32>
          %gather3A_800 = tpu.dynamic_gather %select_n3A_606[%gather3A_799] in [0] : vector<16xf32>, vector<16xi32> -> vector<16xf32>
          %and3A_801 = arith.constant 2 : i32
          %and3A_802 = vector.broadcast %and3A_801 : i32 to vector<16xi32>
          %and3A_803 = arith.andi %iota3A, %and3A_802 : vector<16xi32>
          %eq3A_804 = arith.constant 0 : i32
          %eq3A_805 = vector.broadcast %eq3A_804 : i32 to vector<16xi32>
          %eq3A_806 = arith.cmpi eq, %and3A_803, %eq3A_805 : vector<16xi32>
          %select_n3A_807 = arith.select %eq3A_806, %select_n3A_580, %gather3A_800 : vector<16xi1>, vector<16xf32>
          %and3A_808 = arith.constant 2 : i32
          %and3A_809 = vector.broadcast %and3A_808 : i32 to vector<16xi32>
          %and3A_810 = arith.andi %iota3A, %and3A_809 : vector<16xi32>
          %eq3A_811 = arith.constant 0 : i32
          %eq3A_812 = vector.broadcast %eq3A_811 : i32 to vector<16xi32>
          %eq3A_813 = arith.cmpi eq, %and3A_810, %eq3A_812 : vector<16xi32>
          %select_n3A_814 = arith.select %eq3A_813, %gather3A_794, %select_n3A_606 : vector<16xi1>, vector<16xf32>
          %xor3A_815 = arith.constant 4 : i32
          %xor3A_816 = vector.broadcast %xor3A_815 : i32 to vector<16xi32>
          %xor3A_817 = arith.xori %iota3A, %xor3A_816 : vector<16xi32>
          %broadcast_in_dim3A_818 = vector.shape_cast %xor3A_817 : vector<16xi32> to vector<16x1xi32>
          %gather3A_819 = vector.shape_cast %broadcast_in_dim3A_818 : vector<16x1xi32> to vector<16xi32>
          %gather3A_820 = tpu.dynamic_gather %select_n3A_625[%gather3A_819] in [0] : vector<16xf32>, vector<16xi32> -> vector<16xf32>
          %xor3A_821 = arith.constant 4 : i32
          %xor3A_822 = vector.broadcast %xor3A_821 : i32 to vector<16xi32>
          %xor3A_823 = arith.xori %iota3A, %xor3A_822 : vector<16xi32>
          %broadcast_in_dim3A_824 = vector.shape_cast %xor3A_823 : vector<16xi32> to vector<16x1xi32>
          %gather3A_825 = vector.shape_cast %broadcast_in_dim3A_824 : vector<16x1xi32> to vector<16xi32>
          %gather3A_826 = tpu.dynamic_gather %select_n3A_677[%gather3A_825] in [0] : vector<16xf32>, vector<16xi32> -> vector<16xf32>
          %and3A_827 = arith.constant 4 : i32
          %and3A_828 = vector.broadcast %and3A_827 : i32 to vector<16xi32>
          %and3A_829 = arith.andi %iota3A, %and3A_828 : vector<16xi32>
          %eq3A_830 = arith.constant 0 : i32
          %eq3A_831 = vector.broadcast %eq3A_830 : i32 to vector<16xi32>
          %eq3A_832 = arith.cmpi eq, %and3A_829, %eq3A_831 : vector<16xi32>
          %select_n3A_833 = arith.select %eq3A_832, %select_n3A_625, %gather3A_826 : vector<16xi1>, vector<16xf32>
          %and3A_834 = arith.constant 4 : i32
          %and3A_835 = vector.broadcast %and3A_834 : i32 to vector<16xi32>
          %and3A_836 = arith.andi %iota3A, %and3A_835 : vector<16xi32>
          %eq3A_837 = arith.constant 0 : i32
          %eq3A_838 = vector.broadcast %eq3A_837 : i32 to vector<16xi32>
          %eq3A_839 = arith.cmpi eq, %and3A_836, %eq3A_838 : vector<16xi32>
          %select_n3A_840 = arith.select %eq3A_839, %gather3A_820, %select_n3A_677 : vector<16xi1>, vector<16xf32>
          %xor3A_841 = arith.constant 4 : i32
          %xor3A_842 = vector.broadcast %xor3A_841 : i32 to vector<16xi32>
          %xor3A_843 = arith.xori %iota3A, %xor3A_842 : vector<16xi32>
          %broadcast_in_dim3A_844 = vector.shape_cast %xor3A_843 : vector<16xi32> to vector<16x1xi32>
          %gather3A_845 = vector.shape_cast %broadcast_in_dim3A_844 : vector<16x1xi32> to vector<16xi32>
          %gather3A_846 = tpu.dynamic_gather %select_n3A_651[%gather3A_845] in [0] : vector<16xf32>, vector<16xi32> -> vector<16xf32>
          %xor3A_847 = arith.constant 4 : i32
          %xor3A_848 = vector.broadcast %xor3A_847 : i32 to vector<16xi32>
          %xor3A_849 = arith.xori %iota3A, %xor3A_848 : vector<16xi32>
          %broadcast_in_dim3A_850 = vector.shape_cast %xor3A_849 : vector<16xi32> to vector<16x1xi32>
          %gather3A_851 = vector.shape_cast %broadcast_in_dim3A_850 : vector<16x1xi32> to vector<16xi32>
          %gather3A_852 = tpu.dynamic_gather %select_n3A_703[%gather3A_851] in [0] : vector<16xf32>, vector<16xi32> -> vector<16xf32>
          %and3A_853 = arith.constant 4 : i32
          %and3A_854 = vector.broadcast %and3A_853 : i32 to vector<16xi32>
          %and3A_855 = arith.andi %iota3A, %and3A_854 : vector<16xi32>
          %eq3A_856 = arith.constant 0 : i32
          %eq3A_857 = vector.broadcast %eq3A_856 : i32 to vector<16xi32>
          %eq3A_858 = arith.cmpi eq, %and3A_855, %eq3A_857 : vector<16xi32>
          %select_n3A_859 = arith.select %eq3A_858, %select_n3A_651, %gather3A_852 : vector<16xi1>, vector<16xf32>
          %and3A_860 = arith.constant 4 : i32
          %and3A_861 = vector.broadcast %and3A_860 : i32 to vector<16xi32>
          %and3A_862 = arith.andi %iota3A, %and3A_861 : vector<16xi32>
          %eq3A_863 = arith.constant 0 : i32
          %eq3A_864 = vector.broadcast %eq3A_863 : i32 to vector<16xi32>
          %eq3A_865 = arith.cmpi eq, %and3A_862, %eq3A_864 : vector<16xi32>
          %select_n3A_866 = arith.select %eq3A_865, %gather3A_846, %select_n3A_703 : vector<16xi1>, vector<16xf32>
          %xor3A_867 = arith.constant 4 : i32
          %xor3A_868 = vector.broadcast %xor3A_867 : i32 to vector<16xi32>
          %xor3A_869 = arith.xori %iota3A, %xor3A_868 : vector<16xi32>
          %broadcast_in_dim3A_870 = vector.shape_cast %xor3A_869 : vector<16xi32> to vector<16x1xi32>
          %gather3A_871 = vector.shape_cast %broadcast_in_dim3A_870 : vector<16x1xi32> to vector<16xi32>
          %gather3A_872 = tpu.dynamic_gather %select_n3A_632[%gather3A_871] in [0] : vector<16xf32>, vector<16xi32> -> vector<16xf32>
          %xor3A_873 = arith.constant 4 : i32
          %xor3A_874 = vector.broadcast %xor3A_873 : i32 to vector<16xi32>
          %xor3A_875 = arith.xori %iota3A, %xor3A_874 : vector<16xi32>
          %broadcast_in_dim3A_876 = vector.shape_cast %xor3A_875 : vector<16xi32> to vector<16x1xi32>
          %gather3A_877 = vector.shape_cast %broadcast_in_dim3A_876 : vector<16x1xi32> to vector<16xi32>
          %gather3A_878 = tpu.dynamic_gather %select_n3A_684[%gather3A_877] in [0] : vector<16xf32>, vector<16xi32> -> vector<16xf32>
          %and3A_879 = arith.constant 4 : i32
          %and3A_880 = vector.broadcast %and3A_879 : i32 to vector<16xi32>
          %and3A_881 = arith.andi %iota3A, %and3A_880 : vector<16xi32>
          %eq3A_882 = arith.constant 0 : i32
          %eq3A_883 = vector.broadcast %eq3A_882 : i32 to vector<16xi32>
          %eq3A_884 = arith.cmpi eq, %and3A_881, %eq3A_883 : vector<16xi32>
          %select_n3A_885 = arith.select %eq3A_884, %select_n3A_632, %gather3A_878 : vector<16xi1>, vector<16xf32>
          %and3A_886 = arith.constant 4 : i32
          %and3A_887 = vector.broadcast %and3A_886 : i32 to vector<16xi32>
          %and3A_888 = arith.andi %iota3A, %and3A_887 : vector<16xi32>
          %eq3A_889 = arith.constant 0 : i32
          %eq3A_890 = vector.broadcast %eq3A_889 : i32 to vector<16xi32>
          %eq3A_891 = arith.cmpi eq, %and3A_888, %eq3A_890 : vector<16xi32>
          %select_n3A_892 = arith.select %eq3A_891, %gather3A_872, %select_n3A_684 : vector<16xi1>, vector<16xf32>
          %xor3A_893 = arith.constant 4 : i32
          %xor3A_894 = vector.broadcast %xor3A_893 : i32 to vector<16xi32>
          %xor3A_895 = arith.xori %iota3A, %xor3A_894 : vector<16xi32>
          %broadcast_in_dim3A_896 = vector.shape_cast %xor3A_895 : vector<16xi32> to vector<16x1xi32>
          %gather3A_897 = vector.shape_cast %broadcast_in_dim3A_896 : vector<16x1xi32> to vector<16xi32>
          %gather3A_898 = tpu.dynamic_gather %select_n3A_658[%gather3A_897] in [0] : vector<16xf32>, vector<16xi32> -> vector<16xf32>
          %xor3A_899 = arith.constant 4 : i32
          %xor3A_900 = vector.broadcast %xor3A_899 : i32 to vector<16xi32>
          %xor3A_901 = arith.xori %iota3A, %xor3A_900 : vector<16xi32>
          %broadcast_in_dim3A_902 = vector.shape_cast %xor3A_901 : vector<16xi32> to vector<16x1xi32>
          %gather3A_903 = vector.shape_cast %broadcast_in_dim3A_902 : vector<16x1xi32> to vector<16xi32>
          %gather3A_904 = tpu.dynamic_gather %select_n3A_710[%gather3A_903] in [0] : vector<16xf32>, vector<16xi32> -> vector<16xf32>
          %and3A_905 = arith.constant 4 : i32
          %and3A_906 = vector.broadcast %and3A_905 : i32 to vector<16xi32>
          %and3A_907 = arith.andi %iota3A, %and3A_906 : vector<16xi32>
          %eq3A_908 = arith.constant 0 : i32
          %eq3A_909 = vector.broadcast %eq3A_908 : i32 to vector<16xi32>
          %eq3A_910 = arith.cmpi eq, %and3A_907, %eq3A_909 : vector<16xi32>
          %select_n3A_911 = arith.select %eq3A_910, %select_n3A_658, %gather3A_904 : vector<16xi1>, vector<16xf32>
          %and3A_912 = arith.constant 4 : i32
          %and3A_913 = vector.broadcast %and3A_912 : i32 to vector<16xi32>
          %and3A_914 = arith.andi %iota3A, %and3A_913 : vector<16xi32>
          %eq3A_915 = arith.constant 0 : i32
          %eq3A_916 = vector.broadcast %eq3A_915 : i32 to vector<16xi32>
          %eq3A_917 = arith.cmpi eq, %and3A_914, %eq3A_916 : vector<16xi32>
          %select_n3A_918 = arith.select %eq3A_917, %gather3A_898, %select_n3A_710 : vector<16xi1>, vector<16xf32>
          %xor3A_919 = arith.constant 4 : i32
          %xor3A_920 = vector.broadcast %xor3A_919 : i32 to vector<16xi32>
          %xor3A_921 = arith.xori %iota3A, %xor3A_920 : vector<16xi32>
          %broadcast_in_dim3A_922 = vector.shape_cast %xor3A_921 : vector<16xi32> to vector<16x1xi32>
          %gather3A_923 = vector.shape_cast %broadcast_in_dim3A_922 : vector<16x1xi32> to vector<16xi32>
          %gather3A_924 = tpu.dynamic_gather %select_n3A_729[%gather3A_923] in [0] : vector<16xf32>, vector<16xi32> -> vector<16xf32>
          %xor3A_925 = arith.constant 4 : i32
          %xor3A_926 = vector.broadcast %xor3A_925 : i32 to vector<16xi32>
          %xor3A_927 = arith.xori %iota3A, %xor3A_926 : vector<16xi32>
          %broadcast_in_dim3A_928 = vector.shape_cast %xor3A_927 : vector<16xi32> to vector<16x1xi32>
          %gather3A_929 = vector.shape_cast %broadcast_in_dim3A_928 : vector<16x1xi32> to vector<16xi32>
          %gather3A_930 = tpu.dynamic_gather %select_n3A_781[%gather3A_929] in [0] : vector<16xf32>, vector<16xi32> -> vector<16xf32>
          %and3A_931 = arith.constant 4 : i32
          %and3A_932 = vector.broadcast %and3A_931 : i32 to vector<16xi32>
          %and3A_933 = arith.andi %iota3A, %and3A_932 : vector<16xi32>
          %eq3A_934 = arith.constant 0 : i32
          %eq3A_935 = vector.broadcast %eq3A_934 : i32 to vector<16xi32>
          %eq3A_936 = arith.cmpi eq, %and3A_933, %eq3A_935 : vector<16xi32>
          %select_n3A_937 = arith.select %eq3A_936, %select_n3A_729, %gather3A_930 : vector<16xi1>, vector<16xf32>
          %and3A_938 = arith.constant 4 : i32
          %and3A_939 = vector.broadcast %and3A_938 : i32 to vector<16xi32>
          %and3A_940 = arith.andi %iota3A, %and3A_939 : vector<16xi32>
          %eq3A_941 = arith.constant 0 : i32
          %eq3A_942 = vector.broadcast %eq3A_941 : i32 to vector<16xi32>
          %eq3A_943 = arith.cmpi eq, %and3A_940, %eq3A_942 : vector<16xi32>
          %select_n3A_944 = arith.select %eq3A_943, %gather3A_924, %select_n3A_781 : vector<16xi1>, vector<16xf32>
          %xor3A_945 = arith.constant 4 : i32
          %xor3A_946 = vector.broadcast %xor3A_945 : i32 to vector<16xi32>
          %xor3A_947 = arith.xori %iota3A, %xor3A_946 : vector<16xi32>
          %broadcast_in_dim3A_948 = vector.shape_cast %xor3A_947 : vector<16xi32> to vector<16x1xi32>
          %gather3A_949 = vector.shape_cast %broadcast_in_dim3A_948 : vector<16x1xi32> to vector<16xi32>
          %gather3A_950 = tpu.dynamic_gather %select_n3A_755[%gather3A_949] in [0] : vector<16xf32>, vector<16xi32> -> vector<16xf32>
          %xor3A_951 = arith.constant 4 : i32
          %xor3A_952 = vector.broadcast %xor3A_951 : i32 to vector<16xi32>
          %xor3A_953 = arith.xori %iota3A, %xor3A_952 : vector<16xi32>
          %broadcast_in_dim3A_954 = vector.shape_cast %xor3A_953 : vector<16xi32> to vector<16x1xi32>
          %gather3A_955 = vector.shape_cast %broadcast_in_dim3A_954 : vector<16x1xi32> to vector<16xi32>
          %gather3A_956 = tpu.dynamic_gather %select_n3A_807[%gather3A_955] in [0] : vector<16xf32>, vector<16xi32> -> vector<16xf32>
          %and3A_957 = arith.constant 4 : i32
          %and3A_958 = vector.broadcast %and3A_957 : i32 to vector<16xi32>
          %and3A_959 = arith.andi %iota3A, %and3A_958 : vector<16xi32>
          %eq3A_960 = arith.constant 0 : i32
          %eq3A_961 = vector.broadcast %eq3A_960 : i32 to vector<16xi32>
          %eq3A_962 = arith.cmpi eq, %and3A_959, %eq3A_961 : vector<16xi32>
          %select_n3A_963 = arith.select %eq3A_962, %select_n3A_755, %gather3A_956 : vector<16xi1>, vector<16xf32>
          %and3A_964 = arith.constant 4 : i32
          %and3A_965 = vector.broadcast %and3A_964 : i32 to vector<16xi32>
          %and3A_966 = arith.andi %iota3A, %and3A_965 : vector<16xi32>
          %eq3A_967 = arith.constant 0 : i32
          %eq3A_968 = vector.broadcast %eq3A_967 : i32 to vector<16xi32>
          %eq3A_969 = arith.cmpi eq, %and3A_966, %eq3A_968 : vector<16xi32>
          %select_n3A_970 = arith.select %eq3A_969, %gather3A_950, %select_n3A_807 : vector<16xi1>, vector<16xf32>
          %xor3A_971 = arith.constant 4 : i32
          %xor3A_972 = vector.broadcast %xor3A_971 : i32 to vector<16xi32>
          %xor3A_973 = arith.xori %iota3A, %xor3A_972 : vector<16xi32>
          %broadcast_in_dim3A_974 = vector.shape_cast %xor3A_973 : vector<16xi32> to vector<16x1xi32>
          %gather3A_975 = vector.shape_cast %broadcast_in_dim3A_974 : vector<16x1xi32> to vector<16xi32>
          %gather3A_976 = tpu.dynamic_gather %select_n3A_736[%gather3A_975] in [0] : vector<16xf32>, vector<16xi32> -> vector<16xf32>
          %xor3A_977 = arith.constant 4 : i32
          %xor3A_978 = vector.broadcast %xor3A_977 : i32 to vector<16xi32>
          %xor3A_979 = arith.xori %iota3A, %xor3A_978 : vector<16xi32>
          %broadcast_in_dim3A_980 = vector.shape_cast %xor3A_979 : vector<16xi32> to vector<16x1xi32>
          %gather3A_981 = vector.shape_cast %broadcast_in_dim3A_980 : vector<16x1xi32> to vector<16xi32>
          %gather3A_982 = tpu.dynamic_gather %select_n3A_788[%gather3A_981] in [0] : vector<16xf32>, vector<16xi32> -> vector<16xf32>
          %and3A_983 = arith.constant 4 : i32
          %and3A_984 = vector.broadcast %and3A_983 : i32 to vector<16xi32>
          %and3A_985 = arith.andi %iota3A, %and3A_984 : vector<16xi32>
          %eq3A_986 = arith.constant 0 : i32
          %eq3A_987 = vector.broadcast %eq3A_986 : i32 to vector<16xi32>
          %eq3A_988 = arith.cmpi eq, %and3A_985, %eq3A_987 : vector<16xi32>
          %select_n3A_989 = arith.select %eq3A_988, %select_n3A_736, %gather3A_982 : vector<16xi1>, vector<16xf32>
          %and3A_990 = arith.constant 4 : i32
          %and3A_991 = vector.broadcast %and3A_990 : i32 to vector<16xi32>
          %and3A_992 = arith.andi %iota3A, %and3A_991 : vector<16xi32>
          %eq3A_993 = arith.constant 0 : i32
          %eq3A_994 = vector.broadcast %eq3A_993 : i32 to vector<16xi32>
          %eq3A_995 = arith.cmpi eq, %and3A_992, %eq3A_994 : vector<16xi32>
          %select_n3A_996 = arith.select %eq3A_995, %gather3A_976, %select_n3A_788 : vector<16xi1>, vector<16xf32>
          %xor3A_997 = arith.constant 4 : i32
          %xor3A_998 = vector.broadcast %xor3A_997 : i32 to vector<16xi32>
          %xor3A_999 = arith.xori %iota3A, %xor3A_998 : vector<16xi32>
          %broadcast_in_dim3A_1000 = vector.shape_cast %xor3A_999 : vector<16xi32> to vector<16x1xi32>
          %gather3A_1001 = vector.shape_cast %broadcast_in_dim3A_1000 : vector<16x1xi32> to vector<16xi32>
          %gather3A_1002 = tpu.dynamic_gather %select_n3A_762[%gather3A_1001] in [0] : vector<16xf32>, vector<16xi32> -> vector<16xf32>
          %xor3A_1003 = arith.constant 4 : i32
          %xor3A_1004 = vector.broadcast %xor3A_1003 : i32 to vector<16xi32>
          %xor3A_1005 = arith.xori %iota3A, %xor3A_1004 : vector<16xi32>
          %broadcast_in_dim3A_1006 = vector.shape_cast %xor3A_1005 : vector<16xi32> to vector<16x1xi32>
          %gather3A_1007 = vector.shape_cast %broadcast_in_dim3A_1006 : vector<16x1xi32> to vector<16xi32>
          %gather3A_1008 = tpu.dynamic_gather %select_n3A_814[%gather3A_1007] in [0] : vector<16xf32>, vector<16xi32> -> vector<16xf32>
          %and3A_1009 = arith.constant 4 : i32
          %and3A_1010 = vector.broadcast %and3A_1009 : i32 to vector<16xi32>
          %and3A_1011 = arith.andi %iota3A, %and3A_1010 : vector<16xi32>
          %eq3A_1012 = arith.constant 0 : i32
          %eq3A_1013 = vector.broadcast %eq3A_1012 : i32 to vector<16xi32>
          %eq3A_1014 = arith.cmpi eq, %and3A_1011, %eq3A_1013 : vector<16xi32>
          %select_n3A_1015 = arith.select %eq3A_1014, %select_n3A_762, %gather3A_1008 : vector<16xi1>, vector<16xf32>
          %and3A_1016 = arith.constant 4 : i32
          %and3A_1017 = vector.broadcast %and3A_1016 : i32 to vector<16xi32>
          %and3A_1018 = arith.andi %iota3A, %and3A_1017 : vector<16xi32>
          %eq3A_1019 = arith.constant 0 : i32
          %eq3A_1020 = vector.broadcast %eq3A_1019 : i32 to vector<16xi32>
          %eq3A_1021 = arith.cmpi eq, %and3A_1018, %eq3A_1020 : vector<16xi32>
          %select_n3A_1022 = arith.select %eq3A_1021, %gather3A_1002, %select_n3A_814 : vector<16xi1>, vector<16xf32>
          %xor3A_1023 = arith.constant 8 : i32
          %xor3A_1024 = vector.broadcast %xor3A_1023 : i32 to vector<16xi32>
          %xor3A_1025 = arith.xori %iota3A, %xor3A_1024 : vector<16xi32>
          %broadcast_in_dim3A_1026 = vector.shape_cast %xor3A_1025 : vector<16xi32> to vector<16x1xi32>
          %gather3A_1027 = vector.shape_cast %broadcast_in_dim3A_1026 : vector<16x1xi32> to vector<16xi32>
          %gather3A_1028 = tpu.dynamic_gather %select_n3A_833[%gather3A_1027] in [0] : vector<16xf32>, vector<16xi32> -> vector<16xf32>
          %xor3A_1029 = arith.constant 8 : i32
          %xor3A_1030 = vector.broadcast %xor3A_1029 : i32 to vector<16xi32>
          %xor3A_1031 = arith.xori %iota3A, %xor3A_1030 : vector<16xi32>
          %broadcast_in_dim3A_1032 = vector.shape_cast %xor3A_1031 : vector<16xi32> to vector<16x1xi32>
          %gather3A_1033 = vector.shape_cast %broadcast_in_dim3A_1032 : vector<16x1xi32> to vector<16xi32>
          %gather3A_1034 = tpu.dynamic_gather %select_n3A_937[%gather3A_1033] in [0] : vector<16xf32>, vector<16xi32> -> vector<16xf32>
          %and3A_1035 = arith.constant 8 : i32
          %and3A_1036 = vector.broadcast %and3A_1035 : i32 to vector<16xi32>
          %and3A_1037 = arith.andi %iota3A, %and3A_1036 : vector<16xi32>
          %eq3A_1038 = arith.constant 0 : i32
          %eq3A_1039 = vector.broadcast %eq3A_1038 : i32 to vector<16xi32>
          %eq3A_1040 = arith.cmpi eq, %and3A_1037, %eq3A_1039 : vector<16xi32>
          %select_n3A_1041 = arith.select %eq3A_1040, %select_n3A_833, %gather3A_1034 : vector<16xi1>, vector<16xf32>
          %and3A_1042 = arith.constant 8 : i32
          %and3A_1043 = vector.broadcast %and3A_1042 : i32 to vector<16xi32>
          %and3A_1044 = arith.andi %iota3A, %and3A_1043 : vector<16xi32>
          %eq3A_1045 = arith.constant 0 : i32
          %eq3A_1046 = vector.broadcast %eq3A_1045 : i32 to vector<16xi32>
          %eq3A_1047 = arith.cmpi eq, %and3A_1044, %eq3A_1046 : vector<16xi32>
          %select_n3A_1048 = arith.select %eq3A_1047, %gather3A_1028, %select_n3A_937 : vector<16xi1>, vector<16xf32>
          %xor3A_1049 = arith.constant 8 : i32
          %xor3A_1050 = vector.broadcast %xor3A_1049 : i32 to vector<16xi32>
          %xor3A_1051 = arith.xori %iota3A, %xor3A_1050 : vector<16xi32>
          %broadcast_in_dim3A_1052 = vector.shape_cast %xor3A_1051 : vector<16xi32> to vector<16x1xi32>
          %gather3A_1053 = vector.shape_cast %broadcast_in_dim3A_1052 : vector<16x1xi32> to vector<16xi32>
          %gather3A_1054 = tpu.dynamic_gather %select_n3A_859[%gather3A_1053] in [0] : vector<16xf32>, vector<16xi32> -> vector<16xf32>
          %xor3A_1055 = arith.constant 8 : i32
          %xor3A_1056 = vector.broadcast %xor3A_1055 : i32 to vector<16xi32>
          %xor3A_1057 = arith.xori %iota3A, %xor3A_1056 : vector<16xi32>
          %broadcast_in_dim3A_1058 = vector.shape_cast %xor3A_1057 : vector<16xi32> to vector<16x1xi32>
          %gather3A_1059 = vector.shape_cast %broadcast_in_dim3A_1058 : vector<16x1xi32> to vector<16xi32>
          %gather3A_1060 = tpu.dynamic_gather %select_n3A_963[%gather3A_1059] in [0] : vector<16xf32>, vector<16xi32> -> vector<16xf32>
          %and3A_1061 = arith.constant 8 : i32
          %and3A_1062 = vector.broadcast %and3A_1061 : i32 to vector<16xi32>
          %and3A_1063 = arith.andi %iota3A, %and3A_1062 : vector<16xi32>
          %eq3A_1064 = arith.constant 0 : i32
          %eq3A_1065 = vector.broadcast %eq3A_1064 : i32 to vector<16xi32>
          %eq3A_1066 = arith.cmpi eq, %and3A_1063, %eq3A_1065 : vector<16xi32>
          %select_n3A_1067 = arith.select %eq3A_1066, %select_n3A_859, %gather3A_1060 : vector<16xi1>, vector<16xf32>
          %and3A_1068 = arith.constant 8 : i32
          %and3A_1069 = vector.broadcast %and3A_1068 : i32 to vector<16xi32>
          %and3A_1070 = arith.andi %iota3A, %and3A_1069 : vector<16xi32>
          %eq3A_1071 = arith.constant 0 : i32
          %eq3A_1072 = vector.broadcast %eq3A_1071 : i32 to vector<16xi32>
          %eq3A_1073 = arith.cmpi eq, %and3A_1070, %eq3A_1072 : vector<16xi32>
          %select_n3A_1074 = arith.select %eq3A_1073, %gather3A_1054, %select_n3A_963 : vector<16xi1>, vector<16xf32>
          %xor3A_1075 = arith.constant 8 : i32
          %xor3A_1076 = vector.broadcast %xor3A_1075 : i32 to vector<16xi32>
          %xor3A_1077 = arith.xori %iota3A, %xor3A_1076 : vector<16xi32>
          %broadcast_in_dim3A_1078 = vector.shape_cast %xor3A_1077 : vector<16xi32> to vector<16x1xi32>
          %gather3A_1079 = vector.shape_cast %broadcast_in_dim3A_1078 : vector<16x1xi32> to vector<16xi32>
          %gather3A_1080 = tpu.dynamic_gather %select_n3A_885[%gather3A_1079] in [0] : vector<16xf32>, vector<16xi32> -> vector<16xf32>
          %xor3A_1081 = arith.constant 8 : i32
          %xor3A_1082 = vector.broadcast %xor3A_1081 : i32 to vector<16xi32>
          %xor3A_1083 = arith.xori %iota3A, %xor3A_1082 : vector<16xi32>
          %broadcast_in_dim3A_1084 = vector.shape_cast %xor3A_1083 : vector<16xi32> to vector<16x1xi32>
          %gather3A_1085 = vector.shape_cast %broadcast_in_dim3A_1084 : vector<16x1xi32> to vector<16xi32>
          %gather3A_1086 = tpu.dynamic_gather %select_n3A_989[%gather3A_1085] in [0] : vector<16xf32>, vector<16xi32> -> vector<16xf32>
          %and3A_1087 = arith.constant 8 : i32
          %and3A_1088 = vector.broadcast %and3A_1087 : i32 to vector<16xi32>
          %and3A_1089 = arith.andi %iota3A, %and3A_1088 : vector<16xi32>
          %eq3A_1090 = arith.constant 0 : i32
          %eq3A_1091 = vector.broadcast %eq3A_1090 : i32 to vector<16xi32>
          %eq3A_1092 = arith.cmpi eq, %and3A_1089, %eq3A_1091 : vector<16xi32>
          %select_n3A_1093 = arith.select %eq3A_1092, %select_n3A_885, %gather3A_1086 : vector<16xi1>, vector<16xf32>
          %and3A_1094 = arith.constant 8 : i32
          %and3A_1095 = vector.broadcast %and3A_1094 : i32 to vector<16xi32>
          %and3A_1096 = arith.andi %iota3A, %and3A_1095 : vector<16xi32>
          %eq3A_1097 = arith.constant 0 : i32
          %eq3A_1098 = vector.broadcast %eq3A_1097 : i32 to vector<16xi32>
          %eq3A_1099 = arith.cmpi eq, %and3A_1096, %eq3A_1098 : vector<16xi32>
          %select_n3A_1100 = arith.select %eq3A_1099, %gather3A_1080, %select_n3A_989 : vector<16xi1>, vector<16xf32>
          %xor3A_1101 = arith.constant 8 : i32
          %xor3A_1102 = vector.broadcast %xor3A_1101 : i32 to vector<16xi32>
          %xor3A_1103 = arith.xori %iota3A, %xor3A_1102 : vector<16xi32>
          %broadcast_in_dim3A_1104 = vector.shape_cast %xor3A_1103 : vector<16xi32> to vector<16x1xi32>
          %gather3A_1105 = vector.shape_cast %broadcast_in_dim3A_1104 : vector<16x1xi32> to vector<16xi32>
          %gather3A_1106 = tpu.dynamic_gather %select_n3A_911[%gather3A_1105] in [0] : vector<16xf32>, vector<16xi32> -> vector<16xf32>
          %xor3A_1107 = arith.constant 8 : i32
          %xor3A_1108 = vector.broadcast %xor3A_1107 : i32 to vector<16xi32>
          %xor3A_1109 = arith.xori %iota3A, %xor3A_1108 : vector<16xi32>
          %broadcast_in_dim3A_1110 = vector.shape_cast %xor3A_1109 : vector<16xi32> to vector<16x1xi32>
          %gather3A_1111 = vector.shape_cast %broadcast_in_dim3A_1110 : vector<16x1xi32> to vector<16xi32>
          %gather3A_1112 = tpu.dynamic_gather %select_n3A_1015[%gather3A_1111] in [0] : vector<16xf32>, vector<16xi32> -> vector<16xf32>
          %and3A_1113 = arith.constant 8 : i32
          %and3A_1114 = vector.broadcast %and3A_1113 : i32 to vector<16xi32>
          %and3A_1115 = arith.andi %iota3A, %and3A_1114 : vector<16xi32>
          %eq3A_1116 = arith.constant 0 : i32
          %eq3A_1117 = vector.broadcast %eq3A_1116 : i32 to vector<16xi32>
          %eq3A_1118 = arith.cmpi eq, %and3A_1115, %eq3A_1117 : vector<16xi32>
          %select_n3A_1119 = arith.select %eq3A_1118, %select_n3A_911, %gather3A_1112 : vector<16xi1>, vector<16xf32>
          %and3A_1120 = arith.constant 8 : i32
          %and3A_1121 = vector.broadcast %and3A_1120 : i32 to vector<16xi32>
          %and3A_1122 = arith.andi %iota3A, %and3A_1121 : vector<16xi32>
          %eq3A_1123 = arith.constant 0 : i32
          %eq3A_1124 = vector.broadcast %eq3A_1123 : i32 to vector<16xi32>
          %eq3A_1125 = arith.cmpi eq, %and3A_1122, %eq3A_1124 : vector<16xi32>
          %select_n3A_1126 = arith.select %eq3A_1125, %gather3A_1106, %select_n3A_1015 : vector<16xi1>, vector<16xf32>
          %xor3A_1127 = arith.constant 8 : i32
          %xor3A_1128 = vector.broadcast %xor3A_1127 : i32 to vector<16xi32>
          %xor3A_1129 = arith.xori %iota3A, %xor3A_1128 : vector<16xi32>
          %broadcast_in_dim3A_1130 = vector.shape_cast %xor3A_1129 : vector<16xi32> to vector<16x1xi32>
          %gather3A_1131 = vector.shape_cast %broadcast_in_dim3A_1130 : vector<16x1xi32> to vector<16xi32>
          %gather3A_1132 = tpu.dynamic_gather %select_n3A_840[%gather3A_1131] in [0] : vector<16xf32>, vector<16xi32> -> vector<16xf32>
          %xor3A_1133 = arith.constant 8 : i32
          %xor3A_1134 = vector.broadcast %xor3A_1133 : i32 to vector<16xi32>
          %xor3A_1135 = arith.xori %iota3A, %xor3A_1134 : vector<16xi32>
          %broadcast_in_dim3A_1136 = vector.shape_cast %xor3A_1135 : vector<16xi32> to vector<16x1xi32>
          %gather3A_1137 = vector.shape_cast %broadcast_in_dim3A_1136 : vector<16x1xi32> to vector<16xi32>
          %gather3A_1138 = tpu.dynamic_gather %select_n3A_944[%gather3A_1137] in [0] : vector<16xf32>, vector<16xi32> -> vector<16xf32>
          %and3A_1139 = arith.constant 8 : i32
          %and3A_1140 = vector.broadcast %and3A_1139 : i32 to vector<16xi32>
          %and3A_1141 = arith.andi %iota3A, %and3A_1140 : vector<16xi32>
          %eq3A_1142 = arith.constant 0 : i32
          %eq3A_1143 = vector.broadcast %eq3A_1142 : i32 to vector<16xi32>
          %eq3A_1144 = arith.cmpi eq, %and3A_1141, %eq3A_1143 : vector<16xi32>
          %select_n3A_1145 = arith.select %eq3A_1144, %select_n3A_840, %gather3A_1138 : vector<16xi1>, vector<16xf32>
          %and3A_1146 = arith.constant 8 : i32
          %and3A_1147 = vector.broadcast %and3A_1146 : i32 to vector<16xi32>
          %and3A_1148 = arith.andi %iota3A, %and3A_1147 : vector<16xi32>
          %eq3A_1149 = arith.constant 0 : i32
          %eq3A_1150 = vector.broadcast %eq3A_1149 : i32 to vector<16xi32>
          %eq3A_1151 = arith.cmpi eq, %and3A_1148, %eq3A_1150 : vector<16xi32>
          %select_n3A_1152 = arith.select %eq3A_1151, %gather3A_1132, %select_n3A_944 : vector<16xi1>, vector<16xf32>
          %xor3A_1153 = arith.constant 8 : i32
          %xor3A_1154 = vector.broadcast %xor3A_1153 : i32 to vector<16xi32>
          %xor3A_1155 = arith.xori %iota3A, %xor3A_1154 : vector<16xi32>
          %broadcast_in_dim3A_1156 = vector.shape_cast %xor3A_1155 : vector<16xi32> to vector<16x1xi32>
          %gather3A_1157 = vector.shape_cast %broadcast_in_dim3A_1156 : vector<16x1xi32> to vector<16xi32>
          %gather3A_1158 = tpu.dynamic_gather %select_n3A_866[%gather3A_1157] in [0] : vector<16xf32>, vector<16xi32> -> vector<16xf32>
          %xor3A_1159 = arith.constant 8 : i32
          %xor3A_1160 = vector.broadcast %xor3A_1159 : i32 to vector<16xi32>
          %xor3A_1161 = arith.xori %iota3A, %xor3A_1160 : vector<16xi32>
          %broadcast_in_dim3A_1162 = vector.shape_cast %xor3A_1161 : vector<16xi32> to vector<16x1xi32>
          %gather3A_1163 = vector.shape_cast %broadcast_in_dim3A_1162 : vector<16x1xi32> to vector<16xi32>
          %gather3A_1164 = tpu.dynamic_gather %select_n3A_970[%gather3A_1163] in [0] : vector<16xf32>, vector<16xi32> -> vector<16xf32>
          %and3A_1165 = arith.constant 8 : i32
          %and3A_1166 = vector.broadcast %and3A_1165 : i32 to vector<16xi32>
          %and3A_1167 = arith.andi %iota3A, %and3A_1166 : vector<16xi32>
          %eq3A_1168 = arith.constant 0 : i32
          %eq3A_1169 = vector.broadcast %eq3A_1168 : i32 to vector<16xi32>
          %eq3A_1170 = arith.cmpi eq, %and3A_1167, %eq3A_1169 : vector<16xi32>
          %select_n3A_1171 = arith.select %eq3A_1170, %select_n3A_866, %gather3A_1164 : vector<16xi1>, vector<16xf32>
          %and3A_1172 = arith.constant 8 : i32
          %and3A_1173 = vector.broadcast %and3A_1172 : i32 to vector<16xi32>
          %and3A_1174 = arith.andi %iota3A, %and3A_1173 : vector<16xi32>
          %eq3A_1175 = arith.constant 0 : i32
          %eq3A_1176 = vector.broadcast %eq3A_1175 : i32 to vector<16xi32>
          %eq3A_1177 = arith.cmpi eq, %and3A_1174, %eq3A_1176 : vector<16xi32>
          %select_n3A_1178 = arith.select %eq3A_1177, %gather3A_1158, %select_n3A_970 : vector<16xi1>, vector<16xf32>
          %xor3A_1179 = arith.constant 8 : i32
          %xor3A_1180 = vector.broadcast %xor3A_1179 : i32 to vector<16xi32>
          %xor3A_1181 = arith.xori %iota3A, %xor3A_1180 : vector<16xi32>
          %broadcast_in_dim3A_1182 = vector.shape_cast %xor3A_1181 : vector<16xi32> to vector<16x1xi32>
          %gather3A_1183 = vector.shape_cast %broadcast_in_dim3A_1182 : vector<16x1xi32> to vector<16xi32>
          %gather3A_1184 = tpu.dynamic_gather %select_n3A_892[%gather3A_1183] in [0] : vector<16xf32>, vector<16xi32> -> vector<16xf32>
          %xor3A_1185 = arith.constant 8 : i32
          %xor3A_1186 = vector.broadcast %xor3A_1185 : i32 to vector<16xi32>
          %xor3A_1187 = arith.xori %iota3A, %xor3A_1186 : vector<16xi32>
          %broadcast_in_dim3A_1188 = vector.shape_cast %xor3A_1187 : vector<16xi32> to vector<16x1xi32>
          %gather3A_1189 = vector.shape_cast %broadcast_in_dim3A_1188 : vector<16x1xi32> to vector<16xi32>
          %gather3A_1190 = tpu.dynamic_gather %select_n3A_996[%gather3A_1189] in [0] : vector<16xf32>, vector<16xi32> -> vector<16xf32>
          %and3A_1191 = arith.constant 8 : i32
          %and3A_1192 = vector.broadcast %and3A_1191 : i32 to vector<16xi32>
          %and3A_1193 = arith.andi %iota3A, %and3A_1192 : vector<16xi32>
          %eq3A_1194 = arith.constant 0 : i32
          %eq3A_1195 = vector.broadcast %eq3A_1194 : i32 to vector<16xi32>
          %eq3A_1196 = arith.cmpi eq, %and3A_1193, %eq3A_1195 : vector<16xi32>
          %select_n3A_1197 = arith.select %eq3A_1196, %select_n3A_892, %gather3A_1190 : vector<16xi1>, vector<16xf32>
          %and3A_1198 = arith.constant 8 : i32
          %and3A_1199 = vector.broadcast %and3A_1198 : i32 to vector<16xi32>
          %and3A_1200 = arith.andi %iota3A, %and3A_1199 : vector<16xi32>
          %eq3A_1201 = arith.constant 0 : i32
          %eq3A_1202 = vector.broadcast %eq3A_1201 : i32 to vector<16xi32>
          %eq3A_1203 = arith.cmpi eq, %and3A_1200, %eq3A_1202 : vector<16xi32>
          %select_n3A_1204 = arith.select %eq3A_1203, %gather3A_1184, %select_n3A_996 : vector<16xi1>, vector<16xf32>
          %xor3A_1205 = arith.constant 8 : i32
          %xor3A_1206 = vector.broadcast %xor3A_1205 : i32 to vector<16xi32>
          %xor3A_1207 = arith.xori %iota3A, %xor3A_1206 : vector<16xi32>
          %broadcast_in_dim3A_1208 = vector.shape_cast %xor3A_1207 : vector<16xi32> to vector<16x1xi32>
          %gather3A_1209 = vector.shape_cast %broadcast_in_dim3A_1208 : vector<16x1xi32> to vector<16xi32>
          %gather3A_1210 = tpu.dynamic_gather %select_n3A_918[%gather3A_1209] in [0] : vector<16xf32>, vector<16xi32> -> vector<16xf32>
          %xor3A_1211 = arith.constant 8 : i32
          %xor3A_1212 = vector.broadcast %xor3A_1211 : i32 to vector<16xi32>
          %xor3A_1213 = arith.xori %iota3A, %xor3A_1212 : vector<16xi32>
          %broadcast_in_dim3A_1214 = vector.shape_cast %xor3A_1213 : vector<16xi32> to vector<16x1xi32>
          %gather3A_1215 = vector.shape_cast %broadcast_in_dim3A_1214 : vector<16x1xi32> to vector<16xi32>
          %gather3A_1216 = tpu.dynamic_gather %select_n3A_1022[%gather3A_1215] in [0] : vector<16xf32>, vector<16xi32> -> vector<16xf32>
          %and3A_1217 = arith.constant 8 : i32
          %and3A_1218 = vector.broadcast %and3A_1217 : i32 to vector<16xi32>
          %and3A_1219 = arith.andi %iota3A, %and3A_1218 : vector<16xi32>
          %eq3A_1220 = arith.constant 0 : i32
          %eq3A_1221 = vector.broadcast %eq3A_1220 : i32 to vector<16xi32>
          %eq3A_1222 = arith.cmpi eq, %and3A_1219, %eq3A_1221 : vector<16xi32>
          %select_n3A_1223 = arith.select %eq3A_1222, %select_n3A_918, %gather3A_1216 : vector<16xi1>, vector<16xf32>
          %and3A_1224 = arith.constant 8 : i32
          %and3A_1225 = vector.broadcast %and3A_1224 : i32 to vector<16xi32>
          %and3A_1226 = arith.andi %iota3A, %and3A_1225 : vector<16xi32>
          %eq3A_1227 = arith.constant 0 : i32
          %eq3A_1228 = vector.broadcast %eq3A_1227 : i32 to vector<16xi32>
          %eq3A_1229 = arith.cmpi eq, %and3A_1226, %eq3A_1228 : vector<16xi32>
          %select_n3A_1230 = arith.select %eq3A_1229, %gather3A_1210, %select_n3A_1022 : vector<16xi1>, vector<16xf32>
          %mul3A_1231 = arith.constant 16 : i32
          %mul3A_1232 = arith.muli %scan3A_210, %mul3A_1231 : i32
          %add3A_1233 = arith.constant 0 : i32
          %add3A_1234 = arith.addi %mul3A_1232, %add3A_1233 : i32
          %mul3A_1235 = arith.constant 16 : i32
          %mul3A_1236 = arith.muli %scan3A_193, %mul3A_1235 : i32
          %get3A_1237 = arith.constant 0 : i32
          %get3A_1238 = arith.index_cast %get3A_1237 : i32 to index
          %get3A_1239 = arith.index_cast %add3A_1234 : i32 to index
          %get3A_1240 = arith.index_cast %mul3A_1236 : i32 to index
          %get3A_1241 = tpu.vector_load %arg7[%get3A_1238, %get3A_1239, %get3A_1240] {strides = array<i32>} : memref<2x128x128xf32, #tpu.memory_space<vmem>>, vector<1x1x16xf32>,
          %get3A_1242 = vector.shape_cast %get3A_1241 : vector<1x1x16xf32> to vector<16xf32>
          %mul3A_1243 = arith.mulf %get3A_1242, %select_n3A_1041 : vector<16xf32>
          %add3A_1244 = arith.addf %scan3A_211, %mul3A_1243 : vector<16xf32>
          %mul3A_1245 = arith.constant 16 : i32
          %mul3A_1246 = arith.muli %scan3A_210, %mul3A_1245 : i32
          %add3A_1247 = arith.constant 1 : i32
          %add3A_1248 = arith.addi %mul3A_1246, %add3A_1247 : i32
          %mul3A_1249 = arith.constant 16 : i32
          %mul3A_1250 = arith.muli %scan3A_193, %mul3A_1249 : i32
          %get3A_1251 = arith.constant 0 : i32
          %get3A_1252 = arith.index_cast %get3A_1251 : i32 to index
          %get3A_1253 = arith.index_cast %add3A_1248 : i32 to index
          %get3A_1254 = arith.index_cast %mul3A_1250 : i32 to index
          %get3A_1255 = tpu.vector_load %arg7[%get3A_1252, %get3A_1253, %get3A_1254] {strides = array<i32>} : memref<2x128x128xf32, #tpu.memory_space<vmem>>, vector<1x1x16xf32>,
          %get3A_1256 = vector.shape_cast %get3A_1255 : vector<1x1x16xf32> to vector<16xf32>
          %mul3A_1257 = arith.mulf %get3A_1256, %select_n3A_1067 : vector<16xf32>
          %add3A_1258 = arith.addf %add3A_1244, %mul3A_1257 : vector<16xf32>
          %mul3A_1259 = arith.constant 16 : i32
          %mul3A_1260 = arith.muli %scan3A_210, %mul3A_1259 : i32
          %add3A_1261 = arith.constant 2 : i32
          %add3A_1262 = arith.addi %mul3A_1260, %add3A_1261 : i32
          %mul3A_1263 = arith.constant 16 : i32
          %mul3A_1264 = arith.muli %scan3A_193, %mul3A_1263 : i32
          %get3A_1265 = arith.constant 0 : i32
          %get3A_1266 = arith.index_cast %get3A_1265 : i32 to index
          %get3A_1267 = arith.index_cast %add3A_1262 : i32 to index
          %get3A_1268 = arith.index_cast %mul3A_1264 : i32 to index
          %get3A_1269 = tpu.vector_load %arg7[%get3A_1266, %get3A_1267, %get3A_1268] {strides = array<i32>} : memref<2x128x128xf32, #tpu.memory_space<vmem>>, vector<1x1x16xf32>,
          %get3A_1270 = vector.shape_cast %get3A_1269 : vector<1x1x16xf32> to vector<16xf32>
          %mul3A_1271 = arith.mulf %get3A_1270, %select_n3A_1093 : vector<16xf32>
          %add3A_1272 = arith.addf %add3A_1258, %mul3A_1271 : vector<16xf32>
          %mul3A_1273 = arith.constant 16 : i32
          %mul3A_1274 = arith.muli %scan3A_210, %mul3A_1273 : i32
          %add3A_1275 = arith.constant 3 : i32
          %add3A_1276 = arith.addi %mul3A_1274, %add3A_1275 : i32
          %mul3A_1277 = arith.constant 16 : i32
          %mul3A_1278 = arith.muli %scan3A_193, %mul3A_1277 : i32
          %get3A_1279 = arith.constant 0 : i32
          %get3A_1280 = arith.index_cast %get3A_1279 : i32 to index
          %get3A_1281 = arith.index_cast %add3A_1276 : i32 to index
          %get3A_1282 = arith.index_cast %mul3A_1278 : i32 to index
          %get3A_1283 = tpu.vector_load %arg7[%get3A_1280, %get3A_1281, %get3A_1282] {strides = array<i32>} : memref<2x128x128xf32, #tpu.memory_space<vmem>>, vector<1x1x16xf32>,
          %get3A_1284 = vector.shape_cast %get3A_1283 : vector<1x1x16xf32> to vector<16xf32>
          %mul3A_1285 = arith.mulf %get3A_1284, %select_n3A_1119 : vector<16xf32>
          %add3A_1286 = arith.addf %add3A_1272, %mul3A_1285 : vector<16xf32>
          %mul3A_1287 = arith.constant 16 : i32
          %mul3A_1288 = arith.muli %scan3A_210, %mul3A_1287 : i32
          %add3A_1289 = arith.constant 4 : i32
          %add3A_1290 = arith.addi %mul3A_1288, %add3A_1289 : i32
          %mul3A_1291 = arith.constant 16 : i32
          %mul3A_1292 = arith.muli %scan3A_193, %mul3A_1291 : i32
          %get3A_1293 = arith.constant 0 : i32
          %get3A_1294 = arith.index_cast %get3A_1293 : i32 to index
          %get3A_1295 = arith.index_cast %add3A_1290 : i32 to index
          %get3A_1296 = arith.index_cast %mul3A_1292 : i32 to index
          %get3A_1297 = tpu.vector_load %arg7[%get3A_1294, %get3A_1295, %get3A_1296] {strides = array<i32>} : memref<2x128x128xf32, #tpu.memory_space<vmem>>, vector<1x1x16xf32>,
          %get3A_1298 = vector.shape_cast %get3A_1297 : vector<1x1x16xf32> to vector<16xf32>
          %mul3A_1299 = arith.mulf %get3A_1298, %select_n3A_1145 : vector<16xf32>
          %add3A_1300 = arith.addf %add3A_1286, %mul3A_1299 : vector<16xf32>
          %mul3A_1301 = arith.constant 16 : i32
          %mul3A_1302 = arith.muli %scan3A_210, %mul3A_1301 : i32
          %add3A_1303 = arith.constant 5 : i32
          %add3A_1304 = arith.addi %mul3A_1302, %add3A_1303 : i32
          %mul3A_1305 = arith.constant 16 : i32
          %mul3A_1306 = arith.muli %scan3A_193, %mul3A_1305 : i32
          %get3A_1307 = arith.constant 0 : i32
          %get3A_1308 = arith.index_cast %get3A_1307 : i32 to index
          %get3A_1309 = arith.index_cast %add3A_1304 : i32 to index
          %get3A_1310 = arith.index_cast %mul3A_1306 : i32 to index
          %get3A_1311 = tpu.vector_load %arg7[%get3A_1308, %get3A_1309, %get3A_1310] {strides = array<i32>} : memref<2x128x128xf32, #tpu.memory_space<vmem>>, vector<1x1x16xf32>,
          %get3A_1312 = vector.shape_cast %get3A_1311 : vector<1x1x16xf32> to vector<16xf32>
          %mul3A_1313 = arith.mulf %get3A_1312, %select_n3A_1171 : vector<16xf32>
          %add3A_1314 = arith.addf %add3A_1300, %mul3A_1313 : vector<16xf32>
          %mul3A_1315 = arith.constant 16 : i32
          %mul3A_1316 = arith.muli %scan3A_210, %mul3A_1315 : i32
          %add3A_1317 = arith.constant 6 : i32
          %add3A_1318 = arith.addi %mul3A_1316, %add3A_1317 : i32
          %mul3A_1319 = arith.constant 16 : i32
          %mul3A_1320 = arith.muli %scan3A_193, %mul3A_1319 : i32
          %get3A_1321 = arith.constant 0 : i32
          %get3A_1322 = arith.index_cast %get3A_1321 : i32 to index
          %get3A_1323 = arith.index_cast %add3A_1318 : i32 to index
          %get3A_1324 = arith.index_cast %mul3A_1320 : i32 to index
          %get3A_1325 = tpu.vector_load %arg7[%get3A_1322, %get3A_1323, %get3A_1324] {strides = array<i32>} : memref<2x128x128xf32, #tpu.memory_space<vmem>>, vector<1x1x16xf32>,
          %get3A_1326 = vector.shape_cast %get3A_1325 : vector<1x1x16xf32> to vector<16xf32>
          %mul3A_1327 = arith.mulf %get3A_1326, %select_n3A_1197 : vector<16xf32>
          %add3A_1328 = arith.addf %add3A_1314, %mul3A_1327 : vector<16xf32>
          %mul3A_1329 = arith.constant 16 : i32
          %mul3A_1330 = arith.muli %scan3A_210, %mul3A_1329 : i32
          %add3A_1331 = arith.constant 7 : i32
          %add3A_1332 = arith.addi %mul3A_1330, %add3A_1331 : i32
          %mul3A_1333 = arith.constant 16 : i32
          %mul3A_1334 = arith.muli %scan3A_193, %mul3A_1333 : i32
          %get3A_1335 = arith.constant 0 : i32
          %get3A_1336 = arith.index_cast %get3A_1335 : i32 to index
          %get3A_1337 = arith.index_cast %add3A_1332 : i32 to index
          %get3A_1338 = arith.index_cast %mul3A_1334 : i32 to index
          %get3A_1339 = tpu.vector_load %arg7[%get3A_1336, %get3A_1337, %get3A_1338] {strides = array<i32>} : memref<2x128x128xf32, #tpu.memory_space<vmem>>, vector<1x1x16xf32>,
          %get3A_1340 = vector.shape_cast %get3A_1339 : vector<1x1x16xf32> to vector<16xf32>
          %mul3A_1341 = arith.mulf %get3A_1340, %select_n3A_1223 : vector<16xf32>
          %add3A_1342 = arith.addf %add3A_1328, %mul3A_1341 : vector<16xf32>
          %mul3A_1343 = arith.constant 16 : i32
          %mul3A_1344 = arith.muli %scan3A_210, %mul3A_1343 : i32
          %add3A_1345 = arith.constant 8 : i32
          %add3A_1346 = arith.addi %mul3A_1344, %add3A_1345 : i32
          %mul3A_1347 = arith.constant 16 : i32
          %mul3A_1348 = arith.muli %scan3A_193, %mul3A_1347 : i32
          %get3A_1349 = arith.constant 0 : i32
          %get3A_1350 = arith.index_cast %get3A_1349 : i32 to index
          %get3A_1351 = arith.index_cast %add3A_1346 : i32 to index
          %get3A_1352 = arith.index_cast %mul3A_1348 : i32 to index
          %get3A_1353 = tpu.vector_load %arg7[%get3A_1350, %get3A_1351, %get3A_1352] {strides = array<i32>} : memref<2x128x128xf32, #tpu.memory_space<vmem>>, vector<1x1x16xf32>,
          %get3A_1354 = vector.shape_cast %get3A_1353 : vector<1x1x16xf32> to vector<16xf32>
          %mul3A_1355 = arith.mulf %get3A_1354, %select_n3A_1048 : vector<16xf32>
          %add3A_1356 = arith.addf %add3A_1342, %mul3A_1355 : vector<16xf32>
          %mul3A_1357 = arith.constant 16 : i32
          %mul3A_1358 = arith.muli %scan3A_210, %mul3A_1357 : i32
          %add3A_1359 = arith.constant 9 : i32
          %add3A_1360 = arith.addi %mul3A_1358, %add3A_1359 : i32
          %mul3A_1361 = arith.constant 16 : i32
          %mul3A_1362 = arith.muli %scan3A_193, %mul3A_1361 : i32
          %get3A_1363 = arith.constant 0 : i32
          %get3A_1364 = arith.index_cast %get3A_1363 : i32 to index
          %get3A_1365 = arith.index_cast %add3A_1360 : i32 to index
          %get3A_1366 = arith.index_cast %mul3A_1362 : i32 to index
          %get3A_1367 = tpu.vector_load %arg7[%get3A_1364, %get3A_1365, %get3A_1366] {strides = array<i32>} : memref<2x128x128xf32, #tpu.memory_space<vmem>>, vector<1x1x16xf32>,
          %get3A_1368 = vector.shape_cast %get3A_1367 : vector<1x1x16xf32> to vector<16xf32>
          %mul3A_1369 = arith.mulf %get3A_1368, %select_n3A_1074 : vector<16xf32>
          %add3A_1370 = arith.addf %add3A_1356, %mul3A_1369 : vector<16xf32>
          %mul3A_1371 = arith.constant 16 : i32
          %mul3A_1372 = arith.muli %scan3A_210, %mul3A_1371 : i32
          %add3A_1373 = arith.constant 10 : i32
          %add3A_1374 = arith.addi %mul3A_1372, %add3A_1373 : i32
          %mul3A_1375 = arith.constant 16 : i32
          %mul3A_1376 = arith.muli %scan3A_193, %mul3A_1375 : i32
          %get3A_1377 = arith.constant 0 : i32
          %get3A_1378 = arith.index_cast %get3A_1377 : i32 to index
          %get3A_1379 = arith.index_cast %add3A_1374 : i32 to index
          %get3A_1380 = arith.index_cast %mul3A_1376 : i32 to index
          %get3A_1381 = tpu.vector_load %arg7[%get3A_1378, %get3A_1379, %get3A_1380] {strides = array<i32>} : memref<2x128x128xf32, #tpu.memory_space<vmem>>, vector<1x1x16xf32>,
          %get3A_1382 = vector.shape_cast %get3A_1381 : vector<1x1x16xf32> to vector<16xf32>
          %mul3A_1383 = arith.mulf %get3A_1382, %select_n3A_1100 : vector<16xf32>
          %add3A_1384 = arith.addf %add3A_1370, %mul3A_1383 : vector<16xf32>
          %mul3A_1385 = arith.constant 16 : i32
          %mul3A_1386 = arith.muli %scan3A_210, %mul3A_1385 : i32
          %add3A_1387 = arith.constant 11 : i32
          %add3A_1388 = arith.addi %mul3A_1386, %add3A_1387 : i32
          %mul3A_1389 = arith.constant 16 : i32
          %mul3A_1390 = arith.muli %scan3A_193, %mul3A_1389 : i32
          %get3A_1391 = arith.constant 0 : i32
          %get3A_1392 = arith.index_cast %get3A_1391 : i32 to index
          %get3A_1393 = arith.index_cast %add3A_1388 : i32 to index
          %get3A_1394 = arith.index_cast %mul3A_1390 : i32 to index
          %get3A_1395 = tpu.vector_load %arg7[%get3A_1392, %get3A_1393, %get3A_1394] {strides = array<i32>} : memref<2x128x128xf32, #tpu.memory_space<vmem>>, vector<1x1x16xf32>,
          %get3A_1396 = vector.shape_cast %get3A_1395 : vector<1x1x16xf32> to vector<16xf32>
          %mul3A_1397 = arith.mulf %get3A_1396, %select_n3A_1126 : vector<16xf32>
          %add3A_1398 = arith.addf %add3A_1384, %mul3A_1397 : vector<16xf32>
          %mul3A_1399 = arith.constant 16 : i32
          %mul3A_1400 = arith.muli %scan3A_210, %mul3A_1399 : i32
          %add3A_1401 = arith.constant 12 : i32
          %add3A_1402 = arith.addi %mul3A_1400, %add3A_1401 : i32
          %mul3A_1403 = arith.constant 16 : i32
          %mul3A_1404 = arith.muli %scan3A_193, %mul3A_1403 : i32
          %get3A_1405 = arith.constant 0 : i32
          %get3A_1406 = arith.index_cast %get3A_1405 : i32 to index
          %get3A_1407 = arith.index_cast %add3A_1402 : i32 to index
          %get3A_1408 = arith.index_cast %mul3A_1404 : i32 to index
          %get3A_1409 = tpu.vector_load %arg7[%get3A_1406, %get3A_1407, %get3A_1408] {strides = array<i32>} : memref<2x128x128xf32, #tpu.memory_space<vmem>>, vector<1x1x16xf32>,
          %get3A_1410 = vector.shape_cast %get3A_1409 : vector<1x1x16xf32> to vector<16xf32>
          %mul3A_1411 = arith.mulf %get3A_1410, %select_n3A_1152 : vector<16xf32>
          %add3A_1412 = arith.addf %add3A_1398, %mul3A_1411 : vector<16xf32>
          %mul3A_1413 = arith.constant 16 : i32
          %mul3A_1414 = arith.muli %scan3A_210, %mul3A_1413 : i32
          %add3A_1415 = arith.constant 13 : i32
          %add3A_1416 = arith.addi %mul3A_1414, %add3A_1415 : i32
          %mul3A_1417 = arith.constant 16 : i32
          %mul3A_1418 = arith.muli %scan3A_193, %mul3A_1417 : i32
          %get3A_1419 = arith.constant 0 : i32
          %get3A_1420 = arith.index_cast %get3A_1419 : i32 to index
          %get3A_1421 = arith.index_cast %add3A_1416 : i32 to index
          %get3A_1422 = arith.index_cast %mul3A_1418 : i32 to index
          %get3A_1423 = tpu.vector_load %arg7[%get3A_1420, %get3A_1421, %get3A_1422] {strides = array<i32>} : memref<2x128x128xf32, #tpu.memory_space<vmem>>, vector<1x1x16xf32>,
          %get3A_1424 = vector.shape_cast %get3A_1423 : vector<1x1x16xf32> to vector<16xf32>
          %mul3A_1425 = arith.mulf %get3A_1424, %select_n3A_1178 : vector<16xf32>
          %add3A_1426 = arith.addf %add3A_1412, %mul3A_1425 : vector<16xf32>
          %mul3A_1427 = arith.constant 16 : i32
          %mul3A_1428 = arith.muli %scan3A_210, %mul3A_1427 : i32
          %add3A_1429 = arith.constant 14 : i32
          %add3A_1430 = arith.addi %mul3A_1428, %add3A_1429 : i32
          %mul3A_1431 = arith.constant 16 : i32
          %mul3A_1432 = arith.muli %scan3A_193, %mul3A_1431 : i32
          %get3A_1433 = arith.constant 0 : i32
          %get3A_1434 = arith.index_cast %get3A_1433 : i32 to index
          %get3A_1435 = arith.index_cast %add3A_1430 : i32 to index
          %get3A_1436 = arith.index_cast %mul3A_1432 : i32 to index
          %get3A_1437 = tpu.vector_load %arg7[%get3A_1434, %get3A_1435, %get3A_1436] {strides = array<i32>} : memref<2x128x128xf32, #tpu.memory_space<vmem>>, vector<1x1x16xf32>,
          %get3A_1438 = vector.shape_cast %get3A_1437 : vector<1x1x16xf32> to vector<16xf32>
          %mul3A_1439 = arith.mulf %get3A_1438, %select_n3A_1204 : vector<16xf32>
          %add3A_1440 = arith.addf %add3A_1426, %mul3A_1439 : vector<16xf32>
          %mul3A_1441 = arith.constant 16 : i32
          %mul3A_1442 = arith.muli %scan3A_210, %mul3A_1441 : i32
          %add3A_1443 = arith.constant 15 : i32
          %add3A_1444 = arith.addi %mul3A_1442, %add3A_1443 : i32
          %mul3A_1445 = arith.constant 16 : i32
          %mul3A_1446 = arith.muli %scan3A_193, %mul3A_1445 : i32
          %get3A_1447 = arith.constant 0 : i32
          %get3A_1448 = arith.index_cast %get3A_1447 : i32 to index
          %get3A_1449 = arith.index_cast %add3A_1444 : i32 to index
          %get3A_1450 = arith.index_cast %mul3A_1446 : i32 to index
          %get3A_1451 = tpu.vector_load %arg7[%get3A_1448, %get3A_1449, %get3A_1450] {strides = array<i32>} : memref<2x128x128xf32, #tpu.memory_space<vmem>>, vector<1x1x16xf32>,
          %get3A_1452 = vector.shape_cast %get3A_1451 : vector<1x1x16xf32> to vector<16xf32>
          %mul3A_1453 = arith.mulf %get3A_1452, %select_n3A_1230 : vector<16xf32>
          %add3A_1454 = arith.addf %add3A_1440, %mul3A_1453 : vector<16xf32>
          scf.yield %add3A_1454 : vector<16xf32>
        }
        %scan3A_203 = arith.constant 8 : i32
        %mul3A_204 = arith.constant 16 : i32
        %mul3A_205 = arith.muli %scan3A_193, %mul3A_204 : i32
        %swap3A_206 = arith.index_cast %mul3A_205 : i32 to index
        %swap3A_207 = tpu.vector_load %arg9[%swap3A_206] {strides = array<i32>} : memref<128xf32, #tpu.memory_space<vmem>>, vector<16xf32>,
        %swap3A_208 = vector.shape_cast %swap3A_207 : vector<16xf32> to vector<16xf32>
        %swap3A_209 = vector.shape_cast %scan3A_202 : vector<16xf32> to vector<16xf32>
        tpu.vector_store %arg9[%swap3A_206], %swap3A_209 {strides = array<i32>} : memref<128xf32, #tpu.memory_space<vmem>>, vector<16xf32>,
      }
      %scan3A_140 = arith.constant 8 : i32
      %add3A_141 = arith.constant 2 : i32
      %add3A_142 = arith.addi %mul3A_88, %add3A_141 : i32
      %mul3A_143 = arith.constant 128 : i32
      %mul3A_144 = arith.muli %add3A_142, %mul3A_143 : i32
      %multiple_of3A_145 = tpu.assume_multiple %mul3A_144, 128 : i32
      %dma_start3A_146 = arith.constant 0 : i32
      %dma_start3A_147 = arith.constant 0 : i32
      %dma_start3A_148 = arith.constant 0 : i32
      %dma_start3A_149 = tpu.memref_slice %arg7[%dma_start3A_146, %dma_start3A_147, %dma_start3A_148] : memref<2x128x128xf32, #tpu.memory_space<vmem>> -> memref<1x128x128xf32, #tpu.memory_space<vmem>>
      %dma_start3A_150 = tpu.memref_squeeze %dma_start3A_149 : memref<1x128x128xf32, #tpu.memory_space<vmem>> -> memref<128x128xf32, #tpu.memory_space<vmem>>
      %dma_start3A_151 = tpu.memref_slice %arg2[%multiple_of3A_145, %mul3A_2] : memref<1000x16384xf32, #tpu.memory_space<hbm>> -> memref<128x128xf32, #tpu.memory_space<hbm>>
      %dma_start3A_152 = arith.constant 0 : i32
      %dma_start3A_153 = arith.constant 0 : i32
      %dma_start3A_154 = tpu.memref_slice %arg7[%dma_start3A_146, %dma_start3A_152, %dma_start3A_153] : memref<2x128x128xf32, #tpu.memory_space<vmem>> -> memref<1x128x128xf32, #tpu.memory_space<vmem>>
      %dma_start3A_155 = tpu.memref_squeeze %dma_start3A_154 : memref<1x128x128xf32, #tpu.memory_space<vmem>> -> memref<128x128xf32, #tpu.memory_space<vmem>>
      %dma_start3A_156 = tpu.memref_slice %arg2[%multiple_of3A_145, %mul3A_2] : memref<1000x16384xf32, #tpu.memory_space<hbm>> -> memref<128x128xf32, #tpu.memory_space<hbm>>
      tpu.enqueue_dma source(%dma_start3A_156 : memref<128x128xf32, #tpu.memory_space<hbm>>) target(%dma_start3A_155 : memref<128x128xf32, #tpu.memory_space<vmem>>) target_semaphore(%arg10 : memref<!tpu.dma_semaphore, #tpu.memory_space<semaphore_mem>>)
      %dma_start3A_157 = arith.constant 0 : i32
      %dma_start3A_158 = arith.constant 0 : i32
      %dma_start3A_159 = arith.constant 0 : i32
      %dma_start3A_160 = tpu.memref_slice %arg8[%dma_start3A_157, %dma_start3A_158, %dma_start3A_159] : memref<2x128x128xf32, #tpu.memory_space<vmem>> -> memref<1x128x128xf32, #tpu.memory_space<vmem>>
      %dma_start3A_161 = tpu.memref_squeeze %dma_start3A_160 : memref<1x128x128xf32, #tpu.memory_space<vmem>> -> memref<128x128xf32, #tpu.memory_space<vmem>>
      %dma_start3A_162 = arith.constant 0 : i32
      %dma_start3A_163 = tpu.memref_slice %arg4[%dma_start3A_162, %multiple_of3A_145] : memref<1000x1000xf32, #tpu.memory_space<hbm>> -> memref<1000x128xf32, #tpu.memory_space<hbm>>
      tpu.enqueue_indirect_dma source(%dma_start3A_163 : memref<1000x128xf32, #tpu.memory_space<hbm>>) target(%dma_start3A_161 : memref<128x128xf32, #tpu.memory_space<vmem>>) offsets(%arg6 : memref<128xi32, #tpu.memory_space<vmem>>) semaphore(%arg12 : memref<!tpu.dma_semaphore, #tpu.memory_space<semaphore_mem>>)
      %dma_wait3A_164 = arith.constant 1 : i32
      %dma_wait3A_165 = arith.constant 0 : i32
      %dma_wait3A_166 = arith.constant 0 : i32
      %dma_wait3A_167 = tpu.memref_slice %arg7[%dma_wait3A_164, %dma_wait3A_165, %dma_wait3A_166] : memref<2x128x128xf32, #tpu.memory_space<vmem>> -> memref<1x128x128xf32, #tpu.memory_space<vmem>>
      %dma_wait3A_168 = tpu.memref_squeeze %dma_wait3A_167 : memref<1x128x128xf32, #tpu.memory_space<vmem>> -> memref<128x128xf32, #tpu.memory_space<vmem>>
      %dma_wait3A_169 = arith.constant 0 : i32
      %dma_wait3A_170 = arith.constant 0 : i32
      %dma_wait3A_171 = tpu.memref_slice %arg2[%dma_wait3A_169, %dma_wait3A_170] : memref<1000x16384xf32, #tpu.memory_space<hbm>> -> memref<128x128xf32, #tpu.memory_space<hbm>>
      %dma_wait3A_172 = arith.constant 0 : i32
      %dma_wait3A_173 = arith.constant 0 : i32
      %dma_wait3A_174 = tpu.memref_slice %arg7[%dma_wait3A_164, %dma_wait3A_172, %dma_wait3A_173] : memref<2x128x128xf32, #tpu.memory_space<vmem>> -> memref<1x128x128xf32, #tpu.memory_space<vmem>>
      %dma_wait3A_175 = tpu.memref_squeeze %dma_wait3A_174 : memref<1x128x128xf32, #tpu.memory_space<vmem>> -> memref<128x128xf32, #tpu.memory_space<vmem>>
      %dma_wait3A_176 = arith.constant 0 : i32
      %dma_wait3A_177 = arith.constant 0 : i32
      %dma_wait3A_178 = tpu.memref_slice %arg2[%dma_wait3A_176, %dma_wait3A_177] : memref<1000x16384xf32, #tpu.memory_space<hbm>> -> memref<128x128xf32, #tpu.memory_space<hbm>>
      tpu.wait_dma2 semaphore(%arg11 : memref<!tpu.dma_semaphore, #tpu.memory_space<semaphore_mem>>) src(%dma_wait3A_178 : memref<128x128xf32, #tpu.memory_space<hbm>>) dst(%dma_wait3A_175 : memref<128x128xf32, #tpu.memory_space<vmem>>)
      %dma_wait3A_179 = arith.constant 1 : i32
      %dma_wait3A_180 = arith.constant 0 : i32
      %dma_wait3A_181 = arith.constant 0 : i32
      %dma_wait3A_182 = tpu.memref_slice %arg8[%dma_wait3A_179, %dma_wait3A_180, %dma_wait3A_181] : memref<2x128x128xf32, #tpu.memory_space<vmem>> -> memref<1x128x128xf32, #tpu.memory_space<vmem>>
      %dma_wait3A_183 = tpu.memref_squeeze %dma_wait3A_182 : memref<1x128x128xf32, #tpu.memory_space<vmem>> -> memref<128x128xf32, #tpu.memory_space<vmem>>
      %dma_wait3A_184 = arith.constant 0 : i32
      %dma_wait3A_185 = arith.constant 0 : i32
      %dma_wait3A_186 = tpu.memref_slice %arg4[%dma_wait3A_184, %dma_wait3A_185] : memref<1000x1000xf32, #tpu.memory_space<hbm>> -> memref<1000x128xf32, #tpu.memory_space<hbm>>
      tpu.wait_indirect_dma semaphore(%arg13 : memref<!tpu.dma_semaphore, #tpu.memory_space<semaphore_mem>>) src(%dma_wait3A_186 : memref<1000x128xf32, #tpu.memory_space<hbm>>) dst(%dma_wait3A_183 : memref<128x128xf32, #tpu.memory_space<vmem>>)
      %scan3A_187 = arith.constant 0 : i32
      %scan3A_188 = arith.constant 0 : i32
      %scan3A_189 = arith.constant 8 : i32
      %scan3A_190 = arith.addi %scan3A_188, %scan3A_189 : i32
      %scan3A_191 = arith.constant 1 : i32
      scf.for %scan3A_193 = %scan3A_188 to %scan3A_190 step %scan3A_191  : i32 {
        %mul3A_194 = arith.constant 16 : i32
        %mul3A_195 = arith.muli %scan3A_193, %mul3A_194 : i32
        %get3A = arith.index_cast %mul3A_195 : i32 to index
        %get3A_196 = tpu.vector_load %arg9[%get3A] {strides = array<i32>} : memref<128xf32, #tpu.memory_space<vmem>>, vector<16xf32>,
        %get3A_197 = vector.shape_cast %get3A_196 : vector<16xf32> to vector<16xf32>
        %scan3A_198 = arith.constant 0 : i32
        %scan3A_199 = arith.constant 8 : i32
        %scan3A_200 = arith.addi %scan3A_198, %scan3A_199 : i32
        %scan3A_201 = arith.constant 1 : i32
        %scan3A_202 = scf.for %scan3A_210 = %scan3A_198 to %scan3A_200 step %scan3A_201 iter_args(%scan3A_211 = %get3A_197) -> (vector<16xf32>)  : i32 {
          %mul3A_212 = arith.constant 16 : i32
          %mul3A_213 = arith.muli %scan3A_193, %mul3A_212 : i32
          %add3A_214 = arith.constant 0 : i32
          %add3A_215 = arith.addi %mul3A_213, %add3A_214 : i32
          %mul3A_216 = arith.constant 16 : i32
          %mul3A_217 = arith.muli %scan3A_210, %mul3A_216 : i32
          %get3A_218 = arith.constant 1 : i32
          %get3A_219 = arith.index_cast %get3A_218 : i32 to index
          %get3A_220 = arith.index_cast %add3A_215 : i32 to index
          %get3A_221 = arith.index_cast %mul3A_217 : i32 to index
          %get3A_222 = tpu.vector_load %arg8[%get3A_219, %get3A_220, %get3A_221] {strides = array<i32>} : memref<2x128x128xf32, #tpu.memory_space<vmem>>, vector<1x1x16xf32>,
          %get3A_223 = vector.shape_cast %get3A_222 : vector<1x1x16xf32> to vector<16xf32>
          %mul3A_224 = arith.constant 16 : i32
          %mul3A_225 = arith.muli %scan3A_193, %mul3A_224 : i32
          %add3A_226 = arith.constant 1 : i32
          %add3A_227 = arith.addi %mul3A_225, %add3A_226 : i32
          %mul3A_228 = arith.constant 16 : i32
          %mul3A_229 = arith.muli %scan3A_210, %mul3A_228 : i32
          %get3A_230 = arith.constant 1 : i32
          %get3A_231 = arith.index_cast %get3A_230 : i32 to index
          %get3A_232 = arith.index_cast %add3A_227 : i32 to index
          %get3A_233 = arith.index_cast %mul3A_229 : i32 to index
          %get3A_234 = tpu.vector_load %arg8[%get3A_231, %get3A_232, %get3A_233] {strides = array<i32>} : memref<2x128x128xf32, #tpu.memory_space<vmem>>, vector<1x1x16xf32>,
          %get3A_235 = vector.shape_cast %get3A_234 : vector<1x1x16xf32> to vector<16xf32>
          %mul3A_236 = arith.constant 16 : i32
          %mul3A_237 = arith.muli %scan3A_193, %mul3A_236 : i32
          %add3A_238 = arith.constant 2 : i32
          %add3A_239 = arith.addi %mul3A_237, %add3A_238 : i32
          %mul3A_240 = arith.constant 16 : i32
          %mul3A_241 = arith.muli %scan3A_210, %mul3A_240 : i32
          %get3A_242 = arith.constant 1 : i32
          %get3A_243 = arith.index_cast %get3A_242 : i32 to index
          %get3A_244 = arith.index_cast %add3A_239 : i32 to index
          %get3A_245 = arith.index_cast %mul3A_241 : i32 to index
          %get3A_246 = tpu.vector_load %arg8[%get3A_243, %get3A_244, %get3A_245] {strides = array<i32>} : memref<2x128x128xf32, #tpu.memory_space<vmem>>, vector<1x1x16xf32>,
          %get3A_247 = vector.shape_cast %get3A_246 : vector<1x1x16xf32> to vector<16xf32>
          %mul3A_248 = arith.constant 16 : i32
          %mul3A_249 = arith.muli %scan3A_193, %mul3A_248 : i32
          %add3A_250 = arith.constant 3 : i32
          %add3A_251 = arith.addi %mul3A_249, %add3A_250 : i32
          %mul3A_252 = arith.constant 16 : i32
          %mul3A_253 = arith.muli %scan3A_210, %mul3A_252 : i32
          %get3A_254 = arith.constant 1 : i32
          %get3A_255 = arith.index_cast %get3A_254 : i32 to index
          %get3A_256 = arith.index_cast %add3A_251 : i32 to index
          %get3A_257 = arith.index_cast %mul3A_253 : i32 to index
          %get3A_258 = tpu.vector_load %arg8[%get3A_255, %get3A_256, %get3A_257] {strides = array<i32>} : memref<2x128x128xf32, #tpu.memory_space<vmem>>, vector<1x1x16xf32>,
          %get3A_259 = vector.shape_cast %get3A_258 : vector<1x1x16xf32> to vector<16xf32>
          %mul3A_260 = arith.constant 16 : i32
          %mul3A_261 = arith.muli %scan3A_193, %mul3A_260 : i32
          %add3A_262 = arith.constant 4 : i32
          %add3A_263 = arith.addi %mul3A_261, %add3A_262 : i32
          %mul3A_264 = arith.constant 16 : i32
          %mul3A_265 = arith.muli %scan3A_210, %mul3A_264 : i32
          %get3A_266 = arith.constant 1 : i32
          %get3A_267 = arith.index_cast %get3A_266 : i32 to index
          %get3A_268 = arith.index_cast %add3A_263 : i32 to index
          %get3A_269 = arith.index_cast %mul3A_265 : i32 to index
          %get3A_270 = tpu.vector_load %arg8[%get3A_267, %get3A_268, %get3A_269] {strides = array<i32>} : memref<2x128x128xf32, #tpu.memory_space<vmem>>, vector<1x1x16xf32>,
          %get3A_271 = vector.shape_cast %get3A_270 : vector<1x1x16xf32> to vector<16xf32>
          %mul3A_272 = arith.constant 16 : i32
          %mul3A_273 = arith.muli %scan3A_193, %mul3A_272 : i32
          %add3A_274 = arith.constant 5 : i32
          %add3A_275 = arith.addi %mul3A_273, %add3A_274 : i32
          %mul3A_276 = arith.constant 16 : i32
          %mul3A_277 = arith.muli %scan3A_210, %mul3A_276 : i32
          %get3A_278 = arith.constant 1 : i32
          %get3A_279 = arith.index_cast %get3A_278 : i32 to index
          %get3A_280 = arith.index_cast %add3A_275 : i32 to index
          %get3A_281 = arith.index_cast %mul3A_277 : i32 to index
          %get3A_282 = tpu.vector_load %arg8[%get3A_279, %get3A_280, %get3A_281] {strides = array<i32>} : memref<2x128x128xf32, #tpu.memory_space<vmem>>, vector<1x1x16xf32>,
          %get3A_283 = vector.shape_cast %get3A_282 : vector<1x1x16xf32> to vector<16xf32>
          %mul3A_284 = arith.constant 16 : i32
          %mul3A_285 = arith.muli %scan3A_193, %mul3A_284 : i32
          %add3A_286 = arith.constant 6 : i32
          %add3A_287 = arith.addi %mul3A_285, %add3A_286 : i32
          %mul3A_288 = arith.constant 16 : i32
          %mul3A_289 = arith.muli %scan3A_210, %mul3A_288 : i32
          %get3A_290 = arith.constant 1 : i32
          %get3A_291 = arith.index_cast %get3A_290 : i32 to index
          %get3A_292 = arith.index_cast %add3A_287 : i32 to index
          %get3A_293 = arith.index_cast %mul3A_289 : i32 to index
          %get3A_294 = tpu.vector_load %arg8[%get3A_291, %get3A_292, %get3A_293] {strides = array<i32>} : memref<2x128x128xf32, #tpu.memory_space<vmem>>, vector<1x1x16xf32>,
          %get3A_295 = vector.shape_cast %get3A_294 : vector<1x1x16xf32> to vector<16xf32>
          %mul3A_296 = arith.constant 16 : i32
          %mul3A_297 = arith.muli %scan3A_193, %mul3A_296 : i32
          %add3A_298 = arith.constant 7 : i32
          %add3A_299 = arith.addi %mul3A_297, %add3A_298 : i32
          %mul3A_300 = arith.constant 16 : i32
          %mul3A_301 = arith.muli %scan3A_210, %mul3A_300 : i32
          %get3A_302 = arith.constant 1 : i32
          %get3A_303 = arith.index_cast %get3A_302 : i32 to index
          %get3A_304 = arith.index_cast %add3A_299 : i32 to index
          %get3A_305 = arith.index_cast %mul3A_301 : i32 to index
          %get3A_306 = tpu.vector_load %arg8[%get3A_303, %get3A_304, %get3A_305] {strides = array<i32>} : memref<2x128x128xf32, #tpu.memory_space<vmem>>, vector<1x1x16xf32>,
          %get3A_307 = vector.shape_cast %get3A_306 : vector<1x1x16xf32> to vector<16xf32>
          %mul3A_308 = arith.constant 16 : i32
          %mul3A_309 = arith.muli %scan3A_193, %mul3A_308 : i32
          %add3A_310 = arith.constant 8 : i32
          %add3A_311 = arith.addi %mul3A_309, %add3A_310 : i32
          %mul3A_312 = arith.constant 16 : i32
          %mul3A_313 = arith.muli %scan3A_210, %mul3A_312 : i32
          %get3A_314 = arith.constant 1 : i32
          %get3A_315 = arith.index_cast %get3A_314 : i32 to index
          %get3A_316 = arith.index_cast %add3A_311 : i32 to index
          %get3A_317 = arith.index_cast %mul3A_313 : i32 to index
          %get3A_318 = tpu.vector_load %arg8[%get3A_315, %get3A_316, %get3A_317] {strides = array<i32>} : memref<2x128x128xf32, #tpu.memory_space<vmem>>, vector<1x1x16xf32>,
          %get3A_319 = vector.shape_cast %get3A_318 : vector<1x1x16xf32> to vector<16xf32>
          %mul3A_320 = arith.constant 16 : i32
          %mul3A_321 = arith.muli %scan3A_193, %mul3A_320 : i32
          %add3A_322 = arith.constant 9 : i32
          %add3A_323 = arith.addi %mul3A_321, %add3A_322 : i32
          %mul3A_324 = arith.constant 16 : i32
          %mul3A_325 = arith.muli %scan3A_210, %mul3A_324 : i32
          %get3A_326 = arith.constant 1 : i32
          %get3A_327 = arith.index_cast %get3A_326 : i32 to index
          %get3A_328 = arith.index_cast %add3A_323 : i32 to index
          %get3A_329 = arith.index_cast %mul3A_325 : i32 to index
          %get3A_330 = tpu.vector_load %arg8[%get3A_327, %get3A_328, %get3A_329] {strides = array<i32>} : memref<2x128x128xf32, #tpu.memory_space<vmem>>, vector<1x1x16xf32>,
          %get3A_331 = vector.shape_cast %get3A_330 : vector<1x1x16xf32> to vector<16xf32>
          %mul3A_332 = arith.constant 16 : i32
          %mul3A_333 = arith.muli %scan3A_193, %mul3A_332 : i32
          %add3A_334 = arith.constant 10 : i32
          %add3A_335 = arith.addi %mul3A_333, %add3A_334 : i32
          %mul3A_336 = arith.constant 16 : i32
          %mul3A_337 = arith.muli %scan3A_210, %mul3A_336 : i32
          %get3A_338 = arith.constant 1 : i32
          %get3A_339 = arith.index_cast %get3A_338 : i32 to index
          %get3A_340 = arith.index_cast %add3A_335 : i32 to index
          %get3A_341 = arith.index_cast %mul3A_337 : i32 to index
          %get3A_342 = tpu.vector_load %arg8[%get3A_339, %get3A_340, %get3A_341] {strides = array<i32>} : memref<2x128x128xf32, #tpu.memory_space<vmem>>, vector<1x1x16xf32>,
          %get3A_343 = vector.shape_cast %get3A_342 : vector<1x1x16xf32> to vector<16xf32>
          %mul3A_344 = arith.constant 16 : i32
          %mul3A_345 = arith.muli %scan3A_193, %mul3A_344 : i32
          %add3A_346 = arith.constant 11 : i32
          %add3A_347 = arith.addi %mul3A_345, %add3A_346 : i32
          %mul3A_348 = arith.constant 16 : i32
          %mul3A_349 = arith.muli %scan3A_210, %mul3A_348 : i32
          %get3A_350 = arith.constant 1 : i32
          %get3A_351 = arith.index_cast %get3A_350 : i32 to index
          %get3A_352 = arith.index_cast %add3A_347 : i32 to index
          %get3A_353 = arith.index_cast %mul3A_349 : i32 to index
          %get3A_354 = tpu.vector_load %arg8[%get3A_351, %get3A_352, %get3A_353] {strides = array<i32>} : memref<2x128x128xf32, #tpu.memory_space<vmem>>, vector<1x1x16xf32>,
          %get3A_355 = vector.shape_cast %get3A_354 : vector<1x1x16xf32> to vector<16xf32>
          %mul3A_356 = arith.constant 16 : i32
          %mul3A_357 = arith.muli %scan3A_193, %mul3A_356 : i32
          %add3A_358 = arith.constant 12 : i32
          %add3A_359 = arith.addi %mul3A_357, %add3A_358 : i32
          %mul3A_360 = arith.constant 16 : i32
          %mul3A_361 = arith.muli %scan3A_210, %mul3A_360 : i32
          %get3A_362 = arith.constant 1 : i32
          %get3A_363 = arith.index_cast %get3A_362 : i32 to index
          %get3A_364 = arith.index_cast %add3A_359 : i32 to index
          %get3A_365 = arith.index_cast %mul3A_361 : i32 to index
          %get3A_366 = tpu.vector_load %arg8[%get3A_363, %get3A_364, %get3A_365] {strides = array<i32>} : memref<2x128x128xf32, #tpu.memory_space<vmem>>, vector<1x1x16xf32>,
          %get3A_367 = vector.shape_cast %get3A_366 : vector<1x1x16xf32> to vector<16xf32>
          %mul3A_368 = arith.constant 16 : i32
          %mul3A_369 = arith.muli %scan3A_193, %mul3A_368 : i32
          %add3A_370 = arith.constant 13 : i32
          %add3A_371 = arith.addi %mul3A_369, %add3A_370 : i32
          %mul3A_372 = arith.constant 16 : i32
          %mul3A_373 = arith.muli %scan3A_210, %mul3A_372 : i32
          %get3A_374 = arith.constant 1 : i32
          %get3A_375 = arith.index_cast %get3A_374 : i32 to index
          %get3A_376 = arith.index_cast %add3A_371 : i32 to index
          %get3A_377 = arith.index_cast %mul3A_373 : i32 to index
          %get3A_378 = tpu.vector_load %arg8[%get3A_375, %get3A_376, %get3A_377] {strides = array<i32>} : memref<2x128x128xf32, #tpu.memory_space<vmem>>, vector<1x1x16xf32>,
          %get3A_379 = vector.shape_cast %get3A_378 : vector<1x1x16xf32> to vector<16xf32>
          %mul3A_380 = arith.constant 16 : i32
          %mul3A_381 = arith.muli %scan3A_193, %mul3A_380 : i32
          %add3A_382 = arith.constant 14 : i32
          %add3A_383 = arith.addi %mul3A_381, %add3A_382 : i32
          %mul3A_384 = arith.constant 16 : i32
          %mul3A_385 = arith.muli %scan3A_210, %mul3A_384 : i32
          %get3A_386 = arith.constant 1 : i32
          %get3A_387 = arith.index_cast %get3A_386 : i32 to index
          %get3A_388 = arith.index_cast %add3A_383 : i32 to index
          %get3A_389 = arith.index_cast %mul3A_385 : i32 to index
          %get3A_390 = tpu.vector_load %arg8[%get3A_387, %get3A_388, %get3A_389] {strides = array<i32>} : memref<2x128x128xf32, #tpu.memory_space<vmem>>, vector<1x1x16xf32>,
          %get3A_391 = vector.shape_cast %get3A_390 : vector<1x1x16xf32> to vector<16xf32>
          %mul3A_392 = arith.constant 16 : i32
          %mul3A_393 = arith.muli %scan3A_193, %mul3A_392 : i32
          %add3A_394 = arith.constant 15 : i32
          %add3A_395 = arith.addi %mul3A_393, %add3A_394 : i32
          %mul3A_396 = arith.constant 16 : i32
          %mul3A_397 = arith.muli %scan3A_210, %mul3A_396 : i32
          %get3A_398 = arith.constant 1 : i32
          %get3A_399 = arith.index_cast %get3A_398 : i32 to index
          %get3A_400 = arith.index_cast %add3A_395 : i32 to index
          %get3A_401 = arith.index_cast %mul3A_397 : i32 to index
          %get3A_402 = tpu.vector_load %arg8[%get3A_399, %get3A_400, %get3A_401] {strides = array<i32>} : memref<2x128x128xf32, #tpu.memory_space<vmem>>, vector<1x1x16xf32>,
          %get3A_403 = vector.shape_cast %get3A_402 : vector<1x1x16xf32> to vector<16xf32>
          %xor3A = arith.constant 1 : i32
          %xor3A_404 = vector.broadcast %xor3A : i32 to vector<16xi32>
          %xor3A_405 = arith.xori %iota3A, %xor3A_404 : vector<16xi32>
          %broadcast_in_dim3A_406 = vector.shape_cast %xor3A_405 : vector<16xi32> to vector<16x1xi32>
          %gather3A = vector.shape_cast %broadcast_in_dim3A_406 : vector<16x1xi32> to vector<16xi32>
          %gather3A_407 = tpu.dynamic_gather %get3A_223[%gather3A] in [0] : vector<16xf32>, vector<16xi32> -> vector<16xf32>
          %xor3A_408 = arith.constant 1 : i32
          %xor3A_409 = vector.broadcast %xor3A_408 : i32 to vector<16xi32>
          %xor3A_410 = arith.xori %iota3A, %xor3A_409 : vector<16xi32>
          %broadcast_in_dim3A_411 = vector.shape_cast %xor3A_410 : vector<16xi32> to vector<16x1xi32>
          %gather3A_412 = vector.shape_cast %broadcast_in_dim3A_411 : vector<16x1xi32> to vector<16xi32>
          %gather3A_413 = tpu.dynamic_gather %get3A_235[%gather3A_412] in [0] : vector<16xf32>, vector<16xi32> -> vector<16xf32>
          %and3A = arith.constant 1 : i32
          %and3A_414 = vector.broadcast %and3A : i32 to vector<16xi32>
          %and3A_415 = arith.andi %iota3A, %and3A_414 : vector<16xi32>
          %eq3A = arith.constant 0 : i32
          %eq3A_416 = vector.broadcast %eq3A : i32 to vector<16xi32>
          %eq3A_417 = arith.cmpi eq, %and3A_415, %eq3A_416 : vector<16xi32>
          %select_n3A = arith.select %eq3A_417, %get3A_223, %gather3A_413 : vector<16xi1>, vector<16xf32>
          %and3A_418 = arith.constant 1 : i32
          %and3A_419 = vector.broadcast %and3A_418 : i32 to vector<16xi32>
          %and3A_420 = arith.andi %iota3A, %and3A_419 : vector<16xi32>
          %eq3A_421 = arith.constant 0 : i32
          %eq3A_422 = vector.broadcast %eq3A_421 : i32 to vector<16xi32>
          %eq3A_423 = arith.cmpi eq, %and3A_420, %eq3A_422 : vector<16xi32>
          %select_n3A_424 = arith.select %eq3A_423, %gather3A_407, %get3A_235 : vector<16xi1>, vector<16xf32>
          %xor3A_425 = arith.constant 1 : i32
          %xor3A_426 = vector.broadcast %xor3A_425 : i32 to vector<16xi32>
          %xor3A_427 = arith.xori %iota3A, %xor3A_426 : vector<16xi32>
          %broadcast_in_dim3A_428 = vector.shape_cast %xor3A_427 : vector<16xi32> to vector<16x1xi32>
          %gather3A_429 = vector.shape_cast %broadcast_in_dim3A_428 : vector<16x1xi32> to vector<16xi32>
          %gather3A_430 = tpu.dynamic_gather %get3A_247[%gather3A_429] in [0] : vector<16xf32>, vector<16xi32> -> vector<16xf32>
          %xor3A_431 = arith.constant 1 : i32
          %xor3A_432 = vector.broadcast %xor3A_431 : i32 to vector<16xi32>
          %xor3A_433 = arith.xori %iota3A, %xor3A_432 : vector<16xi32>
          %broadcast_in_dim3A_434 = vector.shape_cast %xor3A_433 : vector<16xi32> to vector<16x1xi32>
          %gather3A_435 = vector.shape_cast %broadcast_in_dim3A_434 : vector<16x1xi32> to vector<16xi32>
          %gather3A_436 = tpu.dynamic_gather %get3A_259[%gather3A_435] in [0] : vector<16xf32>, vector<16xi32> -> vector<16xf32>
          %and3A_437 = arith.constant 1 : i32
          %and3A_438 = vector.broadcast %and3A_437 : i32 to vector<16xi32>
          %and3A_439 = arith.andi %iota3A, %and3A_438 : vector<16xi32>
          %eq3A_440 = arith.constant 0 : i32
          %eq3A_441 = vector.broadcast %eq3A_440 : i32 to vector<16xi32>
          %eq3A_442 = arith.cmpi eq, %and3A_439, %eq3A_441 : vector<16xi32>
          %select_n3A_443 = arith.select %eq3A_442, %get3A_247, %gather3A_436 : vector<16xi1>, vector<16xf32>
          %and3A_444 = arith.constant 1 : i32
          %and3A_445 = vector.broadcast %and3A_444 : i32 to vector<16xi32>
          %and3A_446 = arith.andi %iota3A, %and3A_445 : vector<16xi32>
          %eq3A_447 = arith.constant 0 : i32
          %eq3A_448 = vector.broadcast %eq3A_447 : i32 to vector<16xi32>
          %eq3A_449 = arith.cmpi eq, %and3A_446, %eq3A_448 : vector<16xi32>
          %select_n3A_450 = arith.select %eq3A_449, %gather3A_430, %get3A_259 : vector<16xi1>, vector<16xf32>
          %xor3A_451 = arith.constant 1 : i32
          %xor3A_452 = vector.broadcast %xor3A_451 : i32 to vector<16xi32>
          %xor3A_453 = arith.xori %iota3A, %xor3A_452 : vector<16xi32>
          %broadcast_in_dim3A_454 = vector.shape_cast %xor3A_453 : vector<16xi32> to vector<16x1xi32>
          %gather3A_455 = vector.shape_cast %broadcast_in_dim3A_454 : vector<16x1xi32> to vector<16xi32>
          %gather3A_456 = tpu.dynamic_gather %get3A_271[%gather3A_455] in [0] : vector<16xf32>, vector<16xi32> -> vector<16xf32>
          %xor3A_457 = arith.constant 1 : i32
          %xor3A_458 = vector.broadcast %xor3A_457 : i32 to vector<16xi32>
          %xor3A_459 = arith.xori %iota3A, %xor3A_458 : vector<16xi32>
          %broadcast_in_dim3A_460 = vector.shape_cast %xor3A_459 : vector<16xi32> to vector<16x1xi32>
          %gather3A_461 = vector.shape_cast %broadcast_in_dim3A_460 : vector<16x1xi32> to vector<16xi32>
          %gather3A_462 = tpu.dynamic_gather %get3A_283[%gather3A_461] in [0] : vector<16xf32>, vector<16xi32> -> vector<16xf32>
          %and3A_463 = arith.constant 1 : i32
          %and3A_464 = vector.broadcast %and3A_463 : i32 to vector<16xi32>
          %and3A_465 = arith.andi %iota3A, %and3A_464 : vector<16xi32>
          %eq3A_466 = arith.constant 0 : i32
          %eq3A_467 = vector.broadcast %eq3A_466 : i32 to vector<16xi32>
          %eq3A_468 = arith.cmpi eq, %and3A_465, %eq3A_467 : vector<16xi32>
          %select_n3A_469 = arith.select %eq3A_468, %get3A_271, %gather3A_462 : vector<16xi1>, vector<16xf32>
          %and3A_470 = arith.constant 1 : i32
          %and3A_471 = vector.broadcast %and3A_470 : i32 to vector<16xi32>
          %and3A_472 = arith.andi %iota3A, %and3A_471 : vector<16xi32>
          %eq3A_473 = arith.constant 0 : i32
          %eq3A_474 = vector.broadcast %eq3A_473 : i32 to vector<16xi32>
          %eq3A_475 = arith.cmpi eq, %and3A_472, %eq3A_474 : vector<16xi32>
          %select_n3A_476 = arith.select %eq3A_475, %gather3A_456, %get3A_283 : vector<16xi1>, vector<16xf32>
          %xor3A_477 = arith.constant 1 : i32
          %xor3A_478 = vector.broadcast %xor3A_477 : i32 to vector<16xi32>
          %xor3A_479 = arith.xori %iota3A, %xor3A_478 : vector<16xi32>
          %broadcast_in_dim3A_480 = vector.shape_cast %xor3A_479 : vector<16xi32> to vector<16x1xi32>
          %gather3A_481 = vector.shape_cast %broadcast_in_dim3A_480 : vector<16x1xi32> to vector<16xi32>
          %gather3A_482 = tpu.dynamic_gather %get3A_295[%gather3A_481] in [0] : vector<16xf32>, vector<16xi32> -> vector<16xf32>
          %xor3A_483 = arith.constant 1 : i32
          %xor3A_484 = vector.broadcast %xor3A_483 : i32 to vector<16xi32>
          %xor3A_485 = arith.xori %iota3A, %xor3A_484 : vector<16xi32>
          %broadcast_in_dim3A_486 = vector.shape_cast %xor3A_485 : vector<16xi32> to vector<16x1xi32>
          %gather3A_487 = vector.shape_cast %broadcast_in_dim3A_486 : vector<16x1xi32> to vector<16xi32>
          %gather3A_488 = tpu.dynamic_gather %get3A_307[%gather3A_487] in [0] : vector<16xf32>, vector<16xi32> -> vector<16xf32>
          %and3A_489 = arith.constant 1 : i32
          %and3A_490 = vector.broadcast %and3A_489 : i32 to vector<16xi32>
          %and3A_491 = arith.andi %iota3A, %and3A_490 : vector<16xi32>
          %eq3A_492 = arith.constant 0 : i32
          %eq3A_493 = vector.broadcast %eq3A_492 : i32 to vector<16xi32>
          %eq3A_494 = arith.cmpi eq, %and3A_491, %eq3A_493 : vector<16xi32>
          %select_n3A_495 = arith.select %eq3A_494, %get3A_295, %gather3A_488 : vector<16xi1>, vector<16xf32>
          %and3A_496 = arith.constant 1 : i32
          %and3A_497 = vector.broadcast %and3A_496 : i32 to vector<16xi32>
          %and3A_498 = arith.andi %iota3A, %and3A_497 : vector<16xi32>
          %eq3A_499 = arith.constant 0 : i32
          %eq3A_500 = vector.broadcast %eq3A_499 : i32 to vector<16xi32>
          %eq3A_501 = arith.cmpi eq, %and3A_498, %eq3A_500 : vector<16xi32>
          %select_n3A_502 = arith.select %eq3A_501, %gather3A_482, %get3A_307 : vector<16xi1>, vector<16xf32>
          %xor3A_503 = arith.constant 1 : i32
          %xor3A_504 = vector.broadcast %xor3A_503 : i32 to vector<16xi32>
          %xor3A_505 = arith.xori %iota3A, %xor3A_504 : vector<16xi32>
          %broadcast_in_dim3A_506 = vector.shape_cast %xor3A_505 : vector<16xi32> to vector<16x1xi32>
          %gather3A_507 = vector.shape_cast %broadcast_in_dim3A_506 : vector<16x1xi32> to vector<16xi32>
          %gather3A_508 = tpu.dynamic_gather %get3A_319[%gather3A_507] in [0] : vector<16xf32>, vector<16xi32> -> vector<16xf32>
          %xor3A_509 = arith.constant 1 : i32
          %xor3A_510 = vector.broadcast %xor3A_509 : i32 to vector<16xi32>
          %xor3A_511 = arith.xori %iota3A, %xor3A_510 : vector<16xi32>
          %broadcast_in_dim3A_512 = vector.shape_cast %xor3A_511 : vector<16xi32> to vector<16x1xi32>
          %gather3A_513 = vector.shape_cast %broadcast_in_dim3A_512 : vector<16x1xi32> to vector<16xi32>
          %gather3A_514 = tpu.dynamic_gather %get3A_331[%gather3A_513] in [0] : vector<16xf32>, vector<16xi32> -> vector<16xf32>
          %and3A_515 = arith.constant 1 : i32
          %and3A_516 = vector.broadcast %and3A_515 : i32 to vector<16xi32>
          %and3A_517 = arith.andi %iota3A, %and3A_516 : vector<16xi32>
          %eq3A_518 = arith.constant 0 : i32
          %eq3A_519 = vector.broadcast %eq3A_518 : i32 to vector<16xi32>
          %eq3A_520 = arith.cmpi eq, %and3A_517, %eq3A_519 : vector<16xi32>
          %select_n3A_521 = arith.select %eq3A_520, %get3A_319, %gather3A_514 : vector<16xi1>, vector<16xf32>
          %and3A_522 = arith.constant 1 : i32
          %and3A_523 = vector.broadcast %and3A_522 : i32 to vector<16xi32>
          %and3A_524 = arith.andi %iota3A, %and3A_523 : vector<16xi32>
          %eq3A_525 = arith.constant 0 : i32
          %eq3A_526 = vector.broadcast %eq3A_525 : i32 to vector<16xi32>
          %eq3A_527 = arith.cmpi eq, %and3A_524, %eq3A_526 : vector<16xi32>
          %select_n3A_528 = arith.select %eq3A_527, %gather3A_508, %get3A_331 : vector<16xi1>, vector<16xf32>
          %xor3A_529 = arith.constant 1 : i32
          %xor3A_530 = vector.broadcast %xor3A_529 : i32 to vector<16xi32>
          %xor3A_531 = arith.xori %iota3A, %xor3A_530 : vector<16xi32>
          %broadcast_in_dim3A_532 = vector.shape_cast %xor3A_531 : vector<16xi32> to vector<16x1xi32>
          %gather3A_533 = vector.shape_cast %broadcast_in_dim3A_532 : vector<16x1xi32> to vector<16xi32>
          %gather3A_534 = tpu.dynamic_gather %get3A_343[%gather3A_533] in [0] : vector<16xf32>, vector<16xi32> -> vector<16xf32>
          %xor3A_535 = arith.constant 1 : i32
          %xor3A_536 = vector.broadcast %xor3A_535 : i32 to vector<16xi32>
          %xor3A_537 = arith.xori %iota3A, %xor3A_536 : vector<16xi32>
          %broadcast_in_dim3A_538 = vector.shape_cast %xor3A_537 : vector<16xi32> to vector<16x1xi32>
          %gather3A_539 = vector.shape_cast %broadcast_in_dim3A_538 : vector<16x1xi32> to vector<16xi32>
          %gather3A_540 = tpu.dynamic_gather %get3A_355[%gather3A_539] in [0] : vector<16xf32>, vector<16xi32> -> vector<16xf32>
          %and3A_541 = arith.constant 1 : i32
          %and3A_542 = vector.broadcast %and3A_541 : i32 to vector<16xi32>
          %and3A_543 = arith.andi %iota3A, %and3A_542 : vector<16xi32>
          %eq3A_544 = arith.constant 0 : i32
          %eq3A_545 = vector.broadcast %eq3A_544 : i32 to vector<16xi32>
          %eq3A_546 = arith.cmpi eq, %and3A_543, %eq3A_545 : vector<16xi32>
          %select_n3A_547 = arith.select %eq3A_546, %get3A_343, %gather3A_540 : vector<16xi1>, vector<16xf32>
          %and3A_548 = arith.constant 1 : i32
          %and3A_549 = vector.broadcast %and3A_548 : i32 to vector<16xi32>
          %and3A_550 = arith.andi %iota3A, %and3A_549 : vector<16xi32>
          %eq3A_551 = arith.constant 0 : i32
          %eq3A_552 = vector.broadcast %eq3A_551 : i32 to vector<16xi32>
          %eq3A_553 = arith.cmpi eq, %and3A_550, %eq3A_552 : vector<16xi32>
          %select_n3A_554 = arith.select %eq3A_553, %gather3A_534, %get3A_355 : vector<16xi1>, vector<16xf32>
          %xor3A_555 = arith.constant 1 : i32
          %xor3A_556 = vector.broadcast %xor3A_555 : i32 to vector<16xi32>
          %xor3A_557 = arith.xori %iota3A, %xor3A_556 : vector<16xi32>
          %broadcast_in_dim3A_558 = vector.shape_cast %xor3A_557 : vector<16xi32> to vector<16x1xi32>
          %gather3A_559 = vector.shape_cast %broadcast_in_dim3A_558 : vector<16x1xi32> to vector<16xi32>
          %gather3A_560 = tpu.dynamic_gather %get3A_367[%gather3A_559] in [0] : vector<16xf32>, vector<16xi32> -> vector<16xf32>
          %xor3A_561 = arith.constant 1 : i32
          %xor3A_562 = vector.broadcast %xor3A_561 : i32 to vector<16xi32>
          %xor3A_563 = arith.xori %iota3A, %xor3A_562 : vector<16xi32>
          %broadcast_in_dim3A_564 = vector.shape_cast %xor3A_563 : vector<16xi32> to vector<16x1xi32>
          %gather3A_565 = vector.shape_cast %broadcast_in_dim3A_564 : vector<16x1xi32> to vector<16xi32>
          %gather3A_566 = tpu.dynamic_gather %get3A_379[%gather3A_565] in [0] : vector<16xf32>, vector<16xi32> -> vector<16xf32>
          %and3A_567 = arith.constant 1 : i32
          %and3A_568 = vector.broadcast %and3A_567 : i32 to vector<16xi32>
          %and3A_569 = arith.andi %iota3A, %and3A_568 : vector<16xi32>
          %eq3A_570 = arith.constant 0 : i32
          %eq3A_571 = vector.broadcast %eq3A_570 : i32 to vector<16xi32>
          %eq3A_572 = arith.cmpi eq, %and3A_569, %eq3A_571 : vector<16xi32>
          %select_n3A_573 = arith.select %eq3A_572, %get3A_367, %gather3A_566 : vector<16xi1>, vector<16xf32>
          %and3A_574 = arith.constant 1 : i32
          %and3A_575 = vector.broadcast %and3A_574 : i32 to vector<16xi32>
          %and3A_576 = arith.andi %iota3A, %and3A_575 : vector<16xi32>
          %eq3A_577 = arith.constant 0 : i32
          %eq3A_578 = vector.broadcast %eq3A_577 : i32 to vector<16xi32>
          %eq3A_579 = arith.cmpi eq, %and3A_576, %eq3A_578 : vector<16xi32>
          %select_n3A_580 = arith.select %eq3A_579, %gather3A_560, %get3A_379 : vector<16xi1>, vector<16xf32>
          %xor3A_581 = arith.constant 1 : i32
          %xor3A_582 = vector.broadcast %xor3A_581 : i32 to vector<16xi32>
          %xor3A_583 = arith.xori %iota3A, %xor3A_582 : vector<16xi32>
          %broadcast_in_dim3A_584 = vector.shape_cast %xor3A_583 : vector<16xi32> to vector<16x1xi32>
          %gather3A_585 = vector.shape_cast %broadcast_in_dim3A_584 : vector<16x1xi32> to vector<16xi32>
          %gather3A_586 = tpu.dynamic_gather %get3A_391[%gather3A_585] in [0] : vector<16xf32>, vector<16xi32> -> vector<16xf32>
          %xor3A_587 = arith.constant 1 : i32
          %xor3A_588 = vector.broadcast %xor3A_587 : i32 to vector<16xi32>
          %xor3A_589 = arith.xori %iota3A, %xor3A_588 : vector<16xi32>
          %broadcast_in_dim3A_590 = vector.shape_cast %xor3A_589 : vector<16xi32> to vector<16x1xi32>
          %gather3A_591 = vector.shape_cast %broadcast_in_dim3A_590 : vector<16x1xi32> to vector<16xi32>
          %gather3A_592 = tpu.dynamic_gather %get3A_403[%gather3A_591] in [0] : vector<16xf32>, vector<16xi32> -> vector<16xf32>
          %and3A_593 = arith.constant 1 : i32
          %and3A_594 = vector.broadcast %and3A_593 : i32 to vector<16xi32>
          %and3A_595 = arith.andi %iota3A, %and3A_594 : vector<16xi32>
          %eq3A_596 = arith.constant 0 : i32
          %eq3A_597 = vector.broadcast %eq3A_596 : i32 to vector<16xi32>
          %eq3A_598 = arith.cmpi eq, %and3A_595, %eq3A_597 : vector<16xi32>
          %select_n3A_599 = arith.select %eq3A_598, %get3A_391, %gather3A_592 : vector<16xi1>, vector<16xf32>
          %and3A_600 = arith.constant 1 : i32
          %and3A_601 = vector.broadcast %and3A_600 : i32 to vector<16xi32>
          %and3A_602 = arith.andi %iota3A, %and3A_601 : vector<16xi32>
          %eq3A_603 = arith.constant 0 : i32
          %eq3A_604 = vector.broadcast %eq3A_603 : i32 to vector<16xi32>
          %eq3A_605 = arith.cmpi eq, %and3A_602, %eq3A_604 : vector<16xi32>
          %select_n3A_606 = arith.select %eq3A_605, %gather3A_586, %get3A_403 : vector<16xi1>, vector<16xf32>
          %xor3A_607 = arith.constant 2 : i32
          %xor3A_608 = vector.broadcast %xor3A_607 : i32 to vector<16xi32>
          %xor3A_609 = arith.xori %iota3A, %xor3A_608 : vector<16xi32>
          %broadcast_in_dim3A_610 = vector.shape_cast %xor3A_609 : vector<16xi32> to vector<16x1xi32>
          %gather3A_611 = vector.shape_cast %broadcast_in_dim3A_610 : vector<16x1xi32> to vector<16xi32>
          %gather3A_612 = tpu.dynamic_gather %select_n3A[%gather3A_611] in [0] : vector<16xf32>, vector<16xi32> -> vector<16xf32>
          %xor3A_613 = arith.constant 2 : i32
          %xor3A_614 = vector.broadcast %xor3A_613 : i32 to vector<16xi32>
          %xor3A_615 = arith.xori %iota3A, %xor3A_614 : vector<16xi32>
          %broadcast_in_dim3A_616 = vector.shape_cast %xor3A_615 : vector<16xi32> to vector<16x1xi32>
          %gather3A_617 = vector.shape_cast %broadcast_in_dim3A_616 : vector<16x1xi32> to vector<16xi32>
          %gather3A_618 = tpu.dynamic_gather %select_n3A_443[%gather3A_617] in [0] : vector<16xf32>, vector<16xi32> -> vector<16xf32>
          %and3A_619 = arith.constant 2 : i32
          %and3A_620 = vector.broadcast %and3A_619 : i32 to vector<16xi32>
          %and3A_621 = arith.andi %iota3A, %and3A_620 : vector<16xi32>
          %eq3A_622 = arith.constant 0 : i32
          %eq3A_623 = vector.broadcast %eq3A_622 : i32 to vector<16xi32>
          %eq3A_624 = arith.cmpi eq, %and3A_621, %eq3A_623 : vector<16xi32>
          %select_n3A_625 = arith.select %eq3A_624, %select_n3A, %gather3A_618 : vector<16xi1>, vector<16xf32>
          %and3A_626 = arith.constant 2 : i32
          %and3A_627 = vector.broadcast %and3A_626 : i32 to vector<16xi32>
          %and3A_628 = arith.andi %iota3A, %and3A_627 : vector<16xi32>
          %eq3A_629 = arith.constant 0 : i32
          %eq3A_630 = vector.broadcast %eq3A_629 : i32 to vector<16xi32>
          %eq3A_631 = arith.cmpi eq, %and3A_628, %eq3A_630 : vector<16xi32>
          %select_n3A_632 = arith.select %eq3A_631, %gather3A_612, %select_n3A_443 : vector<16xi1>, vector<16xf32>
          %xor3A_633 = arith.constant 2 : i32
          %xor3A_634 = vector.broadcast %xor3A_633 : i32 to vector<16xi32>
          %xor3A_635 = arith.xori %iota3A, %xor3A_634 : vector<16xi32>
          %broadcast_in_dim3A_636 = vector.shape_cast %xor3A_635 : vector<16xi32> to vector<16x1xi32>
          %gather3A_637 = vector.shape_cast %broadcast_in_dim3A_636 : vector<16x1xi32> to vector<16xi32>
          %gather3A_638 = tpu.dynamic_gather %select_n3A_424[%gather3A_637] in [0] : vector<16xf32>, vector<16xi32> -> vector<16xf32>
          %xor3A_639 = arith.constant 2 : i32
          %xor3A_640 = vector.broadcast %xor3A_639 : i32 to vector<16xi32>
          %xor3A_641 = arith.xori %iota3A, %xor3A_640 : vector<16xi32>
          %broadcast_in_dim3A_642 = vector.shape_cast %xor3A_641 : vector<16xi32> to vector<16x1xi32>
          %gather3A_643 = vector.shape_cast %broadcast_in_dim3A_642 : vector<16x1xi32> to vector<16xi32>
          %gather3A_644 = tpu.dynamic_gather %select_n3A_450[%gather3A_643] in [0] : vector<16xf32>, vector<16xi32> -> vector<16xf32>
          %and3A_645 = arith.constant 2 : i32
          %and3A_646 = vector.broadcast %and3A_645 : i32 to vector<16xi32>
          %and3A_647 = arith.andi %iota3A, %and3A_646 : vector<16xi32>
          %eq3A_648 = arith.constant 0 : i32
          %eq3A_649 = vector.broadcast %eq3A_648 : i32 to vector<16xi32>
          %eq3A_650 = arith.cmpi eq, %and3A_647, %eq3A_649 : vector<16xi32>
          %select_n3A_651 = arith.select %eq3A_650, %select_n3A_424, %gather3A_644 : vector<16xi1>, vector<16xf32>
          %and3A_652 = arith.constant 2 : i32
          %and3A_653 = vector.broadcast %and3A_652 : i32 to vector<16xi32>
          %and3A_654 = arith.andi %iota3A, %and3A_653 : vector<16xi32>
          %eq3A_655 = arith.constant 0 : i32
          %eq3A_656 = vector.broadcast %eq3A_655 : i32 to vector<16xi32>
          %eq3A_657 = arith.cmpi eq, %and3A_654, %eq3A_656 : vector<16xi32>
          %select_n3A_658 = arith.select %eq3A_657, %gather3A_638, %select_n3A_450 : vector<16xi1>, vector<16xf32>
          %xor3A_659 = arith.constant 2 : i32
          %xor3A_660 = vector.broadcast %xor3A_659 : i32 to vector<16xi32>
          %xor3A_661 = arith.xori %iota3A, %xor3A_660 : vector<16xi32>
          %broadcast_in_dim3A_662 = vector.shape_cast %xor3A_661 : vector<16xi32> to vector<16x1xi32>
          %gather3A_663 = vector.shape_cast %broadcast_in_dim3A_662 : vector<16x1xi32> to vector<16xi32>
          %gather3A_664 = tpu.dynamic_gather %select_n3A_469[%gather3A_663] in [0] : vector<16xf32>, vector<16xi32> -> vector<16xf32>
          %xor3A_665 = arith.constant 2 : i32
          %xor3A_666 = vector.broadcast %xor3A_665 : i32 to vector<16xi32>
          %xor3A_667 = arith.xori %iota3A, %xor3A_666 : vector<16xi32>
          %broadcast_in_dim3A_668 = vector.shape_cast %xor3A_667 : vector<16xi32> to vector<16x1xi32>
          %gather3A_669 = vector.shape_cast %broadcast_in_dim3A_668 : vector<16x1xi32> to vector<16xi32>
          %gather3A_670 = tpu.dynamic_gather %select_n3A_495[%gather3A_669] in [0] : vector<16xf32>, vector<16xi32> -> vector<16xf32>
          %and3A_671 = arith.constant 2 : i32
          %and3A_672 = vector.broadcast %and3A_671 : i32 to vector<16xi32>
          %and3A_673 = arith.andi %iota3A, %and3A_672 : vector<16xi32>
          %eq3A_674 = arith.constant 0 : i32
          %eq3A_675 = vector.broadcast %eq3A_674 : i32 to vector<16xi32>
          %eq3A_676 = arith.cmpi eq, %and3A_673, %eq3A_675 : vector<16xi32>
          %select_n3A_677 = arith.select %eq3A_676, %select_n3A_469, %gather3A_670 : vector<16xi1>, vector<16xf32>
          %and3A_678 = arith.constant 2 : i32
          %and3A_679 = vector.broadcast %and3A_678 : i32 to vector<16xi32>
          %and3A_680 = arith.andi %iota3A, %and3A_679 : vector<16xi32>
          %eq3A_681 = arith.constant 0 : i32
          %eq3A_682 = vector.broadcast %eq3A_681 : i32 to vector<16xi32>
          %eq3A_683 = arith.cmpi eq, %and3A_680, %eq3A_682 : vector<16xi32>
          %select_n3A_684 = arith.select %eq3A_683, %gather3A_664, %select_n3A_495 : vector<16xi1>, vector<16xf32>
          %xor3A_685 = arith.constant 2 : i32
          %xor3A_686 = vector.broadcast %xor3A_685 : i32 to vector<16xi32>
          %xor3A_687 = arith.xori %iota3A, %xor3A_686 : vector<16xi32>
          %broadcast_in_dim3A_688 = vector.shape_cast %xor3A_687 : vector<16xi32> to vector<16x1xi32>
          %gather3A_689 = vector.shape_cast %broadcast_in_dim3A_688 : vector<16x1xi32> to vector<16xi32>
          %gather3A_690 = tpu.dynamic_gather %select_n3A_476[%gather3A_689] in [0] : vector<16xf32>, vector<16xi32> -> vector<16xf32>
          %xor3A_691 = arith.constant 2 : i32
          %xor3A_692 = vector.broadcast %xor3A_691 : i32 to vector<16xi32>
          %xor3A_693 = arith.xori %iota3A, %xor3A_692 : vector<16xi32>
          %broadcast_in_dim3A_694 = vector.shape_cast %xor3A_693 : vector<16xi32> to vector<16x1xi32>
          %gather3A_695 = vector.shape_cast %broadcast_in_dim3A_694 : vector<16x1xi32> to vector<16xi32>
          %gather3A_696 = tpu.dynamic_gather %select_n3A_502[%gather3A_695] in [0] : vector<16xf32>, vector<16xi32> -> vector<16xf32>
          %and3A_697 = arith.constant 2 : i32
          %and3A_698 = vector.broadcast %and3A_697 : i32 to vector<16xi32>
          %and3A_699 = arith.andi %iota3A, %and3A_698 : vector<16xi32>
          %eq3A_700 = arith.constant 0 : i32
          %eq3A_701 = vector.broadcast %eq3A_700 : i32 to vector<16xi32>
          %eq3A_702 = arith.cmpi eq, %and3A_699, %eq3A_701 : vector<16xi32>
          %select_n3A_703 = arith.select %eq3A_702, %select_n3A_476, %gather3A_696 : vector<16xi1>, vector<16xf32>
          %and3A_704 = arith.constant 2 : i32
          %and3A_705 = vector.broadcast %and3A_704 : i32 to vector<16xi32>
          %and3A_706 = arith.andi %iota3A, %and3A_705 : vector<16xi32>
          %eq3A_707 = arith.constant 0 : i32
          %eq3A_708 = vector.broadcast %eq3A_707 : i32 to vector<16xi32>
          %eq3A_709 = arith.cmpi eq, %and3A_706, %eq3A_708 : vector<16xi32>
          %select_n3A_710 = arith.select %eq3A_709, %gather3A_690, %select_n3A_502 : vector<16xi1>, vector<16xf32>
          %xor3A_711 = arith.constant 2 : i32
          %xor3A_712 = vector.broadcast %xor3A_711 : i32 to vector<16xi32>
          %xor3A_713 = arith.xori %iota3A, %xor3A_712 : vector<16xi32>
          %broadcast_in_dim3A_714 = vector.shape_cast %xor3A_713 : vector<16xi32> to vector<16x1xi32>
          %gather3A_715 = vector.shape_cast %broadcast_in_dim3A_714 : vector<16x1xi32> to vector<16xi32>
          %gather3A_716 = tpu.dynamic_gather %select_n3A_521[%gather3A_715] in [0] : vector<16xf32>, vector<16xi32> -> vector<16xf32>
          %xor3A_717 = arith.constant 2 : i32
          %xor3A_718 = vector.broadcast %xor3A_717 : i32 to vector<16xi32>
          %xor3A_719 = arith.xori %iota3A, %xor3A_718 : vector<16xi32>
          %broadcast_in_dim3A_720 = vector.shape_cast %xor3A_719 : vector<16xi32> to vector<16x1xi32>
          %gather3A_721 = vector.shape_cast %broadcast_in_dim3A_720 : vector<16x1xi32> to vector<16xi32>
          %gather3A_722 = tpu.dynamic_gather %select_n3A_547[%gather3A_721] in [0] : vector<16xf32>, vector<16xi32> -> vector<16xf32>
          %and3A_723 = arith.constant 2 : i32
          %and3A_724 = vector.broadcast %and3A_723 : i32 to vector<16xi32>
          %and3A_725 = arith.andi %iota3A, %and3A_724 : vector<16xi32>
          %eq3A_726 = arith.constant 0 : i32
          %eq3A_727 = vector.broadcast %eq3A_726 : i32 to vector<16xi32>
          %eq3A_728 = arith.cmpi eq, %and3A_725, %eq3A_727 : vector<16xi32>
          %select_n3A_729 = arith.select %eq3A_728, %select_n3A_521, %gather3A_722 : vector<16xi1>, vector<16xf32>
          %and3A_730 = arith.constant 2 : i32
          %and3A_731 = vector.broadcast %and3A_730 : i32 to vector<16xi32>
          %and3A_732 = arith.andi %iota3A, %and3A_731 : vector<16xi32>
          %eq3A_733 = arith.constant 0 : i32
          %eq3A_734 = vector.broadcast %eq3A_733 : i32 to vector<16xi32>
          %eq3A_735 = arith.cmpi eq, %and3A_732, %eq3A_734 : vector<16xi32>
          %select_n3A_736 = arith.select %eq3A_735, %gather3A_716, %select_n3A_547 : vector<16xi1>, vector<16xf32>
          %xor3A_737 = arith.constant 2 : i32
          %xor3A_738 = vector.broadcast %xor3A_737 : i32 to vector<16xi32>
          %xor3A_739 = arith.xori %iota3A, %xor3A_738 : vector<16xi32>
          %broadcast_in_dim3A_740 = vector.shape_cast %xor3A_739 : vector<16xi32> to vector<16x1xi32>
          %gather3A_741 = vector.shape_cast %broadcast_in_dim3A_740 : vector<16x1xi32> to vector<16xi32>
          %gather3A_742 = tpu.dynamic_gather %select_n3A_528[%gather3A_741] in [0] : vector<16xf32>, vector<16xi32> -> vector<16xf32>
          %xor3A_743 = arith.constant 2 : i32
          %xor3A_744 = vector.broadcast %xor3A_743 : i32 to vector<16xi32>
          %xor3A_745 = arith.xori %iota3A, %xor3A_744 : vector<16xi32>
          %broadcast_in_dim3A_746 = vector.shape_cast %xor3A_745 : vector<16xi32> to vector<16x1xi32>
          %gather3A_747 = vector.shape_cast %broadcast_in_dim3A_746 : vector<16x1xi32> to vector<16xi32>
          %gather3A_748 = tpu.dynamic_gather %select_n3A_554[%gather3A_747] in [0] : vector<16xf32>, vector<16xi32> -> vector<16xf32>
          %and3A_749 = arith.constant 2 : i32
          %and3A_750 = vector.broadcast %and3A_749 : i32 to vector<16xi32>
          %and3A_751 = arith.andi %iota3A, %and3A_750 : vector<16xi32>
          %eq3A_752 = arith.constant 0 : i32
          %eq3A_753 = vector.broadcast %eq3A_752 : i32 to vector<16xi32>
          %eq3A_754 = arith.cmpi eq, %and3A_751, %eq3A_753 : vector<16xi32>
          %select_n3A_755 = arith.select %eq3A_754, %select_n3A_528, %gather3A_748 : vector<16xi1>, vector<16xf32>
          %and3A_756 = arith.constant 2 : i32
          %and3A_757 = vector.broadcast %and3A_756 : i32 to vector<16xi32>
          %and3A_758 = arith.andi %iota3A, %and3A_757 : vector<16xi32>
          %eq3A_759 = arith.constant 0 : i32
          %eq3A_760 = vector.broadcast %eq3A_759 : i32 to vector<16xi32>
          %eq3A_761 = arith.cmpi eq, %and3A_758, %eq3A_760 : vector<16xi32>
          %select_n3A_762 = arith.select %eq3A_761, %gather3A_742, %select_n3A_554 : vector<16xi1>, vector<16xf32>
          %xor3A_763 = arith.constant 2 : i32
          %xor3A_764 = vector.broadcast %xor3A_763 : i32 to vector<16xi32>
          %xor3A_765 = arith.xori %iota3A, %xor3A_764 : vector<16xi32>
          %broadcast_in_dim3A_766 = vector.shape_cast %xor3A_765 : vector<16xi32> to vector<16x1xi32>
          %gather3A_767 = vector.shape_cast %broadcast_in_dim3A_766 : vector<16x1xi32> to vector<16xi32>
          %gather3A_768 = tpu.dynamic_gather %select_n3A_573[%gather3A_767] in [0] : vector<16xf32>, vector<16xi32> -> vector<16xf32>
          %xor3A_769 = arith.constant 2 : i32
          %xor3A_770 = vector.broadcast %xor3A_769 : i32 to vector<16xi32>
          %xor3A_771 = arith.xori %iota3A, %xor3A_770 : vector<16xi32>
          %broadcast_in_dim3A_772 = vector.shape_cast %xor3A_771 : vector<16xi32> to vector<16x1xi32>
          %gather3A_773 = vector.shape_cast %broadcast_in_dim3A_772 : vector<16x1xi32> to vector<16xi32>
          %gather3A_774 = tpu.dynamic_gather %select_n3A_599[%gather3A_773] in [0] : vector<16xf32>, vector<16xi32> -> vector<16xf32>
          %and3A_775 = arith.constant 2 : i32
          %and3A_776 = vector.broadcast %and3A_775 : i32 to vector<16xi32>
          %and3A_777 = arith.andi %iota3A, %and3A_776 : vector<16xi32>
          %eq3A_778 = arith.constant 0 : i32
          %eq3A_779 = vector.broadcast %eq3A_778 : i32 to vector<16xi32>
          %eq3A_780 = arith.cmpi eq, %and3A_777, %eq3A_779 : vector<16xi32>
          %select_n3A_781 = arith.select %eq3A_780, %select_n3A_573, %gather3A_774 : vector<16xi1>, vector<16xf32>
          %and3A_782 = arith.constant 2 : i32
          %and3A_783 = vector.broadcast %and3A_782 : i32 to vector<16xi32>
          %and3A_784 = arith.andi %iota3A, %and3A_783 : vector<16xi32>
          %eq3A_785 = arith.constant 0 : i32
          %eq3A_786 = vector.broadcast %eq3A_785 : i32 to vector<16xi32>
          %eq3A_787 = arith.cmpi eq, %and3A_784, %eq3A_786 : vector<16xi32>
          %select_n3A_788 = arith.select %eq3A_787, %gather3A_768, %select_n3A_599 : vector<16xi1>, vector<16xf32>
          %xor3A_789 = arith.constant 2 : i32
          %xor3A_790 = vector.broadcast %xor3A_789 : i32 to vector<16xi32>
          %xor3A_791 = arith.xori %iota3A, %xor3A_790 : vector<16xi32>
          %broadcast_in_dim3A_792 = vector.shape_cast %xor3A_791 : vector<16xi32> to vector<16x1xi32>
          %gather3A_793 = vector.shape_cast %broadcast_in_dim3A_792 : vector<16x1xi32> to vector<16xi32>
          %gather3A_794 = tpu.dynamic_gather %select_n3A_580[%gather3A_793] in [0] : vector<16xf32>, vector<16xi32> -> vector<16xf32>
          %xor3A_795 = arith.constant 2 : i32
          %xor3A_796 = vector.broadcast %xor3A_795 : i32 to vector<16xi32>
          %xor3A_797 = arith.xori %iota3A, %xor3A_796 : vector<16xi32>
          %broadcast_in_dim3A_798 = vector.shape_cast %xor3A_797 : vector<16xi32> to vector<16x1xi32>
          %gather3A_799 = vector.shape_cast %broadcast_in_dim3A_798 : vector<16x1xi32> to vector<16xi32>
          %gather3A_800 = tpu.dynamic_gather %select_n3A_606[%gather3A_799] in [0] : vector<16xf32>, vector<16xi32> -> vector<16xf32>
          %and3A_801 = arith.constant 2 : i32
          %and3A_802 = vector.broadcast %and3A_801 : i32 to vector<16xi32>
          %and3A_803 = arith.andi %iota3A, %and3A_802 : vector<16xi32>
          %eq3A_804 = arith.constant 0 : i32
          %eq3A_805 = vector.broadcast %eq3A_804 : i32 to vector<16xi32>
          %eq3A_806 = arith.cmpi eq, %and3A_803, %eq3A_805 : vector<16xi32>
          %select_n3A_807 = arith.select %eq3A_806, %select_n3A_580, %gather3A_800 : vector<16xi1>, vector<16xf32>
          %and3A_808 = arith.constant 2 : i32
          %and3A_809 = vector.broadcast %and3A_808 : i32 to vector<16xi32>
          %and3A_810 = arith.andi %iota3A, %and3A_809 : vector<16xi32>
          %eq3A_811 = arith.constant 0 : i32
          %eq3A_812 = vector.broadcast %eq3A_811 : i32 to vector<16xi32>
          %eq3A_813 = arith.cmpi eq, %and3A_810, %eq3A_812 : vector<16xi32>
          %select_n3A_814 = arith.select %eq3A_813, %gather3A_794, %select_n3A_606 : vector<16xi1>, vector<16xf32>
          %xor3A_815 = arith.constant 4 : i32
          %xor3A_816 = vector.broadcast %xor3A_815 : i32 to vector<16xi32>
          %xor3A_817 = arith.xori %iota3A, %xor3A_816 : vector<16xi32>
          %broadcast_in_dim3A_818 = vector.shape_cast %xor3A_817 : vector<16xi32> to vector<16x1xi32>
          %gather3A_819 = vector.shape_cast %broadcast_in_dim3A_818 : vector<16x1xi32> to vector<16xi32>
          %gather3A_820 = tpu.dynamic_gather %select_n3A_625[%gather3A_819] in [0] : vector<16xf32>, vector<16xi32> -> vector<16xf32>
          %xor3A_821 = arith.constant 4 : i32
          %xor3A_822 = vector.broadcast %xor3A_821 : i32 to vector<16xi32>
          %xor3A_823 = arith.xori %iota3A, %xor3A_822 : vector<16xi32>
          %broadcast_in_dim3A_824 = vector.shape_cast %xor3A_823 : vector<16xi32> to vector<16x1xi32>
          %gather3A_825 = vector.shape_cast %broadcast_in_dim3A_824 : vector<16x1xi32> to vector<16xi32>
          %gather3A_826 = tpu.dynamic_gather %select_n3A_677[%gather3A_825] in [0] : vector<16xf32>, vector<16xi32> -> vector<16xf32>
          %and3A_827 = arith.constant 4 : i32
          %and3A_828 = vector.broadcast %and3A_827 : i32 to vector<16xi32>
          %and3A_829 = arith.andi %iota3A, %and3A_828 : vector<16xi32>
          %eq3A_830 = arith.constant 0 : i32
          %eq3A_831 = vector.broadcast %eq3A_830 : i32 to vector<16xi32>
          %eq3A_832 = arith.cmpi eq, %and3A_829, %eq3A_831 : vector<16xi32>
          %select_n3A_833 = arith.select %eq3A_832, %select_n3A_625, %gather3A_826 : vector<16xi1>, vector<16xf32>
          %and3A_834 = arith.constant 4 : i32
          %and3A_835 = vector.broadcast %and3A_834 : i32 to vector<16xi32>
          %and3A_836 = arith.andi %iota3A, %and3A_835 : vector<16xi32>
          %eq3A_837 = arith.constant 0 : i32
          %eq3A_838 = vector.broadcast %eq3A_837 : i32 to vector<16xi32>
          %eq3A_839 = arith.cmpi eq, %and3A_836, %eq3A_838 : vector<16xi32>
          %select_n3A_840 = arith.select %eq3A_839, %gather3A_820, %select_n3A_677 : vector<16xi1>, vector<16xf32>
          %xor3A_841 = arith.constant 4 : i32
          %xor3A_842 = vector.broadcast %xor3A_841 : i32 to vector<16xi32>
          %xor3A_843 = arith.xori %iota3A, %xor3A_842 : vector<16xi32>
          %broadcast_in_dim3A_844 = vector.shape_cast %xor3A_843 : vector<16xi32> to vector<16x1xi32>
          %gather3A_845 = vector.shape_cast %broadcast_in_dim3A_844 : vector<16x1xi32> to vector<16xi32>
          %gather3A_846 = tpu.dynamic_gather %select_n3A_651[%gather3A_845] in [0] : vector<16xf32>, vector<16xi32> -> vector<16xf32>
          %xor3A_847 = arith.constant 4 : i32
          %xor3A_848 = vector.broadcast %xor3A_847 : i32 to vector<16xi32>
          %xor3A_849 = arith.xori %iota3A, %xor3A_848 : vector<16xi32>
          %broadcast_in_dim3A_850 = vector.shape_cast %xor3A_849 : vector<16xi32> to vector<16x1xi32>
          %gather3A_851 = vector.shape_cast %broadcast_in_dim3A_850 : vector<16x1xi32> to vector<16xi32>
          %gather3A_852 = tpu.dynamic_gather %select_n3A_703[%gather3A_851] in [0] : vector<16xf32>, vector<16xi32> -> vector<16xf32>
          %and3A_853 = arith.constant 4 : i32
          %and3A_854 = vector.broadcast %and3A_853 : i32 to vector<16xi32>
          %and3A_855 = arith.andi %iota3A, %and3A_854 : vector<16xi32>
          %eq3A_856 = arith.constant 0 : i32
          %eq3A_857 = vector.broadcast %eq3A_856 : i32 to vector<16xi32>
          %eq3A_858 = arith.cmpi eq, %and3A_855, %eq3A_857 : vector<16xi32>
          %select_n3A_859 = arith.select %eq3A_858, %select_n3A_651, %gather3A_852 : vector<16xi1>, vector<16xf32>
          %and3A_860 = arith.constant 4 : i32
          %and3A_861 = vector.broadcast %and3A_860 : i32 to vector<16xi32>
          %and3A_862 = arith.andi %iota3A, %and3A_861 : vector<16xi32>
          %eq3A_863 = arith.constant 0 : i32
          %eq3A_864 = vector.broadcast %eq3A_863 : i32 to vector<16xi32>
          %eq3A_865 = arith.cmpi eq, %and3A_862, %eq3A_864 : vector<16xi32>
          %select_n3A_866 = arith.select %eq3A_865, %gather3A_846, %select_n3A_703 : vector<16xi1>, vector<16xf32>
          %xor3A_867 = arith.constant 4 : i32
          %xor3A_868 = vector.broadcast %xor3A_867 : i32 to vector<16xi32>
          %xor3A_869 = arith.xori %iota3A, %xor3A_868 : vector<16xi32>
          %broadcast_in_dim3A_870 = vector.shape_cast %xor3A_869 : vector<16xi32> to vector<16x1xi32>
          %gather3A_871 = vector.shape_cast %broadcast_in_dim3A_870 : vector<16x1xi32> to vector<16xi32>
          %gather3A_872 = tpu.dynamic_gather %select_n3A_632[%gather3A_871] in [0] : vector<16xf32>, vector<16xi32> -> vector<16xf32>
          %xor3A_873 = arith.constant 4 : i32
          %xor3A_874 = vector.broadcast %xor3A_873 : i32 to vector<16xi32>
          %xor3A_875 = arith.xori %iota3A, %xor3A_874 : vector<16xi32>
          %broadcast_in_dim3A_876 = vector.shape_cast %xor3A_875 : vector<16xi32> to vector<16x1xi32>
          %gather3A_877 = vector.shape_cast %broadcast_in_dim3A_876 : vector<16x1xi32> to vector<16xi32>
          %gather3A_878 = tpu.dynamic_gather %select_n3A_684[%gather3A_877] in [0] : vector<16xf32>, vector<16xi32> -> vector<16xf32>
          %and3A_879 = arith.constant 4 : i32
          %and3A_880 = vector.broadcast %and3A_879 : i32 to vector<16xi32>
          %and3A_881 = arith.andi %iota3A, %and3A_880 : vector<16xi32>
          %eq3A_882 = arith.constant 0 : i32
          %eq3A_883 = vector.broadcast %eq3A_882 : i32 to vector<16xi32>
          %eq3A_884 = arith.cmpi eq, %and3A_881, %eq3A_883 : vector<16xi32>
          %select_n3A_885 = arith.select %eq3A_884, %select_n3A_632, %gather3A_878 : vector<16xi1>, vector<16xf32>
          %and3A_886 = arith.constant 4 : i32
          %and3A_887 = vector.broadcast %and3A_886 : i32 to vector<16xi32>
          %and3A_888 = arith.andi %iota3A, %and3A_887 : vector<16xi32>
          %eq3A_889 = arith.constant 0 : i32
          %eq3A_890 = vector.broadcast %eq3A_889 : i32 to vector<16xi32>
          %eq3A_891 = arith.cmpi eq, %and3A_888, %eq3A_890 : vector<16xi32>
          %select_n3A_892 = arith.select %eq3A_891, %gather3A_872, %select_n3A_684 : vector<16xi1>, vector<16xf32>
          %xor3A_893 = arith.constant 4 : i32
          %xor3A_894 = vector.broadcast %xor3A_893 : i32 to vector<16xi32>
          %xor3A_895 = arith.xori %iota3A, %xor3A_894 : vector<16xi32>
          %broadcast_in_dim3A_896 = vector.shape_cast %xor3A_895 : vector<16xi32> to vector<16x1xi32>
          %gather3A_897 = vector.shape_cast %broadcast_in_dim3A_896 : vector<16x1xi32> to vector<16xi32>
          %gather3A_898 = tpu.dynamic_gather %select_n3A_658[%gather3A_897] in [0] : vector<16xf32>, vector<16xi32> -> vector<16xf32>
          %xor3A_899 = arith.constant 4 : i32
          %xor3A_900 = vector.broadcast %xor3A_899 : i32 to vector<16xi32>
          %xor3A_901 = arith.xori %iota3A, %xor3A_900 : vector<16xi32>
          %broadcast_in_dim3A_902 = vector.shape_cast %xor3A_901 : vector<16xi32> to vector<16x1xi32>
          %gather3A_903 = vector.shape_cast %broadcast_in_dim3A_902 : vector<16x1xi32> to vector<16xi32>
          %gather3A_904 = tpu.dynamic_gather %select_n3A_710[%gather3A_903] in [0] : vector<16xf32>, vector<16xi32> -> vector<16xf32>
          %and3A_905 = arith.constant 4 : i32
          %and3A_906 = vector.broadcast %and3A_905 : i32 to vector<16xi32>
          %and3A_907 = arith.andi %iota3A, %and3A_906 : vector<16xi32>
          %eq3A_908 = arith.constant 0 : i32
          %eq3A_909 = vector.broadcast %eq3A_908 : i32 to vector<16xi32>
          %eq3A_910 = arith.cmpi eq, %and3A_907, %eq3A_909 : vector<16xi32>
          %select_n3A_911 = arith.select %eq3A_910, %select_n3A_658, %gather3A_904 : vector<16xi1>, vector<16xf32>
          %and3A_912 = arith.constant 4 : i32
          %and3A_913 = vector.broadcast %and3A_912 : i32 to vector<16xi32>
          %and3A_914 = arith.andi %iota3A, %and3A_913 : vector<16xi32>
          %eq3A_915 = arith.constant 0 : i32
          %eq3A_916 = vector.broadcast %eq3A_915 : i32 to vector<16xi32>
          %eq3A_917 = arith.cmpi eq, %and3A_914, %eq3A_916 : vector<16xi32>
          %select_n3A_918 = arith.select %eq3A_917, %gather3A_898, %select_n3A_710 : vector<16xi1>, vector<16xf32>
          %xor3A_919 = arith.constant 4 : i32
          %xor3A_920 = vector.broadcast %xor3A_919 : i32 to vector<16xi32>
          %xor3A_921 = arith.xori %iota3A, %xor3A_920 : vector<16xi32>
          %broadcast_in_dim3A_922 = vector.shape_cast %xor3A_921 : vector<16xi32> to vector<16x1xi32>
          %gather3A_923 = vector.shape_cast %broadcast_in_dim3A_922 : vector<16x1xi32> to vector<16xi32>
          %gather3A_924 = tpu.dynamic_gather %select_n3A_729[%gather3A_923] in [0] : vector<16xf32>, vector<16xi32> -> vector<16xf32>
          %xor3A_925 = arith.constant 4 : i32
          %xor3A_926 = vector.broadcast %xor3A_925 : i32 to vector<16xi32>
          %xor3A_927 = arith.xori %iota3A, %xor3A_926 : vector<16xi32>
          %broadcast_in_dim3A_928 = vector.shape_cast %xor3A_927 : vector<16xi32> to vector<16x1xi32>
          %gather3A_929 = vector.shape_cast %broadcast_in_dim3A_928 : vector<16x1xi32> to vector<16xi32>
          %gather3A_930 = tpu.dynamic_gather %select_n3A_781[%gather3A_929] in [0] : vector<16xf32>, vector<16xi32> -> vector<16xf32>
          %and3A_931 = arith.constant 4 : i32
          %and3A_932 = vector.broadcast %and3A_931 : i32 to vector<16xi32>
          %and3A_933 = arith.andi %iota3A, %and3A_932 : vector<16xi32>
          %eq3A_934 = arith.constant 0 : i32
          %eq3A_935 = vector.broadcast %eq3A_934 : i32 to vector<16xi32>
          %eq3A_936 = arith.cmpi eq, %and3A_933, %eq3A_935 : vector<16xi32>
          %select_n3A_937 = arith.select %eq3A_936, %select_n3A_729, %gather3A_930 : vector<16xi1>, vector<16xf32>
          %and3A_938 = arith.constant 4 : i32
          %and3A_939 = vector.broadcast %and3A_938 : i32 to vector<16xi32>
          %and3A_940 = arith.andi %iota3A, %and3A_939 : vector<16xi32>
          %eq3A_941 = arith.constant 0 : i32
          %eq3A_942 = vector.broadcast %eq3A_941 : i32 to vector<16xi32>
          %eq3A_943 = arith.cmpi eq, %and3A_940, %eq3A_942 : vector<16xi32>
          %select_n3A_944 = arith.select %eq3A_943, %gather3A_924, %select_n3A_781 : vector<16xi1>, vector<16xf32>
          %xor3A_945 = arith.constant 4 : i32
          %xor3A_946 = vector.broadcast %xor3A_945 : i32 to vector<16xi32>
          %xor3A_947 = arith.xori %iota3A, %xor3A_946 : vector<16xi32>
          %broadcast_in_dim3A_948 = vector.shape_cast %xor3A_947 : vector<16xi32> to vector<16x1xi32>
          %gather3A_949 = vector.shape_cast %broadcast_in_dim3A_948 : vector<16x1xi32> to vector<16xi32>
          %gather3A_950 = tpu.dynamic_gather %select_n3A_755[%gather3A_949] in [0] : vector<16xf32>, vector<16xi32> -> vector<16xf32>
          %xor3A_951 = arith.constant 4 : i32
          %xor3A_952 = vector.broadcast %xor3A_951 : i32 to vector<16xi32>
          %xor3A_953 = arith.xori %iota3A, %xor3A_952 : vector<16xi32>
          %broadcast_in_dim3A_954 = vector.shape_cast %xor3A_953 : vector<16xi32> to vector<16x1xi32>
          %gather3A_955 = vector.shape_cast %broadcast_in_dim3A_954 : vector<16x1xi32> to vector<16xi32>
          %gather3A_956 = tpu.dynamic_gather %select_n3A_807[%gather3A_955] in [0] : vector<16xf32>, vector<16xi32> -> vector<16xf32>
          %and3A_957 = arith.constant 4 : i32
          %and3A_958 = vector.broadcast %and3A_957 : i32 to vector<16xi32>
          %and3A_959 = arith.andi %iota3A, %and3A_958 : vector<16xi32>
          %eq3A_960 = arith.constant 0 : i32
          %eq3A_961 = vector.broadcast %eq3A_960 : i32 to vector<16xi32>
          %eq3A_962 = arith.cmpi eq, %and3A_959, %eq3A_961 : vector<16xi32>
          %select_n3A_963 = arith.select %eq3A_962, %select_n3A_755, %gather3A_956 : vector<16xi1>, vector<16xf32>
          %and3A_964 = arith.constant 4 : i32
          %and3A_965 = vector.broadcast %and3A_964 : i32 to vector<16xi32>
          %and3A_966 = arith.andi %iota3A, %and3A_965 : vector<16xi32>
          %eq3A_967 = arith.constant 0 : i32
          %eq3A_968 = vector.broadcast %eq3A_967 : i32 to vector<16xi32>
          %eq3A_969 = arith.cmpi eq, %and3A_966, %eq3A_968 : vector<16xi32>
          %select_n3A_970 = arith.select %eq3A_969, %gather3A_950, %select_n3A_807 : vector<16xi1>, vector<16xf32>
          %xor3A_971 = arith.constant 4 : i32
          %xor3A_972 = vector.broadcast %xor3A_971 : i32 to vector<16xi32>
          %xor3A_973 = arith.xori %iota3A, %xor3A_972 : vector<16xi32>
          %broadcast_in_dim3A_974 = vector.shape_cast %xor3A_973 : vector<16xi32> to vector<16x1xi32>
          %gather3A_975 = vector.shape_cast %broadcast_in_dim3A_974 : vector<16x1xi32> to vector<16xi32>
          %gather3A_976 = tpu.dynamic_gather %select_n3A_736[%gather3A_975] in [0] : vector<16xf32>, vector<16xi32> -> vector<16xf32>
          %xor3A_977 = arith.constant 4 : i32
          %xor3A_978 = vector.broadcast %xor3A_977 : i32 to vector<16xi32>
          %xor3A_979 = arith.xori %iota3A, %xor3A_978 : vector<16xi32>
          %broadcast_in_dim3A_980 = vector.shape_cast %xor3A_979 : vector<16xi32> to vector<16x1xi32>
          %gather3A_981 = vector.shape_cast %broadcast_in_dim3A_980 : vector<16x1xi32> to vector<16xi32>
          %gather3A_982 = tpu.dynamic_gather %select_n3A_788[%gather3A_981] in [0] : vector<16xf32>, vector<16xi32> -> vector<16xf32>
          %and3A_983 = arith.constant 4 : i32
          %and3A_984 = vector.broadcast %and3A_983 : i32 to vector<16xi32>
          %and3A_985 = arith.andi %iota3A, %and3A_984 : vector<16xi32>
          %eq3A_986 = arith.constant 0 : i32
          %eq3A_987 = vector.broadcast %eq3A_986 : i32 to vector<16xi32>
          %eq3A_988 = arith.cmpi eq, %and3A_985, %eq3A_987 : vector<16xi32>
          %select_n3A_989 = arith.select %eq3A_988, %select_n3A_736, %gather3A_982 : vector<16xi1>, vector<16xf32>
          %and3A_990 = arith.constant 4 : i32
          %and3A_991 = vector.broadcast %and3A_990 : i32 to vector<16xi32>
          %and3A_992 = arith.andi %iota3A, %and3A_991 : vector<16xi32>
          %eq3A_993 = arith.constant 0 : i32
          %eq3A_994 = vector.broadcast %eq3A_993 : i32 to vector<16xi32>
          %eq3A_995 = arith.cmpi eq, %and3A_992, %eq3A_994 : vector<16xi32>
          %select_n3A_996 = arith.select %eq3A_995, %gather3A_976, %select_n3A_788 : vector<16xi1>, vector<16xf32>
          %xor3A_997 = arith.constant 4 : i32
          %xor3A_998 = vector.broadcast %xor3A_997 : i32 to vector<16xi32>
          %xor3A_999 = arith.xori %iota3A, %xor3A_998 : vector<16xi32>
          %broadcast_in_dim3A_1000 = vector.shape_cast %xor3A_999 : vector<16xi32> to vector<16x1xi32>
          %gather3A_1001 = vector.shape_cast %broadcast_in_dim3A_1000 : vector<16x1xi32> to vector<16xi32>
          %gather3A_1002 = tpu.dynamic_gather %select_n3A_762[%gather3A_1001] in [0] : vector<16xf32>, vector<16xi32> -> vector<16xf32>
          %xor3A_1003 = arith.constant 4 : i32
          %xor3A_1004 = vector.broadcast %xor3A_1003 : i32 to vector<16xi32>
          %xor3A_1005 = arith.xori %iota3A, %xor3A_1004 : vector<16xi32>
          %broadcast_in_dim3A_1006 = vector.shape_cast %xor3A_1005 : vector<16xi32> to vector<16x1xi32>
          %gather3A_1007 = vector.shape_cast %broadcast_in_dim3A_1006 : vector<16x1xi32> to vector<16xi32>
          %gather3A_1008 = tpu.dynamic_gather %select_n3A_814[%gather3A_1007] in [0] : vector<16xf32>, vector<16xi32> -> vector<16xf32>
          %and3A_1009 = arith.constant 4 : i32
          %and3A_1010 = vector.broadcast %and3A_1009 : i32 to vector<16xi32>
          %and3A_1011 = arith.andi %iota3A, %and3A_1010 : vector<16xi32>
          %eq3A_1012 = arith.constant 0 : i32
          %eq3A_1013 = vector.broadcast %eq3A_1012 : i32 to vector<16xi32>
          %eq3A_1014 = arith.cmpi eq, %and3A_1011, %eq3A_1013 : vector<16xi32>
          %select_n3A_1015 = arith.select %eq3A_1014, %select_n3A_762, %gather3A_1008 : vector<16xi1>, vector<16xf32>
          %and3A_1016 = arith.constant 4 : i32
          %and3A_1017 = vector.broadcast %and3A_1016 : i32 to vector<16xi32>
          %and3A_1018 = arith.andi %iota3A, %and3A_1017 : vector<16xi32>
          %eq3A_1019 = arith.constant 0 : i32
          %eq3A_1020 = vector.broadcast %eq3A_1019 : i32 to vector<16xi32>
          %eq3A_1021 = arith.cmpi eq, %and3A_1018, %eq3A_1020 : vector<16xi32>
          %select_n3A_1022 = arith.select %eq3A_1021, %gather3A_1002, %select_n3A_814 : vector<16xi1>, vector<16xf32>
          %xor3A_1023 = arith.constant 8 : i32
          %xor3A_1024 = vector.broadcast %xor3A_1023 : i32 to vector<16xi32>
          %xor3A_1025 = arith.xori %iota3A, %xor3A_1024 : vector<16xi32>
          %broadcast_in_dim3A_1026 = vector.shape_cast %xor3A_1025 : vector<16xi32> to vector<16x1xi32>
          %gather3A_1027 = vector.shape_cast %broadcast_in_dim3A_1026 : vector<16x1xi32> to vector<16xi32>
          %gather3A_1028 = tpu.dynamic_gather %select_n3A_833[%gather3A_1027] in [0] : vector<16xf32>, vector<16xi32> -> vector<16xf32>
          %xor3A_1029 = arith.constant 8 : i32
          %xor3A_1030 = vector.broadcast %xor3A_1029 : i32 to vector<16xi32>
          %xor3A_1031 = arith.xori %iota3A, %xor3A_1030 : vector<16xi32>
          %broadcast_in_dim3A_1032 = vector.shape_cast %xor3A_1031 : vector<16xi32> to vector<16x1xi32>
          %gather3A_1033 = vector.shape_cast %broadcast_in_dim3A_1032 : vector<16x1xi32> to vector<16xi32>
          %gather3A_1034 = tpu.dynamic_gather %select_n3A_937[%gather3A_1033] in [0] : vector<16xf32>, vector<16xi32> -> vector<16xf32>
          %and3A_1035 = arith.constant 8 : i32
          %and3A_1036 = vector.broadcast %and3A_1035 : i32 to vector<16xi32>
          %and3A_1037 = arith.andi %iota3A, %and3A_1036 : vector<16xi32>
          %eq3A_1038 = arith.constant 0 : i32
          %eq3A_1039 = vector.broadcast %eq3A_1038 : i32 to vector<16xi32>
          %eq3A_1040 = arith.cmpi eq, %and3A_1037, %eq3A_1039 : vector<16xi32>
          %select_n3A_1041 = arith.select %eq3A_1040, %select_n3A_833, %gather3A_1034 : vector<16xi1>, vector<16xf32>
          %and3A_1042 = arith.constant 8 : i32
          %and3A_1043 = vector.broadcast %and3A_1042 : i32 to vector<16xi32>
          %and3A_1044 = arith.andi %iota3A, %and3A_1043 : vector<16xi32>
          %eq3A_1045 = arith.constant 0 : i32
          %eq3A_1046 = vector.broadcast %eq3A_1045 : i32 to vector<16xi32>
          %eq3A_1047 = arith.cmpi eq, %and3A_1044, %eq3A_1046 : vector<16xi32>
          %select_n3A_1048 = arith.select %eq3A_1047, %gather3A_1028, %select_n3A_937 : vector<16xi1>, vector<16xf32>
          %xor3A_1049 = arith.constant 8 : i32
          %xor3A_1050 = vector.broadcast %xor3A_1049 : i32 to vector<16xi32>
          %xor3A_1051 = arith.xori %iota3A, %xor3A_1050 : vector<16xi32>
          %broadcast_in_dim3A_1052 = vector.shape_cast %xor3A_1051 : vector<16xi32> to vector<16x1xi32>
          %gather3A_1053 = vector.shape_cast %broadcast_in_dim3A_1052 : vector<16x1xi32> to vector<16xi32>
          %gather3A_1054 = tpu.dynamic_gather %select_n3A_859[%gather3A_1053] in [0] : vector<16xf32>, vector<16xi32> -> vector<16xf32>
          %xor3A_1055 = arith.constant 8 : i32
          %xor3A_1056 = vector.broadcast %xor3A_1055 : i32 to vector<16xi32>
          %xor3A_1057 = arith.xori %iota3A, %xor3A_1056 : vector<16xi32>
          %broadcast_in_dim3A_1058 = vector.shape_cast %xor3A_1057 : vector<16xi32> to vector<16x1xi32>
          %gather3A_1059 = vector.shape_cast %broadcast_in_dim3A_1058 : vector<16x1xi32> to vector<16xi32>
          %gather3A_1060 = tpu.dynamic_gather %select_n3A_963[%gather3A_1059] in [0] : vector<16xf32>, vector<16xi32> -> vector<16xf32>
          %and3A_1061 = arith.constant 8 : i32
          %and3A_1062 = vector.broadcast %and3A_1061 : i32 to vector<16xi32>
          %and3A_1063 = arith.andi %iota3A, %and3A_1062 : vector<16xi32>
          %eq3A_1064 = arith.constant 0 : i32
          %eq3A_1065 = vector.broadcast %eq3A_1064 : i32 to vector<16xi32>
          %eq3A_1066 = arith.cmpi eq, %and3A_1063, %eq3A_1065 : vector<16xi32>
          %select_n3A_1067 = arith.select %eq3A_1066, %select_n3A_859, %gather3A_1060 : vector<16xi1>, vector<16xf32>
          %and3A_1068 = arith.constant 8 : i32
          %and3A_1069 = vector.broadcast %and3A_1068 : i32 to vector<16xi32>
          %and3A_1070 = arith.andi %iota3A, %and3A_1069 : vector<16xi32>
          %eq3A_1071 = arith.constant 0 : i32
          %eq3A_1072 = vector.broadcast %eq3A_1071 : i32 to vector<16xi32>
          %eq3A_1073 = arith.cmpi eq, %and3A_1070, %eq3A_1072 : vector<16xi32>
          %select_n3A_1074 = arith.select %eq3A_1073, %gather3A_1054, %select_n3A_963 : vector<16xi1>, vector<16xf32>
          %xor3A_1075 = arith.constant 8 : i32
          %xor3A_1076 = vector.broadcast %xor3A_1075 : i32 to vector<16xi32>
          %xor3A_1077 = arith.xori %iota3A, %xor3A_1076 : vector<16xi32>
          %broadcast_in_dim3A_1078 = vector.shape_cast %xor3A_1077 : vector<16xi32> to vector<16x1xi32>
          %gather3A_1079 = vector.shape_cast %broadcast_in_dim3A_1078 : vector<16x1xi32> to vector<16xi32>
          %gather3A_1080 = tpu.dynamic_gather %select_n3A_885[%gather3A_1079] in [0] : vector<16xf32>, vector<16xi32> -> vector<16xf32>
          %xor3A_1081 = arith.constant 8 : i32
          %xor3A_1082 = vector.broadcast %xor3A_1081 : i32 to vector<16xi32>
          %xor3A_1083 = arith.xori %iota3A, %xor3A_1082 : vector<16xi32>
          %broadcast_in_dim3A_1084 = vector.shape_cast %xor3A_1083 : vector<16xi32> to vector<16x1xi32>
          %gather3A_1085 = vector.shape_cast %broadcast_in_dim3A_1084 : vector<16x1xi32> to vector<16xi32>
          %gather3A_1086 = tpu.dynamic_gather %select_n3A_989[%gather3A_1085] in [0] : vector<16xf32>, vector<16xi32> -> vector<16xf32>
          %and3A_1087 = arith.constant 8 : i32
          %and3A_1088 = vector.broadcast %and3A_1087 : i32 to vector<16xi32>
          %and3A_1089 = arith.andi %iota3A, %and3A_1088 : vector<16xi32>
          %eq3A_1090 = arith.constant 0 : i32
          %eq3A_1091 = vector.broadcast %eq3A_1090 : i32 to vector<16xi32>
          %eq3A_1092 = arith.cmpi eq, %and3A_1089, %eq3A_1091 : vector<16xi32>
          %select_n3A_1093 = arith.select %eq3A_1092, %select_n3A_885, %gather3A_1086 : vector<16xi1>, vector<16xf32>
          %and3A_1094 = arith.constant 8 : i32
          %and3A_1095 = vector.broadcast %and3A_1094 : i32 to vector<16xi32>
          %and3A_1096 = arith.andi %iota3A, %and3A_1095 : vector<16xi32>
          %eq3A_1097 = arith.constant 0 : i32
          %eq3A_1098 = vector.broadcast %eq3A_1097 : i32 to vector<16xi32>
          %eq3A_1099 = arith.cmpi eq, %and3A_1096, %eq3A_1098 : vector<16xi32>
          %select_n3A_1100 = arith.select %eq3A_1099, %gather3A_1080, %select_n3A_989 : vector<16xi1>, vector<16xf32>
          %xor3A_1101 = arith.constant 8 : i32
          %xor3A_1102 = vector.broadcast %xor3A_1101 : i32 to vector<16xi32>
          %xor3A_1103 = arith.xori %iota3A, %xor3A_1102 : vector<16xi32>
          %broadcast_in_dim3A_1104 = vector.shape_cast %xor3A_1103 : vector<16xi32> to vector<16x1xi32>
          %gather3A_1105 = vector.shape_cast %broadcast_in_dim3A_1104 : vector<16x1xi32> to vector<16xi32>
          %gather3A_1106 = tpu.dynamic_gather %select_n3A_911[%gather3A_1105] in [0] : vector<16xf32>, vector<16xi32> -> vector<16xf32>
          %xor3A_1107 = arith.constant 8 : i32
          %xor3A_1108 = vector.broadcast %xor3A_1107 : i32 to vector<16xi32>
          %xor3A_1109 = arith.xori %iota3A, %xor3A_1108 : vector<16xi32>
          %broadcast_in_dim3A_1110 = vector.shape_cast %xor3A_1109 : vector<16xi32> to vector<16x1xi32>
          %gather3A_1111 = vector.shape_cast %broadcast_in_dim3A_1110 : vector<16x1xi32> to vector<16xi32>
          %gather3A_1112 = tpu.dynamic_gather %select_n3A_1015[%gather3A_1111] in [0] : vector<16xf32>, vector<16xi32> -> vector<16xf32>
          %and3A_1113 = arith.constant 8 : i32
          %and3A_1114 = vector.broadcast %and3A_1113 : i32 to vector<16xi32>
          %and3A_1115 = arith.andi %iota3A, %and3A_1114 : vector<16xi32>
          %eq3A_1116 = arith.constant 0 : i32
          %eq3A_1117 = vector.broadcast %eq3A_1116 : i32 to vector<16xi32>
          %eq3A_1118 = arith.cmpi eq, %and3A_1115, %eq3A_1117 : vector<16xi32>
          %select_n3A_1119 = arith.select %eq3A_1118, %select_n3A_911, %gather3A_1112 : vector<16xi1>, vector<16xf32>
          %and3A_1120 = arith.constant 8 : i32
          %and3A_1121 = vector.broadcast %and3A_1120 : i32 to vector<16xi32>
          %and3A_1122 = arith.andi %iota3A, %and3A_1121 : vector<16xi32>
          %eq3A_1123 = arith.constant 0 : i32
          %eq3A_1124 = vector.broadcast %eq3A_1123 : i32 to vector<16xi32>
          %eq3A_1125 = arith.cmpi eq, %and3A_1122, %eq3A_1124 : vector<16xi32>
          %select_n3A_1126 = arith.select %eq3A_1125, %gather3A_1106, %select_n3A_1015 : vector<16xi1>, vector<16xf32>
          %xor3A_1127 = arith.constant 8 : i32
          %xor3A_1128 = vector.broadcast %xor3A_1127 : i32 to vector<16xi32>
          %xor3A_1129 = arith.xori %iota3A, %xor3A_1128 : vector<16xi32>
          %broadcast_in_dim3A_1130 = vector.shape_cast %xor3A_1129 : vector<16xi32> to vector<16x1xi32>
          %gather3A_1131 = vector.shape_cast %broadcast_in_dim3A_1130 : vector<16x1xi32> to vector<16xi32>
          %gather3A_1132 = tpu.dynamic_gather %select_n3A_840[%gather3A_1131] in [0] : vector<16xf32>, vector<16xi32> -> vector<16xf32>
          %xor3A_1133 = arith.constant 8 : i32
          %xor3A_1134 = vector.broadcast %xor3A_1133 : i32 to vector<16xi32>
          %xor3A_1135 = arith.xori %iota3A, %xor3A_1134 : vector<16xi32>
          %broadcast_in_dim3A_1136 = vector.shape_cast %xor3A_1135 : vector<16xi32> to vector<16x1xi32>
          %gather3A_1137 = vector.shape_cast %broadcast_in_dim3A_1136 : vector<16x1xi32> to vector<16xi32>
          %gather3A_1138 = tpu.dynamic_gather %select_n3A_944[%gather3A_1137] in [0] : vector<16xf32>, vector<16xi32> -> vector<16xf32>
          %and3A_1139 = arith.constant 8 : i32
          %and3A_1140 = vector.broadcast %and3A_1139 : i32 to vector<16xi32>
          %and3A_1141 = arith.andi %iota3A, %and3A_1140 : vector<16xi32>
          %eq3A_1142 = arith.constant 0 : i32
          %eq3A_1143 = vector.broadcast %eq3A_1142 : i32 to vector<16xi32>
          %eq3A_1144 = arith.cmpi eq, %and3A_1141, %eq3A_1143 : vector<16xi32>
          %select_n3A_1145 = arith.select %eq3A_1144, %select_n3A_840, %gather3A_1138 : vector<16xi1>, vector<16xf32>
          %and3A_1146 = arith.constant 8 : i32
          %and3A_1147 = vector.broadcast %and3A_1146 : i32 to vector<16xi32>
          %and3A_1148 = arith.andi %iota3A, %and3A_1147 : vector<16xi32>
          %eq3A_1149 = arith.constant 0 : i32
          %eq3A_1150 = vector.broadcast %eq3A_1149 : i32 to vector<16xi32>
          %eq3A_1151 = arith.cmpi eq, %and3A_1148, %eq3A_1150 : vector<16xi32>
          %select_n3A_1152 = arith.select %eq3A_1151, %gather3A_1132, %select_n3A_944 : vector<16xi1>, vector<16xf32>
          %xor3A_1153 = arith.constant 8 : i32
          %xor3A_1154 = vector.broadcast %xor3A_1153 : i32 to vector<16xi32>
          %xor3A_1155 = arith.xori %iota3A, %xor3A_1154 : vector<16xi32>
          %broadcast_in_dim3A_1156 = vector.shape_cast %xor3A_1155 : vector<16xi32> to vector<16x1xi32>
          %gather3A_1157 = vector.shape_cast %broadcast_in_dim3A_1156 : vector<16x1xi32> to vector<16xi32>
          %gather3A_1158 = tpu.dynamic_gather %select_n3A_866[%gather3A_1157] in [0] : vector<16xf32>, vector<16xi32> -> vector<16xf32>
          %xor3A_1159 = arith.constant 8 : i32
          %xor3A_1160 = vector.broadcast %xor3A_1159 : i32 to vector<16xi32>
          %xor3A_1161 = arith.xori %iota3A, %xor3A_1160 : vector<16xi32>
          %broadcast_in_dim3A_1162 = vector.shape_cast %xor3A_1161 : vector<16xi32> to vector<16x1xi32>
          %gather3A_1163 = vector.shape_cast %broadcast_in_dim3A_1162 : vector<16x1xi32> to vector<16xi32>
          %gather3A_1164 = tpu.dynamic_gather %select_n3A_970[%gather3A_1163] in [0] : vector<16xf32>, vector<16xi32> -> vector<16xf32>
          %and3A_1165 = arith.constant 8 : i32
          %and3A_1166 = vector.broadcast %and3A_1165 : i32 to vector<16xi32>
          %and3A_1167 = arith.andi %iota3A, %and3A_1166 : vector<16xi32>
          %eq3A_1168 = arith.constant 0 : i32
          %eq3A_1169 = vector.broadcast %eq3A_1168 : i32 to vector<16xi32>
          %eq3A_1170 = arith.cmpi eq, %and3A_1167, %eq3A_1169 : vector<16xi32>
          %select_n3A_1171 = arith.select %eq3A_1170, %select_n3A_866, %gather3A_1164 : vector<16xi1>, vector<16xf32>
          %and3A_1172 = arith.constant 8 : i32
          %and3A_1173 = vector.broadcast %and3A_1172 : i32 to vector<16xi32>
          %and3A_1174 = arith.andi %iota3A, %and3A_1173 : vector<16xi32>
          %eq3A_1175 = arith.constant 0 : i32
          %eq3A_1176 = vector.broadcast %eq3A_1175 : i32 to vector<16xi32>
          %eq3A_1177 = arith.cmpi eq, %and3A_1174, %eq3A_1176 : vector<16xi32>
          %select_n3A_1178 = arith.select %eq3A_1177, %gather3A_1158, %select_n3A_970 : vector<16xi1>, vector<16xf32>
          %xor3A_1179 = arith.constant 8 : i32
          %xor3A_1180 = vector.broadcast %xor3A_1179 : i32 to vector<16xi32>
          %xor3A_1181 = arith.xori %iota3A, %xor3A_1180 : vector<16xi32>
          %broadcast_in_dim3A_1182 = vector.shape_cast %xor3A_1181 : vector<16xi32> to vector<16x1xi32>
          %gather3A_1183 = vector.shape_cast %broadcast_in_dim3A_1182 : vector<16x1xi32> to vector<16xi32>
          %gather3A_1184 = tpu.dynamic_gather %select_n3A_892[%gather3A_1183] in [0] : vector<16xf32>, vector<16xi32> -> vector<16xf32>
          %xor3A_1185 = arith.constant 8 : i32
          %xor3A_1186 = vector.broadcast %xor3A_1185 : i32 to vector<16xi32>
          %xor3A_1187 = arith.xori %iota3A, %xor3A_1186 : vector<16xi32>
          %broadcast_in_dim3A_1188 = vector.shape_cast %xor3A_1187 : vector<16xi32> to vector<16x1xi32>
          %gather3A_1189 = vector.shape_cast %broadcast_in_dim3A_1188 : vector<16x1xi32> to vector<16xi32>
          %gather3A_1190 = tpu.dynamic_gather %select_n3A_996[%gather3A_1189] in [0] : vector<16xf32>, vector<16xi32> -> vector<16xf32>
          %and3A_1191 = arith.constant 8 : i32
          %and3A_1192 = vector.broadcast %and3A_1191 : i32 to vector<16xi32>
          %and3A_1193 = arith.andi %iota3A, %and3A_1192 : vector<16xi32>
          %eq3A_1194 = arith.constant 0 : i32
          %eq3A_1195 = vector.broadcast %eq3A_1194 : i32 to vector<16xi32>
          %eq3A_1196 = arith.cmpi eq, %and3A_1193, %eq3A_1195 : vector<16xi32>
          %select_n3A_1197 = arith.select %eq3A_1196, %select_n3A_892, %gather3A_1190 : vector<16xi1>, vector<16xf32>
          %and3A_1198 = arith.constant 8 : i32
          %and3A_1199 = vector.broadcast %and3A_1198 : i32 to vector<16xi32>
          %and3A_1200 = arith.andi %iota3A, %and3A_1199 : vector<16xi32>
          %eq3A_1201 = arith.constant 0 : i32
          %eq3A_1202 = vector.broadcast %eq3A_1201 : i32 to vector<16xi32>
          %eq3A_1203 = arith.cmpi eq, %and3A_1200, %eq3A_1202 : vector<16xi32>
          %select_n3A_1204 = arith.select %eq3A_1203, %gather3A_1184, %select_n3A_996 : vector<16xi1>, vector<16xf32>
          %xor3A_1205 = arith.constant 8 : i32
          %xor3A_1206 = vector.broadcast %xor3A_1205 : i32 to vector<16xi32>
          %xor3A_1207 = arith.xori %iota3A, %xor3A_1206 : vector<16xi32>
          %broadcast_in_dim3A_1208 = vector.shape_cast %xor3A_1207 : vector<16xi32> to vector<16x1xi32>
          %gather3A_1209 = vector.shape_cast %broadcast_in_dim3A_1208 : vector<16x1xi32> to vector<16xi32>
          %gather3A_1210 = tpu.dynamic_gather %select_n3A_918[%gather3A_1209] in [0] : vector<16xf32>, vector<16xi32> -> vector<16xf32>
          %xor3A_1211 = arith.constant 8 : i32
          %xor3A_1212 = vector.broadcast %xor3A_1211 : i32 to vector<16xi32>
          %xor3A_1213 = arith.xori %iota3A, %xor3A_1212 : vector<16xi32>
          %broadcast_in_dim3A_1214 = vector.shape_cast %xor3A_1213 : vector<16xi32> to vector<16x1xi32>
          %gather3A_1215 = vector.shape_cast %broadcast_in_dim3A_1214 : vector<16x1xi32> to vector<16xi32>
          %gather3A_1216 = tpu.dynamic_gather %select_n3A_1022[%gather3A_1215] in [0] : vector<16xf32>, vector<16xi32> -> vector<16xf32>
          %and3A_1217 = arith.constant 8 : i32
          %and3A_1218 = vector.broadcast %and3A_1217 : i32 to vector<16xi32>
          %and3A_1219 = arith.andi %iota3A, %and3A_1218 : vector<16xi32>
          %eq3A_1220 = arith.constant 0 : i32
          %eq3A_1221 = vector.broadcast %eq3A_1220 : i32 to vector<16xi32>
          %eq3A_1222 = arith.cmpi eq, %and3A_1219, %eq3A_1221 : vector<16xi32>
          %select_n3A_1223 = arith.select %eq3A_1222, %select_n3A_918, %gather3A_1216 : vector<16xi1>, vector<16xf32>
          %and3A_1224 = arith.constant 8 : i32
          %and3A_1225 = vector.broadcast %and3A_1224 : i32 to vector<16xi32>
          %and3A_1226 = arith.andi %iota3A, %and3A_1225 : vector<16xi32>
          %eq3A_1227 = arith.constant 0 : i32
          %eq3A_1228 = vector.broadcast %eq3A_1227 : i32 to vector<16xi32>
          %eq3A_1229 = arith.cmpi eq, %and3A_1226, %eq3A_1228 : vector<16xi32>
          %select_n3A_1230 = arith.select %eq3A_1229, %gather3A_1210, %select_n3A_1022 : vector<16xi1>, vector<16xf32>
          %mul3A_1231 = arith.constant 16 : i32
          %mul3A_1232 = arith.muli %scan3A_210, %mul3A_1231 : i32
          %add3A_1233 = arith.constant 0 : i32
          %add3A_1234 = arith.addi %mul3A_1232, %add3A_1233 : i32
          %mul3A_1235 = arith.constant 16 : i32
          %mul3A_1236 = arith.muli %scan3A_193, %mul3A_1235 : i32
          %get3A_1237 = arith.constant 1 : i32
          %get3A_1238 = arith.index_cast %get3A_1237 : i32 to index
          %get3A_1239 = arith.index_cast %add3A_1234 : i32 to index
          %get3A_1240 = arith.index_cast %mul3A_1236 : i32 to index
          %get3A_1241 = tpu.vector_load %arg7[%get3A_1238, %get3A_1239, %get3A_1240] {strides = array<i32>} : memref<2x128x128xf32, #tpu.memory_space<vmem>>, vector<1x1x16xf32>,
          %get3A_1242 = vector.shape_cast %get3A_1241 : vector<1x1x16xf32> to vector<16xf32>
          %mul3A_1243 = arith.mulf %get3A_1242, %select_n3A_1041 : vector<16xf32>
          %add3A_1244 = arith.addf %scan3A_211, %mul3A_1243 : vector<16xf32>
          %mul3A_1245 = arith.constant 16 : i32
          %mul3A_1246 = arith.muli %scan3A_210, %mul3A_1245 : i32
          %add3A_1247 = arith.constant 1 : i32
          %add3A_1248 = arith.addi %mul3A_1246, %add3A_1247 : i32
          %mul3A_1249 = arith.constant 16 : i32
          %mul3A_1250 = arith.muli %scan3A_193, %mul3A_1249 : i32
          %get3A_1251 = arith.constant 1 : i32
          %get3A_1252 = arith.index_cast %get3A_1251 : i32 to index
          %get3A_1253 = arith.index_cast %add3A_1248 : i32 to index
          %get3A_1254 = arith.index_cast %mul3A_1250 : i32 to index
          %get3A_1255 = tpu.vector_load %arg7[%get3A_1252, %get3A_1253, %get3A_1254] {strides = array<i32>} : memref<2x128x128xf32, #tpu.memory_space<vmem>>, vector<1x1x16xf32>,
          %get3A_1256 = vector.shape_cast %get3A_1255 : vector<1x1x16xf32> to vector<16xf32>
          %mul3A_1257 = arith.mulf %get3A_1256, %select_n3A_1067 : vector<16xf32>
          %add3A_1258 = arith.addf %add3A_1244, %mul3A_1257 : vector<16xf32>
          %mul3A_1259 = arith.constant 16 : i32
          %mul3A_1260 = arith.muli %scan3A_210, %mul3A_1259 : i32
          %add3A_1261 = arith.constant 2 : i32
          %add3A_1262 = arith.addi %mul3A_1260, %add3A_1261 : i32
          %mul3A_1263 = arith.constant 16 : i32
          %mul3A_1264 = arith.muli %scan3A_193, %mul3A_1263 : i32
          %get3A_1265 = arith.constant 1 : i32
          %get3A_1266 = arith.index_cast %get3A_1265 : i32 to index
          %get3A_1267 = arith.index_cast %add3A_1262 : i32 to index
          %get3A_1268 = arith.index_cast %mul3A_1264 : i32 to index
          %get3A_1269 = tpu.vector_load %arg7[%get3A_1266, %get3A_1267, %get3A_1268] {strides = array<i32>} : memref<2x128x128xf32, #tpu.memory_space<vmem>>, vector<1x1x16xf32>,
          %get3A_1270 = vector.shape_cast %get3A_1269 : vector<1x1x16xf32> to vector<16xf32>
          %mul3A_1271 = arith.mulf %get3A_1270, %select_n3A_1093 : vector<16xf32>
          %add3A_1272 = arith.addf %add3A_1258, %mul3A_1271 : vector<16xf32>
          %mul3A_1273 = arith.constant 16 : i32
          %mul3A_1274 = arith.muli %scan3A_210, %mul3A_1273 : i32
          %add3A_1275 = arith.constant 3 : i32
          %add3A_1276 = arith.addi %mul3A_1274, %add3A_1275 : i32
          %mul3A_1277 = arith.constant 16 : i32
          %mul3A_1278 = arith.muli %scan3A_193, %mul3A_1277 : i32
          %get3A_1279 = arith.constant 1 : i32
          %get3A_1280 = arith.index_cast %get3A_1279 : i32 to index
          %get3A_1281 = arith.index_cast %add3A_1276 : i32 to index
          %get3A_1282 = arith.index_cast %mul3A_1278 : i32 to index
          %get3A_1283 = tpu.vector_load %arg7[%get3A_1280, %get3A_1281, %get3A_1282] {strides = array<i32>} : memref<2x128x128xf32, #tpu.memory_space<vmem>>, vector<1x1x16xf32>,
          %get3A_1284 = vector.shape_cast %get3A_1283 : vector<1x1x16xf32> to vector<16xf32>
          %mul3A_1285 = arith.mulf %get3A_1284, %select_n3A_1119 : vector<16xf32>
          %add3A_1286 = arith.addf %add3A_1272, %mul3A_1285 : vector<16xf32>
          %mul3A_1287 = arith.constant 16 : i32
          %mul3A_1288 = arith.muli %scan3A_210, %mul3A_1287 : i32
          %add3A_1289 = arith.constant 4 : i32
          %add3A_1290 = arith.addi %mul3A_1288, %add3A_1289 : i32
          %mul3A_1291 = arith.constant 16 : i32
          %mul3A_1292 = arith.muli %scan3A_193, %mul3A_1291 : i32
          %get3A_1293 = arith.constant 1 : i32
          %get3A_1294 = arith.index_cast %get3A_1293 : i32 to index
          %get3A_1295 = arith.index_cast %add3A_1290 : i32 to index
          %get3A_1296 = arith.index_cast %mul3A_1292 : i32 to index
          %get3A_1297 = tpu.vector_load %arg7[%get3A_1294, %get3A_1295, %get3A_1296] {strides = array<i32>} : memref<2x128x128xf32, #tpu.memory_space<vmem>>, vector<1x1x16xf32>,
          %get3A_1298 = vector.shape_cast %get3A_1297 : vector<1x1x16xf32> to vector<16xf32>
          %mul3A_1299 = arith.mulf %get3A_1298, %select_n3A_1145 : vector<16xf32>
          %add3A_1300 = arith.addf %add3A_1286, %mul3A_1299 : vector<16xf32>
          %mul3A_1301 = arith.constant 16 : i32
          %mul3A_1302 = arith.muli %scan3A_210, %mul3A_1301 : i32
          %add3A_1303 = arith.constant 5 : i32
          %add3A_1304 = arith.addi %mul3A_1302, %add3A_1303 : i32
          %mul3A_1305 = arith.constant 16 : i32
          %mul3A_1306 = arith.muli %scan3A_193, %mul3A_1305 : i32
          %get3A_1307 = arith.constant 1 : i32
          %get3A_1308 = arith.index_cast %get3A_1307 : i32 to index
          %get3A_1309 = arith.index_cast %add3A_1304 : i32 to index
          %get3A_1310 = arith.index_cast %mul3A_1306 : i32 to index
          %get3A_1311 = tpu.vector_load %arg7[%get3A_1308, %get3A_1309, %get3A_1310] {strides = array<i32>} : memref<2x128x128xf32, #tpu.memory_space<vmem>>, vector<1x1x16xf32>,
          %get3A_1312 = vector.shape_cast %get3A_1311 : vector<1x1x16xf32> to vector<16xf32>
          %mul3A_1313 = arith.mulf %get3A_1312, %select_n3A_1171 : vector<16xf32>
          %add3A_1314 = arith.addf %add3A_1300, %mul3A_1313 : vector<16xf32>
          %mul3A_1315 = arith.constant 16 : i32
          %mul3A_1316 = arith.muli %scan3A_210, %mul3A_1315 : i32
          %add3A_1317 = arith.constant 6 : i32
          %add3A_1318 = arith.addi %mul3A_1316, %add3A_1317 : i32
          %mul3A_1319 = arith.constant 16 : i32
          %mul3A_1320 = arith.muli %scan3A_193, %mul3A_1319 : i32
          %get3A_1321 = arith.constant 1 : i32
          %get3A_1322 = arith.index_cast %get3A_1321 : i32 to index
          %get3A_1323 = arith.index_cast %add3A_1318 : i32 to index
          %get3A_1324 = arith.index_cast %mul3A_1320 : i32 to index
          %get3A_1325 = tpu.vector_load %arg7[%get3A_1322, %get3A_1323, %get3A_1324] {strides = array<i32>} : memref<2x128x128xf32, #tpu.memory_space<vmem>>, vector<1x1x16xf32>,
          %get3A_1326 = vector.shape_cast %get3A_1325 : vector<1x1x16xf32> to vector<16xf32>
          %mul3A_1327 = arith.mulf %get3A_1326, %select_n3A_1197 : vector<16xf32>
          %add3A_1328 = arith.addf %add3A_1314, %mul3A_1327 : vector<16xf32>
          %mul3A_1329 = arith.constant 16 : i32
          %mul3A_1330 = arith.muli %scan3A_210, %mul3A_1329 : i32
          %add3A_1331 = arith.constant 7 : i32
          %add3A_1332 = arith.addi %mul3A_1330, %add3A_1331 : i32
          %mul3A_1333 = arith.constant 16 : i32
          %mul3A_1334 = arith.muli %scan3A_193, %mul3A_1333 : i32
          %get3A_1335 = arith.constant 1 : i32
          %get3A_1336 = arith.index_cast %get3A_1335 : i32 to index
          %get3A_1337 = arith.index_cast %add3A_1332 : i32 to index
          %get3A_1338 = arith.index_cast %mul3A_1334 : i32 to index
          %get3A_1339 = tpu.vector_load %arg7[%get3A_1336, %get3A_1337, %get3A_1338] {strides = array<i32>} : memref<2x128x128xf32, #tpu.memory_space<vmem>>, vector<1x1x16xf32>,
          %get3A_1340 = vector.shape_cast %get3A_1339 : vector<1x1x16xf32> to vector<16xf32>
          %mul3A_1341 = arith.mulf %get3A_1340, %select_n3A_1223 : vector<16xf32>
          %add3A_1342 = arith.addf %add3A_1328, %mul3A_1341 : vector<16xf32>
          %mul3A_1343 = arith.constant 16 : i32
          %mul3A_1344 = arith.muli %scan3A_210, %mul3A_1343 : i32
          %add3A_1345 = arith.constant 8 : i32
          %add3A_1346 = arith.addi %mul3A_1344, %add3A_1345 : i32
          %mul3A_1347 = arith.constant 16 : i32
          %mul3A_1348 = arith.muli %scan3A_193, %mul3A_1347 : i32
          %get3A_1349 = arith.constant 1 : i32
          %get3A_1350 = arith.index_cast %get3A_1349 : i32 to index
          %get3A_1351 = arith.index_cast %add3A_1346 : i32 to index
          %get3A_1352 = arith.index_cast %mul3A_1348 : i32 to index
          %get3A_1353 = tpu.vector_load %arg7[%get3A_1350, %get3A_1351, %get3A_1352] {strides = array<i32>} : memref<2x128x128xf32, #tpu.memory_space<vmem>>, vector<1x1x16xf32>,
          %get3A_1354 = vector.shape_cast %get3A_1353 : vector<1x1x16xf32> to vector<16xf32>
          %mul3A_1355 = arith.mulf %get3A_1354, %select_n3A_1048 : vector<16xf32>
          %add3A_1356 = arith.addf %add3A_1342, %mul3A_1355 : vector<16xf32>
          %mul3A_1357 = arith.constant 16 : i32
          %mul3A_1358 = arith.muli %scan3A_210, %mul3A_1357 : i32
          %add3A_1359 = arith.constant 9 : i32
          %add3A_1360 = arith.addi %mul3A_1358, %add3A_1359 : i32
          %mul3A_1361 = arith.constant 16 : i32
          %mul3A_1362 = arith.muli %scan3A_193, %mul3A_1361 : i32
          %get3A_1363 = arith.constant 1 : i32
          %get3A_1364 = arith.index_cast %get3A_1363 : i32 to index
          %get3A_1365 = arith.index_cast %add3A_1360 : i32 to index
          %get3A_1366 = arith.index_cast %mul3A_1362 : i32 to index
          %get3A_1367 = tpu.vector_load %arg7[%get3A_1364, %get3A_1365, %get3A_1366] {strides = array<i32>} : memref<2x128x128xf32, #tpu.memory_space<vmem>>, vector<1x1x16xf32>,
          %get3A_1368 = vector.shape_cast %get3A_1367 : vector<1x1x16xf32> to vector<16xf32>
          %mul3A_1369 = arith.mulf %get3A_1368, %select_n3A_1074 : vector<16xf32>
          %add3A_1370 = arith.addf %add3A_1356, %mul3A_1369 : vector<16xf32>
          %mul3A_1371 = arith.constant 16 : i32
          %mul3A_1372 = arith.muli %scan3A_210, %mul3A_1371 : i32
          %add3A_1373 = arith.constant 10 : i32
          %add3A_1374 = arith.addi %mul3A_1372, %add3A_1373 : i32
          %mul3A_1375 = arith.constant 16 : i32
          %mul3A_1376 = arith.muli %scan3A_193, %mul3A_1375 : i32
          %get3A_1377 = arith.constant 1 : i32
          %get3A_1378 = arith.index_cast %get3A_1377 : i32 to index
          %get3A_1379 = arith.index_cast %add3A_1374 : i32 to index
          %get3A_1380 = arith.index_cast %mul3A_1376 : i32 to index
          %get3A_1381 = tpu.vector_load %arg7[%get3A_1378, %get3A_1379, %get3A_1380] {strides = array<i32>} : memref<2x128x128xf32, #tpu.memory_space<vmem>>, vector<1x1x16xf32>,
          %get3A_1382 = vector.shape_cast %get3A_1381 : vector<1x1x16xf32> to vector<16xf32>
          %mul3A_1383 = arith.mulf %get3A_1382, %select_n3A_1100 : vector<16xf32>
          %add3A_1384 = arith.addf %add3A_1370, %mul3A_1383 : vector<16xf32>
          %mul3A_1385 = arith.constant 16 : i32
          %mul3A_1386 = arith.muli %scan3A_210, %mul3A_1385 : i32
          %add3A_1387 = arith.constant 11 : i32
          %add3A_1388 = arith.addi %mul3A_1386, %add3A_1387 : i32
          %mul3A_1389 = arith.constant 16 : i32
          %mul3A_1390 = arith.muli %scan3A_193, %mul3A_1389 : i32
          %get3A_1391 = arith.constant 1 : i32
          %get3A_1392 = arith.index_cast %get3A_1391 : i32 to index
          %get3A_1393 = arith.index_cast %add3A_1388 : i32 to index
          %get3A_1394 = arith.index_cast %mul3A_1390 : i32 to index
          %get3A_1395 = tpu.vector_load %arg7[%get3A_1392, %get3A_1393, %get3A_1394] {strides = array<i32>} : memref<2x128x128xf32, #tpu.memory_space<vmem>>, vector<1x1x16xf32>,
          %get3A_1396 = vector.shape_cast %get3A_1395 : vector<1x1x16xf32> to vector<16xf32>
          %mul3A_1397 = arith.mulf %get3A_1396, %select_n3A_1126 : vector<16xf32>
          %add3A_1398 = arith.addf %add3A_1384, %mul3A_1397 : vector<16xf32>
          %mul3A_1399 = arith.constant 16 : i32
          %mul3A_1400 = arith.muli %scan3A_210, %mul3A_1399 : i32
          %add3A_1401 = arith.constant 12 : i32
          %add3A_1402 = arith.addi %mul3A_1400, %add3A_1401 : i32
          %mul3A_1403 = arith.constant 16 : i32
          %mul3A_1404 = arith.muli %scan3A_193, %mul3A_1403 : i32
          %get3A_1405 = arith.constant 1 : i32
          %get3A_1406 = arith.index_cast %get3A_1405 : i32 to index
          %get3A_1407 = arith.index_cast %add3A_1402 : i32 to index
          %get3A_1408 = arith.index_cast %mul3A_1404 : i32 to index
          %get3A_1409 = tpu.vector_load %arg7[%get3A_1406, %get3A_1407, %get3A_1408] {strides = array<i32>} : memref<2x128x128xf32, #tpu.memory_space<vmem>>, vector<1x1x16xf32>,
          %get3A_1410 = vector.shape_cast %get3A_1409 : vector<1x1x16xf32> to vector<16xf32>
          %mul3A_1411 = arith.mulf %get3A_1410, %select_n3A_1152 : vector<16xf32>
          %add3A_1412 = arith.addf %add3A_1398, %mul3A_1411 : vector<16xf32>
          %mul3A_1413 = arith.constant 16 : i32
          %mul3A_1414 = arith.muli %scan3A_210, %mul3A_1413 : i32
          %add3A_1415 = arith.constant 13 : i32
          %add3A_1416 = arith.addi %mul3A_1414, %add3A_1415 : i32
          %mul3A_1417 = arith.constant 16 : i32
          %mul3A_1418 = arith.muli %scan3A_193, %mul3A_1417 : i32
          %get3A_1419 = arith.constant 1 : i32
          %get3A_1420 = arith.index_cast %get3A_1419 : i32 to index
          %get3A_1421 = arith.index_cast %add3A_1416 : i32 to index
          %get3A_1422 = arith.index_cast %mul3A_1418 : i32 to index
          %get3A_1423 = tpu.vector_load %arg7[%get3A_1420, %get3A_1421, %get3A_1422] {strides = array<i32>} : memref<2x128x128xf32, #tpu.memory_space<vmem>>, vector<1x1x16xf32>,
          %get3A_1424 = vector.shape_cast %get3A_1423 : vector<1x1x16xf32> to vector<16xf32>
          %mul3A_1425 = arith.mulf %get3A_1424, %select_n3A_1178 : vector<16xf32>
          %add3A_1426 = arith.addf %add3A_1412, %mul3A_1425 : vector<16xf32>
          %mul3A_1427 = arith.constant 16 : i32
          %mul3A_1428 = arith.muli %scan3A_210, %mul3A_1427 : i32
          %add3A_1429 = arith.constant 14 : i32
          %add3A_1430 = arith.addi %mul3A_1428, %add3A_1429 : i32
          %mul3A_1431 = arith.constant 16 : i32
          %mul3A_1432 = arith.muli %scan3A_193, %mul3A_1431 : i32
          %get3A_1433 = arith.constant 1 : i32
          %get3A_1434 = arith.index_cast %get3A_1433 : i32 to index
          %get3A_1435 = arith.index_cast %add3A_1430 : i32 to index
          %get3A_1436 = arith.index_cast %mul3A_1432 : i32 to index
          %get3A_1437 = tpu.vector_load %arg7[%get3A_1434, %get3A_1435, %get3A_1436] {strides = array<i32>} : memref<2x128x128xf32, #tpu.memory_space<vmem>>, vector<1x1x16xf32>,
          %get3A_1438 = vector.shape_cast %get3A_1437 : vector<1x1x16xf32> to vector<16xf32>
          %mul3A_1439 = arith.mulf %get3A_1438, %select_n3A_1204 : vector<16xf32>
          %add3A_1440 = arith.addf %add3A_1426, %mul3A_1439 : vector<16xf32>
          %mul3A_1441 = arith.constant 16 : i32
          %mul3A_1442 = arith.muli %scan3A_210, %mul3A_1441 : i32
          %add3A_1443 = arith.constant 15 : i32
          %add3A_1444 = arith.addi %mul3A_1442, %add3A_1443 : i32
          %mul3A_1445 = arith.constant 16 : i32
          %mul3A_1446 = arith.muli %scan3A_193, %mul3A_1445 : i32
          %get3A_1447 = arith.constant 1 : i32
          %get3A_1448 = arith.index_cast %get3A_1447 : i32 to index
          %get3A_1449 = arith.index_cast %add3A_1444 : i32 to index
          %get3A_1450 = arith.index_cast %mul3A_1446 : i32 to index
          %get3A_1451 = tpu.vector_load %arg7[%get3A_1448, %get3A_1449, %get3A_1450] {strides = array<i32>} : memref<2x128x128xf32, #tpu.memory_space<vmem>>, vector<1x1x16xf32>,
          %get3A_1452 = vector.shape_cast %get3A_1451 : vector<1x1x16xf32> to vector<16xf32>
          %mul3A_1453 = arith.mulf %get3A_1452, %select_n3A_1230 : vector<16xf32>
          %add3A_1454 = arith.addf %add3A_1440, %mul3A_1453 : vector<16xf32>
          scf.yield %add3A_1454 : vector<16xf32>
        }
        %scan3A_203 = arith.constant 8 : i32
        %mul3A_204 = arith.constant 16 : i32
        %mul3A_205 = arith.muli %scan3A_193, %mul3A_204 : i32
        %swap3A_206 = arith.index_cast %mul3A_205 : i32 to index
        %swap3A_207 = tpu.vector_load %arg9[%swap3A_206] {strides = array<i32>} : memref<128xf32, #tpu.memory_space<vmem>>, vector<16xf32>,
        %swap3A_208 = vector.shape_cast %swap3A_207 : vector<16xf32> to vector<16xf32>
        %swap3A_209 = vector.shape_cast %scan3A_202 : vector<16xf32> to vector<16xf32>
        tpu.vector_store %arg9[%swap3A_206], %swap3A_209 {strides = array<i32>} : memref<128xf32, #tpu.memory_space<vmem>>, vector<16xf32>,
      }
      %scan3A_192 = arith.constant 8 : i32
    }
    %scan3A_57 = arith.constant 3 : i32
    %dma_wait3A = arith.constant 0 : i32
    %dma_wait3A_58 = arith.constant 0 : i32
    %dma_wait3A_59 = arith.constant 0 : i32
    %dma_wait3A_60 = tpu.memref_slice %arg7[%dma_wait3A, %dma_wait3A_58, %dma_wait3A_59] : memref<2x128x128xf32, #tpu.memory_space<vmem>> -> memref<1x128x128xf32, #tpu.memory_space<vmem>>
    %dma_wait3A_61 = tpu.memref_squeeze %dma_wait3A_60 : memref<1x128x128xf32, #tpu.memory_space<vmem>> -> memref<128x128xf32, #tpu.memory_space<vmem>>
    %dma_wait3A_62 = arith.constant 0 : i32
    %dma_wait3A_63 = arith.constant 0 : i32
    %dma_wait3A_64 = tpu.memref_slice %arg2[%dma_wait3A_62, %dma_wait3A_63] : memref<1000x16384xf32, #tpu.memory_space<hbm>> -> memref<128x128xf32, #tpu.memory_space<hbm>>
    %dma_wait3A_65 = arith.constant 0 : i32
    %dma_wait3A_66 = arith.constant 0 : i32
    %dma_wait3A_67 = tpu.memref_slice %arg7[%dma_wait3A, %dma_wait3A_65, %dma_wait3A_66] : memref<2x128x128xf32, #tpu.memory_space<vmem>> -> memref<1x128x128xf32, #tpu.memory_space<vmem>>
    %dma_wait3A_68 = tpu.memref_squeeze %dma_wait3A_67 : memref<1x128x128xf32, #tpu.memory_space<vmem>> -> memref<128x128xf32, #tpu.memory_space<vmem>>
    %dma_wait3A_69 = arith.constant 0 : i32
    %dma_wait3A_70 = arith.constant 0 : i32
    %dma_wait3A_71 = tpu.memref_slice %arg2[%dma_wait3A_69, %dma_wait3A_70] : memref<1000x16384xf32, #tpu.memory_space<hbm>> -> memref<128x128xf32, #tpu.memory_space<hbm>>
    tpu.wait_dma2 semaphore(%arg10 : memref<!tpu.dma_semaphore, #tpu.memory_space<semaphore_mem>>) src(%dma_wait3A_71 : memref<128x128xf32, #tpu.memory_space<hbm>>) dst(%dma_wait3A_68 : memref<128x128xf32, #tpu.memory_space<vmem>>)
    %dma_wait3A_72 = arith.constant 0 : i32
    %dma_wait3A_73 = arith.constant 0 : i32
    %dma_wait3A_74 = arith.constant 0 : i32
    %dma_wait3A_75 = tpu.memref_slice %arg8[%dma_wait3A_72, %dma_wait3A_73, %dma_wait3A_74] : memref<2x128x128xf32, #tpu.memory_space<vmem>> -> memref<1x128x128xf32, #tpu.memory_space<vmem>>
    %dma_wait3A_76 = tpu.memref_squeeze %dma_wait3A_75 : memref<1x128x128xf32, #tpu.memory_space<vmem>> -> memref<128x128xf32, #tpu.memory_space<vmem>>
    %dma_wait3A_77 = arith.constant 0 : i32
    %dma_wait3A_78 = arith.constant 0 : i32
    %dma_wait3A_79 = tpu.memref_slice %arg4[%dma_wait3A_77, %dma_wait3A_78] : memref<1000x1000xf32, #tpu.memory_space<hbm>> -> memref<1000x128xf32, #tpu.memory_space<hbm>>
    tpu.wait_indirect_dma semaphore(%arg12 : memref<!tpu.dma_semaphore, #tpu.memory_space<semaphore_mem>>) src(%dma_wait3A_79 : memref<1000x128xf32, #tpu.memory_space<hbm>>) dst(%dma_wait3A_76 : memref<128x128xf32, #tpu.memory_space<vmem>>)
    %scan3A_80 = arith.constant 0 : i32
    %scan3A_81 = arith.constant 0 : i32
    %scan3A_82 = arith.constant 8 : i32
    %scan3A_83 = arith.addi %scan3A_81, %scan3A_82 : i32
    %scan3A_84 = arith.constant 1 : i32
    scf.for %scan3A_86 = %scan3A_81 to %scan3A_83 step %scan3A_84  : i32 {
      %mul3A_87 = arith.constant 16 : i32
      %mul3A_88 = arith.muli %scan3A_86, %mul3A_87 : i32
      %get3A = arith.index_cast %mul3A_88 : i32 to index
      %get3A_89 = tpu.vector_load %arg9[%get3A] {strides = array<i32>} : memref<128xf32, #tpu.memory_space<vmem>>, vector<16xf32>,
      %get3A_90 = vector.shape_cast %get3A_89 : vector<16xf32> to vector<16xf32>
      %scan3A_91 = arith.constant 0 : i32
      %scan3A_92 = arith.constant 8 : i32
      %scan3A_93 = arith.addi %scan3A_91, %scan3A_92 : i32
      %scan3A_94 = arith.constant 1 : i32
      %scan3A_95 = scf.for %scan3A_103 = %scan3A_91 to %scan3A_93 step %scan3A_94 iter_args(%scan3A_104 = %get3A_90) -> (vector<16xf32>)  : i32 {
        %mul3A_105 = arith.constant 16 : i32
        %mul3A_106 = arith.muli %scan3A_86, %mul3A_105 : i32
        %add3A_107 = arith.constant 0 : i32
        %add3A_108 = arith.addi %mul3A_106, %add3A_107 : i32
        %mul3A_109 = arith.constant 16 : i32
        %mul3A_110 = arith.muli %scan3A_103, %mul3A_109 : i32
        %get3A_111 = arith.constant 0 : i32
        %get3A_112 = arith.index_cast %get3A_111 : i32 to index
        %get3A_113 = arith.index_cast %add3A_108 : i32 to index
        %get3A_114 = arith.index_cast %mul3A_110 : i32 to index
        %get3A_115 = tpu.vector_load %arg8[%get3A_112, %get3A_113, %get3A_114] {strides = array<i32>} : memref<2x128x128xf32, #tpu.memory_space<vmem>>, vector<1x1x16xf32>,
        %get3A_116 = vector.shape_cast %get3A_115 : vector<1x1x16xf32> to vector<16xf32>
        %mul3A_117 = arith.constant 16 : i32
        %mul3A_118 = arith.muli %scan3A_86, %mul3A_117 : i32
        %add3A_119 = arith.constant 1 : i32
        %add3A_120 = arith.addi %mul3A_118, %add3A_119 : i32
        %mul3A_121 = arith.constant 16 : i32
        %mul3A_122 = arith.muli %scan3A_103, %mul3A_121 : i32
        %get3A_123 = arith.constant 0 : i32
        %get3A_124 = arith.index_cast %get3A_123 : i32 to index
        %get3A_125 = arith.index_cast %add3A_120 : i32 to index
        %get3A_126 = arith.index_cast %mul3A_122 : i32 to index
        %get3A_127 = tpu.vector_load %arg8[%get3A_124, %get3A_125, %get3A_126] {strides = array<i32>} : memref<2x128x128xf32, #tpu.memory_space<vmem>>, vector<1x1x16xf32>,
        %get3A_128 = vector.shape_cast %get3A_127 : vector<1x1x16xf32> to vector<16xf32>
        %mul3A_129 = arith.constant 16 : i32
        %mul3A_130 = arith.muli %scan3A_86, %mul3A_129 : i32
        %add3A_131 = arith.constant 2 : i32
        %add3A_132 = arith.addi %mul3A_130, %add3A_131 : i32
        %mul3A_133 = arith.constant 16 : i32
        %mul3A_134 = arith.muli %scan3A_103, %mul3A_133 : i32
        %get3A_135 = arith.constant 0 : i32
        %get3A_136 = arith.index_cast %get3A_135 : i32 to index
        %get3A_137 = arith.index_cast %add3A_132 : i32 to index
        %get3A_138 = arith.index_cast %mul3A_134 : i32 to index
        %get3A_139 = tpu.vector_load %arg8[%get3A_136, %get3A_137, %get3A_138] {strides = array<i32>} : memref<2x128x128xf32, #tpu.memory_space<vmem>>, vector<1x1x16xf32>,
        %get3A_140 = vector.shape_cast %get3A_139 : vector<1x1x16xf32> to vector<16xf32>
        %mul3A_141 = arith.constant 16 : i32
        %mul3A_142 = arith.muli %scan3A_86, %mul3A_141 : i32
        %add3A_143 = arith.constant 3 : i32
        %add3A_144 = arith.addi %mul3A_142, %add3A_143 : i32
        %mul3A_145 = arith.constant 16 : i32
        %mul3A_146 = arith.muli %scan3A_103, %mul3A_145 : i32
        %get3A_147 = arith.constant 0 : i32
        %get3A_148 = arith.index_cast %get3A_147 : i32 to index
        %get3A_149 = arith.index_cast %add3A_144 : i32 to index
        %get3A_150 = arith.index_cast %mul3A_146 : i32 to index
        %get3A_151 = tpu.vector_load %arg8[%get3A_148, %get3A_149, %get3A_150] {strides = array<i32>} : memref<2x128x128xf32, #tpu.memory_space<vmem>>, vector<1x1x16xf32>,
        %get3A_152 = vector.shape_cast %get3A_151 : vector<1x1x16xf32> to vector<16xf32>
        %mul3A_153 = arith.constant 16 : i32
        %mul3A_154 = arith.muli %scan3A_86, %mul3A_153 : i32
        %add3A_155 = arith.constant 4 : i32
        %add3A_156 = arith.addi %mul3A_154, %add3A_155 : i32
        %mul3A_157 = arith.constant 16 : i32
        %mul3A_158 = arith.muli %scan3A_103, %mul3A_157 : i32
        %get3A_159 = arith.constant 0 : i32
        %get3A_160 = arith.index_cast %get3A_159 : i32 to index
        %get3A_161 = arith.index_cast %add3A_156 : i32 to index
        %get3A_162 = arith.index_cast %mul3A_158 : i32 to index
        %get3A_163 = tpu.vector_load %arg8[%get3A_160, %get3A_161, %get3A_162] {strides = array<i32>} : memref<2x128x128xf32, #tpu.memory_space<vmem>>, vector<1x1x16xf32>,
        %get3A_164 = vector.shape_cast %get3A_163 : vector<1x1x16xf32> to vector<16xf32>
        %mul3A_165 = arith.constant 16 : i32
        %mul3A_166 = arith.muli %scan3A_86, %mul3A_165 : i32
        %add3A_167 = arith.constant 5 : i32
        %add3A_168 = arith.addi %mul3A_166, %add3A_167 : i32
        %mul3A_169 = arith.constant 16 : i32
        %mul3A_170 = arith.muli %scan3A_103, %mul3A_169 : i32
        %get3A_171 = arith.constant 0 : i32
        %get3A_172 = arith.index_cast %get3A_171 : i32 to index
        %get3A_173 = arith.index_cast %add3A_168 : i32 to index
        %get3A_174 = arith.index_cast %mul3A_170 : i32 to index
        %get3A_175 = tpu.vector_load %arg8[%get3A_172, %get3A_173, %get3A_174] {strides = array<i32>} : memref<2x128x128xf32, #tpu.memory_space<vmem>>, vector<1x1x16xf32>,
        %get3A_176 = vector.shape_cast %get3A_175 : vector<1x1x16xf32> to vector<16xf32>
        %mul3A_177 = arith.constant 16 : i32
        %mul3A_178 = arith.muli %scan3A_86, %mul3A_177 : i32
        %add3A_179 = arith.constant 6 : i32
        %add3A_180 = arith.addi %mul3A_178, %add3A_179 : i32
        %mul3A_181 = arith.constant 16 : i32
        %mul3A_182 = arith.muli %scan3A_103, %mul3A_181 : i32
        %get3A_183 = arith.constant 0 : i32
        %get3A_184 = arith.index_cast %get3A_183 : i32 to index
        %get3A_185 = arith.index_cast %add3A_180 : i32 to index
        %get3A_186 = arith.index_cast %mul3A_182 : i32 to index
        %get3A_187 = tpu.vector_load %arg8[%get3A_184, %get3A_185, %get3A_186] {strides = array<i32>} : memref<2x128x128xf32, #tpu.memory_space<vmem>>, vector<1x1x16xf32>,
        %get3A_188 = vector.shape_cast %get3A_187 : vector<1x1x16xf32> to vector<16xf32>
        %mul3A_189 = arith.constant 16 : i32
        %mul3A_190 = arith.muli %scan3A_86, %mul3A_189 : i32
        %add3A_191 = arith.constant 7 : i32
        %add3A_192 = arith.addi %mul3A_190, %add3A_191 : i32
        %mul3A_193 = arith.constant 16 : i32
        %mul3A_194 = arith.muli %scan3A_103, %mul3A_193 : i32
        %get3A_195 = arith.constant 0 : i32
        %get3A_196 = arith.index_cast %get3A_195 : i32 to index
        %get3A_197 = arith.index_cast %add3A_192 : i32 to index
        %get3A_198 = arith.index_cast %mul3A_194 : i32 to index
        %get3A_199 = tpu.vector_load %arg8[%get3A_196, %get3A_197, %get3A_198] {strides = array<i32>} : memref<2x128x128xf32, #tpu.memory_space<vmem>>, vector<1x1x16xf32>,
        %get3A_200 = vector.shape_cast %get3A_199 : vector<1x1x16xf32> to vector<16xf32>
        %mul3A_201 = arith.constant 16 : i32
        %mul3A_202 = arith.muli %scan3A_86, %mul3A_201 : i32
        %add3A_203 = arith.constant 8 : i32
        %add3A_204 = arith.addi %mul3A_202, %add3A_203 : i32
        %mul3A_205 = arith.constant 16 : i32
        %mul3A_206 = arith.muli %scan3A_103, %mul3A_205 : i32
        %get3A_207 = arith.constant 0 : i32
        %get3A_208 = arith.index_cast %get3A_207 : i32 to index
        %get3A_209 = arith.index_cast %add3A_204 : i32 to index
        %get3A_210 = arith.index_cast %mul3A_206 : i32 to index
        %get3A_211 = tpu.vector_load %arg8[%get3A_208, %get3A_209, %get3A_210] {strides = array<i32>} : memref<2x128x128xf32, #tpu.memory_space<vmem>>, vector<1x1x16xf32>,
        %get3A_212 = vector.shape_cast %get3A_211 : vector<1x1x16xf32> to vector<16xf32>
        %mul3A_213 = arith.constant 16 : i32
        %mul3A_214 = arith.muli %scan3A_86, %mul3A_213 : i32
        %add3A_215 = arith.constant 9 : i32
        %add3A_216 = arith.addi %mul3A_214, %add3A_215 : i32
        %mul3A_217 = arith.constant 16 : i32
        %mul3A_218 = arith.muli %scan3A_103, %mul3A_217 : i32
        %get3A_219 = arith.constant 0 : i32
        %get3A_220 = arith.index_cast %get3A_219 : i32 to index
        %get3A_221 = arith.index_cast %add3A_216 : i32 to index
        %get3A_222 = arith.index_cast %mul3A_218 : i32 to index
        %get3A_223 = tpu.vector_load %arg8[%get3A_220, %get3A_221, %get3A_222] {strides = array<i32>} : memref<2x128x128xf32, #tpu.memory_space<vmem>>, vector<1x1x16xf32>,
        %get3A_224 = vector.shape_cast %get3A_223 : vector<1x1x16xf32> to vector<16xf32>
        %mul3A_225 = arith.constant 16 : i32
        %mul3A_226 = arith.muli %scan3A_86, %mul3A_225 : i32
        %add3A_227 = arith.constant 10 : i32
        %add3A_228 = arith.addi %mul3A_226, %add3A_227 : i32
        %mul3A_229 = arith.constant 16 : i32
        %mul3A_230 = arith.muli %scan3A_103, %mul3A_229 : i32
        %get3A_231 = arith.constant 0 : i32
        %get3A_232 = arith.index_cast %get3A_231 : i32 to index
        %get3A_233 = arith.index_cast %add3A_228 : i32 to index
        %get3A_234 = arith.index_cast %mul3A_230 : i32 to index
        %get3A_235 = tpu.vector_load %arg8[%get3A_232, %get3A_233, %get3A_234] {strides = array<i32>} : memref<2x128x128xf32, #tpu.memory_space<vmem>>, vector<1x1x16xf32>,
        %get3A_236 = vector.shape_cast %get3A_235 : vector<1x1x16xf32> to vector<16xf32>
        %mul3A_237 = arith.constant 16 : i32
        %mul3A_238 = arith.muli %scan3A_86, %mul3A_237 : i32
        %add3A_239 = arith.constant 11 : i32
        %add3A_240 = arith.addi %mul3A_238, %add3A_239 : i32
        %mul3A_241 = arith.constant 16 : i32
        %mul3A_242 = arith.muli %scan3A_103, %mul3A_241 : i32
        %get3A_243 = arith.constant 0 : i32
        %get3A_244 = arith.index_cast %get3A_243 : i32 to index
        %get3A_245 = arith.index_cast %add3A_240 : i32 to index
        %get3A_246 = arith.index_cast %mul3A_242 : i32 to index
        %get3A_247 = tpu.vector_load %arg8[%get3A_244, %get3A_245, %get3A_246] {strides = array<i32>} : memref<2x128x128xf32, #tpu.memory_space<vmem>>, vector<1x1x16xf32>,
        %get3A_248 = vector.shape_cast %get3A_247 : vector<1x1x16xf32> to vector<16xf32>
        %mul3A_249 = arith.constant 16 : i32
        %mul3A_250 = arith.muli %scan3A_86, %mul3A_249 : i32
        %add3A_251 = arith.constant 12 : i32
        %add3A_252 = arith.addi %mul3A_250, %add3A_251 : i32
        %mul3A_253 = arith.constant 16 : i32
        %mul3A_254 = arith.muli %scan3A_103, %mul3A_253 : i32
        %get3A_255 = arith.constant 0 : i32
        %get3A_256 = arith.index_cast %get3A_255 : i32 to index
        %get3A_257 = arith.index_cast %add3A_252 : i32 to index
        %get3A_258 = arith.index_cast %mul3A_254 : i32 to index
        %get3A_259 = tpu.vector_load %arg8[%get3A_256, %get3A_257, %get3A_258] {strides = array<i32>} : memref<2x128x128xf32, #tpu.memory_space<vmem>>, vector<1x1x16xf32>,
        %get3A_260 = vector.shape_cast %get3A_259 : vector<1x1x16xf32> to vector<16xf32>
        %mul3A_261 = arith.constant 16 : i32
        %mul3A_262 = arith.muli %scan3A_86, %mul3A_261 : i32
        %add3A_263 = arith.constant 13 : i32
        %add3A_264 = arith.addi %mul3A_262, %add3A_263 : i32
        %mul3A_265 = arith.constant 16 : i32
        %mul3A_266 = arith.muli %scan3A_103, %mul3A_265 : i32
        %get3A_267 = arith.constant 0 : i32
        %get3A_268 = arith.index_cast %get3A_267 : i32 to index
        %get3A_269 = arith.index_cast %add3A_264 : i32 to index
        %get3A_270 = arith.index_cast %mul3A_266 : i32 to index
        %get3A_271 = tpu.vector_load %arg8[%get3A_268, %get3A_269, %get3A_270] {strides = array<i32>} : memref<2x128x128xf32, #tpu.memory_space<vmem>>, vector<1x1x16xf32>,
        %get3A_272 = vector.shape_cast %get3A_271 : vector<1x1x16xf32> to vector<16xf32>
        %mul3A_273 = arith.constant 16 : i32
        %mul3A_274 = arith.muli %scan3A_86, %mul3A_273 : i32
        %add3A_275 = arith.constant 14 : i32
        %add3A_276 = arith.addi %mul3A_274, %add3A_275 : i32
        %mul3A_277 = arith.constant 16 : i32
        %mul3A_278 = arith.muli %scan3A_103, %mul3A_277 : i32
        %get3A_279 = arith.constant 0 : i32
        %get3A_280 = arith.index_cast %get3A_279 : i32 to index
        %get3A_281 = arith.index_cast %add3A_276 : i32 to index
        %get3A_282 = arith.index_cast %mul3A_278 : i32 to index
        %get3A_283 = tpu.vector_load %arg8[%get3A_280, %get3A_281, %get3A_282] {strides = array<i32>} : memref<2x128x128xf32, #tpu.memory_space<vmem>>, vector<1x1x16xf32>,
        %get3A_284 = vector.shape_cast %get3A_283 : vector<1x1x16xf32> to vector<16xf32>
        %mul3A_285 = arith.constant 16 : i32
        %mul3A_286 = arith.muli %scan3A_86, %mul3A_285 : i32
        %add3A_287 = arith.constant 15 : i32
        %add3A_288 = arith.addi %mul3A_286, %add3A_287 : i32
        %mul3A_289 = arith.constant 16 : i32
        %mul3A_290 = arith.muli %scan3A_103, %mul3A_289 : i32
        %get3A_291 = arith.constant 0 : i32
        %get3A_292 = arith.index_cast %get3A_291 : i32 to index
        %get3A_293 = arith.index_cast %add3A_288 : i32 to index
        %get3A_294 = arith.index_cast %mul3A_290 : i32 to index
        %get3A_295 = tpu.vector_load %arg8[%get3A_292, %get3A_293, %get3A_294] {strides = array<i32>} : memref<2x128x128xf32, #tpu.memory_space<vmem>>, vector<1x1x16xf32>,
        %get3A_296 = vector.shape_cast %get3A_295 : vector<1x1x16xf32> to vector<16xf32>
        %xor3A = arith.constant 1 : i32
        %xor3A_297 = vector.broadcast %xor3A : i32 to vector<16xi32>
        %xor3A_298 = arith.xori %iota3A, %xor3A_297 : vector<16xi32>
        %broadcast_in_dim3A_299 = vector.shape_cast %xor3A_298 : vector<16xi32> to vector<16x1xi32>
        %gather3A = vector.shape_cast %broadcast_in_dim3A_299 : vector<16x1xi32> to vector<16xi32>
        %gather3A_300 = tpu.dynamic_gather %get3A_116[%gather3A] in [0] : vector<16xf32>, vector<16xi32> -> vector<16xf32>
        %xor3A_301 = arith.constant 1 : i32
        %xor3A_302 = vector.broadcast %xor3A_301 : i32 to vector<16xi32>
        %xor3A_303 = arith.xori %iota3A, %xor3A_302 : vector<16xi32>
        %broadcast_in_dim3A_304 = vector.shape_cast %xor3A_303 : vector<16xi32> to vector<16x1xi32>
        %gather3A_305 = vector.shape_cast %broadcast_in_dim3A_304 : vector<16x1xi32> to vector<16xi32>
        %gather3A_306 = tpu.dynamic_gather %get3A_128[%gather3A_305] in [0] : vector<16xf32>, vector<16xi32> -> vector<16xf32>
        %and3A = arith.constant 1 : i32
        %and3A_307 = vector.broadcast %and3A : i32 to vector<16xi32>
        %and3A_308 = arith.andi %iota3A, %and3A_307 : vector<16xi32>
        %eq3A = arith.constant 0 : i32
        %eq3A_309 = vector.broadcast %eq3A : i32 to vector<16xi32>
        %eq3A_310 = arith.cmpi eq, %and3A_308, %eq3A_309 : vector<16xi32>
        %select_n3A = arith.select %eq3A_310, %get3A_116, %gather3A_306 : vector<16xi1>, vector<16xf32>
        %and3A_311 = arith.constant 1 : i32
        %and3A_312 = vector.broadcast %and3A_311 : i32 to vector<16xi32>
        %and3A_313 = arith.andi %iota3A, %and3A_312 : vector<16xi32>
        %eq3A_314 = arith.constant 0 : i32
        %eq3A_315 = vector.broadcast %eq3A_314 : i32 to vector<16xi32>
        %eq3A_316 = arith.cmpi eq, %and3A_313, %eq3A_315 : vector<16xi32>
        %select_n3A_317 = arith.select %eq3A_316, %gather3A_300, %get3A_128 : vector<16xi1>, vector<16xf32>
        %xor3A_318 = arith.constant 1 : i32
        %xor3A_319 = vector.broadcast %xor3A_318 : i32 to vector<16xi32>
        %xor3A_320 = arith.xori %iota3A, %xor3A_319 : vector<16xi32>
        %broadcast_in_dim3A_321 = vector.shape_cast %xor3A_320 : vector<16xi32> to vector<16x1xi32>
        %gather3A_322 = vector.shape_cast %broadcast_in_dim3A_321 : vector<16x1xi32> to vector<16xi32>
        %gather3A_323 = tpu.dynamic_gather %get3A_140[%gather3A_322] in [0] : vector<16xf32>, vector<16xi32> -> vector<16xf32>
        %xor3A_324 = arith.constant 1 : i32
        %xor3A_325 = vector.broadcast %xor3A_324 : i32 to vector<16xi32>
        %xor3A_326 = arith.xori %iota3A, %xor3A_325 : vector<16xi32>
        %broadcast_in_dim3A_327 = vector.shape_cast %xor3A_326 : vector<16xi32> to vector<16x1xi32>
        %gather3A_328 = vector.shape_cast %broadcast_in_dim3A_327 : vector<16x1xi32> to vector<16xi32>
        %gather3A_329 = tpu.dynamic_gather %get3A_152[%gather3A_328] in [0] : vector<16xf32>, vector<16xi32> -> vector<16xf32>
        %and3A_330 = arith.constant 1 : i32
        %and3A_331 = vector.broadcast %and3A_330 : i32 to vector<16xi32>
        %and3A_332 = arith.andi %iota3A, %and3A_331 : vector<16xi32>
        %eq3A_333 = arith.constant 0 : i32
        %eq3A_334 = vector.broadcast %eq3A_333 : i32 to vector<16xi32>
        %eq3A_335 = arith.cmpi eq, %and3A_332, %eq3A_334 : vector<16xi32>
        %select_n3A_336 = arith.select %eq3A_335, %get3A_140, %gather3A_329 : vector<16xi1>, vector<16xf32>
        %and3A_337 = arith.constant 1 : i32
        %and3A_338 = vector.broadcast %and3A_337 : i32 to vector<16xi32>
        %and3A_339 = arith.andi %iota3A, %and3A_338 : vector<16xi32>
        %eq3A_340 = arith.constant 0 : i32
        %eq3A_341 = vector.broadcast %eq3A_340 : i32 to vector<16xi32>
        %eq3A_342 = arith.cmpi eq, %and3A_339, %eq3A_341 : vector<16xi32>
        %select_n3A_343 = arith.select %eq3A_342, %gather3A_323, %get3A_152 : vector<16xi1>, vector<16xf32>
        %xor3A_344 = arith.constant 1 : i32
        %xor3A_345 = vector.broadcast %xor3A_344 : i32 to vector<16xi32>
        %xor3A_346 = arith.xori %iota3A, %xor3A_345 : vector<16xi32>
        %broadcast_in_dim3A_347 = vector.shape_cast %xor3A_346 : vector<16xi32> to vector<16x1xi32>
        %gather3A_348 = vector.shape_cast %broadcast_in_dim3A_347 : vector<16x1xi32> to vector<16xi32>
        %gather3A_349 = tpu.dynamic_gather %get3A_164[%gather3A_348] in [0] : vector<16xf32>, vector<16xi32> -> vector<16xf32>
        %xor3A_350 = arith.constant 1 : i32
        %xor3A_351 = vector.broadcast %xor3A_350 : i32 to vector<16xi32>
        %xor3A_352 = arith.xori %iota3A, %xor3A_351 : vector<16xi32>
        %broadcast_in_dim3A_353 = vector.shape_cast %xor3A_352 : vector<16xi32> to vector<16x1xi32>
        %gather3A_354 = vector.shape_cast %broadcast_in_dim3A_353 : vector<16x1xi32> to vector<16xi32>
        %gather3A_355 = tpu.dynamic_gather %get3A_176[%gather3A_354] in [0] : vector<16xf32>, vector<16xi32> -> vector<16xf32>
        %and3A_356 = arith.constant 1 : i32
        %and3A_357 = vector.broadcast %and3A_356 : i32 to vector<16xi32>
        %and3A_358 = arith.andi %iota3A, %and3A_357 : vector<16xi32>
        %eq3A_359 = arith.constant 0 : i32
        %eq3A_360 = vector.broadcast %eq3A_359 : i32 to vector<16xi32>
        %eq3A_361 = arith.cmpi eq, %and3A_358, %eq3A_360 : vector<16xi32>
        %select_n3A_362 = arith.select %eq3A_361, %get3A_164, %gather3A_355 : vector<16xi1>, vector<16xf32>
        %and3A_363 = arith.constant 1 : i32
        %and3A_364 = vector.broadcast %and3A_363 : i32 to vector<16xi32>
        %and3A_365 = arith.andi %iota3A, %and3A_364 : vector<16xi32>
        %eq3A_366 = arith.constant 0 : i32
        %eq3A_367 = vector.broadcast %eq3A_366 : i32 to vector<16xi32>
        %eq3A_368 = arith.cmpi eq, %and3A_365, %eq3A_367 : vector<16xi32>
        %select_n3A_369 = arith.select %eq3A_368, %gather3A_349, %get3A_176 : vector<16xi1>, vector<16xf32>
        %xor3A_370 = arith.constant 1 : i32
        %xor3A_371 = vector.broadcast %xor3A_370 : i32 to vector<16xi32>
        %xor3A_372 = arith.xori %iota3A, %xor3A_371 : vector<16xi32>
        %broadcast_in_dim3A_373 = vector.shape_cast %xor3A_372 : vector<16xi32> to vector<16x1xi32>
        %gather3A_374 = vector.shape_cast %broadcast_in_dim3A_373 : vector<16x1xi32> to vector<16xi32>
        %gather3A_375 = tpu.dynamic_gather %get3A_188[%gather3A_374] in [0] : vector<16xf32>, vector<16xi32> -> vector<16xf32>
        %xor3A_376 = arith.constant 1 : i32
        %xor3A_377 = vector.broadcast %xor3A_376 : i32 to vector<16xi32>
        %xor3A_378 = arith.xori %iota3A, %xor3A_377 : vector<16xi32>
        %broadcast_in_dim3A_379 = vector.shape_cast %xor3A_378 : vector<16xi32> to vector<16x1xi32>
        %gather3A_380 = vector.shape_cast %broadcast_in_dim3A_379 : vector<16x1xi32> to vector<16xi32>
        %gather3A_381 = tpu.dynamic_gather %get3A_200[%gather3A_380] in [0] : vector<16xf32>, vector<16xi32> -> vector<16xf32>
        %and3A_382 = arith.constant 1 : i32
        %and3A_383 = vector.broadcast %and3A_382 : i32 to vector<16xi32>
        %and3A_384 = arith.andi %iota3A, %and3A_383 : vector<16xi32>
        %eq3A_385 = arith.constant 0 : i32
        %eq3A_386 = vector.broadcast %eq3A_385 : i32 to vector<16xi32>
        %eq3A_387 = arith.cmpi eq, %and3A_384, %eq3A_386 : vector<16xi32>
        %select_n3A_388 = arith.select %eq3A_387, %get3A_188, %gather3A_381 : vector<16xi1>, vector<16xf32>
        %and3A_389 = arith.constant 1 : i32
        %and3A_390 = vector.broadcast %and3A_389 : i32 to vector<16xi32>
        %and3A_391 = arith.andi %iota3A, %and3A_390 : vector<16xi32>
        %eq3A_392 = arith.constant 0 : i32
        %eq3A_393 = vector.broadcast %eq3A_392 : i32 to vector<16xi32>
        %eq3A_394 = arith.cmpi eq, %and3A_391, %eq3A_393 : vector<16xi32>
        %select_n3A_395 = arith.select %eq3A_394, %gather3A_375, %get3A_200 : vector<16xi1>, vector<16xf32>
        %xor3A_396 = arith.constant 1 : i32
        %xor3A_397 = vector.broadcast %xor3A_396 : i32 to vector<16xi32>
        %xor3A_398 = arith.xori %iota3A, %xor3A_397 : vector<16xi32>
        %broadcast_in_dim3A_399 = vector.shape_cast %xor3A_398 : vector<16xi32> to vector<16x1xi32>
        %gather3A_400 = vector.shape_cast %broadcast_in_dim3A_399 : vector<16x1xi32> to vector<16xi32>
        %gather3A_401 = tpu.dynamic_gather %get3A_212[%gather3A_400] in [0] : vector<16xf32>, vector<16xi32> -> vector<16xf32>
        %xor3A_402 = arith.constant 1 : i32
        %xor3A_403 = vector.broadcast %xor3A_402 : i32 to vector<16xi32>
        %xor3A_404 = arith.xori %iota3A, %xor3A_403 : vector<16xi32>
        %broadcast_in_dim3A_405 = vector.shape_cast %xor3A_404 : vector<16xi32> to vector<16x1xi32>
        %gather3A_406 = vector.shape_cast %broadcast_in_dim3A_405 : vector<16x1xi32> to vector<16xi32>
        %gather3A_407 = tpu.dynamic_gather %get3A_224[%gather3A_406] in [0] : vector<16xf32>, vector<16xi32> -> vector<16xf32>
        %and3A_408 = arith.constant 1 : i32
        %and3A_409 = vector.broadcast %and3A_408 : i32 to vector<16xi32>
        %and3A_410 = arith.andi %iota3A, %and3A_409 : vector<16xi32>
        %eq3A_411 = arith.constant 0 : i32
        %eq3A_412 = vector.broadcast %eq3A_411 : i32 to vector<16xi32>
        %eq3A_413 = arith.cmpi eq, %and3A_410, %eq3A_412 : vector<16xi32>
        %select_n3A_414 = arith.select %eq3A_413, %get3A_212, %gather3A_407 : vector<16xi1>, vector<16xf32>
        %and3A_415 = arith.constant 1 : i32
        %and3A_416 = vector.broadcast %and3A_415 : i32 to vector<16xi32>
        %and3A_417 = arith.andi %iota3A, %and3A_416 : vector<16xi32>
        %eq3A_418 = arith.constant 0 : i32
        %eq3A_419 = vector.broadcast %eq3A_418 : i32 to vector<16xi32>
        %eq3A_420 = arith.cmpi eq, %and3A_417, %eq3A_419 : vector<16xi32>
        %select_n3A_421 = arith.select %eq3A_420, %gather3A_401, %get3A_224 : vector<16xi1>, vector<16xf32>
        %xor3A_422 = arith.constant 1 : i32
        %xor3A_423 = vector.broadcast %xor3A_422 : i32 to vector<16xi32>
        %xor3A_424 = arith.xori %iota3A, %xor3A_423 : vector<16xi32>
        %broadcast_in_dim3A_425 = vector.shape_cast %xor3A_424 : vector<16xi32> to vector<16x1xi32>
        %gather3A_426 = vector.shape_cast %broadcast_in_dim3A_425 : vector<16x1xi32> to vector<16xi32>
        %gather3A_427 = tpu.dynamic_gather %get3A_236[%gather3A_426] in [0] : vector<16xf32>, vector<16xi32> -> vector<16xf32>
        %xor3A_428 = arith.constant 1 : i32
        %xor3A_429 = vector.broadcast %xor3A_428 : i32 to vector<16xi32>
        %xor3A_430 = arith.xori %iota3A, %xor3A_429 : vector<16xi32>
        %broadcast_in_dim3A_431 = vector.shape_cast %xor3A_430 : vector<16xi32> to vector<16x1xi32>
        %gather3A_432 = vector.shape_cast %broadcast_in_dim3A_431 : vector<16x1xi32> to vector<16xi32>
        %gather3A_433 = tpu.dynamic_gather %get3A_248[%gather3A_432] in [0] : vector<16xf32>, vector<16xi32> -> vector<16xf32>
        %and3A_434 = arith.constant 1 : i32
        %and3A_435 = vector.broadcast %and3A_434 : i32 to vector<16xi32>
        %and3A_436 = arith.andi %iota3A, %and3A_435 : vector<16xi32>
        %eq3A_437 = arith.constant 0 : i32
        %eq3A_438 = vector.broadcast %eq3A_437 : i32 to vector<16xi32>
        %eq3A_439 = arith.cmpi eq, %and3A_436, %eq3A_438 : vector<16xi32>
        %select_n3A_440 = arith.select %eq3A_439, %get3A_236, %gather3A_433 : vector<16xi1>, vector<16xf32>
        %and3A_441 = arith.constant 1 : i32
        %and3A_442 = vector.broadcast %and3A_441 : i32 to vector<16xi32>
        %and3A_443 = arith.andi %iota3A, %and3A_442 : vector<16xi32>
        %eq3A_444 = arith.constant 0 : i32
        %eq3A_445 = vector.broadcast %eq3A_444 : i32 to vector<16xi32>
        %eq3A_446 = arith.cmpi eq, %and3A_443, %eq3A_445 : vector<16xi32>
        %select_n3A_447 = arith.select %eq3A_446, %gather3A_427, %get3A_248 : vector<16xi1>, vector<16xf32>
        %xor3A_448 = arith.constant 1 : i32
        %xor3A_449 = vector.broadcast %xor3A_448 : i32 to vector<16xi32>
        %xor3A_450 = arith.xori %iota3A, %xor3A_449 : vector<16xi32>
        %broadcast_in_dim3A_451 = vector.shape_cast %xor3A_450 : vector<16xi32> to vector<16x1xi32>
        %gather3A_452 = vector.shape_cast %broadcast_in_dim3A_451 : vector<16x1xi32> to vector<16xi32>
        %gather3A_453 = tpu.dynamic_gather %get3A_260[%gather3A_452] in [0] : vector<16xf32>, vector<16xi32> -> vector<16xf32>
        %xor3A_454 = arith.constant 1 : i32
        %xor3A_455 = vector.broadcast %xor3A_454 : i32 to vector<16xi32>
        %xor3A_456 = arith.xori %iota3A, %xor3A_455 : vector<16xi32>
        %broadcast_in_dim3A_457 = vector.shape_cast %xor3A_456 : vector<16xi32> to vector<16x1xi32>
        %gather3A_458 = vector.shape_cast %broadcast_in_dim3A_457 : vector<16x1xi32> to vector<16xi32>
        %gather3A_459 = tpu.dynamic_gather %get3A_272[%gather3A_458] in [0] : vector<16xf32>, vector<16xi32> -> vector<16xf32>
        %and3A_460 = arith.constant 1 : i32
        %and3A_461 = vector.broadcast %and3A_460 : i32 to vector<16xi32>
        %and3A_462 = arith.andi %iota3A, %and3A_461 : vector<16xi32>
        %eq3A_463 = arith.constant 0 : i32
        %eq3A_464 = vector.broadcast %eq3A_463 : i32 to vector<16xi32>
        %eq3A_465 = arith.cmpi eq, %and3A_462, %eq3A_464 : vector<16xi32>
        %select_n3A_466 = arith.select %eq3A_465, %get3A_260, %gather3A_459 : vector<16xi1>, vector<16xf32>
        %and3A_467 = arith.constant 1 : i32
        %and3A_468 = vector.broadcast %and3A_467 : i32 to vector<16xi32>
        %and3A_469 = arith.andi %iota3A, %and3A_468 : vector<16xi32>
        %eq3A_470 = arith.constant 0 : i32
        %eq3A_471 = vector.broadcast %eq3A_470 : i32 to vector<16xi32>
        %eq3A_472 = arith.cmpi eq, %and3A_469, %eq3A_471 : vector<16xi32>
        %select_n3A_473 = arith.select %eq3A_472, %gather3A_453, %get3A_272 : vector<16xi1>, vector<16xf32>
        %xor3A_474 = arith.constant 1 : i32
        %xor3A_475 = vector.broadcast %xor3A_474 : i32 to vector<16xi32>
        %xor3A_476 = arith.xori %iota3A, %xor3A_475 : vector<16xi32>
        %broadcast_in_dim3A_477 = vector.shape_cast %xor3A_476 : vector<16xi32> to vector<16x1xi32>
        %gather3A_478 = vector.shape_cast %broadcast_in_dim3A_477 : vector<16x1xi32> to vector<16xi32>
        %gather3A_479 = tpu.dynamic_gather %get3A_284[%gather3A_478] in [0] : vector<16xf32>, vector<16xi32> -> vector<16xf32>
        %xor3A_480 = arith.constant 1 : i32
        %xor3A_481 = vector.broadcast %xor3A_480 : i32 to vector<16xi32>
        %xor3A_482 = arith.xori %iota3A, %xor3A_481 : vector<16xi32>
        %broadcast_in_dim3A_483 = vector.shape_cast %xor3A_482 : vector<16xi32> to vector<16x1xi32>
        %gather3A_484 = vector.shape_cast %broadcast_in_dim3A_483 : vector<16x1xi32> to vector<16xi32>
        %gather3A_485 = tpu.dynamic_gather %get3A_296[%gather3A_484] in [0] : vector<16xf32>, vector<16xi32> -> vector<16xf32>
        %and3A_486 = arith.constant 1 : i32
        %and3A_487 = vector.broadcast %and3A_486 : i32 to vector<16xi32>
        %and3A_488 = arith.andi %iota3A, %and3A_487 : vector<16xi32>
        %eq3A_489 = arith.constant 0 : i32
        %eq3A_490 = vector.broadcast %eq3A_489 : i32 to vector<16xi32>
        %eq3A_491 = arith.cmpi eq, %and3A_488, %eq3A_490 : vector<16xi32>
        %select_n3A_492 = arith.select %eq3A_491, %get3A_284, %gather3A_485 : vector<16xi1>, vector<16xf32>
        %and3A_493 = arith.constant 1 : i32
        %and3A_494 = vector.broadcast %and3A_493 : i32 to vector<16xi32>
        %and3A_495 = arith.andi %iota3A, %and3A_494 : vector<16xi32>
        %eq3A_496 = arith.constant 0 : i32
        %eq3A_497 = vector.broadcast %eq3A_496 : i32 to vector<16xi32>
        %eq3A_498 = arith.cmpi eq, %and3A_495, %eq3A_497 : vector<16xi32>
        %select_n3A_499 = arith.select %eq3A_498, %gather3A_479, %get3A_296 : vector<16xi1>, vector<16xf32>
        %xor3A_500 = arith.constant 2 : i32
        %xor3A_501 = vector.broadcast %xor3A_500 : i32 to vector<16xi32>
        %xor3A_502 = arith.xori %iota3A, %xor3A_501 : vector<16xi32>
        %broadcast_in_dim3A_503 = vector.shape_cast %xor3A_502 : vector<16xi32> to vector<16x1xi32>
        %gather3A_504 = vector.shape_cast %broadcast_in_dim3A_503 : vector<16x1xi32> to vector<16xi32>
        %gather3A_505 = tpu.dynamic_gather %select_n3A[%gather3A_504] in [0] : vector<16xf32>, vector<16xi32> -> vector<16xf32>
        %xor3A_506 = arith.constant 2 : i32
        %xor3A_507 = vector.broadcast %xor3A_506 : i32 to vector<16xi32>
        %xor3A_508 = arith.xori %iota3A, %xor3A_507 : vector<16xi32>
        %broadcast_in_dim3A_509 = vector.shape_cast %xor3A_508 : vector<16xi32> to vector<16x1xi32>
        %gather3A_510 = vector.shape_cast %broadcast_in_dim3A_509 : vector<16x1xi32> to vector<16xi32>
        %gather3A_511 = tpu.dynamic_gather %select_n3A_336[%gather3A_510] in [0] : vector<16xf32>, vector<16xi32> -> vector<16xf32>
        %and3A_512 = arith.constant 2 : i32
        %and3A_513 = vector.broadcast %and3A_512 : i32 to vector<16xi32>
        %and3A_514 = arith.andi %iota3A, %and3A_513 : vector<16xi32>
        %eq3A_515 = arith.constant 0 : i32
        %eq3A_516 = vector.broadcast %eq3A_515 : i32 to vector<16xi32>
        %eq3A_517 = arith.cmpi eq, %and3A_514, %eq3A_516 : vector<16xi32>
        %select_n3A_518 = arith.select %eq3A_517, %select_n3A, %gather3A_511 : vector<16xi1>, vector<16xf32>
        %and3A_519 = arith.constant 2 : i32
        %and3A_520 = vector.broadcast %and3A_519 : i32 to vector<16xi32>
        %and3A_521 = arith.andi %iota3A, %and3A_520 : vector<16xi32>
        %eq3A_522 = arith.constant 0 : i32
        %eq3A_523 = vector.broadcast %eq3A_522 : i32 to vector<16xi32>
        %eq3A_524 = arith.cmpi eq, %and3A_521, %eq3A_523 : vector<16xi32>
        %select_n3A_525 = arith.select %eq3A_524, %gather3A_505, %select_n3A_336 : vector<16xi1>, vector<16xf32>
        %xor3A_526 = arith.constant 2 : i32
        %xor3A_527 = vector.broadcast %xor3A_526 : i32 to vector<16xi32>
        %xor3A_528 = arith.xori %iota3A, %xor3A_527 : vector<16xi32>
        %broadcast_in_dim3A_529 = vector.shape_cast %xor3A_528 : vector<16xi32> to vector<16x1xi32>
        %gather3A_530 = vector.shape_cast %broadcast_in_dim3A_529 : vector<16x1xi32> to vector<16xi32>
        %gather3A_531 = tpu.dynamic_gather %select_n3A_317[%gather3A_530] in [0] : vector<16xf32>, vector<16xi32> -> vector<16xf32>
        %xor3A_532 = arith.constant 2 : i32
        %xor3A_533 = vector.broadcast %xor3A_532 : i32 to vector<16xi32>
        %xor3A_534 = arith.xori %iota3A, %xor3A_533 : vector<16xi32>
        %broadcast_in_dim3A_535 = vector.shape_cast %xor3A_534 : vector<16xi32> to vector<16x1xi32>
        %gather3A_536 = vector.shape_cast %broadcast_in_dim3A_535 : vector<16x1xi32> to vector<16xi32>
        %gather3A_537 = tpu.dynamic_gather %select_n3A_343[%gather3A_536] in [0] : vector<16xf32>, vector<16xi32> -> vector<16xf32>
        %and3A_538 = arith.constant 2 : i32
        %and3A_539 = vector.broadcast %and3A_538 : i32 to vector<16xi32>
        %and3A_540 = arith.andi %iota3A, %and3A_539 : vector<16xi32>
        %eq3A_541 = arith.constant 0 : i32
        %eq3A_542 = vector.broadcast %eq3A_541 : i32 to vector<16xi32>
        %eq3A_543 = arith.cmpi eq, %and3A_540, %eq3A_542 : vector<16xi32>
        %select_n3A_544 = arith.select %eq3A_543, %select_n3A_317, %gather3A_537 : vector<16xi1>, vector<16xf32>
        %and3A_545 = arith.constant 2 : i32
        %and3A_546 = vector.broadcast %and3A_545 : i32 to vector<16xi32>
        %and3A_547 = arith.andi %iota3A, %and3A_546 : vector<16xi32>
        %eq3A_548 = arith.constant 0 : i32
        %eq3A_549 = vector.broadcast %eq3A_548 : i32 to vector<16xi32>
        %eq3A_550 = arith.cmpi eq, %and3A_547, %eq3A_549 : vector<16xi32>
        %select_n3A_551 = arith.select %eq3A_550, %gather3A_531, %select_n3A_343 : vector<16xi1>, vector<16xf32>
        %xor3A_552 = arith.constant 2 : i32
        %xor3A_553 = vector.broadcast %xor3A_552 : i32 to vector<16xi32>
        %xor3A_554 = arith.xori %iota3A, %xor3A_553 : vector<16xi32>
        %broadcast_in_dim3A_555 = vector.shape_cast %xor3A_554 : vector<16xi32> to vector<16x1xi32>
        %gather3A_556 = vector.shape_cast %broadcast_in_dim3A_555 : vector<16x1xi32> to vector<16xi32>
        %gather3A_557 = tpu.dynamic_gather %select_n3A_362[%gather3A_556] in [0] : vector<16xf32>, vector<16xi32> -> vector<16xf32>
        %xor3A_558 = arith.constant 2 : i32
        %xor3A_559 = vector.broadcast %xor3A_558 : i32 to vector<16xi32>
        %xor3A_560 = arith.xori %iota3A, %xor3A_559 : vector<16xi32>
        %broadcast_in_dim3A_561 = vector.shape_cast %xor3A_560 : vector<16xi32> to vector<16x1xi32>
        %gather3A_562 = vector.shape_cast %broadcast_in_dim3A_561 : vector<16x1xi32> to vector<16xi32>
        %gather3A_563 = tpu.dynamic_gather %select_n3A_388[%gather3A_562] in [0] : vector<16xf32>, vector<16xi32> -> vector<16xf32>
        %and3A_564 = arith.constant 2 : i32
        %and3A_565 = vector.broadcast %and3A_564 : i32 to vector<16xi32>
        %and3A_566 = arith.andi %iota3A, %and3A_565 : vector<16xi32>
        %eq3A_567 = arith.constant 0 : i32
        %eq3A_568 = vector.broadcast %eq3A_567 : i32 to vector<16xi32>
        %eq3A_569 = arith.cmpi eq, %and3A_566, %eq3A_568 : vector<16xi32>
        %select_n3A_570 = arith.select %eq3A_569, %select_n3A_362, %gather3A_563 : vector<16xi1>, vector<16xf32>
        %and3A_571 = arith.constant 2 : i32
        %and3A_572 = vector.broadcast %and3A_571 : i32 to vector<16xi32>
        %and3A_573 = arith.andi %iota3A, %and3A_572 : vector<16xi32>
        %eq3A_574 = arith.constant 0 : i32
        %eq3A_575 = vector.broadcast %eq3A_574 : i32 to vector<16xi32>
        %eq3A_576 = arith.cmpi eq, %and3A_573, %eq3A_575 : vector<16xi32>
        %select_n3A_577 = arith.select %eq3A_576, %gather3A_557, %select_n3A_388 : vector<16xi1>, vector<16xf32>
        %xor3A_578 = arith.constant 2 : i32
        %xor3A_579 = vector.broadcast %xor3A_578 : i32 to vector<16xi32>
        %xor3A_580 = arith.xori %iota3A, %xor3A_579 : vector<16xi32>
        %broadcast_in_dim3A_581 = vector.shape_cast %xor3A_580 : vector<16xi32> to vector<16x1xi32>
        %gather3A_582 = vector.shape_cast %broadcast_in_dim3A_581 : vector<16x1xi32> to vector<16xi32>
        %gather3A_583 = tpu.dynamic_gather %select_n3A_369[%gather3A_582] in [0] : vector<16xf32>, vector<16xi32> -> vector<16xf32>
        %xor3A_584 = arith.constant 2 : i32
        %xor3A_585 = vector.broadcast %xor3A_584 : i32 to vector<16xi32>
        %xor3A_586 = arith.xori %iota3A, %xor3A_585 : vector<16xi32>
        %broadcast_in_dim3A_587 = vector.shape_cast %xor3A_586 : vector<16xi32> to vector<16x1xi32>
        %gather3A_588 = vector.shape_cast %broadcast_in_dim3A_587 : vector<16x1xi32> to vector<16xi32>
        %gather3A_589 = tpu.dynamic_gather %select_n3A_395[%gather3A_588] in [0] : vector<16xf32>, vector<16xi32> -> vector<16xf32>
        %and3A_590 = arith.constant 2 : i32
        %and3A_591 = vector.broadcast %and3A_590 : i32 to vector<16xi32>
        %and3A_592 = arith.andi %iota3A, %and3A_591 : vector<16xi32>
        %eq3A_593 = arith.constant 0 : i32
        %eq3A_594 = vector.broadcast %eq3A_593 : i32 to vector<16xi32>
        %eq3A_595 = arith.cmpi eq, %and3A_592, %eq3A_594 : vector<16xi32>
        %select_n3A_596 = arith.select %eq3A_595, %select_n3A_369, %gather3A_589 : vector<16xi1>, vector<16xf32>
        %and3A_597 = arith.constant 2 : i32
        %and3A_598 = vector.broadcast %and3A_597 : i32 to vector<16xi32>
        %and3A_599 = arith.andi %iota3A, %and3A_598 : vector<16xi32>
        %eq3A_600 = arith.constant 0 : i32
        %eq3A_601 = vector.broadcast %eq3A_600 : i32 to vector<16xi32>
        %eq3A_602 = arith.cmpi eq, %and3A_599, %eq3A_601 : vector<16xi32>
        %select_n3A_603 = arith.select %eq3A_602, %gather3A_583, %select_n3A_395 : vector<16xi1>, vector<16xf32>
        %xor3A_604 = arith.constant 2 : i32
        %xor3A_605 = vector.broadcast %xor3A_604 : i32 to vector<16xi32>
        %xor3A_606 = arith.xori %iota3A, %xor3A_605 : vector<16xi32>
        %broadcast_in_dim3A_607 = vector.shape_cast %xor3A_606 : vector<16xi32> to vector<16x1xi32>
        %gather3A_608 = vector.shape_cast %broadcast_in_dim3A_607 : vector<16x1xi32> to vector<16xi32>
        %gather3A_609 = tpu.dynamic_gather %select_n3A_414[%gather3A_608] in [0] : vector<16xf32>, vector<16xi32> -> vector<16xf32>
        %xor3A_610 = arith.constant 2 : i32
        %xor3A_611 = vector.broadcast %xor3A_610 : i32 to vector<16xi32>
        %xor3A_612 = arith.xori %iota3A, %xor3A_611 : vector<16xi32>
        %broadcast_in_dim3A_613 = vector.shape_cast %xor3A_612 : vector<16xi32> to vector<16x1xi32>
        %gather3A_614 = vector.shape_cast %broadcast_in_dim3A_613 : vector<16x1xi32> to vector<16xi32>
        %gather3A_615 = tpu.dynamic_gather %select_n3A_440[%gather3A_614] in [0] : vector<16xf32>, vector<16xi32> -> vector<16xf32>
        %and3A_616 = arith.constant 2 : i32
        %and3A_617 = vector.broadcast %and3A_616 : i32 to vector<16xi32>
        %and3A_618 = arith.andi %iota3A, %and3A_617 : vector<16xi32>
        %eq3A_619 = arith.constant 0 : i32
        %eq3A_620 = vector.broadcast %eq3A_619 : i32 to vector<16xi32>
        %eq3A_621 = arith.cmpi eq, %and3A_618, %eq3A_620 : vector<16xi32>
        %select_n3A_622 = arith.select %eq3A_621, %select_n3A_414, %gather3A_615 : vector<16xi1>, vector<16xf32>
        %and3A_623 = arith.constant 2 : i32
        %and3A_624 = vector.broadcast %and3A_623 : i32 to vector<16xi32>
        %and3A_625 = arith.andi %iota3A, %and3A_624 : vector<16xi32>
        %eq3A_626 = arith.constant 0 : i32
        %eq3A_627 = vector.broadcast %eq3A_626 : i32 to vector<16xi32>
        %eq3A_628 = arith.cmpi eq, %and3A_625, %eq3A_627 : vector<16xi32>
        %select_n3A_629 = arith.select %eq3A_628, %gather3A_609, %select_n3A_440 : vector<16xi1>, vector<16xf32>
        %xor3A_630 = arith.constant 2 : i32
        %xor3A_631 = vector.broadcast %xor3A_630 : i32 to vector<16xi32>
        %xor3A_632 = arith.xori %iota3A, %xor3A_631 : vector<16xi32>
        %broadcast_in_dim3A_633 = vector.shape_cast %xor3A_632 : vector<16xi32> to vector<16x1xi32>
        %gather3A_634 = vector.shape_cast %broadcast_in_dim3A_633 : vector<16x1xi32> to vector<16xi32>
        %gather3A_635 = tpu.dynamic_gather %select_n3A_421[%gather3A_634] in [0] : vector<16xf32>, vector<16xi32> -> vector<16xf32>
        %xor3A_636 = arith.constant 2 : i32
        %xor3A_637 = vector.broadcast %xor3A_636 : i32 to vector<16xi32>
        %xor3A_638 = arith.xori %iota3A, %xor3A_637 : vector<16xi32>
        %broadcast_in_dim3A_639 = vector.shape_cast %xor3A_638 : vector<16xi32> to vector<16x1xi32>
        %gather3A_640 = vector.shape_cast %broadcast_in_dim3A_639 : vector<16x1xi32> to vector<16xi32>
        %gather3A_641 = tpu.dynamic_gather %select_n3A_447[%gather3A_640] in [0] : vector<16xf32>, vector<16xi32> -> vector<16xf32>
        %and3A_642 = arith.constant 2 : i32
        %and3A_643 = vector.broadcast %and3A_642 : i32 to vector<16xi32>
        %and3A_644 = arith.andi %iota3A, %and3A_643 : vector<16xi32>
        %eq3A_645 = arith.constant 0 : i32
        %eq3A_646 = vector.broadcast %eq3A_645 : i32 to vector<16xi32>
        %eq3A_647 = arith.cmpi eq, %and3A_644, %eq3A_646 : vector<16xi32>
        %select_n3A_648 = arith.select %eq3A_647, %select_n3A_421, %gather3A_641 : vector<16xi1>, vector<16xf32>
        %and3A_649 = arith.constant 2 : i32
        %and3A_650 = vector.broadcast %and3A_649 : i32 to vector<16xi32>
        %and3A_651 = arith.andi %iota3A, %and3A_650 : vector<16xi32>
        %eq3A_652 = arith.constant 0 : i32
        %eq3A_653 = vector.broadcast %eq3A_652 : i32 to vector<16xi32>
        %eq3A_654 = arith.cmpi eq, %and3A_651, %eq3A_653 : vector<16xi32>
        %select_n3A_655 = arith.select %eq3A_654, %gather3A_635, %select_n3A_447 : vector<16xi1>, vector<16xf32>
        %xor3A_656 = arith.constant 2 : i32
        %xor3A_657 = vector.broadcast %xor3A_656 : i32 to vector<16xi32>
        %xor3A_658 = arith.xori %iota3A, %xor3A_657 : vector<16xi32>
        %broadcast_in_dim3A_659 = vector.shape_cast %xor3A_658 : vector<16xi32> to vector<16x1xi32>
        %gather3A_660 = vector.shape_cast %broadcast_in_dim3A_659 : vector<16x1xi32> to vector<16xi32>
        %gather3A_661 = tpu.dynamic_gather %select_n3A_466[%gather3A_660] in [0] : vector<16xf32>, vector<16xi32> -> vector<16xf32>
        %xor3A_662 = arith.constant 2 : i32
        %xor3A_663 = vector.broadcast %xor3A_662 : i32 to vector<16xi32>
        %xor3A_664 = arith.xori %iota3A, %xor3A_663 : vector<16xi32>
        %broadcast_in_dim3A_665 = vector.shape_cast %xor3A_664 : vector<16xi32> to vector<16x1xi32>
        %gather3A_666 = vector.shape_cast %broadcast_in_dim3A_665 : vector<16x1xi32> to vector<16xi32>
        %gather3A_667 = tpu.dynamic_gather %select_n3A_492[%gather3A_666] in [0] : vector<16xf32>, vector<16xi32> -> vector<16xf32>
        %and3A_668 = arith.constant 2 : i32
        %and3A_669 = vector.broadcast %and3A_668 : i32 to vector<16xi32>
        %and3A_670 = arith.andi %iota3A, %and3A_669 : vector<16xi32>
        %eq3A_671 = arith.constant 0 : i32
        %eq3A_672 = vector.broadcast %eq3A_671 : i32 to vector<16xi32>
        %eq3A_673 = arith.cmpi eq, %and3A_670, %eq3A_672 : vector<16xi32>
        %select_n3A_674 = arith.select %eq3A_673, %select_n3A_466, %gather3A_667 : vector<16xi1>, vector<16xf32>
        %and3A_675 = arith.constant 2 : i32
        %and3A_676 = vector.broadcast %and3A_675 : i32 to vector<16xi32>
        %and3A_677 = arith.andi %iota3A, %and3A_676 : vector<16xi32>
        %eq3A_678 = arith.constant 0 : i32
        %eq3A_679 = vector.broadcast %eq3A_678 : i32 to vector<16xi32>
        %eq3A_680 = arith.cmpi eq, %and3A_677, %eq3A_679 : vector<16xi32>
        %select_n3A_681 = arith.select %eq3A_680, %gather3A_661, %select_n3A_492 : vector<16xi1>, vector<16xf32>
        %xor3A_682 = arith.constant 2 : i32
        %xor3A_683 = vector.broadcast %xor3A_682 : i32 to vector<16xi32>
        %xor3A_684 = arith.xori %iota3A, %xor3A_683 : vector<16xi32>
        %broadcast_in_dim3A_685 = vector.shape_cast %xor3A_684 : vector<16xi32> to vector<16x1xi32>
        %gather3A_686 = vector.shape_cast %broadcast_in_dim3A_685 : vector<16x1xi32> to vector<16xi32>
        %gather3A_687 = tpu.dynamic_gather %select_n3A_473[%gather3A_686] in [0] : vector<16xf32>, vector<16xi32> -> vector<16xf32>
        %xor3A_688 = arith.constant 2 : i32
        %xor3A_689 = vector.broadcast %xor3A_688 : i32 to vector<16xi32>
        %xor3A_690 = arith.xori %iota3A, %xor3A_689 : vector<16xi32>
        %broadcast_in_dim3A_691 = vector.shape_cast %xor3A_690 : vector<16xi32> to vector<16x1xi32>
        %gather3A_692 = vector.shape_cast %broadcast_in_dim3A_691 : vector<16x1xi32> to vector<16xi32>
        %gather3A_693 = tpu.dynamic_gather %select_n3A_499[%gather3A_692] in [0] : vector<16xf32>, vector<16xi32> -> vector<16xf32>
        %and3A_694 = arith.constant 2 : i32
        %and3A_695 = vector.broadcast %and3A_694 : i32 to vector<16xi32>
        %and3A_696 = arith.andi %iota3A, %and3A_695 : vector<16xi32>
        %eq3A_697 = arith.constant 0 : i32
        %eq3A_698 = vector.broadcast %eq3A_697 : i32 to vector<16xi32>
        %eq3A_699 = arith.cmpi eq, %and3A_696, %eq3A_698 : vector<16xi32>
        %select_n3A_700 = arith.select %eq3A_699, %select_n3A_473, %gather3A_693 : vector<16xi1>, vector<16xf32>
        %and3A_701 = arith.constant 2 : i32
        %and3A_702 = vector.broadcast %and3A_701 : i32 to vector<16xi32>
        %and3A_703 = arith.andi %iota3A, %and3A_702 : vector<16xi32>
        %eq3A_704 = arith.constant 0 : i32
        %eq3A_705 = vector.broadcast %eq3A_704 : i32 to vector<16xi32>
        %eq3A_706 = arith.cmpi eq, %and3A_703, %eq3A_705 : vector<16xi32>
        %select_n3A_707 = arith.select %eq3A_706, %gather3A_687, %select_n3A_499 : vector<16xi1>, vector<16xf32>
        %xor3A_708 = arith.constant 4 : i32
        %xor3A_709 = vector.broadcast %xor3A_708 : i32 to vector<16xi32>
        %xor3A_710 = arith.xori %iota3A, %xor3A_709 : vector<16xi32>
        %broadcast_in_dim3A_711 = vector.shape_cast %xor3A_710 : vector<16xi32> to vector<16x1xi32>
        %gather3A_712 = vector.shape_cast %broadcast_in_dim3A_711 : vector<16x1xi32> to vector<16xi32>
        %gather3A_713 = tpu.dynamic_gather %select_n3A_518[%gather3A_712] in [0] : vector<16xf32>, vector<16xi32> -> vector<16xf32>
        %xor3A_714 = arith.constant 4 : i32
        %xor3A_715 = vector.broadcast %xor3A_714 : i32 to vector<16xi32>
        %xor3A_716 = arith.xori %iota3A, %xor3A_715 : vector<16xi32>
        %broadcast_in_dim3A_717 = vector.shape_cast %xor3A_716 : vector<16xi32> to vector<16x1xi32>
        %gather3A_718 = vector.shape_cast %broadcast_in_dim3A_717 : vector<16x1xi32> to vector<16xi32>
        %gather3A_719 = tpu.dynamic_gather %select_n3A_570[%gather3A_718] in [0] : vector<16xf32>, vector<16xi32> -> vector<16xf32>
        %and3A_720 = arith.constant 4 : i32
        %and3A_721 = vector.broadcast %and3A_720 : i32 to vector<16xi32>
        %and3A_722 = arith.andi %iota3A, %and3A_721 : vector<16xi32>
        %eq3A_723 = arith.constant 0 : i32
        %eq3A_724 = vector.broadcast %eq3A_723 : i32 to vector<16xi32>
        %eq3A_725 = arith.cmpi eq, %and3A_722, %eq3A_724 : vector<16xi32>
        %select_n3A_726 = arith.select %eq3A_725, %select_n3A_518, %gather3A_719 : vector<16xi1>, vector<16xf32>
        %and3A_727 = arith.constant 4 : i32
        %and3A_728 = vector.broadcast %and3A_727 : i32 to vector<16xi32>
        %and3A_729 = arith.andi %iota3A, %and3A_728 : vector<16xi32>
        %eq3A_730 = arith.constant 0 : i32
        %eq3A_731 = vector.broadcast %eq3A_730 : i32 to vector<16xi32>
        %eq3A_732 = arith.cmpi eq, %and3A_729, %eq3A_731 : vector<16xi32>
        %select_n3A_733 = arith.select %eq3A_732, %gather3A_713, %select_n3A_570 : vector<16xi1>, vector<16xf32>
        %xor3A_734 = arith.constant 4 : i32
        %xor3A_735 = vector.broadcast %xor3A_734 : i32 to vector<16xi32>
        %xor3A_736 = arith.xori %iota3A, %xor3A_735 : vector<16xi32>
        %broadcast_in_dim3A_737 = vector.shape_cast %xor3A_736 : vector<16xi32> to vector<16x1xi32>
        %gather3A_738 = vector.shape_cast %broadcast_in_dim3A_737 : vector<16x1xi32> to vector<16xi32>
        %gather3A_739 = tpu.dynamic_gather %select_n3A_544[%gather3A_738] in [0] : vector<16xf32>, vector<16xi32> -> vector<16xf32>
        %xor3A_740 = arith.constant 4 : i32
        %xor3A_741 = vector.broadcast %xor3A_740 : i32 to vector<16xi32>
        %xor3A_742 = arith.xori %iota3A, %xor3A_741 : vector<16xi32>
        %broadcast_in_dim3A_743 = vector.shape_cast %xor3A_742 : vector<16xi32> to vector<16x1xi32>
        %gather3A_744 = vector.shape_cast %broadcast_in_dim3A_743 : vector<16x1xi32> to vector<16xi32>
        %gather3A_745 = tpu.dynamic_gather %select_n3A_596[%gather3A_744] in [0] : vector<16xf32>, vector<16xi32> -> vector<16xf32>
        %and3A_746 = arith.constant 4 : i32
        %and3A_747 = vector.broadcast %and3A_746 : i32 to vector<16xi32>
        %and3A_748 = arith.andi %iota3A, %and3A_747 : vector<16xi32>
        %eq3A_749 = arith.constant 0 : i32
        %eq3A_750 = vector.broadcast %eq3A_749 : i32 to vector<16xi32>
        %eq3A_751 = arith.cmpi eq, %and3A_748, %eq3A_750 : vector<16xi32>
        %select_n3A_752 = arith.select %eq3A_751, %select_n3A_544, %gather3A_745 : vector<16xi1>, vector<16xf32>
        %and3A_753 = arith.constant 4 : i32
        %and3A_754 = vector.broadcast %and3A_753 : i32 to vector<16xi32>
        %and3A_755 = arith.andi %iota3A, %and3A_754 : vector<16xi32>
        %eq3A_756 = arith.constant 0 : i32
        %eq3A_757 = vector.broadcast %eq3A_756 : i32 to vector<16xi32>
        %eq3A_758 = arith.cmpi eq, %and3A_755, %eq3A_757 : vector<16xi32>
        %select_n3A_759 = arith.select %eq3A_758, %gather3A_739, %select_n3A_596 : vector<16xi1>, vector<16xf32>
        %xor3A_760 = arith.constant 4 : i32
        %xor3A_761 = vector.broadcast %xor3A_760 : i32 to vector<16xi32>
        %xor3A_762 = arith.xori %iota3A, %xor3A_761 : vector<16xi32>
        %broadcast_in_dim3A_763 = vector.shape_cast %xor3A_762 : vector<16xi32> to vector<16x1xi32>
        %gather3A_764 = vector.shape_cast %broadcast_in_dim3A_763 : vector<16x1xi32> to vector<16xi32>
        %gather3A_765 = tpu.dynamic_gather %select_n3A_525[%gather3A_764] in [0] : vector<16xf32>, vector<16xi32> -> vector<16xf32>
        %xor3A_766 = arith.constant 4 : i32
        %xor3A_767 = vector.broadcast %xor3A_766 : i32 to vector<16xi32>
        %xor3A_768 = arith.xori %iota3A, %xor3A_767 : vector<16xi32>
        %broadcast_in_dim3A_769 = vector.shape_cast %xor3A_768 : vector<16xi32> to vector<16x1xi32>
        %gather3A_770 = vector.shape_cast %broadcast_in_dim3A_769 : vector<16x1xi32> to vector<16xi32>
        %gather3A_771 = tpu.dynamic_gather %select_n3A_577[%gather3A_770] in [0] : vector<16xf32>, vector<16xi32> -> vector<16xf32>
        %and3A_772 = arith.constant 4 : i32
        %and3A_773 = vector.broadcast %and3A_772 : i32 to vector<16xi32>
        %and3A_774 = arith.andi %iota3A, %and3A_773 : vector<16xi32>
        %eq3A_775 = arith.constant 0 : i32
        %eq3A_776 = vector.broadcast %eq3A_775 : i32 to vector<16xi32>
        %eq3A_777 = arith.cmpi eq, %and3A_774, %eq3A_776 : vector<16xi32>
        %select_n3A_778 = arith.select %eq3A_777, %select_n3A_525, %gather3A_771 : vector<16xi1>, vector<16xf32>
        %and3A_779 = arith.constant 4 : i32
        %and3A_780 = vector.broadcast %and3A_779 : i32 to vector<16xi32>
        %and3A_781 = arith.andi %iota3A, %and3A_780 : vector<16xi32>
        %eq3A_782 = arith.constant 0 : i32
        %eq3A_783 = vector.broadcast %eq3A_782 : i32 to vector<16xi32>
        %eq3A_784 = arith.cmpi eq, %and3A_781, %eq3A_783 : vector<16xi32>
        %select_n3A_785 = arith.select %eq3A_784, %gather3A_765, %select_n3A_577 : vector<16xi1>, vector<16xf32>
        %xor3A_786 = arith.constant 4 : i32
        %xor3A_787 = vector.broadcast %xor3A_786 : i32 to vector<16xi32>
        %xor3A_788 = arith.xori %iota3A, %xor3A_787 : vector<16xi32>
        %broadcast_in_dim3A_789 = vector.shape_cast %xor3A_788 : vector<16xi32> to vector<16x1xi32>
        %gather3A_790 = vector.shape_cast %broadcast_in_dim3A_789 : vector<16x1xi32> to vector<16xi32>
        %gather3A_791 = tpu.dynamic_gather %select_n3A_551[%gather3A_790] in [0] : vector<16xf32>, vector<16xi32> -> vector<16xf32>
        %xor3A_792 = arith.constant 4 : i32
        %xor3A_793 = vector.broadcast %xor3A_792 : i32 to vector<16xi32>
        %xor3A_794 = arith.xori %iota3A, %xor3A_793 : vector<16xi32>
        %broadcast_in_dim3A_795 = vector.shape_cast %xor3A_794 : vector<16xi32> to vector<16x1xi32>
        %gather3A_796 = vector.shape_cast %broadcast_in_dim3A_795 : vector<16x1xi32> to vector<16xi32>
        %gather3A_797 = tpu.dynamic_gather %select_n3A_603[%gather3A_796] in [0] : vector<16xf32>, vector<16xi32> -> vector<16xf32>
        %and3A_798 = arith.constant 4 : i32
        %and3A_799 = vector.broadcast %and3A_798 : i32 to vector<16xi32>
        %and3A_800 = arith.andi %iota3A, %and3A_799 : vector<16xi32>
        %eq3A_801 = arith.constant 0 : i32
        %eq3A_802 = vector.broadcast %eq3A_801 : i32 to vector<16xi32>
        %eq3A_803 = arith.cmpi eq, %and3A_800, %eq3A_802 : vector<16xi32>
        %select_n3A_804 = arith.select %eq3A_803, %select_n3A_551, %gather3A_797 : vector<16xi1>, vector<16xf32>
        %and3A_805 = arith.constant 4 : i32
        %and3A_806 = vector.broadcast %and3A_805 : i32 to vector<16xi32>
        %and3A_807 = arith.andi %iota3A, %and3A_806 : vector<16xi32>
        %eq3A_808 = arith.constant 0 : i32
        %eq3A_809 = vector.broadcast %eq3A_808 : i32 to vector<16xi32>
        %eq3A_810 = arith.cmpi eq, %and3A_807, %eq3A_809 : vector<16xi32>
        %select_n3A_811 = arith.select %eq3A_810, %gather3A_791, %select_n3A_603 : vector<16xi1>, vector<16xf32>
        %xor3A_812 = arith.constant 4 : i32
        %xor3A_813 = vector.broadcast %xor3A_812 : i32 to vector<16xi32>
        %xor3A_814 = arith.xori %iota3A, %xor3A_813 : vector<16xi32>
        %broadcast_in_dim3A_815 = vector.shape_cast %xor3A_814 : vector<16xi32> to vector<16x1xi32>
        %gather3A_816 = vector.shape_cast %broadcast_in_dim3A_815 : vector<16x1xi32> to vector<16xi32>
        %gather3A_817 = tpu.dynamic_gather %select_n3A_622[%gather3A_816] in [0] : vector<16xf32>, vector<16xi32> -> vector<16xf32>
        %xor3A_818 = arith.constant 4 : i32
        %xor3A_819 = vector.broadcast %xor3A_818 : i32 to vector<16xi32>
        %xor3A_820 = arith.xori %iota3A, %xor3A_819 : vector<16xi32>
        %broadcast_in_dim3A_821 = vector.shape_cast %xor3A_820 : vector<16xi32> to vector<16x1xi32>
        %gather3A_822 = vector.shape_cast %broadcast_in_dim3A_821 : vector<16x1xi32> to vector<16xi32>
        %gather3A_823 = tpu.dynamic_gather %select_n3A_674[%gather3A_822] in [0] : vector<16xf32>, vector<16xi32> -> vector<16xf32>
        %and3A_824 = arith.constant 4 : i32
        %and3A_825 = vector.broadcast %and3A_824 : i32 to vector<16xi32>
        %and3A_826 = arith.andi %iota3A, %and3A_825 : vector<16xi32>
        %eq3A_827 = arith.constant 0 : i32
        %eq3A_828 = vector.broadcast %eq3A_827 : i32 to vector<16xi32>
        %eq3A_829 = arith.cmpi eq, %and3A_826, %eq3A_828 : vector<16xi32>
        %select_n3A_830 = arith.select %eq3A_829, %select_n3A_622, %gather3A_823 : vector<16xi1>, vector<16xf32>
        %and3A_831 = arith.constant 4 : i32
        %and3A_832 = vector.broadcast %and3A_831 : i32 to vector<16xi32>
        %and3A_833 = arith.andi %iota3A, %and3A_832 : vector<16xi32>
        %eq3A_834 = arith.constant 0 : i32
        %eq3A_835 = vector.broadcast %eq3A_834 : i32 to vector<16xi32>
        %eq3A_836 = arith.cmpi eq, %and3A_833, %eq3A_835 : vector<16xi32>
        %select_n3A_837 = arith.select %eq3A_836, %gather3A_817, %select_n3A_674 : vector<16xi1>, vector<16xf32>
        %xor3A_838 = arith.constant 4 : i32
        %xor3A_839 = vector.broadcast %xor3A_838 : i32 to vector<16xi32>
        %xor3A_840 = arith.xori %iota3A, %xor3A_839 : vector<16xi32>
        %broadcast_in_dim3A_841 = vector.shape_cast %xor3A_840 : vector<16xi32> to vector<16x1xi32>
        %gather3A_842 = vector.shape_cast %broadcast_in_dim3A_841 : vector<16x1xi32> to vector<16xi32>
        %gather3A_843 = tpu.dynamic_gather %select_n3A_648[%gather3A_842] in [0] : vector<16xf32>, vector<16xi32> -> vector<16xf32>
        %xor3A_844 = arith.constant 4 : i32
        %xor3A_845 = vector.broadcast %xor3A_844 : i32 to vector<16xi32>
        %xor3A_846 = arith.xori %iota3A, %xor3A_845 : vector<16xi32>
        %broadcast_in_dim3A_847 = vector.shape_cast %xor3A_846 : vector<16xi32> to vector<16x1xi32>
        %gather3A_848 = vector.shape_cast %broadcast_in_dim3A_847 : vector<16x1xi32> to vector<16xi32>
        %gather3A_849 = tpu.dynamic_gather %select_n3A_700[%gather3A_848] in [0] : vector<16xf32>, vector<16xi32> -> vector<16xf32>
        %and3A_850 = arith.constant 4 : i32
        %and3A_851 = vector.broadcast %and3A_850 : i32 to vector<16xi32>
        %and3A_852 = arith.andi %iota3A, %and3A_851 : vector<16xi32>
        %eq3A_853 = arith.constant 0 : i32
        %eq3A_854 = vector.broadcast %eq3A_853 : i32 to vector<16xi32>
        %eq3A_855 = arith.cmpi eq, %and3A_852, %eq3A_854 : vector<16xi32>
        %select_n3A_856 = arith.select %eq3A_855, %select_n3A_648, %gather3A_849 : vector<16xi1>, vector<16xf32>
        %and3A_857 = arith.constant 4 : i32
        %and3A_858 = vector.broadcast %and3A_857 : i32 to vector<16xi32>
        %and3A_859 = arith.andi %iota3A, %and3A_858 : vector<16xi32>
        %eq3A_860 = arith.constant 0 : i32
        %eq3A_861 = vector.broadcast %eq3A_860 : i32 to vector<16xi32>
        %eq3A_862 = arith.cmpi eq, %and3A_859, %eq3A_861 : vector<16xi32>
        %select_n3A_863 = arith.select %eq3A_862, %gather3A_843, %select_n3A_700 : vector<16xi1>, vector<16xf32>
        %xor3A_864 = arith.constant 4 : i32
        %xor3A_865 = vector.broadcast %xor3A_864 : i32 to vector<16xi32>
        %xor3A_866 = arith.xori %iota3A, %xor3A_865 : vector<16xi32>
        %broadcast_in_dim3A_867 = vector.shape_cast %xor3A_866 : vector<16xi32> to vector<16x1xi32>
        %gather3A_868 = vector.shape_cast %broadcast_in_dim3A_867 : vector<16x1xi32> to vector<16xi32>
        %gather3A_869 = tpu.dynamic_gather %select_n3A_629[%gather3A_868] in [0] : vector<16xf32>, vector<16xi32> -> vector<16xf32>
        %xor3A_870 = arith.constant 4 : i32
        %xor3A_871 = vector.broadcast %xor3A_870 : i32 to vector<16xi32>
        %xor3A_872 = arith.xori %iota3A, %xor3A_871 : vector<16xi32>
        %broadcast_in_dim3A_873 = vector.shape_cast %xor3A_872 : vector<16xi32> to vector<16x1xi32>
        %gather3A_874 = vector.shape_cast %broadcast_in_dim3A_873 : vector<16x1xi32> to vector<16xi32>
        %gather3A_875 = tpu.dynamic_gather %select_n3A_681[%gather3A_874] in [0] : vector<16xf32>, vector<16xi32> -> vector<16xf32>
        %and3A_876 = arith.constant 4 : i32
        %and3A_877 = vector.broadcast %and3A_876 : i32 to vector<16xi32>
        %and3A_878 = arith.andi %iota3A, %and3A_877 : vector<16xi32>
        %eq3A_879 = arith.constant 0 : i32
        %eq3A_880 = vector.broadcast %eq3A_879 : i32 to vector<16xi32>
        %eq3A_881 = arith.cmpi eq, %and3A_878, %eq3A_880 : vector<16xi32>
        %select_n3A_882 = arith.select %eq3A_881, %select_n3A_629, %gather3A_875 : vector<16xi1>, vector<16xf32>
        %and3A_883 = arith.constant 4 : i32
        %and3A_884 = vector.broadcast %and3A_883 : i32 to vector<16xi32>
        %and3A_885 = arith.andi %iota3A, %and3A_884 : vector<16xi32>
        %eq3A_886 = arith.constant 0 : i32
        %eq3A_887 = vector.broadcast %eq3A_886 : i32 to vector<16xi32>
        %eq3A_888 = arith.cmpi eq, %and3A_885, %eq3A_887 : vector<16xi32>
        %select_n3A_889 = arith.select %eq3A_888, %gather3A_869, %select_n3A_681 : vector<16xi1>, vector<16xf32>
        %xor3A_890 = arith.constant 4 : i32
        %xor3A_891 = vector.broadcast %xor3A_890 : i32 to vector<16xi32>
        %xor3A_892 = arith.xori %iota3A, %xor3A_891 : vector<16xi32>
        %broadcast_in_dim3A_893 = vector.shape_cast %xor3A_892 : vector<16xi32> to vector<16x1xi32>
        %gather3A_894 = vector.shape_cast %broadcast_in_dim3A_893 : vector<16x1xi32> to vector<16xi32>
        %gather3A_895 = tpu.dynamic_gather %select_n3A_655[%gather3A_894] in [0] : vector<16xf32>, vector<16xi32> -> vector<16xf32>
        %xor3A_896 = arith.constant 4 : i32
        %xor3A_897 = vector.broadcast %xor3A_896 : i32 to vector<16xi32>
        %xor3A_898 = arith.xori %iota3A, %xor3A_897 : vector<16xi32>
        %broadcast_in_dim3A_899 = vector.shape_cast %xor3A_898 : vector<16xi32> to vector<16x1xi32>
        %gather3A_900 = vector.shape_cast %broadcast_in_dim3A_899 : vector<16x1xi32> to vector<16xi32>
        %gather3A_901 = tpu.dynamic_gather %select_n3A_707[%gather3A_900] in [0] : vector<16xf32>, vector<16xi32> -> vector<16xf32>
        %and3A_902 = arith.constant 4 : i32
        %and3A_903 = vector.broadcast %and3A_902 : i32 to vector<16xi32>
        %and3A_904 = arith.andi %iota3A, %and3A_903 : vector<16xi32>
        %eq3A_905 = arith.constant 0 : i32
        %eq3A_906 = vector.broadcast %eq3A_905 : i32 to vector<16xi32>
        %eq3A_907 = arith.cmpi eq, %and3A_904, %eq3A_906 : vector<16xi32>
        %select_n3A_908 = arith.select %eq3A_907, %select_n3A_655, %gather3A_901 : vector<16xi1>, vector<16xf32>
        %and3A_909 = arith.constant 4 : i32
        %and3A_910 = vector.broadcast %and3A_909 : i32 to vector<16xi32>
        %and3A_911 = arith.andi %iota3A, %and3A_910 : vector<16xi32>
        %eq3A_912 = arith.constant 0 : i32
        %eq3A_913 = vector.broadcast %eq3A_912 : i32 to vector<16xi32>
        %eq3A_914 = arith.cmpi eq, %and3A_911, %eq3A_913 : vector<16xi32>
        %select_n3A_915 = arith.select %eq3A_914, %gather3A_895, %select_n3A_707 : vector<16xi1>, vector<16xf32>
        %xor3A_916 = arith.constant 8 : i32
        %xor3A_917 = vector.broadcast %xor3A_916 : i32 to vector<16xi32>
        %xor3A_918 = arith.xori %iota3A, %xor3A_917 : vector<16xi32>
        %broadcast_in_dim3A_919 = vector.shape_cast %xor3A_918 : vector<16xi32> to vector<16x1xi32>
        %gather3A_920 = vector.shape_cast %broadcast_in_dim3A_919 : vector<16x1xi32> to vector<16xi32>
        %gather3A_921 = tpu.dynamic_gather %select_n3A_726[%gather3A_920] in [0] : vector<16xf32>, vector<16xi32> -> vector<16xf32>
        %xor3A_922 = arith.constant 8 : i32
        %xor3A_923 = vector.broadcast %xor3A_922 : i32 to vector<16xi32>
        %xor3A_924 = arith.xori %iota3A, %xor3A_923 : vector<16xi32>
        %broadcast_in_dim3A_925 = vector.shape_cast %xor3A_924 : vector<16xi32> to vector<16x1xi32>
        %gather3A_926 = vector.shape_cast %broadcast_in_dim3A_925 : vector<16x1xi32> to vector<16xi32>
        %gather3A_927 = tpu.dynamic_gather %select_n3A_830[%gather3A_926] in [0] : vector<16xf32>, vector<16xi32> -> vector<16xf32>
        %and3A_928 = arith.constant 8 : i32
        %and3A_929 = vector.broadcast %and3A_928 : i32 to vector<16xi32>
        %and3A_930 = arith.andi %iota3A, %and3A_929 : vector<16xi32>
        %eq3A_931 = arith.constant 0 : i32
        %eq3A_932 = vector.broadcast %eq3A_931 : i32 to vector<16xi32>
        %eq3A_933 = arith.cmpi eq, %and3A_930, %eq3A_932 : vector<16xi32>
        %select_n3A_934 = arith.select %eq3A_933, %select_n3A_726, %gather3A_927 : vector<16xi1>, vector<16xf32>
        %and3A_935 = arith.constant 8 : i32
        %and3A_936 = vector.broadcast %and3A_935 : i32 to vector<16xi32>
        %and3A_937 = arith.andi %iota3A, %and3A_936 : vector<16xi32>
        %eq3A_938 = arith.constant 0 : i32
        %eq3A_939 = vector.broadcast %eq3A_938 : i32 to vector<16xi32>
        %eq3A_940 = arith.cmpi eq, %and3A_937, %eq3A_939 : vector<16xi32>
        %select_n3A_941 = arith.select %eq3A_940, %gather3A_921, %select_n3A_830 : vector<16xi1>, vector<16xf32>
        %xor3A_942 = arith.constant 8 : i32
        %xor3A_943 = vector.broadcast %xor3A_942 : i32 to vector<16xi32>
        %xor3A_944 = arith.xori %iota3A, %xor3A_943 : vector<16xi32>
        %broadcast_in_dim3A_945 = vector.shape_cast %xor3A_944 : vector<16xi32> to vector<16x1xi32>
        %gather3A_946 = vector.shape_cast %broadcast_in_dim3A_945 : vector<16x1xi32> to vector<16xi32>
        %gather3A_947 = tpu.dynamic_gather %select_n3A_752[%gather3A_946] in [0] : vector<16xf32>, vector<16xi32> -> vector<16xf32>
        %xor3A_948 = arith.constant 8 : i32
        %xor3A_949 = vector.broadcast %xor3A_948 : i32 to vector<16xi32>
        %xor3A_950 = arith.xori %iota3A, %xor3A_949 : vector<16xi32>
        %broadcast_in_dim3A_951 = vector.shape_cast %xor3A_950 : vector<16xi32> to vector<16x1xi32>
        %gather3A_952 = vector.shape_cast %broadcast_in_dim3A_951 : vector<16x1xi32> to vector<16xi32>
        %gather3A_953 = tpu.dynamic_gather %select_n3A_856[%gather3A_952] in [0] : vector<16xf32>, vector<16xi32> -> vector<16xf32>
        %and3A_954 = arith.constant 8 : i32
        %and3A_955 = vector.broadcast %and3A_954 : i32 to vector<16xi32>
        %and3A_956 = arith.andi %iota3A, %and3A_955 : vector<16xi32>
        %eq3A_957 = arith.constant 0 : i32
        %eq3A_958 = vector.broadcast %eq3A_957 : i32 to vector<16xi32>
        %eq3A_959 = arith.cmpi eq, %and3A_956, %eq3A_958 : vector<16xi32>
        %select_n3A_960 = arith.select %eq3A_959, %select_n3A_752, %gather3A_953 : vector<16xi1>, vector<16xf32>
        %and3A_961 = arith.constant 8 : i32
        %and3A_962 = vector.broadcast %and3A_961 : i32 to vector<16xi32>
        %and3A_963 = arith.andi %iota3A, %and3A_962 : vector<16xi32>
        %eq3A_964 = arith.constant 0 : i32
        %eq3A_965 = vector.broadcast %eq3A_964 : i32 to vector<16xi32>
        %eq3A_966 = arith.cmpi eq, %and3A_963, %eq3A_965 : vector<16xi32>
        %select_n3A_967 = arith.select %eq3A_966, %gather3A_947, %select_n3A_856 : vector<16xi1>, vector<16xf32>
        %xor3A_968 = arith.constant 8 : i32
        %xor3A_969 = vector.broadcast %xor3A_968 : i32 to vector<16xi32>
        %xor3A_970 = arith.xori %iota3A, %xor3A_969 : vector<16xi32>
        %broadcast_in_dim3A_971 = vector.shape_cast %xor3A_970 : vector<16xi32> to vector<16x1xi32>
        %gather3A_972 = vector.shape_cast %broadcast_in_dim3A_971 : vector<16x1xi32> to vector<16xi32>
        %gather3A_973 = tpu.dynamic_gather %select_n3A_778[%gather3A_972] in [0] : vector<16xf32>, vector<16xi32> -> vector<16xf32>
        %xor3A_974 = arith.constant 8 : i32
        %xor3A_975 = vector.broadcast %xor3A_974 : i32 to vector<16xi32>
        %xor3A_976 = arith.xori %iota3A, %xor3A_975 : vector<16xi32>
        %broadcast_in_dim3A_977 = vector.shape_cast %xor3A_976 : vector<16xi32> to vector<16x1xi32>
        %gather3A_978 = vector.shape_cast %broadcast_in_dim3A_977 : vector<16x1xi32> to vector<16xi32>
        %gather3A_979 = tpu.dynamic_gather %select_n3A_882[%gather3A_978] in [0] : vector<16xf32>, vector<16xi32> -> vector<16xf32>
        %and3A_980 = arith.constant 8 : i32
        %and3A_981 = vector.broadcast %and3A_980 : i32 to vector<16xi32>
        %and3A_982 = arith.andi %iota3A, %and3A_981 : vector<16xi32>
        %eq3A_983 = arith.constant 0 : i32
        %eq3A_984 = vector.broadcast %eq3A_983 : i32 to vector<16xi32>
        %eq3A_985 = arith.cmpi eq, %and3A_982, %eq3A_984 : vector<16xi32>
        %select_n3A_986 = arith.select %eq3A_985, %select_n3A_778, %gather3A_979 : vector<16xi1>, vector<16xf32>
        %and3A_987 = arith.constant 8 : i32
        %and3A_988 = vector.broadcast %and3A_987 : i32 to vector<16xi32>
        %and3A_989 = arith.andi %iota3A, %and3A_988 : vector<16xi32>
        %eq3A_990 = arith.constant 0 : i32
        %eq3A_991 = vector.broadcast %eq3A_990 : i32 to vector<16xi32>
        %eq3A_992 = arith.cmpi eq, %and3A_989, %eq3A_991 : vector<16xi32>
        %select_n3A_993 = arith.select %eq3A_992, %gather3A_973, %select_n3A_882 : vector<16xi1>, vector<16xf32>
        %xor3A_994 = arith.constant 8 : i32
        %xor3A_995 = vector.broadcast %xor3A_994 : i32 to vector<16xi32>
        %xor3A_996 = arith.xori %iota3A, %xor3A_995 : vector<16xi32>
        %broadcast_in_dim3A_997 = vector.shape_cast %xor3A_996 : vector<16xi32> to vector<16x1xi32>
        %gather3A_998 = vector.shape_cast %broadcast_in_dim3A_997 : vector<16x1xi32> to vector<16xi32>
        %gather3A_999 = tpu.dynamic_gather %select_n3A_804[%gather3A_998] in [0] : vector<16xf32>, vector<16xi32> -> vector<16xf32>
        %xor3A_1000 = arith.constant 8 : i32
        %xor3A_1001 = vector.broadcast %xor3A_1000 : i32 to vector<16xi32>
        %xor3A_1002 = arith.xori %iota3A, %xor3A_1001 : vector<16xi32>
        %broadcast_in_dim3A_1003 = vector.shape_cast %xor3A_1002 : vector<16xi32> to vector<16x1xi32>
        %gather3A_1004 = vector.shape_cast %broadcast_in_dim3A_1003 : vector<16x1xi32> to vector<16xi32>
        %gather3A_1005 = tpu.dynamic_gather %select_n3A_908[%gather3A_1004] in [0] : vector<16xf32>, vector<16xi32> -> vector<16xf32>
        %and3A_1006 = arith.constant 8 : i32
        %and3A_1007 = vector.broadcast %and3A_1006 : i32 to vector<16xi32>
        %and3A_1008 = arith.andi %iota3A, %and3A_1007 : vector<16xi32>
        %eq3A_1009 = arith.constant 0 : i32
        %eq3A_1010 = vector.broadcast %eq3A_1009 : i32 to vector<16xi32>
        %eq3A_1011 = arith.cmpi eq, %and3A_1008, %eq3A_1010 : vector<16xi32>
        %select_n3A_1012 = arith.select %eq3A_1011, %select_n3A_804, %gather3A_1005 : vector<16xi1>, vector<16xf32>
        %and3A_1013 = arith.constant 8 : i32
        %and3A_1014 = vector.broadcast %and3A_1013 : i32 to vector<16xi32>
        %and3A_1015 = arith.andi %iota3A, %and3A_1014 : vector<16xi32>
        %eq3A_1016 = arith.constant 0 : i32
        %eq3A_1017 = vector.broadcast %eq3A_1016 : i32 to vector<16xi32>
        %eq3A_1018 = arith.cmpi eq, %and3A_1015, %eq3A_1017 : vector<16xi32>
        %select_n3A_1019 = arith.select %eq3A_1018, %gather3A_999, %select_n3A_908 : vector<16xi1>, vector<16xf32>
        %xor3A_1020 = arith.constant 8 : i32
        %xor3A_1021 = vector.broadcast %xor3A_1020 : i32 to vector<16xi32>
        %xor3A_1022 = arith.xori %iota3A, %xor3A_1021 : vector<16xi32>
        %broadcast_in_dim3A_1023 = vector.shape_cast %xor3A_1022 : vector<16xi32> to vector<16x1xi32>
        %gather3A_1024 = vector.shape_cast %broadcast_in_dim3A_1023 : vector<16x1xi32> to vector<16xi32>
        %gather3A_1025 = tpu.dynamic_gather %select_n3A_733[%gather3A_1024] in [0] : vector<16xf32>, vector<16xi32> -> vector<16xf32>
        %xor3A_1026 = arith.constant 8 : i32
        %xor3A_1027 = vector.broadcast %xor3A_1026 : i32 to vector<16xi32>
        %xor3A_1028 = arith.xori %iota3A, %xor3A_1027 : vector<16xi32>
        %broadcast_in_dim3A_1029 = vector.shape_cast %xor3A_1028 : vector<16xi32> to vector<16x1xi32>
        %gather3A_1030 = vector.shape_cast %broadcast_in_dim3A_1029 : vector<16x1xi32> to vector<16xi32>
        %gather3A_1031 = tpu.dynamic_gather %select_n3A_837[%gather3A_1030] in [0] : vector<16xf32>, vector<16xi32> -> vector<16xf32>
        %and3A_1032 = arith.constant 8 : i32
        %and3A_1033 = vector.broadcast %and3A_1032 : i32 to vector<16xi32>
        %and3A_1034 = arith.andi %iota3A, %and3A_1033 : vector<16xi32>
        %eq3A_1035 = arith.constant 0 : i32
        %eq3A_1036 = vector.broadcast %eq3A_1035 : i32 to vector<16xi32>
        %eq3A_1037 = arith.cmpi eq, %and3A_1034, %eq3A_1036 : vector<16xi32>
        %select_n3A_1038 = arith.select %eq3A_1037, %select_n3A_733, %gather3A_1031 : vector<16xi1>, vector<16xf32>
        %and3A_1039 = arith.constant 8 : i32
        %and3A_1040 = vector.broadcast %and3A_1039 : i32 to vector<16xi32>
        %and3A_1041 = arith.andi %iota3A, %and3A_1040 : vector<16xi32>
        %eq3A_1042 = arith.constant 0 : i32
        %eq3A_1043 = vector.broadcast %eq3A_1042 : i32 to vector<16xi32>
        %eq3A_1044 = arith.cmpi eq, %and3A_1041, %eq3A_1043 : vector<16xi32>
        %select_n3A_1045 = arith.select %eq3A_1044, %gather3A_1025, %select_n3A_837 : vector<16xi1>, vector<16xf32>
        %xor3A_1046 = arith.constant 8 : i32
        %xor3A_1047 = vector.broadcast %xor3A_1046 : i32 to vector<16xi32>
        %xor3A_1048 = arith.xori %iota3A, %xor3A_1047 : vector<16xi32>
        %broadcast_in_dim3A_1049 = vector.shape_cast %xor3A_1048 : vector<16xi32> to vector<16x1xi32>
        %gather3A_1050 = vector.shape_cast %broadcast_in_dim3A_1049 : vector<16x1xi32> to vector<16xi32>
        %gather3A_1051 = tpu.dynamic_gather %select_n3A_759[%gather3A_1050] in [0] : vector<16xf32>, vector<16xi32> -> vector<16xf32>
        %xor3A_1052 = arith.constant 8 : i32
        %xor3A_1053 = vector.broadcast %xor3A_1052 : i32 to vector<16xi32>
        %xor3A_1054 = arith.xori %iota3A, %xor3A_1053 : vector<16xi32>
        %broadcast_in_dim3A_1055 = vector.shape_cast %xor3A_1054 : vector<16xi32> to vector<16x1xi32>
        %gather3A_1056 = vector.shape_cast %broadcast_in_dim3A_1055 : vector<16x1xi32> to vector<16xi32>
        %gather3A_1057 = tpu.dynamic_gather %select_n3A_863[%gather3A_1056] in [0] : vector<16xf32>, vector<16xi32> -> vector<16xf32>
        %and3A_1058 = arith.constant 8 : i32
        %and3A_1059 = vector.broadcast %and3A_1058 : i32 to vector<16xi32>
        %and3A_1060 = arith.andi %iota3A, %and3A_1059 : vector<16xi32>
        %eq3A_1061 = arith.constant 0 : i32
        %eq3A_1062 = vector.broadcast %eq3A_1061 : i32 to vector<16xi32>
        %eq3A_1063 = arith.cmpi eq, %and3A_1060, %eq3A_1062 : vector<16xi32>
        %select_n3A_1064 = arith.select %eq3A_1063, %select_n3A_759, %gather3A_1057 : vector<16xi1>, vector<16xf32>
        %and3A_1065 = arith.constant 8 : i32
        %and3A_1066 = vector.broadcast %and3A_1065 : i32 to vector<16xi32>
        %and3A_1067 = arith.andi %iota3A, %and3A_1066 : vector<16xi32>
        %eq3A_1068 = arith.constant 0 : i32
        %eq3A_1069 = vector.broadcast %eq3A_1068 : i32 to vector<16xi32>
        %eq3A_1070 = arith.cmpi eq, %and3A_1067, %eq3A_1069 : vector<16xi32>
        %select_n3A_1071 = arith.select %eq3A_1070, %gather3A_1051, %select_n3A_863 : vector<16xi1>, vector<16xf32>
        %xor3A_1072 = arith.constant 8 : i32
        %xor3A_1073 = vector.broadcast %xor3A_1072 : i32 to vector<16xi32>
        %xor3A_1074 = arith.xori %iota3A, %xor3A_1073 : vector<16xi32>
        %broadcast_in_dim3A_1075 = vector.shape_cast %xor3A_1074 : vector<16xi32> to vector<16x1xi32>
        %gather3A_1076 = vector.shape_cast %broadcast_in_dim3A_1075 : vector<16x1xi32> to vector<16xi32>
        %gather3A_1077 = tpu.dynamic_gather %select_n3A_785[%gather3A_1076] in [0] : vector<16xf32>, vector<16xi32> -> vector<16xf32>
        %xor3A_1078 = arith.constant 8 : i32
        %xor3A_1079 = vector.broadcast %xor3A_1078 : i32 to vector<16xi32>
        %xor3A_1080 = arith.xori %iota3A, %xor3A_1079 : vector<16xi32>
        %broadcast_in_dim3A_1081 = vector.shape_cast %xor3A_1080 : vector<16xi32> to vector<16x1xi32>
        %gather3A_1082 = vector.shape_cast %broadcast_in_dim3A_1081 : vector<16x1xi32> to vector<16xi32>
        %gather3A_1083 = tpu.dynamic_gather %select_n3A_889[%gather3A_1082] in [0] : vector<16xf32>, vector<16xi32> -> vector<16xf32>
        %and3A_1084 = arith.constant 8 : i32
        %and3A_1085 = vector.broadcast %and3A_1084 : i32 to vector<16xi32>
        %and3A_1086 = arith.andi %iota3A, %and3A_1085 : vector<16xi32>
        %eq3A_1087 = arith.constant 0 : i32
        %eq3A_1088 = vector.broadcast %eq3A_1087 : i32 to vector<16xi32>
        %eq3A_1089 = arith.cmpi eq, %and3A_1086, %eq3A_1088 : vector<16xi32>
        %select_n3A_1090 = arith.select %eq3A_1089, %select_n3A_785, %gather3A_1083 : vector<16xi1>, vector<16xf32>
        %and3A_1091 = arith.constant 8 : i32
        %and3A_1092 = vector.broadcast %and3A_1091 : i32 to vector<16xi32>
        %and3A_1093 = arith.andi %iota3A, %and3A_1092 : vector<16xi32>
        %eq3A_1094 = arith.constant 0 : i32
        %eq3A_1095 = vector.broadcast %eq3A_1094 : i32 to vector<16xi32>
        %eq3A_1096 = arith.cmpi eq, %and3A_1093, %eq3A_1095 : vector<16xi32>
        %select_n3A_1097 = arith.select %eq3A_1096, %gather3A_1077, %select_n3A_889 : vector<16xi1>, vector<16xf32>
        %xor3A_1098 = arith.constant 8 : i32
        %xor3A_1099 = vector.broadcast %xor3A_1098 : i32 to vector<16xi32>
        %xor3A_1100 = arith.xori %iota3A, %xor3A_1099 : vector<16xi32>
        %broadcast_in_dim3A_1101 = vector.shape_cast %xor3A_1100 : vector<16xi32> to vector<16x1xi32>
        %gather3A_1102 = vector.shape_cast %broadcast_in_dim3A_1101 : vector<16x1xi32> to vector<16xi32>
        %gather3A_1103 = tpu.dynamic_gather %select_n3A_811[%gather3A_1102] in [0] : vector<16xf32>, vector<16xi32> -> vector<16xf32>
        %xor3A_1104 = arith.constant 8 : i32
        %xor3A_1105 = vector.broadcast %xor3A_1104 : i32 to vector<16xi32>
        %xor3A_1106 = arith.xori %iota3A, %xor3A_1105 : vector<16xi32>
        %broadcast_in_dim3A_1107 = vector.shape_cast %xor3A_1106 : vector<16xi32> to vector<16x1xi32>
        %gather3A_1108 = vector.shape_cast %broadcast_in_dim3A_1107 : vector<16x1xi32> to vector<16xi32>
        %gather3A_1109 = tpu.dynamic_gather %select_n3A_915[%gather3A_1108] in [0] : vector<16xf32>, vector<16xi32> -> vector<16xf32>
        %and3A_1110 = arith.constant 8 : i32
        %and3A_1111 = vector.broadcast %and3A_1110 : i32 to vector<16xi32>
        %and3A_1112 = arith.andi %iota3A, %and3A_1111 : vector<16xi32>
        %eq3A_1113 = arith.constant 0 : i32
        %eq3A_1114 = vector.broadcast %eq3A_1113 : i32 to vector<16xi32>
        %eq3A_1115 = arith.cmpi eq, %and3A_1112, %eq3A_1114 : vector<16xi32>
        %select_n3A_1116 = arith.select %eq3A_1115, %select_n3A_811, %gather3A_1109 : vector<16xi1>, vector<16xf32>
        %and3A_1117 = arith.constant 8 : i32
        %and3A_1118 = vector.broadcast %and3A_1117 : i32 to vector<16xi32>
        %and3A_1119 = arith.andi %iota3A, %and3A_1118 : vector<16xi32>
        %eq3A_1120 = arith.constant 0 : i32
        %eq3A_1121 = vector.broadcast %eq3A_1120 : i32 to vector<16xi32>
        %eq3A_1122 = arith.cmpi eq, %and3A_1119, %eq3A_1121 : vector<16xi32>
        %select_n3A_1123 = arith.select %eq3A_1122, %gather3A_1103, %select_n3A_915 : vector<16xi1>, vector<16xf32>
        %mul3A_1124 = arith.constant 16 : i32
        %mul3A_1125 = arith.muli %scan3A_103, %mul3A_1124 : i32
        %add3A_1126 = arith.constant 0 : i32
        %add3A_1127 = arith.addi %mul3A_1125, %add3A_1126 : i32
        %mul3A_1128 = arith.constant 16 : i32
        %mul3A_1129 = arith.muli %scan3A_86, %mul3A_1128 : i32
        %get3A_1130 = arith.constant 0 : i32
        %get3A_1131 = arith.index_cast %get3A_1130 : i32 to index
        %get3A_1132 = arith.index_cast %add3A_1127 : i32 to index
        %get3A_1133 = arith.index_cast %mul3A_1129 : i32 to index
        %get3A_1134 = tpu.vector_load %arg7[%get3A_1131, %get3A_1132, %get3A_1133] {strides = array<i32>} : memref<2x128x128xf32, #tpu.memory_space<vmem>>, vector<1x1x16xf32>,
        %get3A_1135 = vector.shape_cast %get3A_1134 : vector<1x1x16xf32> to vector<16xf32>
        %mul3A_1136 = arith.mulf %get3A_1135, %select_n3A_934 : vector<16xf32>
        %add3A_1137 = arith.addf %scan3A_104, %mul3A_1136 : vector<16xf32>
        %mul3A_1138 = arith.constant 16 : i32
        %mul3A_1139 = arith.muli %scan3A_103, %mul3A_1138 : i32
        %add3A_1140 = arith.constant 1 : i32
        %add3A_1141 = arith.addi %mul3A_1139, %add3A_1140 : i32
        %mul3A_1142 = arith.constant 16 : i32
        %mul3A_1143 = arith.muli %scan3A_86, %mul3A_1142 : i32
        %get3A_1144 = arith.constant 0 : i32
        %get3A_1145 = arith.index_cast %get3A_1144 : i32 to index
        %get3A_1146 = arith.index_cast %add3A_1141 : i32 to index
        %get3A_1147 = arith.index_cast %mul3A_1143 : i32 to index
        %get3A_1148 = tpu.vector_load %arg7[%get3A_1145, %get3A_1146, %get3A_1147] {strides = array<i32>} : memref<2x128x128xf32, #tpu.memory_space<vmem>>, vector<1x1x16xf32>,
        %get3A_1149 = vector.shape_cast %get3A_1148 : vector<1x1x16xf32> to vector<16xf32>
        %mul3A_1150 = arith.mulf %get3A_1149, %select_n3A_960 : vector<16xf32>
        %add3A_1151 = arith.addf %add3A_1137, %mul3A_1150 : vector<16xf32>
        %mul3A_1152 = arith.constant 16 : i32
        %mul3A_1153 = arith.muli %scan3A_103, %mul3A_1152 : i32
        %add3A_1154 = arith.constant 2 : i32
        %add3A_1155 = arith.addi %mul3A_1153, %add3A_1154 : i32
        %mul3A_1156 = arith.constant 16 : i32
        %mul3A_1157 = arith.muli %scan3A_86, %mul3A_1156 : i32
        %get3A_1158 = arith.constant 0 : i32
        %get3A_1159 = arith.index_cast %get3A_1158 : i32 to index
        %get3A_1160 = arith.index_cast %add3A_1155 : i32 to index
        %get3A_1161 = arith.index_cast %mul3A_1157 : i32 to index
        %get3A_1162 = tpu.vector_load %arg7[%get3A_1159, %get3A_1160, %get3A_1161] {strides = array<i32>} : memref<2x128x128xf32, #tpu.memory_space<vmem>>, vector<1x1x16xf32>,
        %get3A_1163 = vector.shape_cast %get3A_1162 : vector<1x1x16xf32> to vector<16xf32>
        %mul3A_1164 = arith.mulf %get3A_1163, %select_n3A_986 : vector<16xf32>
        %add3A_1165 = arith.addf %add3A_1151, %mul3A_1164 : vector<16xf32>
        %mul3A_1166 = arith.constant 16 : i32
        %mul3A_1167 = arith.muli %scan3A_103, %mul3A_1166 : i32
        %add3A_1168 = arith.constant 3 : i32
        %add3A_1169 = arith.addi %mul3A_1167, %add3A_1168 : i32
        %mul3A_1170 = arith.constant 16 : i32
        %mul3A_1171 = arith.muli %scan3A_86, %mul3A_1170 : i32
        %get3A_1172 = arith.constant 0 : i32
        %get3A_1173 = arith.index_cast %get3A_1172 : i32 to index
        %get3A_1174 = arith.index_cast %add3A_1169 : i32 to index
        %get3A_1175 = arith.index_cast %mul3A_1171 : i32 to index
        %get3A_1176 = tpu.vector_load %arg7[%get3A_1173, %get3A_1174, %get3A_1175] {strides = array<i32>} : memref<2x128x128xf32, #tpu.memory_space<vmem>>, vector<1x1x16xf32>,
        %get3A_1177 = vector.shape_cast %get3A_1176 : vector<1x1x16xf32> to vector<16xf32>
        %mul3A_1178 = arith.mulf %get3A_1177, %select_n3A_1012 : vector<16xf32>
        %add3A_1179 = arith.addf %add3A_1165, %mul3A_1178 : vector<16xf32>
        %mul3A_1180 = arith.constant 16 : i32
        %mul3A_1181 = arith.muli %scan3A_103, %mul3A_1180 : i32
        %add3A_1182 = arith.constant 4 : i32
        %add3A_1183 = arith.addi %mul3A_1181, %add3A_1182 : i32
        %mul3A_1184 = arith.constant 16 : i32
        %mul3A_1185 = arith.muli %scan3A_86, %mul3A_1184 : i32
        %get3A_1186 = arith.constant 0 : i32
        %get3A_1187 = arith.index_cast %get3A_1186 : i32 to index
        %get3A_1188 = arith.index_cast %add3A_1183 : i32 to index
        %get3A_1189 = arith.index_cast %mul3A_1185 : i32 to index
        %get3A_1190 = tpu.vector_load %arg7[%get3A_1187, %get3A_1188, %get3A_1189] {strides = array<i32>} : memref<2x128x128xf32, #tpu.memory_space<vmem>>, vector<1x1x16xf32>,
        %get3A_1191 = vector.shape_cast %get3A_1190 : vector<1x1x16xf32> to vector<16xf32>
        %mul3A_1192 = arith.mulf %get3A_1191, %select_n3A_1038 : vector<16xf32>
        %add3A_1193 = arith.addf %add3A_1179, %mul3A_1192 : vector<16xf32>
        %mul3A_1194 = arith.constant 16 : i32
        %mul3A_1195 = arith.muli %scan3A_103, %mul3A_1194 : i32
        %add3A_1196 = arith.constant 5 : i32
        %add3A_1197 = arith.addi %mul3A_1195, %add3A_1196 : i32
        %mul3A_1198 = arith.constant 16 : i32
        %mul3A_1199 = arith.muli %scan3A_86, %mul3A_1198 : i32
        %get3A_1200 = arith.constant 0 : i32
        %get3A_1201 = arith.index_cast %get3A_1200 : i32 to index
        %get3A_1202 = arith.index_cast %add3A_1197 : i32 to index
        %get3A_1203 = arith.index_cast %mul3A_1199 : i32 to index
        %get3A_1204 = tpu.vector_load %arg7[%get3A_1201, %get3A_1202, %get3A_1203] {strides = array<i32>} : memref<2x128x128xf32, #tpu.memory_space<vmem>>, vector<1x1x16xf32>,
        %get3A_1205 = vector.shape_cast %get3A_1204 : vector<1x1x16xf32> to vector<16xf32>
        %mul3A_1206 = arith.mulf %get3A_1205, %select_n3A_1064 : vector<16xf32>
        %add3A_1207 = arith.addf %add3A_1193, %mul3A_1206 : vector<16xf32>
        %mul3A_1208 = arith.constant 16 : i32
        %mul3A_1209 = arith.muli %scan3A_103, %mul3A_1208 : i32
        %add3A_1210 = arith.constant 6 : i32
        %add3A_1211 = arith.addi %mul3A_1209, %add3A_1210 : i32
        %mul3A_1212 = arith.constant 16 : i32
        %mul3A_1213 = arith.muli %scan3A_86, %mul3A_1212 : i32
        %get3A_1214 = arith.constant 0 : i32
        %get3A_1215 = arith.index_cast %get3A_1214 : i32 to index
        %get3A_1216 = arith.index_cast %add3A_1211 : i32 to index
        %get3A_1217 = arith.index_cast %mul3A_1213 : i32 to index
        %get3A_1218 = tpu.vector_load %arg7[%get3A_1215, %get3A_1216, %get3A_1217] {strides = array<i32>} : memref<2x128x128xf32, #tpu.memory_space<vmem>>, vector<1x1x16xf32>,
        %get3A_1219 = vector.shape_cast %get3A_1218 : vector<1x1x16xf32> to vector<16xf32>
        %mul3A_1220 = arith.mulf %get3A_1219, %select_n3A_1090 : vector<16xf32>
        %add3A_1221 = arith.addf %add3A_1207, %mul3A_1220 : vector<16xf32>
        %mul3A_1222 = arith.constant 16 : i32
        %mul3A_1223 = arith.muli %scan3A_103, %mul3A_1222 : i32
        %add3A_1224 = arith.constant 7 : i32
        %add3A_1225 = arith.addi %mul3A_1223, %add3A_1224 : i32
        %mul3A_1226 = arith.constant 16 : i32
        %mul3A_1227 = arith.muli %scan3A_86, %mul3A_1226 : i32
        %get3A_1228 = arith.constant 0 : i32
        %get3A_1229 = arith.index_cast %get3A_1228 : i32 to index
        %get3A_1230 = arith.index_cast %add3A_1225 : i32 to index
        %get3A_1231 = arith.index_cast %mul3A_1227 : i32 to index
        %get3A_1232 = tpu.vector_load %arg7[%get3A_1229, %get3A_1230, %get3A_1231] {strides = array<i32>} : memref<2x128x128xf32, #tpu.memory_space<vmem>>, vector<1x1x16xf32>,
        %get3A_1233 = vector.shape_cast %get3A_1232 : vector<1x1x16xf32> to vector<16xf32>
        %mul3A_1234 = arith.mulf %get3A_1233, %select_n3A_1116 : vector<16xf32>
        %add3A_1235 = arith.addf %add3A_1221, %mul3A_1234 : vector<16xf32>
        %mul3A_1236 = arith.constant 16 : i32
        %mul3A_1237 = arith.muli %scan3A_103, %mul3A_1236 : i32
        %add3A_1238 = arith.constant 8 : i32
        %add3A_1239 = arith.addi %mul3A_1237, %add3A_1238 : i32
        %mul3A_1240 = arith.constant 16 : i32
        %mul3A_1241 = arith.muli %scan3A_86, %mul3A_1240 : i32
        %get3A_1242 = arith.constant 0 : i32
        %get3A_1243 = arith.index_cast %get3A_1242 : i32 to index
        %get3A_1244 = arith.index_cast %add3A_1239 : i32 to index
        %get3A_1245 = arith.index_cast %mul3A_1241 : i32 to index
        %get3A_1246 = tpu.vector_load %arg7[%get3A_1243, %get3A_1244, %get3A_1245] {strides = array<i32>} : memref<2x128x128xf32, #tpu.memory_space<vmem>>, vector<1x1x16xf32>,
        %get3A_1247 = vector.shape_cast %get3A_1246 : vector<1x1x16xf32> to vector<16xf32>
        %mul3A_1248 = arith.mulf %get3A_1247, %select_n3A_941 : vector<16xf32>
        %add3A_1249 = arith.addf %add3A_1235, %mul3A_1248 : vector<16xf32>
        %mul3A_1250 = arith.constant 16 : i32
        %mul3A_1251 = arith.muli %scan3A_103, %mul3A_1250 : i32
        %add3A_1252 = arith.constant 9 : i32
        %add3A_1253 = arith.addi %mul3A_1251, %add3A_1252 : i32
        %mul3A_1254 = arith.constant 16 : i32
        %mul3A_1255 = arith.muli %scan3A_86, %mul3A_1254 : i32
        %get3A_1256 = arith.constant 0 : i32
        %get3A_1257 = arith.index_cast %get3A_1256 : i32 to index
        %get3A_1258 = arith.index_cast %add3A_1253 : i32 to index
        %get3A_1259 = arith.index_cast %mul3A_1255 : i32 to index
        %get3A_1260 = tpu.vector_load %arg7[%get3A_1257, %get3A_1258, %get3A_1259] {strides = array<i32>} : memref<2x128x128xf32, #tpu.memory_space<vmem>>, vector<1x1x16xf32>,
        %get3A_1261 = vector.shape_cast %get3A_1260 : vector<1x1x16xf32> to vector<16xf32>
        %mul3A_1262 = arith.mulf %get3A_1261, %select_n3A_967 : vector<16xf32>
        %add3A_1263 = arith.addf %add3A_1249, %mul3A_1262 : vector<16xf32>
        %mul3A_1264 = arith.constant 16 : i32
        %mul3A_1265 = arith.muli %scan3A_103, %mul3A_1264 : i32
        %add3A_1266 = arith.constant 10 : i32
        %add3A_1267 = arith.addi %mul3A_1265, %add3A_1266 : i32
        %mul3A_1268 = arith.constant 16 : i32
        %mul3A_1269 = arith.muli %scan3A_86, %mul3A_1268 : i32
        %get3A_1270 = arith.constant 0 : i32
        %get3A_1271 = arith.index_cast %get3A_1270 : i32 to index
        %get3A_1272 = arith.index_cast %add3A_1267 : i32 to index
        %get3A_1273 = arith.index_cast %mul3A_1269 : i32 to index
        %get3A_1274 = tpu.vector_load %arg7[%get3A_1271, %get3A_1272, %get3A_1273] {strides = array<i32>} : memref<2x128x128xf32, #tpu.memory_space<vmem>>, vector<1x1x16xf32>,
        %get3A_1275 = vector.shape_cast %get3A_1274 : vector<1x1x16xf32> to vector<16xf32>
        %mul3A_1276 = arith.mulf %get3A_1275, %select_n3A_993 : vector<16xf32>
        %add3A_1277 = arith.addf %add3A_1263, %mul3A_1276 : vector<16xf32>
        %mul3A_1278 = arith.constant 16 : i32
        %mul3A_1279 = arith.muli %scan3A_103, %mul3A_1278 : i32
        %add3A_1280 = arith.constant 11 : i32
        %add3A_1281 = arith.addi %mul3A_1279, %add3A_1280 : i32
        %mul3A_1282 = arith.constant 16 : i32
        %mul3A_1283 = arith.muli %scan3A_86, %mul3A_1282 : i32
        %get3A_1284 = arith.constant 0 : i32
        %get3A_1285 = arith.index_cast %get3A_1284 : i32 to index
        %get3A_1286 = arith.index_cast %add3A_1281 : i32 to index
        %get3A_1287 = arith.index_cast %mul3A_1283 : i32 to index
        %get3A_1288 = tpu.vector_load %arg7[%get3A_1285, %get3A_1286, %get3A_1287] {strides = array<i32>} : memref<2x128x128xf32, #tpu.memory_space<vmem>>, vector<1x1x16xf32>,
        %get3A_1289 = vector.shape_cast %get3A_1288 : vector<1x1x16xf32> to vector<16xf32>
        %mul3A_1290 = arith.mulf %get3A_1289, %select_n3A_1019 : vector<16xf32>
        %add3A_1291 = arith.addf %add3A_1277, %mul3A_1290 : vector<16xf32>
        %mul3A_1292 = arith.constant 16 : i32
        %mul3A_1293 = arith.muli %scan3A_103, %mul3A_1292 : i32
        %add3A_1294 = arith.constant 12 : i32
        %add3A_1295 = arith.addi %mul3A_1293, %add3A_1294 : i32
        %mul3A_1296 = arith.constant 16 : i32
        %mul3A_1297 = arith.muli %scan3A_86, %mul3A_1296 : i32
        %get3A_1298 = arith.constant 0 : i32
        %get3A_1299 = arith.index_cast %get3A_1298 : i32 to index
        %get3A_1300 = arith.index_cast %add3A_1295 : i32 to index
        %get3A_1301 = arith.index_cast %mul3A_1297 : i32 to index
        %get3A_1302 = tpu.vector_load %arg7[%get3A_1299, %get3A_1300, %get3A_1301] {strides = array<i32>} : memref<2x128x128xf32, #tpu.memory_space<vmem>>, vector<1x1x16xf32>,
        %get3A_1303 = vector.shape_cast %get3A_1302 : vector<1x1x16xf32> to vector<16xf32>
        %mul3A_1304 = arith.mulf %get3A_1303, %select_n3A_1045 : vector<16xf32>
        %add3A_1305 = arith.addf %add3A_1291, %mul3A_1304 : vector<16xf32>
        %mul3A_1306 = arith.constant 16 : i32
        %mul3A_1307 = arith.muli %scan3A_103, %mul3A_1306 : i32
        %add3A_1308 = arith.constant 13 : i32
        %add3A_1309 = arith.addi %mul3A_1307, %add3A_1308 : i32
        %mul3A_1310 = arith.constant 16 : i32
        %mul3A_1311 = arith.muli %scan3A_86, %mul3A_1310 : i32
        %get3A_1312 = arith.constant 0 : i32
        %get3A_1313 = arith.index_cast %get3A_1312 : i32 to index
        %get3A_1314 = arith.index_cast %add3A_1309 : i32 to index
        %get3A_1315 = arith.index_cast %mul3A_1311 : i32 to index
        %get3A_1316 = tpu.vector_load %arg7[%get3A_1313, %get3A_1314, %get3A_1315] {strides = array<i32>} : memref<2x128x128xf32, #tpu.memory_space<vmem>>, vector<1x1x16xf32>,
        %get3A_1317 = vector.shape_cast %get3A_1316 : vector<1x1x16xf32> to vector<16xf32>
        %mul3A_1318 = arith.mulf %get3A_1317, %select_n3A_1071 : vector<16xf32>
        %add3A_1319 = arith.addf %add3A_1305, %mul3A_1318 : vector<16xf32>
        %mul3A_1320 = arith.constant 16 : i32
        %mul3A_1321 = arith.muli %scan3A_103, %mul3A_1320 : i32
        %add3A_1322 = arith.constant 14 : i32
        %add3A_1323 = arith.addi %mul3A_1321, %add3A_1322 : i32
        %mul3A_1324 = arith.constant 16 : i32
        %mul3A_1325 = arith.muli %scan3A_86, %mul3A_1324 : i32
        %get3A_1326 = arith.constant 0 : i32
        %get3A_1327 = arith.index_cast %get3A_1326 : i32 to index
        %get3A_1328 = arith.index_cast %add3A_1323 : i32 to index
        %get3A_1329 = arith.index_cast %mul3A_1325 : i32 to index
        %get3A_1330 = tpu.vector_load %arg7[%get3A_1327, %get3A_1328, %get3A_1329] {strides = array<i32>} : memref<2x128x128xf32, #tpu.memory_space<vmem>>, vector<1x1x16xf32>,
        %get3A_1331 = vector.shape_cast %get3A_1330 : vector<1x1x16xf32> to vector<16xf32>
        %mul3A_1332 = arith.mulf %get3A_1331, %select_n3A_1097 : vector<16xf32>
        %add3A_1333 = arith.addf %add3A_1319, %mul3A_1332 : vector<16xf32>
        %mul3A_1334 = arith.constant 16 : i32
        %mul3A_1335 = arith.muli %scan3A_103, %mul3A_1334 : i32
        %add3A_1336 = arith.constant 15 : i32
        %add3A_1337 = arith.addi %mul3A_1335, %add3A_1336 : i32
        %mul3A_1338 = arith.constant 16 : i32
        %mul3A_1339 = arith.muli %scan3A_86, %mul3A_1338 : i32
        %get3A_1340 = arith.constant 0 : i32
        %get3A_1341 = arith.index_cast %get3A_1340 : i32 to index
        %get3A_1342 = arith.index_cast %add3A_1337 : i32 to index
        %get3A_1343 = arith.index_cast %mul3A_1339 : i32 to index
        %get3A_1344 = tpu.vector_load %arg7[%get3A_1341, %get3A_1342, %get3A_1343] {strides = array<i32>} : memref<2x128x128xf32, #tpu.memory_space<vmem>>, vector<1x1x16xf32>,
        %get3A_1345 = vector.shape_cast %get3A_1344 : vector<1x1x16xf32> to vector<16xf32>
        %mul3A_1346 = arith.mulf %get3A_1345, %select_n3A_1123 : vector<16xf32>
        %add3A_1347 = arith.addf %add3A_1333, %mul3A_1346 : vector<16xf32>
        scf.yield %add3A_1347 : vector<16xf32>
      }
      %scan3A_96 = arith.constant 8 : i32
      %mul3A_97 = arith.constant 16 : i32
      %mul3A_98 = arith.muli %scan3A_86, %mul3A_97 : i32
      %swap3A_99 = arith.index_cast %mul3A_98 : i32 to index
      %swap3A_100 = tpu.vector_load %arg9[%swap3A_99] {strides = array<i32>} : memref<128xf32, #tpu.memory_space<vmem>>, vector<16xf32>,
      %swap3A_101 = vector.shape_cast %swap3A_100 : vector<16xf32> to vector<16xf32>
      %swap3A_102 = vector.shape_cast %scan3A_95 : vector<16xf32> to vector<16xf32>
      tpu.vector_store %arg9[%swap3A_99], %swap3A_102 {strides = array<i32>} : memref<128xf32, #tpu.memory_space<vmem>>, vector<16xf32>,
    }
    %scan3A_85 = arith.constant 8 : i32
    "tpu.region"() ({
      %run_scoped3A = tpu.sem_alloc : memref<!tpu.dma_semaphore, #tpu.memory_space<semaphore_mem>>
      %dma_start3A_86 = tpu.memref_slice %arg5[%mul3A_2] : memref<4096xf32, #tpu.memory_space<hbm>> -> memref<128xf32, #tpu.memory_space<hbm>>
      %dma_start3A_87 = tpu.memref_slice %arg5[%mul3A_2] : memref<4096xf32, #tpu.memory_space<hbm>> -> memref<128xf32, #tpu.memory_space<hbm>>
      tpu.enqueue_dma source(%arg9 : memref<128xf32, #tpu.memory_space<vmem>>) target(%dma_start3A_87 : memref<128xf32, #tpu.memory_space<hbm>>) target_semaphore(%run_scoped3A : memref<!tpu.dma_semaphore, #tpu.memory_space<semaphore_mem>>)
      %dma_wait3A_88 = tpu.memref_slice %arg5[%mul3A_2] : memref<4096xf32, #tpu.memory_space<hbm>> -> memref<128xf32, #tpu.memory_space<hbm>>
      %dma_wait3A_89 = tpu.memref_slice %arg5[%mul3A_2] : memref<4096xf32, #tpu.memory_space<hbm>> -> memref<128xf32, #tpu.memory_space<hbm>>
      tpu.wait_dma2 semaphore(%run_scoped3A : memref<!tpu.dma_semaphore, #tpu.memory_space<semaphore_mem>>) src(%arg9 : memref<128xf32, #tpu.memory_space<vmem>>) dst(%dma_wait3A_89 : memref<128xf32, #tpu.memory_space<hbm>>)
      tpu.yield
    }) : () -> ()
    return
  }
}

module attributes {stable_mosaic.version = 14 : i64} {
  func.func @_fin_body(%arg0: i32, %arg1: memref<1x4096xf32, #tpu.memory_space<vmem>>, %arg2: memref<1x4096xi32, #tpu.memory_space<vmem>>, %arg3: memref<128x4096xf32, #tpu.memory_space<vmem>>, %arg4: memref<1000x104xf32, #tpu.memory_space<vmem>>, %arg5: memref<1x1xf32, #tpu.memory_space<vmem>>, %arg6: memref<1x1xf32, #tpu.memory_space<vmem>>) attributes {dimension_semantics = [#tpu.dimension_semantics<arbitrary>], iteration_bounds = array<i64: 1>, scalar_prefetch = 0 : i64, scratch_operands = 0 : i64, tpu.core_type = #tpu.core_type<tc>, window_params = [{pipeline_mode = #tpu.pipeline_mode<synchronous>, transform_indices = @transform_0, window_bounds = array<i64: 1, 4096>}, {transform_indices = @transform_1, window_bounds = array<i64: 1, 4096>}, {transform_indices = @transform_2, window_bounds = array<i64: 128, 4096>}, {pipeline_mode = #tpu.pipeline_mode<synchronous>, transform_indices = @transform_3, window_bounds = array<i64: 1000, 104>}, {pipeline_mode = #tpu.pipeline_mode<synchronous>, transform_indices = @transform_4, window_bounds = array<i64: 1, 1>}, {pipeline_mode = #tpu.pipeline_mode<synchronous>, transform_indices = @transform_5, window_bounds = array<i64: 1, 1>}]} {
    %get3A = arith.constant 0 : index
    %get3A_0 = arith.constant 0 : index
    %get3A_1 = vector.load %arg2[%get3A, %get3A_0] : memref<1x4096xi32, #tpu.memory_space<vmem>>, vector<1x4096xi32>
    %iota3A = tpu.iota {dimensions = array<i32: 0>} : vector<1000x4096xi32>
    %eq3A = vector.broadcast %get3A_1 : vector<1x4096xi32> to vector<1000x4096xi32>
    %eq3A_2 = arith.cmpi eq, %iota3A, %eq3A : vector<1000x4096xi32>
    %convert_element_type3A = arith.extui %eq3A_2 : vector<1000x4096xi1> to vector<1000x4096xi32>
    %convert_element_type3A_3 = arith.sitofp %convert_element_type3A : vector<1000x4096xi32> to vector<1000x4096xf32>
    %convert_element_type3A_4 = arith.truncf %convert_element_type3A_3 : vector<1000x4096xf32> to vector<1000x4096xbf16>
    %get3A_5 = arith.constant 0 : index
    %get3A_6 = arith.constant 0 : index
    %get3A_7 = vector.load %arg4[%get3A_5, %get3A_6] : memref<1000x104xf32, #tpu.memory_space<vmem>>, vector<1000x104xf32>
    %convert_element_type3A_8 = arith.truncf %get3A_7 : vector<1000x104xf32> to vector<1000x104xbf16>
    %dot_general3A = arith.constant dense<0.000000e+00> : vector<104x4096xf32>
    %dot_general3A_9 = tpu.matmul %convert_element_type3A_8, %convert_element_type3A_4, %dot_general3A {dimension_numbers = #tpu.dot_dimension_numbers<[0], [0], [1], [1], [0, 1, 1, 1], [], []>, transpose_lhs_hint = false} : vector<1000x104xbf16>, vector<1000x4096xbf16>, vector<104x4096xf32> -> vector<104x4096xf32>
    %get3A_10 = arith.constant 0 : index
    %get3A_11 = arith.constant 0 : index
    %get3A_12 = vector.load %arg3[%get3A_10, %get3A_11] : memref<128x4096xf32, #tpu.memory_space<vmem>>, vector<104x4096xf32>
    %mul3A = arith.mulf %dot_general3A_9, %get3A_12 : vector<104x4096xf32>
    %reduce_sum3A = arith.constant dense<0.000000e+00> : vector<4096xf32>
    %reduce_sum3A_13 = vector.multi_reduction <add>, %mul3A, %reduce_sum3A [0] : vector<104x4096xf32> to vector<4096xf32>
    %broadcast_in_dim3A = vector.shape_cast %reduce_sum3A_13 : vector<4096xf32> to vector<1x4096xf32>
    %get3A_14 = arith.constant 0 : index
    %get3A_15 = arith.constant 0 : index
    %get3A_16 = vector.load %arg1[%get3A_14, %get3A_15] : memref<1x4096xf32, #tpu.memory_space<vmem>>, vector<1x4096xf32>
    %add3A = arith.addf %get3A_16, %broadcast_in_dim3A : vector<1x4096xf32>
    %add3A_17 = arith.constant 9.99999993E-9 : f32
    %add3A_18 = vector.broadcast %add3A_17 : f32 to vector<1x4096xf32>
    %add3A_19 = arith.addf %add3A, %add3A_18 : vector<1x4096xf32>
    %log3A = math.log %add3A_19 : vector<1x4096xf32>
    %neg3A = arith.constant 0.000000e+00 : f32
    %neg3A_20 = vector.broadcast %neg3A : f32 to vector<1x4096xf32>
    %neg3A_21 = arith.subf %neg3A_20, %log3A : vector<1x4096xf32>
    %reduce_sum3A_22 = vector.shape_cast %neg3A_21 : vector<1x4096xf32> to vector<1x1x4096xf32>
    %reduce_sum3A_23 = arith.constant dense<0.000000e+00> : vector<1xf32>
    %reduce_sum3A_24 = vector.multi_reduction <add>, %reduce_sum3A_22, %reduce_sum3A_23 [1, 2] : vector<1x1x4096xf32> to vector<1xf32>
    %reduce_sum3A_25 = vector.shape_cast %reduce_sum3A_24 : vector<1xf32> to vector<1x1x1xf32>
    %reduce_sum3A_26 = vector.extract %reduce_sum3A_25[0, 0, 0] : f32 from vector<1x1x1xf32>
    %reshape3A = vector.broadcast %reduce_sum3A_26 : f32 to vector<1x1xf32>
    %get3A_27 = arith.constant 0 : index
    %get3A_28 = arith.constant 0 : index
    %get3A_29 = vector.load %arg5[%get3A_27, %get3A_28] : memref<1x1xf32, #tpu.memory_space<vmem>>, vector<1x1xf32>
    %add3A_30 = arith.addf %reshape3A, %get3A_29 : vector<1x1xf32>
    %swap3A = arith.constant 0 : index
    %swap3A_31 = arith.constant 0 : index
    %swap3A_32 = vector.load %arg6[%swap3A, %swap3A_31] : memref<1x1xf32, #tpu.memory_space<vmem>>, vector<1x1xf32>
    tpu.vector_store %arg6[%swap3A, %swap3A_31], %add3A_30 {strides = array<i32>} : memref<1x1xf32, #tpu.memory_space<vmem>>, vector<1x1xf32>,
    return
  }
  func.func @transform_0(%arg0: i32) -> (i32, i32) {
    %c0_i32 = arith.constant 0 : i32
    %c0_i32_0 = arith.constant 0 : i32
    %c0_i32_1 = arith.constant 0 : i32
    return %c0_i32, %c0_i32_0 : i32, i32
  }
  func.func @transform_1(%arg0: i32) -> (i32, i32) {
    %c0_i32 = arith.constant 0 : i32
    %c0_i32_0 = arith.constant 0 : i32
    %c0_i32_1 = arith.constant 0 : i32
    return %c0_i32, %c0_i32_0 : i32, i32
  }
  func.func @transform_2(%arg0: i32) -> (i32, i32) {
    %c7_i32 = arith.constant 7 : i32
    %c0_i32 = arith.constant 0 : i32
    %c0_i32_0 = arith.constant 0 : i32
    return %c7_i32, %c0_i32 : i32, i32
  }
  func.func @transform_3(%arg0: i32) -> (i32, i32) {
    %c0_i32 = arith.constant 0 : i32
    %c0_i32_0 = arith.constant 0 : i32
    %c0_i32_1 = arith.constant 0 : i32
    return %c0_i32, %c0_i32_0 : i32, i32
  }
  func.func @transform_4(%arg0: i32) -> (i32, i32) {
    %c0_i32 = arith.constant 0 : i32
    %c0_i32_0 = arith.constant 0 : i32
    %c0_i32_1 = arith.constant 0 : i32
    return %c0_i32, %c0_i32_0 : i32, i32
  }
  func.func @transform_5(%arg0: i32) -> (i32, i32) {
    %c0_i32 = arith.constant 0 : i32
    %c0_i32_0 = arith.constant 0 : i32
    %c0_i32_1 = arith.constant 0 : i32
    return %c0_i32, %c0_i32_0 : i32, i32
  }
}

module attributes {stable_mosaic.version = 14 : i64} {
  func.func @_tc_body(%arg0: i32, %arg1: memref<1x1x2048xi32, #tpu.memory_space<vmem>>, %arg2: memref<1000x2048xf32, #tpu.memory_space<vmem>>, %arg3: memref<1000x1000xf32, #tpu.memory_space<vmem>>, %arg4: memref<1x1xf32, #tpu.memory_space<vmem>>) attributes {dimension_semantics = [#tpu.dimension_semantics<arbitrary>], iteration_bounds = array<i64: 6>, scalar_prefetch = 0 : i64, scratch_operands = 0 : i64, tpu.core_type = #tpu.core_type<tc>, window_params = [{transform_indices = @transform_0, window_bounds = array<i64: 1, 1, 2048>}, {transform_indices = @transform_1, window_bounds = array<i64: 1000, 2048>}, {pipeline_mode = #tpu.pipeline_mode<synchronous>, transform_indices = @transform_2, window_bounds = array<i64: 1000, 1000>}, {pipeline_mode = #tpu.pipeline_mode<synchronous>, transform_indices = @transform_3, window_bounds = array<i64: 1, 1>}]} {
    %get3A = arith.constant 0 : index
    %get3A_0 = arith.constant 0 : index
    %get3A_1 = arith.constant 0 : index
    %get3A_2 = vector.load %arg1[%get3A, %get3A_0, %get3A_1] : memref<1x1x2048xi32, #tpu.memory_space<vmem>>, vector<1x1x2048xi32>
    %get3A_3 = vector.shape_cast %get3A_2 : vector<1x1x2048xi32> to vector<1x2048xi32>
    %iota3A = tpu.iota {dimensions = array<i32: 0>} : vector<1000x2048xi32>
    %eq3A = vector.broadcast %get3A_3 : vector<1x2048xi32> to vector<1000x2048xi32>
    %eq3A_4 = arith.cmpi eq, %iota3A, %eq3A : vector<1000x2048xi32>
    %convert_element_type3A = arith.extui %eq3A_4 : vector<1000x2048xi1> to vector<1000x2048xi32>
    %convert_element_type3A_5 = arith.sitofp %convert_element_type3A : vector<1000x2048xi32> to vector<1000x2048xf32>
    %convert_element_type3A_6 = arith.truncf %convert_element_type3A_5 : vector<1000x2048xf32> to vector<1000x2048xbf16>
    %get3A_7 = arith.constant 0 : index
    %get3A_8 = arith.constant 0 : index
    %get3A_9 = vector.load %arg3[%get3A_7, %get3A_8] : memref<1000x1000xf32, #tpu.memory_space<vmem>>, vector<1000x1000xf32>
    %convert_element_type3A_10 = arith.truncf %get3A_9 : vector<1000x1000xf32> to vector<1000x1000xbf16>
    %dot_general3A = arith.constant dense<0.000000e+00> : vector<1000x2048xf32>
    %dot_general3A_11 = tpu.matmul %convert_element_type3A_10, %convert_element_type3A_6, %dot_general3A {dimension_numbers = #tpu.dot_dimension_numbers<[0], [0], [1], [1], [0, 1, 1, 1], [], []>, transpose_lhs_hint = false} : vector<1000x1000xbf16>, vector<1000x2048xbf16>, vector<1000x2048xf32> -> vector<1000x2048xf32>
    %get3A_12 = arith.constant 0 : index
    %get3A_13 = arith.constant 0 : index
    %get3A_14 = vector.load %arg2[%get3A_12, %get3A_13] : memref<1000x2048xf32, #tpu.memory_space<vmem>>, vector<1000x2048xf32>
    %mul3A = arith.mulf %dot_general3A_11, %get3A_14 : vector<1000x2048xf32>
    %reduce_sum3A = arith.constant dense<0.000000e+00> : vector<2048xf32>
    %reduce_sum3A_15 = vector.multi_reduction <add>, %mul3A, %reduce_sum3A [0] : vector<1000x2048xf32> to vector<2048xf32>
    %broadcast_in_dim3A = vector.shape_cast %reduce_sum3A_15 : vector<2048xf32> to vector<1x2048xf32>
    %add3A = arith.constant 9.99999993E-9 : f32
    %add3A_16 = vector.broadcast %add3A : f32 to vector<1x2048xf32>
    %add3A_17 = arith.addf %broadcast_in_dim3A, %add3A_16 : vector<1x2048xf32>
    %log3A = math.log %add3A_17 : vector<1x2048xf32>
    %neg3A = arith.constant 0.000000e+00 : f32
    %neg3A_18 = vector.broadcast %neg3A : f32 to vector<1x2048xf32>
    %neg3A_19 = arith.subf %neg3A_18, %log3A : vector<1x2048xf32>
    %reduce_sum3A_20 = vector.shape_cast %neg3A_19 : vector<1x2048xf32> to vector<1x1x2048xf32>
    %reduce_sum3A_21 = arith.constant dense<0.000000e+00> : vector<1xf32>
    %reduce_sum3A_22 = vector.multi_reduction <add>, %reduce_sum3A_20, %reduce_sum3A_21 [1, 2] : vector<1x1x2048xf32> to vector<1xf32>
    %reduce_sum3A_23 = vector.shape_cast %reduce_sum3A_22 : vector<1xf32> to vector<1x1x1xf32>
    %reduce_sum3A_24 = vector.extract %reduce_sum3A_23[0, 0, 0] : f32 from vector<1x1x1xf32>
    %reshape3A = vector.broadcast %reduce_sum3A_24 : f32 to vector<1x1xf32>
    %eq3A_25 = arith.constant 0 : i32
    %eq3A_26 = arith.cmpi eq, %arg0, %eq3A_25 : i32
    %convert_element_type3A_27 = arith.extui %eq3A_26 : i1 to i32
    %cond3A = arith.constant 0 : i32
    %cond3A_28 = arith.cmpi ne, %convert_element_type3A_27, %cond3A : i32
    scf.if %cond3A_28 {
      %broadcast_in_dim3A_35 = arith.constant 0.000000e+00 : f32
      %broadcast_in_dim3A_36 = vector.broadcast %broadcast_in_dim3A_35 : f32 to vector<1x1xf32>
      %swap3A_37 = arith.constant 0 : index
      %swap3A_38 = arith.constant 0 : index
      %swap3A_39 = vector.load %arg4[%swap3A_37, %swap3A_38] : memref<1x1xf32, #tpu.memory_space<vmem>>, vector<1x1xf32>
      tpu.vector_store %arg4[%swap3A_37, %swap3A_38], %broadcast_in_dim3A_36 {strides = array<i32>} : memref<1x1xf32, #tpu.memory_space<vmem>>, vector<1x1xf32>,
    } else {
    }
    %get3A_29 = arith.constant 0 : index
    %get3A_30 = arith.constant 0 : index
    %get3A_31 = vector.load %arg4[%get3A_29, %get3A_30] : memref<1x1xf32, #tpu.memory_space<vmem>>, vector<1x1xf32>
    %add3A_32 = arith.addf %get3A_31, %reshape3A : vector<1x1xf32>
    %swap3A = arith.constant 0 : index
    %swap3A_33 = arith.constant 0 : index
    %swap3A_34 = vector.load %arg4[%swap3A, %swap3A_33] : memref<1x1xf32, #tpu.memory_space<vmem>>, vector<1x1xf32>
    tpu.vector_store %arg4[%swap3A, %swap3A_33], %add3A_32 {strides = array<i32>} : memref<1x1xf32, #tpu.memory_space<vmem>>, vector<1x1xf32>,
    return
  }
  func.func @transform_0(%arg0: i32) -> (i32, i32, i32) {
    %add3A = arith.constant 2 : i32
    %add3A_0 = arith.addi %arg0, %add3A : i32
    %c0_i32 = arith.constant 0 : i32
    %c0_i32_1 = arith.constant 0 : i32
    %c0_i32_2 = arith.constant 0 : i32
    return %add3A_0, %c0_i32, %c0_i32_1 : i32, i32, i32
  }
  func.func @transform_1(%arg0: i32) -> (i32, i32) {
    %add3A = arith.constant 2 : i32
    %add3A_0 = arith.addi %arg0, %add3A : i32
    %c0_i32 = arith.constant 0 : i32
    %c0_i32_1 = arith.constant 0 : i32
    return %c0_i32, %add3A_0 : i32, i32
  }
  func.func @transform_2(%arg0: i32) -> (i32, i32) {
    %c0_i32 = arith.constant 0 : i32
    %c0_i32_0 = arith.constant 0 : i32
    %c0_i32_1 = arith.constant 0 : i32
    return %c0_i32, %c0_i32_0 : i32, i32
  }
  func.func @transform_3(%arg0: i32) -> (i32, i32) {
    %c0_i32 = arith.constant 0 : i32
    %c0_i32_0 = arith.constant 0 : i32
    %c0_i32_1 = arith.constant 0 : i32
    return %c0_i32, %c0_i32_0 : i32, i32
  }
}

</mosaic_0001>

<sc_bundles>
// kernel: kernel.5.cloned.1.call-start
scs
__scs_entry_jumppad:
0x0: {  	(pc) =	sbr.rel $0x88, $3  }
0x1: {  	(tag) =	ssettag $0x0;
	lr =	simm.s32 $0x1  }
0x2: {  	[smem:$0x3F9E] =	sst lr;
	_ =	strace $0xD0000000  }
0x3: {  	_ = 	snop  }
0x4: {  	_ = 	snop  }
0x5: {  	_ = 	snop  }
0x6: {  	_ = 	snop  }
0x7: {  	_ = 	snop  }
__scs_overlays_trampoline_lowered:
0x8: {  	[smem:$0x3FAD] =	sst s0  }
0x9: {  	[smem:$0x3FAE] =	sst s1  }
0xa: {  	[smem:$0x3FAF] =	sst s2  }
0xb: {  	[smem:$0x3FB0] =	sst s3  }
0xc: {  	[smem:$0x3FB1] =	sst s4  }
0xd: {  	[smem:$0x3FB2] =	sst s5  }
0xe: {  	[smem:$0x3FB3] =	sst s6  }
0xf: {  	[smem:$0x3FB4] =	sst s7  }
0x10: {  	[smem:$0x3FB5] =	sst s8  }
0x11: {  	[smem:$0x3FB6] =	sst s9;
	s0 =	simm.s32 @!p0 $0x0  }
0x12: {  	s1 =	sld [smem:$0x3F9C];
	s0 =	simm.s32 @p0 $0x1  }
0x13: {  	[smem:$0x3FB7] =	sst s0;
	s0 =	simm.s32 @!p1 $0x0  }
0x14: {  	s2 =	sld [smem:$0x3F9B];
	s0 =	simm.s32 @p1 $0x1  }
0x15: {  	[smem:$0x3FB8] =	sst s0;
	s0 =	simm.s32 @!p2 $0x0  }
0x16: {  	s3 =	sld [smem:$0x3FDB];
	s0 =	simm.s32 @p2 $0x1  }
0x17: {  	s4 =	simm.s32 $0x1BF5;
	[smem:$0x3FBA] =	sst s0  }
0x18: {  	s0 =	sld [smem:$0x3F9D];
	_ =	swait.ge [sflag:s4], $0x0  }
0x19: {  	s7 =	sld [smem:$0x3F9E]  }
0x1a: {  	s8 =	sadd.s32 $0xFFFFE003, lr  }
0x1b: {  	s9 =	sadd.s32 $0xFFFFFEF7, lr;
	s5 =	simm.s32 $0xFFFFFFFF;
	p2 =	slt.u32 s8, $0xFFFFF086  }
0x1c: {  	p1 =	slt.u32 s9, $0xF7A;
	s5 =	simm.s32 @!p2 $0x0  }
0x1d: {  	s5 =	simm.s32 @p1 $0x1;
	p0 =	seq.s32 s7, s2  }
0x1e: {  	s7 =	smul.u32 @!p0 $0xF7A, s2;
	p2 =	seq.s32 @!p0 s5, $0x0  }
0x1f: {  	s9 =	smul.u32 $0xF7A, s1;
	s8 =	simm.s32 @!p0 $0x1BF5;
	p2 =	por !p2, p0  }
0x20: {  	[sflag:s8] =	ssyncset.s32 @!p0 $0xFFFFF086;
	s6 =	sadd.s32 @!p0 s3, s7;
	s7 =	simm.s32 @!p0 $0x108  }
0x21: {  	s3 =	sadd.s32 s3, s9;
	s6 =	sadd.s32 @!p0 $0x88, s6;
	s7 =	simm.s32 @p2 $0x1082  }
0x22: {  	[simem:s7], [sflag:s8] =	dma.local @!p0 [hbm:s6], $0xF7A  }
0x23: {  	s9 =	sor.u32 $0xD0000000, s2;
	s6 =	simm.s32 $0x108;
	_ =	swait.ge @!p0 [sflag:s8], $0x0  }
0x24: {  	s3 =	sadd.s32 $0x88, s3;
	s6 =	simm.s32 @!p1 $0x1082;
	[sflag:s4] =	ssyncset.s32 $0xFFFFF086  }
0x25: {  	[simem:s6], [sflag:s4] =	dma.local [hbm:s3], $0xF7A  }
0x26: {  	[smem:$0x3F9E] =	sst s1;
	(tag) =	ssettag s2;
	_ =	strace s9  }
0x27: {  	s1 =	sld [smem:$0x3FAE]  }
0x28: {  	s2 =	sld [smem:$0x3FAF]  }
0x29: {  	s4 =	sld [smem:$0x3FB1]  }
0x2a: {  	p0 =	seq.s32 s5, $0x0;
	s5 =	sld [smem:$0x3FB2]  }
0x2b: {  	s6 =	sld [smem:$0x3FB3]  }
0x2c: {  	s7 =	sld [smem:$0x3FB4]  }
0x2d: {  	s3 =	simm.s32 $0x108;
	s8 =	sld [smem:$0x3FB5]  }
0x2e: {  	s3 =	simm.s32 @!p0 $0x1082;
	s9 =	sld [smem:$0x3FB6]  }
0x2f: {  	lr =	sadd.s32 s0, s3;
	s0 =	sld [smem:$0x3FAD]  }
0x30: {  	s3 =	sld [smem:$0x3FB0]  }
0x31: {  	[smem:$0x3FB9] =	sst s10  }
0x32: {  	s10 =	sld [smem:$0x3FB7];
	_ =	sdelay $0x3  }
0x33: {  	p0 =	seq.s32 s10, $0x1;
	s10 =	sld [smem:$0x3FB9];
	_ =	sdelay $0x3  }
0x34: {  	[smem:$0x3FB9] =	sst s10  }
0x35: {  	s10 =	sld [smem:$0x3FB8];
	_ =	sdelay $0x3  }
0x36: {  	p1 =	seq.s32 s10, $0x1;
	s10 =	sld [smem:$0x3FB9];
	_ =	sdelay $0x3  }
0x37: {  	[smem:$0x3FB9] =	sst s10  }
0x38: {  	s10 =	sld [smem:$0x3FBA]  }
0x39: {  	_ = 	snop;
	(pc) =	sbr.ind lr, $3  }
0x3a: {  	_ = 	snop  }
0x3b: {  	_ = 	snop  }
0x3c: {  	p2 =	seq.s32 s10, $0x1;
	s10 =	sld [smem:$0x3FB9]  }
0x3d: {  	_ =	shalt  }
0x3e: {  	_ =	shalt  }
0x3f: {  	_ =	shalt  }
0x40: {  	_ =	shalt  }
0x41: {  	_ =	shalt  }
0x42: {  	_ =	shalt  }
0x43: {  	_ =	shalt  }
0x44: {  	_ =	shalt  }
0x45: {  	_ =	shalt  }
0x46: {  	_ =	shalt  }
0x47: {  	_ =	shalt  }
0x48: {  	_ =	shalt  }
0x49: {  	_ =	shalt  }
0x4a: {  	_ =	shalt  }
0x4b: {  	_ =	shalt  }
0x4c: {  	_ =	shalt  }
0x4d: {  	_ =	shalt  }
0x4e: {  	_ =	shalt  }
0x4f: {  	_ =	shalt  }
0x50: {  	_ =	shalt  }
0x51: {  	_ =	shalt  }
0x52: {  	_ =	shalt  }
0x53: {  	_ =	shalt  }
0x54: {  	_ =	shalt  }
0x55: {  	_ =	shalt  }
0x56: {  	_ =	shalt  }
0x57: {  	_ =	shalt  }
0x58: {  	_ =	shalt  }
0x59: {  	_ =	shalt  }
0x5a: {  	_ =	shalt  }
0x5b: {  	_ =	shalt  }
0x5c: {  	_ =	shalt  }
0x5d: {  	_ =	shalt  }
0x5e: {  	_ =	shalt  }
0x5f: {  	_ =	shalt  }
0x60: {  	_ =	shalt  }
0x61: {  	_ =	shalt  }
0x62: {  	_ =	shalt  }
0x63: {  	_ =	shalt  }
0x64: {  	_ =	shalt  }
0x65: {  	_ =	shalt  }
0x66: {  	_ =	shalt  }
0x67: {  	_ =	shalt  }
0x68: {  	_ =	shalt  }
0x69: {  	_ =	shalt  }
0x6a: {  	_ =	shalt  }
0x6b: {  	_ =	shalt  }
0x6c: {  	_ =	shalt  }
0x6d: {  	_ =	shalt  }
0x6e: {  	_ =	shalt  }
0x6f: {  	_ =	shalt  }
0x70: {  	_ =	shalt  }
0x71: {  	_ =	shalt  }
0x72: {  	_ =	shalt  }
0x73: {  	_ =	shalt  }
0x74: {  	_ =	shalt  }
0x75: {  	_ =	shalt  }
0x76: {  	_ =	shalt  }
0x77: {  	_ =	shalt  }
0x78: {  	_ =	shalt  }
0x79: {  	_ =	shalt  }
0x7a: {  	_ =	shalt  }
0x7b: {  	_ =	shalt  }
0x7c: {  	_ =	shalt  }
0x7d: {  	_ =	shalt  }
0x7e: {  	_ =	shalt  }
0x7f: {  	_ =	shalt  }
0x80: {  	_ =	shalt  }
0x81: {  	_ =	shalt  }
0x82: {  	_ =	shalt  }
0x83: {  	_ =	shalt  }
0x84: {  	_ =	shalt  }
0x85: {  	_ =	shalt  }
0x86: {  	_ =	shalt  }
0x87: {  	_ =	shalt  }
.Lfunc_end0:
.L_simem_size_0:
called_computation_lowered:
.L_overlay_start_0:
0x88: {  	s2 =	sld [smem:$0x3FD9]  }
0x89: {  	s3 =	sld [smem:$0x3FFE];
	_ =	sdelay $0x1  }
0x8a: {  	s1 =	srdreg.scid  }
0x8b: {  	s0 =	sand.u32 $0x1, s1  }
0x8c: {  	s17 =	sshll.u32 s0, $0xA;
	s2 =	sadd.s32 s3, s2  }
0x8d: {  	s2 =	sadd.s32 s2, s17  }
0x8e: {  	[smem:$0x3FC5] =	sst s2  }
0x8f: {  	_ = 	snop  }
0x90: {  	s2 =	sld [smem:$0x3FC9]  }
0x91: {  	s18 =	sld [smem:$0x3FC8]  }
0x92: {  	s4 =	sld [smem:$0x3FC7];
	(tm) =	ssettm $0x1  }
0x93: {  	s5 =	sld [smem:$0x3FFB];
	_ =	sdelay $0x3  }
0x94: {  	_ =	strace s5  }
0x95: {  	s5 =	sld [smem:$0x3FFC];
	_ =	sdelay $0x3  }
0x96: {  	_ =	strace s5  }
0x97: {  	s5 =	sld [smem:$0x3FFD];
	_ =	sdelay $0x3  }
0x98: {  	_ =	strace s5  }
0x99: {  	_ =	strace $0x8FFFFFFF  }
0x9a: {  	s19 =	sld [smem:$0x3FDB];
	_ =	sdelay $0x1  }
0x9b: {  	s6 =	simm.s32 $_scs_section_size  }
0x9c: {  	s7 =	simm.s32 $_size__tile_overlayer_lowered;
	s8 =	simm.s32 $_tile_overlayer_lowered  }
0x9d: {  	s22 =	simm.s32 $0x1BFF;
	s21 =	sshll.u32 s8, $0x1;
	s5 =	sadd.s32 s6, s19  }
0x9e: {  	s9 =	simm.s32 $0x0;
	s20 =	sshll.u32 s7, $0x1;
	s7 =	sadd.s32 s21, s5  }
0x9f: {  	[timem:s9], [sflag:s22] =	dma.local [hbm:s7], s20  }
0xa0: {  	_ =	swait.ge [sflag:s22], s20  }
0xa1: {  	s6 =	ssub.s32 $0x0, s20;
	[sflag:s22] =	ssyncset.done $0x0  }
0xa2: {  	[sflag:s22] =	ssyncadd.s32 s6;
	_ =	sdelay $0x1  }
0xa3: {  	s23 =	simm.s32 $0x1B8B  }
0xa4: {  	_ =	swait.ge [sflag:s23], $0x1  }
0xa5: {  	[sflag:s23] =	ssyncset.done $0x0  }
0xa6: {  	s25 =	simm.s32 $0x1B8E;
	s24 =	sld [smem:$0x3FFE];
	[sflag:s23] =	ssyncadd.s32 $0xFFFFFFFF  }
0xa7: {  	s26 =	simm.s32 $execute0_lowered;
	[smem:$0x3FD2] =	sst s25  }
0xa8: {  	s7 =	sshll.u32 s26, $0x1;
	_ =	strace $0x80000046;
	[dreg:$0x1] =	wrdreg $0xFFFFFFFF  }
0xa9: {  	s28 =	simm.s32 $_size_execute0_lowered;
	s5 =	sadd.s32 s5, s7;
	[dreg:$0x0] =	wrdreg $0x0  }
0xaa: {  	s7 =	sshll.u32 s28, $0x1;
	[dreg:$0x2] =	wrdreg s5  }
0xab: {  	[dreg:$0x3] =	wrdreg s7  }
0xac: {  	[dreg:$0x4] =	wrdreg $0xC0  }
0xad: {  	_ =	task [dreg:s9], $0x5FFFF  }
0xae: {  	[dreg:$0x1] =	wrdreg $0xFFFFFFFF  }
0xaf: {  	[dreg:$0x0] =	wrdreg $0x60  }
0xb0: {  	[dreg:$0x2] =	wrdreg s2  }
0xb1: {  	[dreg:$0x3] =	wrdreg s18  }
0xb2: {  	[dreg:$0x4] =	wrdreg s4  }
0xb3: {  	[dreg:$0x5] =	wrdreg s24  }
0xb4: {  	[dreg:$0x6] =	wrdreg $0x9  }
0xb5: {  	_ =	task.clear_ibuf [dreg:s9], $0x7FFFF;
	_ =	strace $0x90000046  }
0xb6: {  	s29 =	simm.s32 $0x9;
	_ =	strace $0x80000048  }
0xb7: {  	_ =	swait.ge [sflag:s29], $0x1  }
0xb8: {  	[sflag:s29] =	ssyncadd.s32 $0xFFFFFFFF  }
0xb9: {  	_ =	strace $0x90000048  }
0xba: {  	_ =	sfence  }
0xbb: {  	s30 =	sld [smem:$0x0];
	_ =	sdelay $0x2  }
0xbc: {  	s31 =	sshll.u32 s1, $0xD;
	s1 =	sshrl.u32 s1, $0x2  }
0xbd: {  	s3 =	sand.u32 $0x4000, s31;
	s1 =	sadd.s32 s1, s30  }
0xbe: {  	s0 =	sor.u32 s3, s0;
	s1 =	sshll.u32 s1, $0x11  }
0xbf: {  	s0 =	sor.u32 s1, s0  }
0xc0: {  	s0 =	sadd.s32 $0x8F2B, s0  }
0xc1: {  	[sflag:s0] =	ssyncadd.remote.s32 $0x1  }
0xc2: {  	_ =	sfence.sel $0xFFFF  }
0xc3: {  	[dreg:$0x0] =	wrdreg $0xFFFFFFFF;
	(pc) =	sbr.abs _section_cstart, $3  }
0xc4: {  	[dreg:$0x1] =	wrdreg $0xFFFFFFFF  }
0xc5: {  	_ =	task.clear_ibuf [dreg:s9], $0x2FFFF;
	_ =	strace $0x9FFFFFFF  }
0xc6: {  	(tm) =	ssettm $0x7FFFFFFF  }
0xc7: {  	_ =	shalt  }
tec
execute0_lowered:
.L_overlay_start_1:
0x0: {  	(tag) =	ssettag $0x1  }
0x1: {  	v4 =	vlaneseq.u32;
	vm0 =	vmmov $0x1;
	v7 =	vimm.s32 $0x4  }
0x2: {  	v8 =	vimm.s32 $0x5;
	v9 =	vimm.s32 $0x6;
	v10 =	vimm.s32 $0x9  }
0x3: {  	v11 =	vimm.s32 $0xA;
	v12 =	vimm.s32 $0xB;
	v13 =	vimm.s32 $0x8  }
0x4: {  	v14 =	vimm.s32 $0xC;
	v16 =	vimm.s32 $0xEFCDAB89;
	v15 =	vimm.s32 $0xD  }
0x5: {  	v17 =	vimm.s32 $0x67452301;
	vm1 =	vcmask $0xB08;
	vm2 =	vcmask $0x300  }
0x6: {  	v19 =	vimm.s32 $0x54761032;
	vm3 =	vcmask $0x1710;
	vm4 =	vcmask $0x700  }
0x7: {  	s1 =	rddreg [dreg:$0x0];
	v20 =	vimm.s32 $0xBA98FEDC;
	v21 =	vimm.s32 $0x32107654;
	v22 =	vimm.s32 $0x76543210  }
0x8: {  	s0 =	rddreg [dreg:$0x1];
	v4 =	vmul.u32 $0x8, v4;
	v16 =	vunpack.c.l.s4.s8 v16;
	v17 =	vunpack.c.l.s4.s8 v17  }
0x9: {  	s3 =	rddreg [dreg:$0x2];
	vm1 =	vmor vm2, vm1;
	vm2 =	vcmask $0x1310;
	v19 =	vunpack.c.l.s4.s8 v19  }
0xa: {  	s2 =	rddreg [dreg:$0x3];
	s4 =	srdreg.scid;
	vm3 =	vmor vm4, vm3;
	v18 =	vunpack.c.0.s8.s32 v16;
	v17 =	vunpack.c.0.s8.s32 v17  }
0xb: {  	s6 =	stileid.u32;
	s11 =	simm.s32 $0x400;
	s12 =	simm.s32 $0x20000;
	vm4 =	vcmask $0x2720;
	v20 =	vunpack.c.l.s4.s8 v20;
	v21 =	vunpack.c.l.s4.s8 v21  }
0xc: {  	s23 =	simm.s32 $0x3;
	s10 =	simm.s32 $0x2;
	s14 =	simm.s32 $0x1;
	v22 =	vunpack.c.l.s4.s8 v22;
	v18 =	vcombine.low v17, v18;
	v17 =	vimm.s32 $0xDCFE98BA  }
0xd: {  	s9 =	simm.s32 $0xFB80;
	s17 =	simm.s32 $0xFB00;
	s15 =	simm.s32 $0xF500;
	vm1 =	vmor vm1, vm2;
	vm2 =	vcmask $0x1B18;
	v17 =	vunpack.c.l.s4.s8 v17  }
0xe: {  	s16 =	simm.s32 $0xF580;
	s19 =	simm.s32 $0xF600;
	s18 =	simm.s32 $0xF700;
	vm1 =	vmor vm1, vm2;
	vm2 =	vcmask $0x2320;
	v19 =	vunpack.c.0.s8.s32 v19  }
0xf: {  	s28 =	simm.s32 $0xF800;
	s29 =	simm.s32 $0xF880;
	s30 =	simm.s32 $0xF900;
	vm1 =	vmor vm1, vm2;
	vm2 =	vcmask $0x2B28;
	v17 =	vunpack.c.0.s8.s32 v17  }
0x10: {  	s31 =	simm.s32 $0x4;
	s5 =	sand.u32 $0x1, s4;
	s6 =	sshll.u32 s6, $0x1;
	v16 =	vimm.s32 $0xE;
	vm1 =	vmor vm1, vm2;
	vm2 =	vcmask $0x3330  }
0x11: {  	s4 =	simm.s32 $0x0;
	s7 =	sor.u32 s5, s6;
	s5 =	ssub.s32 $0x2, s5;
	vm1 =	vmor vm1, vm2;
	vm2 =	vcmask $0x3B38;
	v19 =	vcombine.low v19, v17  }
0x12: {  	[smem:$0x7FF] =	sst s4;
	s6 =	sshll.u32 s7, $0x4;
	s8 =	sshrl.u32 s5, $0x1;
	v17 =	vunpack.c.0.s8.s32 v20;
	v20 =	vunpack.c.0.s8.s32 v21;
	v21 =	vimm.s32 $0xFEDCBA98  }
0x13: {  	_ =	strace $0x80000047;
	s24 =	sshll.u32 s7, $0x7;
	v22 =	vunpack.c.0.s8.s32 v22;
	s2 =	sadd.s32 s6, s2;
	vm1 =	vmor vm1, vm2;
	v21 =	vunpack.c.l.s4.s8 v21  }
0x14: {  	s5 =	ssub.s32 s5, s8;
	s0 =	sadd.s32 s0, s6;
	s6 =	sshll.u32 s7, $0xA;
	vm2 =	vmor vm3, vm4;
	vm3 =	vcmask $0x3730;
	vm4 =	vcmask $0xF00  }
0x15: {  	[dreg:$0x5] =	wrdreg s0;
	s0 =	sadd.s32 s1, s24;
	s25 =	sadd.s32 $0xA00, s2;
	vm2 =	vmor vm2, vm3;
	vm3 =	vcmask $0x2F20;
	v21 =	vunpack.c.0.s8.s32 v21  }
0x16: {  	s26 =	smax.u32 s5, $0x1;
	s2 =	simm.s32 $0x5;
	[dreg:$0x6] =	wrdreg s0;
	v18 =	vand.u32 $0xF, v18;
	vm3 =	vmor vm4, vm3;
	v20 =	vcombine.low v20, v17  }
0x17: {  	s24 =	simm.s32 $0xFA80;
	s5 =	simm.s32 $0x0;
	[dreg:$0x7] =	wrdreg s25;
	vm4 =	vmmov $0xff;
	v17 =	vimm.s32 $0xF;
	v21 =	vand.u32 $0xF, v21  }
0x18: {  	[dreg:$0x8] =	wrdreg s26;
	s25 =	simm.s32 $0xF680;
	s26 =	simm.s32 $0xF780;
	v19 =	vand.u32 $0xF, v19;
	v20 =	vand.u32 $0xF, v20;
	v21 =	vcombine.low v21, v22  }
.LBB2_1:
0x19: {  	[dreg:$0x9] =	wrdreg s5  }
0x1a: {  	s0 =	rddreg [dreg:$0x5]  }
0x1b: {  	[tilespmem:s4], [sflag:$0x5] =	stream.linear.gather [hbm4b:s0+s4], $0x80, $0x38;
	[tilespmem:$0x10100] =	vst v63  }
0x1c: {  	_ =	swait.ge [sflag:s2], $0x80  }
0x1d: {  	[sflag:s2] =	ssyncset.done $0x0  }
0x1e: {  	v0 =	vimm.f32 $0.0e+00;
	[sflag:s2] =	ssyncadd.s32 $0xFFFFFF80  }
0x1f: {  	[tilespmem:$0x10080] =	vst v0  }
0x20: {  	[tilespmem:$0x10090] =	vst v0  }
0x21: {  	[tilespmem:$0x100A0] =	vst v0  }
0x22: {  	[tilespmem:$0x100B0] =	vst v0  }
0x23: {  	[tilespmem:$0x100C0] =	vst v0  }
0x24: {  	[tilespmem:$0x100D0] =	vst v0  }
0x25: {  	[tilespmem:$0x100E0] =	vst v0  }
0x26: {  	s22 =	simm.s32 $0x80;
	s21 =	rddreg [dreg:$0x6];
	[tilespmem:$0x100F0] =	vst v0  }
0x27: {  	[tilespmem:s22], [sflag:$0x1] =	stream.strided.gather [hbm4b:s21+s11], $0x4000, s12, s11, $0x38;
	[tilespmem:$0x10100] =	vst v63  }
0x28: {  	v22 =	vld [tilespmem:$0x0];
	_ =	sdelay $0x4  }
0x29: {  	v23 =	vshll.u32 v22, $0x3  }
0x2a: {  	v22 =	vand.u32 $0x7, v22;
	v23 =	vand.u32 $0xFFFFFFC0, v23  }
0x2b: {  	v2 =	vimm.s32 $0x0;
	v22 =	vor.u32 v22, v23  }
0x2c: {  	v23 =	vperm.xlane v22, v2  }
0x2d: {  	v3 =	vimm.s32 $0x1  }
0x2e: {  	v24 =	vperm.xlane v22, v3;
	v23 =	vadd.s32 v4, v23  }
0x2f: {  	v5 =	vimm.s32 $0x2  }
0x30: {  	v25 =	vperm.xlane v22, v5;
	v24 =	vadd.s32 v4, v24  }
0x31: {  	v1 =	vimm.s32 $0x3  }
0x32: {  	s2 =	simm.s32 $0x8080;
	v26 =	vperm.xlane v22, v1;
	v25 =	vadd.s32 v4, v25  }
0x33: {  	[tilespmem:s2], [sflag:$0x3] =	stream.indirect_vreg.gather [hbm4b:s3+s4], $0x80, v23, vm0, $0xb8;
	[tilespmem:$0x10100] =	vst v63  }
0x34: {  	s5 =	simm.s32 $0x8100;
	v35 =	vperm.xlane v22, v7;
	v23 =	vadd.s32 v4, v26  }
0x35: {  	[tilespmem:s5], [sflag:$0x3] =	stream.indirect_vreg.gather [hbm4b:s3+s4], $0x80, v24, vm0, $0xb8;
	[tilespmem:$0x10100] =	vst v63  }
0x36: {  	s7 =	simm.s32 $0x8180;
	v37 =	vperm.xlane v22, v8;
	v36 =	vadd.s32 v4, v35  }
0x37: {  	[tilespmem:s7], [sflag:$0x3] =	stream.indirect_vreg.gather [hbm4b:s3+s4], $0x80, v25, vm0, $0xb8;
	[tilespmem:$0x10100] =	vst v63  }
0x38: {  	s8 =	simm.s32 $0x8200;
	v39 =	vperm.xlane v22, v9;
	v38 =	vadd.s32 v4, v37  }
0x39: {  	v0 =	vimm.s32 $0x7;
	[tilespmem:s8], [sflag:$0x3] =	stream.indirect_vreg.gather [hbm4b:s3+s4], $0x80, v23, vm0, $0xb8;
	[tilespmem:$0x10100] =	vst v63  }
0x3a: {  	s13 =	simm.s32 $0x8280;
	v40 =	vperm.xlane v22, v0;
	v23 =	vadd.s32 v4, v39  }
0x3b: {  	[tilespmem:s13], [sflag:$0x3] =	stream.indirect_vreg.gather [hbm4b:s3+s4], $0x80, v36, vm0, $0xb8;
	[tilespmem:$0x10100] =	vst v63  }
0x3c: {  	s20 =	simm.s32 $0x8300;
	v42 =	vperm.xlane v22, v13;
	v41 =	vadd.s32 v4, v40  }
0x3d: {  	[tilespmem:s20], [sflag:$0x3] =	stream.indirect_vreg.gather [hbm4b:s3+s4], $0x80, v38, vm0, $0xb8;
	[tilespmem:$0x10100] =	vst v63  }
0x3e: {  	s21 =	simm.s32 $0x8380;
	v44 =	vperm.xlane v22, v10;
	v43 =	vadd.s32 v4, v42  }
0x3f: {  	[tilespmem:s21], [sflag:$0x3] =	stream.indirect_vreg.gather [hbm4b:s3+s4], $0x80, v23, vm0, $0xb8;
	[tilespmem:$0x10100] =	vst v63  }
0x40: {  	s22 =	simm.s32 $0x8400;
	v45 =	vperm.xlane v22, v11;
	v23 =	vadd.s32 v4, v44  }
0x41: {  	[tilespmem:s22], [sflag:$0x3] =	stream.indirect_vreg.gather [hbm4b:s3+s4], $0x80, v41, vm0, $0xb8;
	[tilespmem:$0x10100] =	vst v63  }
0x42: {  	v47 =	vperm.xlane v22, v12;
	v46 =	vadd.s32 v4, v45;
	s2 =	simm.s32 $0x8480  }
0x43: {  	[tilespmem:s2], [sflag:$0x3] =	stream.indirect_vreg.gather [hbm4b:s3+s4], $0x80, v43, vm0, $0xb8;
	[tilespmem:$0x10100] =	vst v63  }
0x44: {  	v49 =	vperm.xlane v22, v14;
	v48 =	vadd.s32 v4, v47;
	s5 =	simm.s32 $0x8500  }
0x45: {  	[tilespmem:s5], [sflag:$0x3] =	stream.indirect_vreg.gather [hbm4b:s3+s4], $0x80, v23, vm0, $0xb8;
	[tilespmem:$0x10100] =	vst v63  }
0x46: {  	v50 =	vperm.xlane v22, v15;
	s7 =	simm.s32 $0x8580;
	v23 =	vadd.s32 v4, v49  }
0x47: {  	[tilespmem:s7], [sflag:$0x3] =	stream.indirect_vreg.gather [hbm4b:s3+s4], $0x80, v46, vm0, $0xb8;
	[tilespmem:$0x10100] =	vst v63  }
0x48: {  	v52 =	vperm.xlane v22, v16;
	v51 =	vadd.s32 v4, v50;
	s8 =	simm.s32 $0x8600  }
0x49: {  	[tilespmem:s8], [sflag:$0x3] =	stream.indirect_vreg.gather [hbm4b:s3+s4], $0x80, v48, vm0, $0xb8;
	[tilespmem:$0x10100] =	vst v63  }
0x4a: {  	v22 =	vperm.xlane v22, v17;
	v53 =	vadd.s32 v4, v52;
	s13 =	simm.s32 $0x8680  }
0x4b: {  	[tilespmem:s13], [sflag:$0x3] =	stream.indirect_vreg.gather [hbm4b:s3+s4], $0x80, v23, vm0, $0xb8;
	[tilespmem:$0x10100] =	vst v63  }
0x4c: {  	v22 =	vadd.s32 v4, v22;
	s20 =	simm.s32 $0x8700  }
0x4d: {  	[tilespmem:s20], [sflag:$0x3] =	stream.indirect_vreg.gather [hbm4b:s3+s4], $0x80, v51, vm0, $0xb8;
	[tilespmem:$0x10100] =	vst v63  }
0x4e: {  	s21 =	simm.s32 $0x8780  }
0x4f: {  	[tilespmem:s21], [sflag:$0x3] =	stream.indirect_vreg.gather [hbm4b:s3+s4], $0x80, v53, vm0, $0xb8;
	[tilespmem:$0x10100] =	vst v63  }
0x50: {  	s22 =	simm.s32 $0x8800  }
0x51: {  	[tilespmem:s22], [sflag:$0x3] =	stream.indirect_vreg.gather [hbm4b:s3+s4], $0x80, v22, vm0, $0xb8;
	[tilespmem:$0x10100] =	vst v63  }
0x52: {  	v22 =	vld [tilespmem:$0x10];
	_ =	sdelay $0x4  }
0x53: {  	v23 =	vshll.u32 v22, $0x3  }
0x54: {  	v22 =	vand.u32 $0x7, v22;
	v23 =	vand.u32 $0xFFFFFFC0, v23  }
0x55: {  	v22 =	vor.u32 v22, v23  }
0x56: {  	v23 =	vperm.xlane v22, v2;
	_ =	sdelay $0x1  }
0x57: {  	v54 =	vperm.xlane v22, v3;
	v23 =	vadd.s32 v4, v23;
	_ =	sdelay $0x1  }
0x58: {  	v55 =	vperm.xlane v22, v5;
	v24 =	vadd.s32 v4, v54;
	_ =	sdelay $0x1  }
0x59: {  	s2 =	simm.s32 $0x8880;
	v56 =	vperm.xlane v22, v1;
	v25 =	vadd.s32 v4, v55  }
0x5a: {  	[tilespmem:s2], [sflag:$0x3] =	stream.indirect_vreg.gather [hbm4b:s3+s4], $0x80, v23, vm0, $0xb8;
	[tilespmem:$0x10100] =	vst v63  }
0x5b: {  	s5 =	simm.s32 $0x8900;
	v57 =	vperm.xlane v22, v7;
	v23 =	vadd.s32 v4, v56  }
0x5c: {  	[tilespmem:s5], [sflag:$0x3] =	stream.indirect_vreg.gather [hbm4b:s3+s4], $0x80, v24, vm0, $0xb8;
	[tilespmem:$0x10100] =	vst v63  }
0x5d: {  	s7 =	simm.s32 $0x8980;
	v59 =	vperm.xlane v22, v8;
	v58 =	vadd.s32 v4, v57  }
0x5e: {  	[tilespmem:s7], [sflag:$0x3] =	stream.indirect_vreg.gather [hbm4b:s3+s4], $0x80, v25, vm0, $0xb8;
	[tilespmem:$0x10100] =	vst v63  }
0x5f: {  	s8 =	simm.s32 $0x8A00;
	v61 =	vperm.xlane v22, v9;
	v60 =	vadd.s32 v4, v59  }
0x60: {  	[tilespmem:s8], [sflag:$0x3] =	stream.indirect_vreg.gather [hbm4b:s3+s4], $0x80, v23, vm0, $0xb8;
	[tilespmem:$0x10100] =	vst v63  }
0x61: {  	s13 =	simm.s32 $0x8A80;
	v62 =	vperm.xlane v22, v0;
	v23 =	vadd.s32 v4, v61  }
0x62: {  	[tilespmem:s13], [sflag:$0x3] =	stream.indirect_vreg.gather [hbm4b:s3+s4], $0x80, v58, vm0, $0xb8;
	[tilespmem:$0x10100] =	vst v63  }
0x63: {  	s20 =	simm.s32 $0x8B00;
	v28 =	vperm.xlane v22, v13;
	v63 =	vadd.s32 v4, v62  }
0x64: {  	[tilespmem:s20], [sflag:$0x3] =	stream.indirect_vreg.gather [hbm4b:s3+s4], $0x80, v60, vm0, $0xb8;
	[tilespmem:$0x10100] =	vst v63  }
0x65: {  	s21 =	simm.s32 $0x8B80;
	v30 =	vperm.xlane v22, v10;
	v29 =	vadd.s32 v4, v28  }
0x66: {  	[tilespmem:s21], [sflag:$0x3] =	stream.indirect_vreg.gather [hbm4b:s3+s4], $0x80, v23, vm0, $0xb8;
	[tilespmem:$0x10100] =	vst v63  }
0x67: {  	s22 =	simm.s32 $0x8C00;
	v31 =	vperm.xlane v22, v11;
	v23 =	vadd.s32 v4, v30  }
0x68: {  	[tilespmem:s22], [sflag:$0x3] =	stream.indirect_vreg.gather [hbm4b:s3+s4], $0x80, v63, vm0, $0xb8;
	[tilespmem:$0x10100] =	vst v63  }
0x69: {  	v33 =	vperm.xlane v22, v12;
	v32 =	vadd.s32 v4, v31;
	s2 =	simm.s32 $0x8C80  }
0x6a: {  	[tilespmem:s2], [sflag:$0x3] =	stream.indirect_vreg.gather [hbm4b:s3+s4], $0x80, v29, vm0, $0xb8;
	[tilespmem:$0x10100] =	vst v63  }
0x6b: {  	v35 =	vperm.xlane v22, v14;
	v34 =	vadd.s32 v4, v33;
	s5 =	simm.s32 $0x8D00  }
0x6c: {  	[tilespmem:s5], [sflag:$0x3] =	stream.indirect_vreg.gather [hbm4b:s3+s4], $0x80, v23, vm0, $0xb8;
	[tilespmem:$0x10100] =	vst v63  }
0x6d: {  	v36 =	vperm.xlane v22, v15;
	s7 =	simm.s32 $0x8D80;
	v23 =	vadd.s32 v4, v35  }
0x6e: {  	[tilespmem:s7], [sflag:$0x3] =	stream.indirect_vreg.gather [hbm4b:s3+s4], $0x80, v32, vm0, $0xb8;
	[tilespmem:$0x10100] =	vst v63  }
0x6f: {  	v38 =	vperm.xlane v22, v16;
	v37 =	vadd.s32 v4, v36;
	s8 =	simm.s32 $0x8E00  }
0x70: {  	[tilespmem:s8], [sflag:$0x3] =	stream.indirect_vreg.gather [hbm4b:s3+s4], $0x80, v34, vm0, $0xb8;
	[tilespmem:$0x10100] =	vst v63  }
0x71: {  	v22 =	vperm.xlane v22, v17;
	v39 =	vadd.s32 v4, v38;
	s13 =	simm.s32 $0x8E80  }
0x72: {  	[tilespmem:s13], [sflag:$0x3] =	stream.indirect_vreg.gather [hbm4b:s3+s4], $0x80, v23, vm0, $0xb8;
	[tilespmem:$0x10100] =	vst v63  }
0x73: {  	v22 =	vadd.s32 v4, v22;
	s20 =	simm.s32 $0x8F00  }
0x74: {  	[tilespmem:s20], [sflag:$0x3] =	stream.indirect_vreg.gather [hbm4b:s3+s4], $0x80, v37, vm0, $0xb8;
	[tilespmem:$0x10100] =	vst v63  }
0x75: {  	s21 =	simm.s32 $0x8F80  }
0x76: {  	[tilespmem:s21], [sflag:$0x3] =	stream.indirect_vreg.gather [hbm4b:s3+s4], $0x80, v39, vm0, $0xb8;
	[tilespmem:$0x10100] =	vst v63  }
0x77: {  	s22 =	simm.s32 $0x9000  }
0x78: {  	[tilespmem:s22], [sflag:$0x3] =	stream.indirect_vreg.gather [hbm4b:s3+s4], $0x80, v22, vm0, $0xb8;
	[tilespmem:$0x10100] =	vst v63  }
0x79: {  	v22 =	vld [tilespmem:$0x20];
	_ =	sdelay $0x4  }
0x7a: {  	v23 =	vshll.u32 v22, $0x3  }
0x7b: {  	v22 =	vand.u32 $0x7, v22;
	v23 =	vand.u32 $0xFFFFFFC0, v23  }
0x7c: {  	v22 =	vor.u32 v22, v23  }
0x7d: {  	v23 =	vperm.xlane v22, v2;
	_ =	sdelay $0x1  }
0x7e: {  	v40 =	vperm.xlane v22, v3;
	v23 =	vadd.s32 v4, v23;
	_ =	sdelay $0x1  }
0x7f: {  	v41 =	vperm.xlane v22, v5;
	v24 =	vadd.s32 v4, v40;
	_ =	sdelay $0x1  }
0x80: {  	s2 =	simm.s32 $0x9080;
	v42 =	vperm.xlane v22, v1;
	v25 =	vadd.s32 v4, v41  }
0x81: {  	[tilespmem:s2], [sflag:$0x3] =	stream.indirect_vreg.gather [hbm4b:s3+s4], $0x80, v23, vm0, $0xb8;
	[tilespmem:$0x10100] =	vst v63  }
0x82: {  	s5 =	simm.s32 $0x9100;
	v43 =	vperm.xlane v22, v7;
	v23 =	vadd.s32 v4, v42  }
0x83: {  	[tilespmem:s5], [sflag:$0x3] =	stream.indirect_vreg.gather [hbm4b:s3+s4], $0x80, v24, vm0, $0xb8;
	[tilespmem:$0x10100] =	vst v63  }
0x84: {  	s7 =	simm.s32 $0x9180;
	v45 =	vperm.xlane v22, v8;
	v44 =	vadd.s32 v4, v43  }
0x85: {  	[tilespmem:s7], [sflag:$0x3] =	stream.indirect_vreg.gather [hbm4b:s3+s4], $0x80, v25, vm0, $0xb8;
	[tilespmem:$0x10100] =	vst v63  }
0x86: {  	s8 =	simm.s32 $0x9200;
	v47 =	vperm.xlane v22, v9;
	v46 =	vadd.s32 v4, v45  }
0x87: {  	[tilespmem:s8], [sflag:$0x3] =	stream.indirect_vreg.gather [hbm4b:s3+s4], $0x80, v23, vm0, $0xb8;
	[tilespmem:$0x10100] =	vst v63  }
0x88: {  	s13 =	simm.s32 $0x9280;
	v48 =	vperm.xlane v22, v0;
	v23 =	vadd.s32 v4, v47  }
0x89: {  	[tilespmem:s13], [sflag:$0x3] =	stream.indirect_vreg.gather [hbm4b:s3+s4], $0x80, v44, vm0, $0xb8;
	[tilespmem:$0x10100] =	vst v63  }
0x8a: {  	s20 =	simm.s32 $0x9300;
	v50 =	vperm.xlane v22, v13;
	v49 =	vadd.s32 v4, v48  }
0x8b: {  	[tilespmem:s20], [sflag:$0x3] =	stream.indirect_vreg.gather [hbm4b:s3+s4], $0x80, v46, vm0, $0xb8;
	[tilespmem:$0x10100] =	vst v63  }
0x8c: {  	s21 =	simm.s32 $0x9380;
	v52 =	vperm.xlane v22, v10;
	v51 =	vadd.s32 v4, v50  }
0x8d: {  	[tilespmem:s21], [sflag:$0x3] =	stream.indirect_vreg.gather [hbm4b:s3+s4], $0x80, v23, vm0, $0xb8;
	[tilespmem:$0x10100] =	vst v63  }
0x8e: {  	s22 =	simm.s32 $0x9400;
	v53 =	vperm.xlane v22, v11;
	v23 =	vadd.s32 v4, v52  }
0x8f: {  	[tilespmem:s22], [sflag:$0x3] =	stream.indirect_vreg.gather [hbm4b:s3+s4], $0x80, v49, vm0, $0xb8;
	[tilespmem:$0x10100] =	vst v63  }
0x90: {  	v55 =	vperm.xlane v22, v12;
	v54 =	vadd.s32 v4, v53;
	s2 =	simm.s32 $0x9480  }
0x91: {  	[tilespmem:s2], [sflag:$0x3] =	stream.indirect_vreg.gather [hbm4b:s3+s4], $0x80, v51, vm0, $0xb8;
	[tilespmem:$0x10100] =	vst v63  }
0x92: {  	v57 =	vperm.xlane v22, v14;
	v56 =	vadd.s32 v4, v55;
	s5 =	simm.s32 $0x9500  }
0x93: {  	[tilespmem:s5], [sflag:$0x3] =	stream.indirect_vreg.gather [hbm4b:s3+s4], $0x80, v23, vm0, $0xb8;
	[tilespmem:$0x10100] =	vst v63  }
0x94: {  	v58 =	vperm.xlane v22, v15;
	s7 =	simm.s32 $0x9580;
	v23 =	vadd.s32 v4, v57  }
0x95: {  	[tilespmem:s7], [sflag:$0x3] =	stream.indirect_vreg.gather [hbm4b:s3+s4], $0x80, v54, vm0, $0xb8;
	[tilespmem:$0x10100] =	vst v63  }
0x96: {  	v60 =	vperm.xlane v22, v16;
	v59 =	vadd.s32 v4, v58;
	s8 =	simm.s32 $0x9600  }
0x97: {  	[tilespmem:s8], [sflag:$0x3] =	stream.indirect_vreg.gather [hbm4b:s3+s4], $0x80, v56, vm0, $0xb8;
	[tilespmem:$0x10100] =	vst v63  }
0x98: {  	v22 =	vperm.xlane v22, v17;
	v61 =	vadd.s32 v4, v60;
	s13 =	simm.s32 $0x9680  }
0x99: {  	[tilespmem:s13], [sflag:$0x3] =	stream.indirect_vreg.gather [hbm4b:s3+s4], $0x80, v23, vm0, $0xb8;
	[tilespmem:$0x10100] =	vst v63  }
0x9a: {  	v22 =	vadd.s32 v4, v22;
	s20 =	simm.s32 $0x9700  }
0x9b: {  	[tilespmem:s20], [sflag:$0x3] =	stream.indirect_vreg.gather [hbm4b:s3+s4], $0x80, v59, vm0, $0xb8;
	[tilespmem:$0x10100] =	vst v63  }
0x9c: {  	s21 =	simm.s32 $0x9780  }
0x9d: {  	[tilespmem:s21], [sflag:$0x3] =	stream.indirect_vreg.gather [hbm4b:s3+s4], $0x80, v61, vm0, $0xb8;
	[tilespmem:$0x10100] =	vst v63  }
0x9e: {  	s22 =	simm.s32 $0x9800  }
0x9f: {  	[tilespmem:s22], [sflag:$0x3] =	stream.indirect_vreg.gather [hbm4b:s3+s4], $0x80, v22, vm0, $0xb8;
	[tilespmem:$0x10100] =	vst v63  }
0xa0: {  	v22 =	vld [tilespmem:$0x30];
	_ =	sdelay $0x4  }
0xa1: {  	v23 =	vshll.u32 v22, $0x3  }
0xa2: {  	v22 =	vand.u32 $0x7, v22;
	v23 =	vand.u32 $0xFFFFFFC0, v23  }
0xa3: {  	v22 =	vor.u32 v22, v23  }
0xa4: {  	v23 =	vperm.xlane v22, v2;
	_ =	sdelay $0x1  }
0xa5: {  	v62 =	vperm.xlane v22, v3;
	v23 =	vadd.s32 v4, v23;
	_ =	sdelay $0x1  }
0xa6: {  	v63 =	vperm.xlane v22, v5;
	v24 =	vadd.s32 v4, v62;
	_ =	sdelay $0x1  }
0xa7: {  	s2 =	simm.s32 $0x9880;
	v28 =	vperm.xlane v22, v1;
	v25 =	vadd.s32 v4, v63  }
0xa8: {  	[tilespmem:s2], [sflag:$0x3] =	stream.indirect_vreg.gather [hbm4b:s3+s4], $0x80, v23, vm0, $0xb8;
	[tilespmem:$0x10100] =	vst v63  }
0xa9: {  	s5 =	simm.s32 $0x9900;
	v29 =	vperm.xlane v22, v7;
	v23 =	vadd.s32 v4, v28  }
0xaa: {  	[tilespmem:s5], [sflag:$0x3] =	stream.indirect_vreg.gather [hbm4b:s3+s4], $0x80, v24, vm0, $0xb8;
	[tilespmem:$0x10100] =	vst v63  }
0xab: {  	s7 =	simm.s32 $0x9980;
	v31 =	vperm.xlane v22, v8;
	v30 =	vadd.s32 v4, v29  }
0xac: {  	[tilespmem:s7], [sflag:$0x3] =	stream.indirect_vreg.gather [hbm4b:s3+s4], $0x80, v25, vm0, $0xb8;
	[tilespmem:$0x10100] =	vst v63  }
0xad: {  	s8 =	simm.s32 $0x9A00;
	v33 =	vperm.xlane v22, v9;
	v32 =	vadd.s32 v4, v31  }
0xae: {  	[tilespmem:s8], [sflag:$0x3] =	stream.indirect_vreg.gather [hbm4b:s3+s4], $0x80, v23, vm0, $0xb8;
	[tilespmem:$0x10100] =	vst v63  }
0xaf: {  	s13 =	simm.s32 $0x9A80;
	v34 =	vperm.xlane v22, v0;
	v23 =	vadd.s32 v4, v33  }
0xb0: {  	[tilespmem:s13], [sflag:$0x3] =	stream.indirect_vreg.gather [hbm4b:s3+s4], $0x80, v30, vm0, $0xb8;
	[tilespmem:$0x10100] =	vst v63  }
0xb1: {  	s20 =	simm.s32 $0x9B00;
	v36 =	vperm.xlane v22, v13;
	v35 =	vadd.s32 v4, v34  }
0xb2: {  	[tilespmem:s20], [sflag:$0x3] =	stream.indirect_vreg.gather [hbm4b:s3+s4], $0x80, v32, vm0, $0xb8;
	[tilespmem:$0x10100] =	vst v63  }
0xb3: {  	s21 =	simm.s32 $0x9B80;
	v38 =	vperm.xlane v22, v10;
	v37 =	vadd.s32 v4, v36  }
0xb4: {  	[tilespmem:s21], [sflag:$0x3] =	stream.indirect_vreg.gather [hbm4b:s3+s4], $0x80, v23, vm0, $0xb8;
	[tilespmem:$0x10100] =	vst v63  }
0xb5: {  	s22 =	simm.s32 $0x9C00;
	v39 =	vperm.xlane v22, v11;
	v23 =	vadd.s32 v4, v38  }
0xb6: {  	[tilespmem:s22], [sflag:$0x3] =	stream.indirect_vreg.gather [hbm4b:s3+s4], $0x80, v35, vm0, $0xb8;
	[tilespmem:$0x10100] =	vst v63  }
0xb7: {  	v41 =	vperm.xlane v22, v12;
	v40 =	vadd.s32 v4, v39;
	s2 =	simm.s32 $0x9C80  }
0xb8: {  	[tilespmem:s2], [sflag:$0x3] =	stream.indirect_vreg.gather [hbm4b:s3+s4], $0x80, v37, vm0, $0xb8;
	[tilespmem:$0x10100] =	vst v63  }
0xb9: {  	v43 =	vperm.xlane v22, v14;
	v42 =	vadd.s32 v4, v41;
	s5 =	simm.s32 $0x9D00  }
0xba: {  	[tilespmem:s5], [sflag:$0x3] =	stream.indirect_vreg.gather [hbm4b:s3+s4], $0x80, v23, vm0, $0xb8;
	[tilespmem:$0x10100] =	vst v63  }
0xbb: {  	v44 =	vperm.xlane v22, v15;
	s7 =	simm.s32 $0x9D80;
	v23 =	vadd.s32 v4, v43  }
0xbc: {  	[tilespmem:s7], [sflag:$0x3] =	stream.indirect_vreg.gather [hbm4b:s3+s4], $0x80, v40, vm0, $0xb8;
	[tilespmem:$0x10100] =	vst v63  }
0xbd: {  	v46 =	vperm.xlane v22, v16;
	v45 =	vadd.s32 v4, v44;
	s8 =	simm.s32 $0x9E00  }
0xbe: {  	[tilespmem:s8], [sflag:$0x3] =	stream.indirect_vreg.gather [hbm4b:s3+s4], $0x80, v42, vm0, $0xb8;
	[tilespmem:$0x10100] =	vst v63  }
0xbf: {  	v22 =	vperm.xlane v22, v17;
	v47 =	vadd.s32 v4, v46;
	s13 =	simm.s32 $0x9E80  }
0xc0: {  	[tilespmem:s13], [sflag:$0x3] =	stream.indirect_vreg.gather [hbm4b:s3+s4], $0x80, v23, vm0, $0xb8;
	[tilespmem:$0x10100] =	vst v63  }
0xc1: {  	v22 =	vadd.s32 v4, v22;
	s20 =	simm.s32 $0x9F00  }
0xc2: {  	[tilespmem:s20], [sflag:$0x3] =	stream.indirect_vreg.gather [hbm4b:s3+s4], $0x80, v45, vm0, $0xb8;
	[tilespmem:$0x10100] =	vst v63  }
0xc3: {  	s21 =	simm.s32 $0x9F80  }
0xc4: {  	[tilespmem:s21], [sflag:$0x3] =	stream.indirect_vreg.gather [hbm4b:s3+s4], $0x80, v47, vm0, $0xb8;
	[tilespmem:$0x10100] =	vst v63  }
0xc5: {  	s22 =	simm.s32 $0xA000  }
0xc6: {  	[tilespmem:s22], [sflag:$0x3] =	stream.indirect_vreg.gather [hbm4b:s3+s4], $0x80, v22, vm0, $0xb8;
	[tilespmem:$0x10100] =	vst v63  }
0xc7: {  	v22 =	vld [tilespmem:$0x40];
	_ =	sdelay $0x4  }
0xc8: {  	v23 =	vshll.u32 v22, $0x3  }
0xc9: {  	v22 =	vand.u32 $0x7, v22;
	v23 =	vand.u32 $0xFFFFFFC0, v23  }
0xca: {  	v22 =	vor.u32 v22, v23  }
0xcb: {  	v23 =	vperm.xlane v22, v2;
	_ =	sdelay $0x1  }
0xcc: {  	v48 =	vperm.xlane v22, v3;
	v23 =	vadd.s32 v4, v23;
	_ =	sdelay $0x1  }
0xcd: {  	v49 =	vperm.xlane v22, v5;
	v24 =	vadd.s32 v4, v48;
	_ =	sdelay $0x1  }
0xce: {  	s2 =	simm.s32 $0xA080;
	v50 =	vperm.xlane v22, v1;
	v25 =	vadd.s32 v4, v49  }
0xcf: {  	[tilespmem:s2], [sflag:$0x3] =	stream.indirect_vreg.gather [hbm4b:s3+s4], $0x80, v23, vm0, $0xb8;
	[tilespmem:$0x10100] =	vst v63  }
0xd0: {  	s5 =	simm.s32 $0xA100;
	v51 =	vperm.xlane v22, v7;
	v23 =	vadd.s32 v4, v50  }
0xd1: {  	[tilespmem:s5], [sflag:$0x3] =	stream.indirect_vreg.gather [hbm4b:s3+s4], $0x80, v24, vm0, $0xb8;
	[tilespmem:$0x10100] =	vst v63  }
0xd2: {  	s7 =	simm.s32 $0xA180;
	v53 =	vperm.xlane v22, v8;
	v52 =	vadd.s32 v4, v51  }
0xd3: {  	[tilespmem:s7], [sflag:$0x3] =	stream.indirect_vreg.gather [hbm4b:s3+s4], $0x80, v25, vm0, $0xb8;
	[tilespmem:$0x10100] =	vst v63  }
0xd4: {  	s8 =	simm.s32 $0xA200;
	v55 =	vperm.xlane v22, v9;
	v54 =	vadd.s32 v4, v53  }
0xd5: {  	[tilespmem:s8], [sflag:$0x3] =	stream.indirect_vreg.gather [hbm4b:s3+s4], $0x80, v23, vm0, $0xb8;
	[tilespmem:$0x10100] =	vst v63  }
0xd6: {  	s13 =	simm.s32 $0xA280;
	v56 =	vperm.xlane v22, v0;
	v23 =	vadd.s32 v4, v55  }
0xd7: {  	[tilespmem:s13], [sflag:$0x3] =	stream.indirect_vreg.gather [hbm4b:s3+s4], $0x80, v52, vm0, $0xb8;
	[tilespmem:$0x10100] =	vst v63  }
0xd8: {  	s20 =	simm.s32 $0xA300;
	v58 =	vperm.xlane v22, v13;
	v57 =	vadd.s32 v4, v56  }
0xd9: {  	[tilespmem:s20], [sflag:$0x3] =	stream.indirect_vreg.gather [hbm4b:s3+s4], $0x80, v54, vm0, $0xb8;
	[tilespmem:$0x10100] =	vst v63  }
0xda: {  	s21 =	simm.s32 $0xA380;
	v60 =	vperm.xlane v22, v10;
	v59 =	vadd.s32 v4, v58  }
0xdb: {  	[tilespmem:s21], [sflag:$0x3] =	stream.indirect_vreg.gather [hbm4b:s3+s4], $0x80, v23, vm0, $0xb8;
	[tilespmem:$0x10100] =	vst v63  }
0xdc: {  	s22 =	simm.s32 $0xA400;
	v61 =	vperm.xlane v22, v11;
	v23 =	vadd.s32 v4, v60  }
0xdd: {  	[tilespmem:s22], [sflag:$0x3] =	stream.indirect_vreg.gather [hbm4b:s3+s4], $0x80, v57, vm0, $0xb8;
	[tilespmem:$0x10100] =	vst v63  }
0xde: {  	v63 =	vperm.xlane v22, v12;
	v62 =	vadd.s32 v4, v61;
	s2 =	simm.s32 $0xA480  }
0xdf: {  	[tilespmem:s2], [sflag:$0x3] =	stream.indirect_vreg.gather [hbm4b:s3+s4], $0x80, v59, vm0, $0xb8;
	[tilespmem:$0x10100] =	vst v63  }
0xe0: {  	v29 =	vperm.xlane v22, v14;
	v28 =	vadd.s32 v4, v63;
	s5 =	simm.s32 $0xA500  }
0xe1: {  	[tilespmem:s5], [sflag:$0x3] =	stream.indirect_vreg.gather [hbm4b:s3+s4], $0x80, v23, vm0, $0xb8;
	[tilespmem:$0x10100] =	vst v63  }
0xe2: {  	v30 =	vperm.xlane v22, v15;
	s7 =	simm.s32 $0xA580;
	v23 =	vadd.s32 v4, v29  }
0xe3: {  	[tilespmem:s7], [sflag:$0x3] =	stream.indirect_vreg.gather [hbm4b:s3+s4], $0x80, v62, vm0, $0xb8;
	[tilespmem:$0x10100] =	vst v63  }
0xe4: {  	v32 =	vperm.xlane v22, v16;
	v31 =	vadd.s32 v4, v30;
	s8 =	simm.s32 $0xA600  }
0xe5: {  	[tilespmem:s8], [sflag:$0x3] =	stream.indirect_vreg.gather [hbm4b:s3+s4], $0x80, v28, vm0, $0xb8;
	[tilespmem:$0x10100] =	vst v63  }
0xe6: {  	v22 =	vperm.xlane v22, v17;
	v33 =	vadd.s32 v4, v32;
	s13 =	simm.s32 $0xA680  }
0xe7: {  	[tilespmem:s13], [sflag:$0x3] =	stream.indirect_vreg.gather [hbm4b:s3+s4], $0x80, v23, vm0, $0xb8;
	[tilespmem:$0x10100] =	vst v63  }
0xe8: {  	v22 =	vadd.s32 v4, v22;
	s20 =	simm.s32 $0xA700  }
0xe9: {  	[tilespmem:s20], [sflag:$0x3] =	stream.indirect_vreg.gather [hbm4b:s3+s4], $0x80, v31, vm0, $0xb8;
	[tilespmem:$0x10100] =	vst v63  }
0xea: {  	s21 =	simm.s32 $0xA780  }
0xeb: {  	[tilespmem:s21], [sflag:$0x3] =	stream.indirect_vreg.gather [hbm4b:s3+s4], $0x80, v33, vm0, $0xb8;
	[tilespmem:$0x10100] =	vst v63  }
0xec: {  	s22 =	simm.s32 $0xA800  }
0xed: {  	[tilespmem:s22], [sflag:$0x3] =	stream.indirect_vreg.gather [hbm4b:s3+s4], $0x80, v22, vm0, $0xb8;
	[tilespmem:$0x10100] =	vst v63  }
0xee: {  	v22 =	vld [tilespmem:$0x50];
	_ =	sdelay $0x4  }
0xef: {  	v23 =	vshll.u32 v22, $0x3  }
0xf0: {  	v22 =	vand.u32 $0x7, v22;
	v23 =	vand.u32 $0xFFFFFFC0, v23  }
0xf1: {  	v22 =	vor.u32 v22, v23  }
0xf2: {  	v23 =	vperm.xlane v22, v2;
	_ =	sdelay $0x1  }
0xf3: {  	v34 =	vperm.xlane v22, v3;
	v23 =	vadd.s32 v4, v23;
	_ =	sdelay $0x1  }
0xf4: {  	v35 =	vperm.xlane v22, v5;
	v24 =	vadd.s32 v4, v34;
	_ =	sdelay $0x1  }
0xf5: {  	s2 =	simm.s32 $0xA880;
	v36 =	vperm.xlane v22, v1;
	v25 =	vadd.s32 v4, v35  }
0xf6: {  	[tilespmem:s2], [sflag:$0x3] =	stream.indirect_vreg.gather [hbm4b:s3+s4], $0x80, v23, vm0, $0xb8;
	[tilespmem:$0x10100] =	vst v63  }
0xf7: {  	s5 =	simm.s32 $0xA900;
	v37 =	vperm.xlane v22, v7;
	v23 =	vadd.s32 v4, v36  }
0xf8: {  	[tilespmem:s5], [sflag:$0x3] =	stream.indirect_vreg.gather [hbm4b:s3+s4], $0x80, v24, vm0, $0xb8;
	[tilespmem:$0x10100] =	vst v63  }
0xf9: {  	s7 =	simm.s32 $0xA980;
	v39 =	vperm.xlane v22, v8;
	v38 =	vadd.s32 v4, v37  }
0xfa: {  	[tilespmem:s7], [sflag:$0x3] =	stream.indirect_vreg.gather [hbm4b:s3+s4], $0x80, v25, vm0, $0xb8;
	[tilespmem:$0x10100] =	vst v63  }
0xfb: {  	s8 =	simm.s32 $0xAA00;
	v41 =	vperm.xlane v22, v9;
	v40 =	vadd.s32 v4, v39  }
0xfc: {  	[tilespmem:s8], [sflag:$0x3] =	stream.indirect_vreg.gather [hbm4b:s3+s4], $0x80, v23, vm0, $0xb8;
	[tilespmem:$0x10100] =	vst v63  }
0xfd: {  	s13 =	simm.s32 $0xAA80;
	v42 =	vperm.xlane v22, v0;
	v23 =	vadd.s32 v4, v41  }
0xfe: {  	[tilespmem:s13], [sflag:$0x3] =	stream.indirect_vreg.gather [hbm4b:s3+s4], $0x80, v38, vm0, $0xb8;
	[tilespmem:$0x10100] =	vst v63  }
0xff: {  	s20 =	simm.s32 $0xAB00;
	v44 =	vperm.xlane v22, v13;
	v43 =	vadd.s32 v4, v42  }
0x100: {  	[tilespmem:s20], [sflag:$0x3] =	stream.indirect_vreg.gather [hbm4b:s3+s4], $0x80, v40, vm0, $0xb8;
	[tilespmem:$0x10100] =	vst v63  }
0x101: {  	s21 =	simm.s32 $0xAB80;
	v46 =	vperm.xlane v22, v10;
	v45 =	vadd.s32 v4, v44  }
0x102: {  	[tilespmem:s21], [sflag:$0x3] =	stream.indirect_vreg.gather [hbm4b:s3+s4], $0x80, v23, vm0, $0xb8;
	[tilespmem:$0x10100] =	vst v63  }
0x103: {  	s22 =	simm.s32 $0xAC00;
	v47 =	vperm.xlane v22, v11;
	v23 =	vadd.s32 v4, v46  }
0x104: {  	[tilespmem:s22], [sflag:$0x3] =	stream.indirect_vreg.gather [hbm4b:s3+s4], $0x80, v43, vm0, $0xb8;
	[tilespmem:$0x10100] =	vst v63  }
0x105: {  	v49 =	vperm.xlane v22, v12;
	v48 =	vadd.s32 v4, v47;
	s2 =	simm.s32 $0xAC80  }
0x106: {  	[tilespmem:s2], [sflag:$0x3] =	stream.indirect_vreg.gather [hbm4b:s3+s4], $0x80, v45, vm0, $0xb8;
	[tilespmem:$0x10100] =	vst v63  }
0x107: {  	v51 =	vperm.xlane v22, v14;
	v50 =	vadd.s32 v4, v49;
	s5 =	simm.s32 $0xAD00  }
0x108: {  	[tilespmem:s5], [sflag:$0x3] =	stream.indirect_vreg.gather [hbm4b:s3+s4], $0x80, v23, vm0, $0xb8;
	[tilespmem:$0x10100] =	vst v63  }
0x109: {  	v52 =	vperm.xlane v22, v15;
	s7 =	simm.s32 $0xAD80;
	v23 =	vadd.s32 v4, v51  }
0x10a: {  	[tilespmem:s7], [sflag:$0x3] =	stream.indirect_vreg.gather [hbm4b:s3+s4], $0x80, v48, vm0, $0xb8;
	[tilespmem:$0x10100] =	vst v63  }
0x10b: {  	v54 =	vperm.xlane v22, v16;
	v53 =	vadd.s32 v4, v52;
	s8 =	simm.s32 $0xAE00  }
0x10c: {  	[tilespmem:s8], [sflag:$0x3] =	stream.indirect_vreg.gather [hbm4b:s3+s4], $0x80, v50, vm0, $0xb8;
	[tilespmem:$0x10100] =	vst v63  }
0x10d: {  	v22 =	vperm.xlane v22, v17;
	v55 =	vadd.s32 v4, v54;
	s13 =	simm.s32 $0xAE80  }
0x10e: {  	[tilespmem:s13], [sflag:$0x3] =	stream.indirect_vreg.gather [hbm4b:s3+s4], $0x80, v23, vm0, $0xb8;
	[tilespmem:$0x10100] =	vst v63  }
0x10f: {  	v22 =	vadd.s32 v4, v22;
	s20 =	simm.s32 $0xAF00  }
0x110: {  	[tilespmem:s20], [sflag:$0x3] =	stream.indirect_vreg.gather [hbm4b:s3+s4], $0x80, v53, vm0, $0xb8;
	[tilespmem:$0x10100] =	vst v63  }
0x111: {  	s21 =	simm.s32 $0xAF80  }
0x112: {  	[tilespmem:s21], [sflag:$0x3] =	stream.indirect_vreg.gather [hbm4b:s3+s4], $0x80, v55, vm0, $0xb8;
	[tilespmem:$0x10100] =	vst v63  }
0x113: {  	s22 =	simm.s32 $0xB000  }
0x114: {  	[tilespmem:s22], [sflag:$0x3] =	stream.indirect_vreg.gather [hbm4b:s3+s4], $0x80, v22, vm0, $0xb8;
	[tilespmem:$0x10100] =	vst v63  }
0x115: {  	v22 =	vld [tilespmem:$0x60];
	_ =	sdelay $0x4  }
0x116: {  	v23 =	vshll.u32 v22, $0x3  }
0x117: {  	v22 =	vand.u32 $0x7, v22;
	v23 =	vand.u32 $0xFFFFFFC0, v23  }
0x118: {  	v22 =	vor.u32 v22, v23  }
0x119: {  	v23 =	vperm.xlane v22, v2;
	_ =	sdelay $0x1  }
0x11a: {  	v56 =	vperm.xlane v22, v3;
	v23 =	vadd.s32 v4, v23;
	_ =	sdelay $0x1  }
0x11b: {  	v57 =	vperm.xlane v22, v5;
	v24 =	vadd.s32 v4, v56;
	_ =	sdelay $0x1  }
0x11c: {  	s2 =	simm.s32 $0xB080;
	v58 =	vperm.xlane v22, v1;
	v25 =	vadd.s32 v4, v57  }
0x11d: {  	[tilespmem:s2], [sflag:$0x3] =	stream.indirect_vreg.gather [hbm4b:s3+s4], $0x80, v23, vm0, $0xb8;
	[tilespmem:$0x10100] =	vst v63  }
0x11e: {  	s5 =	simm.s32 $0xB100;
	v59 =	vperm.xlane v22, v7;
	v23 =	vadd.s32 v4, v58  }
0x11f: {  	[tilespmem:s5], [sflag:$0x3] =	stream.indirect_vreg.gather [hbm4b:s3+s4], $0x80, v24, vm0, $0xb8;
	[tilespmem:$0x10100] =	vst v63  }
0x120: {  	s7 =	simm.s32 $0xB180;
	v61 =	vperm.xlane v22, v8;
	v60 =	vadd.s32 v4, v59  }
0x121: {  	[tilespmem:s7], [sflag:$0x3] =	stream.indirect_vreg.gather [hbm4b:s3+s4], $0x80, v25, vm0, $0xb8;
	[tilespmem:$0x10100] =	vst v63  }
0x122: {  	s8 =	simm.s32 $0xB200;
	v63 =	vperm.xlane v22, v9;
	v62 =	vadd.s32 v4, v61  }
0x123: {  	[tilespmem:s8], [sflag:$0x3] =	stream.indirect_vreg.gather [hbm4b:s3+s4], $0x80, v23, vm0, $0xb8;
	[tilespmem:$0x10100] =	vst v63  }
0x124: {  	s13 =	simm.s32 $0xB280;
	v28 =	vperm.xlane v22, v0;
	v23 =	vadd.s32 v4, v63  }
0x125: {  	[tilespmem:s13], [sflag:$0x3] =	stream.indirect_vreg.gather [hbm4b:s3+s4], $0x80, v60, vm0, $0xb8;
	[tilespmem:$0x10100] =	vst v63  }
0x126: {  	s20 =	simm.s32 $0xB300;
	v30 =	vperm.xlane v22, v13;
	v29 =	vadd.s32 v4, v28  }
0x127: {  	[tilespmem:s20], [sflag:$0x3] =	stream.indirect_vreg.gather [hbm4b:s3+s4], $0x80, v62, vm0, $0xb8;
	[tilespmem:$0x10100] =	vst v63  }
0x128: {  	s21 =	simm.s32 $0xB380;
	v32 =	vperm.xlane v22, v10;
	v31 =	vadd.s32 v4, v30  }
0x129: {  	[tilespmem:s21], [sflag:$0x3] =	stream.indirect_vreg.gather [hbm4b:s3+s4], $0x80, v23, vm0, $0xb8;
	[tilespmem:$0x10100] =	vst v63  }
0x12a: {  	s22 =	simm.s32 $0xB400;
	v33 =	vperm.xlane v22, v11;
	v23 =	vadd.s32 v4, v32  }
0x12b: {  	[tilespmem:s22], [sflag:$0x3] =	stream.indirect_vreg.gather [hbm4b:s3+s4], $0x80, v29, vm0, $0xb8;
	[tilespmem:$0x10100] =	vst v63  }
0x12c: {  	v35 =	vperm.xlane v22, v12;
	v34 =	vadd.s32 v4, v33;
	s2 =	simm.s32 $0xB480  }
0x12d: {  	[tilespmem:s2], [sflag:$0x3] =	stream.indirect_vreg.gather [hbm4b:s3+s4], $0x80, v31, vm0, $0xb8;
	[tilespmem:$0x10100] =	vst v63  }
0x12e: {  	v37 =	vperm.xlane v22, v14;
	v36 =	vadd.s32 v4, v35;
	s5 =	simm.s32 $0xB500  }
0x12f: {  	[tilespmem:s5], [sflag:$0x3] =	stream.indirect_vreg.gather [hbm4b:s3+s4], $0x80, v23, vm0, $0xb8;
	[tilespmem:$0x10100] =	vst v63  }
0x130: {  	v38 =	vperm.xlane v22, v15;
	s7 =	simm.s32 $0xB580;
	v23 =	vadd.s32 v4, v37  }
0x131: {  	[tilespmem:s7], [sflag:$0x3] =	stream.indirect_vreg.gather [hbm4b:s3+s4], $0x80, v34, vm0, $0xb8;
	[tilespmem:$0x10100] =	vst v63  }
0x132: {  	v40 =	vperm.xlane v22, v16;
	v39 =	vadd.s32 v4, v38;
	s8 =	simm.s32 $0xB600  }
0x133: {  	[tilespmem:s8], [sflag:$0x3] =	stream.indirect_vreg.gather [hbm4b:s3+s4], $0x80, v36, vm0, $0xb8;
	[tilespmem:$0x10100] =	vst v63  }
0x134: {  	v22 =	vperm.xlane v22, v17;
	v41 =	vadd.s32 v4, v40;
	s13 =	simm.s32 $0xB680  }
0x135: {  	[tilespmem:s13], [sflag:$0x3] =	stream.indirect_vreg.gather [hbm4b:s3+s4], $0x80, v23, vm0, $0xb8;
	[tilespmem:$0x10100] =	vst v63  }
0x136: {  	v22 =	vadd.s32 v4, v22;
	s20 =	simm.s32 $0xB700  }
0x137: {  	[tilespmem:s20], [sflag:$0x3] =	stream.indirect_vreg.gather [hbm4b:s3+s4], $0x80, v39, vm0, $0xb8;
	[tilespmem:$0x10100] =	vst v63  }
0x138: {  	s21 =	simm.s32 $0xB780  }
0x139: {  	[tilespmem:s21], [sflag:$0x3] =	stream.indirect_vreg.gather [hbm4b:s3+s4], $0x80, v41, vm0, $0xb8;
	[tilespmem:$0x10100] =	vst v63  }
0x13a: {  	s22 =	simm.s32 $0xB800  }
0x13b: {  	[tilespmem:s22], [sflag:$0x3] =	stream.indirect_vreg.gather [hbm4b:s3+s4], $0x80, v22, vm0, $0xb8;
	[tilespmem:$0x10100] =	vst v63  }
0x13c: {  	v22 =	vld [tilespmem:$0x70];
	_ =	sdelay $0x4  }
0x13d: {  	v23 =	vshll.u32 v22, $0x3  }
0x13e: {  	v22 =	vand.u32 $0x7, v22;
	v23 =	vand.u32 $0xFFFFFFC0, v23  }
0x13f: {  	v22 =	vor.u32 v22, v23  }
0x140: {  	v23 =	vperm.xlane v22, v2;
	_ =	sdelay $0x1  }
0x141: {  	v42 =	vperm.xlane v22, v3;
	v23 =	vadd.s32 v4, v23;
	_ =	sdelay $0x1  }
0x142: {  	v43 =	vperm.xlane v22, v5;
	v24 =	vadd.s32 v4, v42;
	_ =	sdelay $0x1  }
0x143: {  	s2 =	simm.s32 $0xB880;
	v44 =	vperm.xlane v22, v1;
	v25 =	vadd.s32 v4, v43  }
0x144: {  	[tilespmem:s2], [sflag:$0x3] =	stream.indirect_vreg.gather [hbm4b:s3+s4], $0x80, v23, vm0, $0xb8;
	[tilespmem:$0x10100] =	vst v63  }
0x145: {  	s5 =	simm.s32 $0xB900;
	v45 =	vperm.xlane v22, v7;
	v23 =	vadd.s32 v4, v44  }
0x146: {  	[tilespmem:s5], [sflag:$0x3] =	stream.indirect_vreg.gather [hbm4b:s3+s4], $0x80, v24, vm0, $0xb8;
	[tilespmem:$0x10100] =	vst v63  }
0x147: {  	s7 =	simm.s32 $0xB980;
	v47 =	vperm.xlane v22, v8;
	v46 =	vadd.s32 v4, v45  }
0x148: {  	[tilespmem:s7], [sflag:$0x3] =	stream.indirect_vreg.gather [hbm4b:s3+s4], $0x80, v25, vm0, $0xb8;
	[tilespmem:$0x10100] =	vst v63  }
0x149: {  	s8 =	simm.s32 $0xBA00;
	v49 =	vperm.xlane v22, v9;
	v48 =	vadd.s32 v4, v47  }
0x14a: {  	[tilespmem:s8], [sflag:$0x3] =	stream.indirect_vreg.gather [hbm4b:s3+s4], $0x80, v23, vm0, $0xb8;
	[tilespmem:$0x10100] =	vst v63  }
0x14b: {  	s13 =	simm.s32 $0xBA80;
	v50 =	vperm.xlane v22, v0;
	v23 =	vadd.s32 v4, v49  }
0x14c: {  	[tilespmem:s13], [sflag:$0x3] =	stream.indirect_vreg.gather [hbm4b:s3+s4], $0x80, v46, vm0, $0xb8;
	[tilespmem:$0x10100] =	vst v63  }
0x14d: {  	s20 =	simm.s32 $0xBB00;
	v52 =	vperm.xlane v22, v13;
	v51 =	vadd.s32 v4, v50  }
0x14e: {  	[tilespmem:s20], [sflag:$0x3] =	stream.indirect_vreg.gather [hbm4b:s3+s4], $0x80, v48, vm0, $0xb8;
	[tilespmem:$0x10100] =	vst v63  }
0x14f: {  	s21 =	simm.s32 $0xBB80;
	v54 =	vperm.xlane v22, v10;
	v53 =	vadd.s32 v4, v52  }
0x150: {  	[tilespmem:s21], [sflag:$0x3] =	stream.indirect_vreg.gather [hbm4b:s3+s4], $0x80, v23, vm0, $0xb8;
	[tilespmem:$0x10100] =	vst v63  }
0x151: {  	s22 =	simm.s32 $0xBC00;
	v55 =	vperm.xlane v22, v11;
	v23 =	vadd.s32 v4, v54  }
0x152: {  	[tilespmem:s22], [sflag:$0x3] =	stream.indirect_vreg.gather [hbm4b:s3+s4], $0x80, v51, vm0, $0xb8;
	[tilespmem:$0x10100] =	vst v63  }
0x153: {  	v57 =	vperm.xlane v22, v12;
	v56 =	vadd.s32 v4, v55;
	s2 =	simm.s32 $0xBC80  }
0x154: {  	[tilespmem:s2], [sflag:$0x3] =	stream.indirect_vreg.gather [hbm4b:s3+s4], $0x80, v53, vm0, $0xb8;
	[tilespmem:$0x10100] =	vst v63  }
0x155: {  	v59 =	vperm.xlane v22, v14;
	v58 =	vadd.s32 v4, v57;
	s5 =	simm.s32 $0xBD00  }
0x156: {  	[tilespmem:s5], [sflag:$0x3] =	stream.indirect_vreg.gather [hbm4b:s3+s4], $0x80, v23, vm0, $0xb8;
	[tilespmem:$0x10100] =	vst v63  }
0x157: {  	v60 =	vperm.xlane v22, v15;
	s7 =	simm.s32 $0xBD80;
	v23 =	vadd.s32 v4, v59  }
0x158: {  	[tilespmem:s7], [sflag:$0x3] =	stream.indirect_vreg.gather [hbm4b:s3+s4], $0x80, v56, vm0, $0xb8;
	[tilespmem:$0x10100] =	vst v63  }
0x159: {  	v62 =	vperm.xlane v22, v16;
	v61 =	vadd.s32 v4, v60;
	s8 =	simm.s32 $0xBE00  }
0x15a: {  	[tilespmem:s8], [sflag:$0x3] =	stream.indirect_vreg.gather [hbm4b:s3+s4], $0x80, v58, vm0, $0xb8;
	[tilespmem:$0x10100] =	vst v63  }
0x15b: {  	v22 =	vperm.xlane v22, v17;
	v63 =	vadd.s32 v4, v62;
	s13 =	simm.s32 $0xBE80  }
0x15c: {  	[tilespmem:s13], [sflag:$0x3] =	stream.indirect_vreg.gather [hbm4b:s3+s4], $0x80, v23, vm0, $0xb8;
	[tilespmem:$0x10100] =	vst v63  }
0x15d: {  	v22 =	vadd.s32 v4, v22;
	s20 =	simm.s32 $0xBF00  }
0x15e: {  	[tilespmem:s20], [sflag:$0x3] =	stream.indirect_vreg.gather [hbm4b:s3+s4], $0x80, v61, vm0, $0xb8;
	[tilespmem:$0x10100] =	vst v63  }
0x15f: {  	s21 =	simm.s32 $0xBF80  }
0x160: {  	[tilespmem:s21], [sflag:$0x3] =	stream.indirect_vreg.gather [hbm4b:s3+s4], $0x80, v63, vm0, $0xb8;
	[tilespmem:$0x10100] =	vst v63  }
0x161: {  	s22 =	simm.s32 $0xC000;
	s20 =	simm.s32 $0x0  }
0x162: {  	[tilespmem:s22], [sflag:$0x3] =	stream.indirect_vreg.gather [hbm4b:s3+s4], $0x80, v22, vm0, $0xb8;
	[tilespmem:$0x10100] =	vst v63  }
.LBB2_2:
0x163: {  	s0 =	sshll.u32 s20, $0x8  }
0x164: {  	s2 =	sor.u32 $0x80, s0  }
0x165: {  	s5 =	sshll.u32 s2, $0xE  }
0x166: {  	s5 =	sor.u32 s6, s5  }
0x167: {  	s5 =	sshrl.u32 s5, $0x3  }
0x168: {  	s7 =	simm.s32 $0x4080;
	s5 =	sadd.s32 s1, s5  }
0x169: {  	[tilespmem:s7], [sflag:$0x2] =	stream.strided.gather [hbm4b:s5+s11], $0x4000, s12, s11, $0x38;
	[tilespmem:$0x10100] =	vst v63  }
0x16a: {  	v22 =	vld [tilespmem:$0x0];
	_ =	sdelay $0x4  }
0x16b: {  	v23 =	vshll.u32 v22, $0x3  }
0x16c: {  	v22 =	vand.u32 $0x7, v22;
	v23 =	vand.u32 $0xFFFFFFC0, v23  }
0x16d: {  	v2 =	vimm.s32 $0x0;
	v22 =	vor.u32 v22, v23  }
0x16e: {  	v23 =	vperm.xlane v22, v2  }
0x16f: {  	v3 =	vimm.s32 $0x1  }
0x170: {  	v24 =	vperm.xlane v22, v3;
	v23 =	vadd.s32 v4, v23  }
0x171: {  	v5 =	vimm.s32 $0x2  }
0x172: {  	v25 =	vperm.xlane v22, v5;
	v24 =	vadd.s32 v4, v24  }
0x173: {  	v1 =	vimm.s32 $0x3  }
0x174: {  	s21 =	simm.s32 $0x0;
	s2 =	sadd.s32 s3, s2;
	s7 =	simm.s32 $0xC080;
	v26 =	vperm.xlane v22, v1;
	v25 =	vadd.s32 v4, v25  }
0x175: {  	[tilespmem:s7], [sflag:$0x4] =	stream.indirect_vreg.gather [hbm4b:s2+s21], $0x80, v23, vm0, $0xb8;
	[tilespmem:$0x10100] =	vst v63  }
0x176: {  	s8 =	simm.s32 $0xC100;
	v35 =	vperm.xlane v22, v7;
	v23 =	vadd.s32 v4, v26  }
0x177: {  	[tilespmem:s8], [sflag:$0x4] =	stream.indirect_vreg.gather [hbm4b:s2+s21], $0x80, v24, vm0, $0xb8;
	[tilespmem:$0x10100] =	vst v63  }
0x178: {  	s13 =	simm.s32 $0xC180;
	v37 =	vperm.xlane v22, v8;
	v36 =	vadd.s32 v4, v35  }
0x179: {  	[tilespmem:s13], [sflag:$0x4] =	stream.indirect_vreg.gather [hbm4b:s2+s21], $0x80, v25, vm0, $0xb8;
	[tilespmem:$0x10100] =	vst v63  }
0x17a: {  	s22 =	simm.s32 $0xC200;
	v39 =	vperm.xlane v22, v9;
	v38 =	vadd.s32 v4, v37  }
0x17b: {  	v0 =	vimm.s32 $0x7;
	[tilespmem:s22], [sflag:$0x4] =	stream.indirect_vreg.gather [hbm4b:s2+s21], $0x80, v23, vm0, $0xb8;
	[tilespmem:$0x10100] =	vst v63  }
0x17c: {  	v40 =	vperm.xlane v22, v0;
	s7 =	simm.s32 $0xC280;
	v23 =	vadd.s32 v4, v39  }
0x17d: {  	[tilespmem:s7], [sflag:$0x4] =	stream.indirect_vreg.gather [hbm4b:s2+s21], $0x80, v36, vm0, $0xb8;
	[tilespmem:$0x10100] =	vst v63  }
0x17e: {  	v42 =	vperm.xlane v22, v13;
	v41 =	vadd.s32 v4, v40;
	s8 =	simm.s32 $0xC300  }
0x17f: {  	[tilespmem:s8], [sflag:$0x4] =	stream.indirect_vreg.gather [hbm4b:s2+s21], $0x80, v38, vm0, $0xb8;
	[tilespmem:$0x10100] =	vst v63  }
0x180: {  	v44 =	vperm.xlane v22, v10;
	v43 =	vadd.s32 v4, v42;
	s13 =	simm.s32 $0xC380  }
0x181: {  	[tilespmem:s13], [sflag:$0x4] =	stream.indirect_vreg.gather [hbm4b:s2+s21], $0x80, v23, vm0, $0xb8;
	[tilespmem:$0x10100] =	vst v63  }
0x182: {  	v45 =	vperm.xlane v22, v11;
	s22 =	simm.s32 $0xC400;
	v23 =	vadd.s32 v4, v44  }
0x183: {  	[tilespmem:s22], [sflag:$0x4] =	stream.indirect_vreg.gather [hbm4b:s2+s21], $0x80, v41, vm0, $0xb8;
	[tilespmem:$0x10100] =	vst v63  }
0x184: {  	v47 =	vperm.xlane v22, v12;
	v46 =	vadd.s32 v4, v45;
	s7 =	simm.s32 $0xC480  }
0x185: {  	[tilespmem:s7], [sflag:$0x4] =	stream.indirect_vreg.gather [hbm4b:s2+s21], $0x80, v43, vm0, $0xb8;
	[tilespmem:$0x10100] =	vst v63  }
0x186: {  	v49 =	vperm.xlane v22, v14;
	v48 =	vadd.s32 v4, v47;
	s8 =	simm.s32 $0xC500  }
0x187: {  	[tilespmem:s8], [sflag:$0x4] =	stream.indirect_vreg.gather [hbm4b:s2+s21], $0x80, v23, vm0, $0xb8;
	[tilespmem:$0x10100] =	vst v63  }
0x188: {  	v50 =	vperm.xlane v22, v15;
	s13 =	simm.s32 $0xC580;
	v23 =	vadd.s32 v4, v49  }
0x189: {  	[tilespmem:s13], [sflag:$0x4] =	stream.indirect_vreg.gather [hbm4b:s2+s21], $0x80, v46, vm0, $0xb8;
	[tilespmem:$0x10100] =	vst v63  }
0x18a: {  	v52 =	vperm.xlane v22, v16;
	v51 =	vadd.s32 v4, v50;
	s22 =	simm.s32 $0xC600  }
0x18b: {  	[tilespmem:s22], [sflag:$0x4] =	stream.indirect_vreg.gather [hbm4b:s2+s21], $0x80, v48, vm0, $0xb8;
	[tilespmem:$0x10100] =	vst v63  }
0x18c: {  	v22 =	vperm.xlane v22, v17;
	v53 =	vadd.s32 v4, v52;
	s7 =	simm.s32 $0xC680  }
0x18d: {  	[tilespmem:s7], [sflag:$0x4] =	stream.indirect_vreg.gather [hbm4b:s2+s21], $0x80, v23, vm0, $0xb8;
	[tilespmem:$0x10100] =	vst v63  }
0x18e: {  	v22 =	vadd.s32 v4, v22;
	s8 =	simm.s32 $0xC700  }
0x18f: {  	[tilespmem:s8], [sflag:$0x4] =	stream.indirect_vreg.gather [hbm4b:s2+s21], $0x80, v51, vm0, $0xb8;
	[tilespmem:$0x10100] =	vst v63  }
0x190: {  	s13 =	simm.s32 $0xC780  }
0x191: {  	[tilespmem:s13], [sflag:$0x4] =	stream.indirect_vreg.gather [hbm4b:s2+s21], $0x80, v53, vm0, $0xb8;
	[tilespmem:$0x10100] =	vst v63  }
0x192: {  	s22 =	simm.s32 $0xC800  }
0x193: {  	[tilespmem:s22], [sflag:$0x4] =	stream.indirect_vreg.gather [hbm4b:s2+s21], $0x80, v22, vm0, $0xb8;
	[tilespmem:$0x10100] =	vst v63  }
0x194: {  	v22 =	vld [tilespmem:$0x10];
	_ =	sdelay $0x4  }
0x195: {  	v23 =	vshll.u32 v22, $0x3  }
0x196: {  	v22 =	vand.u32 $0x7, v22;
	v23 =	vand.u32 $0xFFFFFFC0, v23  }
0x197: {  	v22 =	vor.u32 v22, v23  }
0x198: {  	v23 =	vperm.xlane v22, v2;
	_ =	sdelay $0x1  }
0x199: {  	v54 =	vperm.xlane v22, v3;
	v23 =	vadd.s32 v4, v23;
	_ =	sdelay $0x1  }
0x19a: {  	v55 =	vperm.xlane v22, v5;
	v24 =	vadd.s32 v4, v54;
	_ =	sdelay $0x1  }
0x19b: {  	s7 =	simm.s32 $0xC880;
	v56 =	vperm.xlane v22, v1;
	v25 =	vadd.s32 v4, v55  }
0x19c: {  	[tilespmem:s7], [sflag:$0x4] =	stream.indirect_vreg.gather [hbm4b:s2+s21], $0x80, v23, vm0, $0xb8;
	[tilespmem:$0x10100] =	vst v63  }
0x19d: {  	s8 =	simm.s32 $0xC900;
	v57 =	vperm.xlane v22, v7;
	v23 =	vadd.s32 v4, v56  }
0x19e: {  	[tilespmem:s8], [sflag:$0x4] =	stream.indirect_vreg.gather [hbm4b:s2+s21], $0x80, v24, vm0, $0xb8;
	[tilespmem:$0x10100] =	vst v63  }
0x19f: {  	s13 =	simm.s32 $0xC980;
	v59 =	vperm.xlane v22, v8;
	v58 =	vadd.s32 v4, v57  }
0x1a0: {  	[tilespmem:s13], [sflag:$0x4] =	stream.indirect_vreg.gather [hbm4b:s2+s21], $0x80, v25, vm0, $0xb8;
	[tilespmem:$0x10100] =	vst v63  }
0x1a1: {  	s22 =	simm.s32 $0xCA00;
	v61 =	vperm.xlane v22, v9;
	v60 =	vadd.s32 v4, v59  }
0x1a2: {  	[tilespmem:s22], [sflag:$0x4] =	stream.indirect_vreg.gather [hbm4b:s2+s21], $0x80, v23, vm0, $0xb8;
	[tilespmem:$0x10100] =	vst v63  }
0x1a3: {  	v62 =	vperm.xlane v22, v0;
	s7 =	simm.s32 $0xCA80;
	v23 =	vadd.s32 v4, v61  }
0x1a4: {  	[tilespmem:s7], [sflag:$0x4] =	stream.indirect_vreg.gather [hbm4b:s2+s21], $0x80, v58, vm0, $0xb8;
	[tilespmem:$0x10100] =	vst v63  }
0x1a5: {  	v28 =	vperm.xlane v22, v13;
	v63 =	vadd.s32 v4, v62;
	s8 =	simm.s32 $0xCB00  }
0x1a6: {  	[tilespmem:s8], [sflag:$0x4] =	stream.indirect_vreg.gather [hbm4b:s2+s21], $0x80, v60, vm0, $0xb8;
	[tilespmem:$0x10100] =	vst v63  }
0x1a7: {  	v30 =	vperm.xlane v22, v10;
	v29 =	vadd.s32 v4, v28;
	s13 =	simm.s32 $0xCB80  }
0x1a8: {  	[tilespmem:s13], [sflag:$0x4] =	stream.indirect_vreg.gather [hbm4b:s2+s21], $0x80, v23, vm0, $0xb8;
	[tilespmem:$0x10100] =	vst v63  }
0x1a9: {  	v31 =	vperm.xlane v22, v11;
	s22 =	simm.s32 $0xCC00;
	v23 =	vadd.s32 v4, v30  }
0x1aa: {  	[tilespmem:s22], [sflag:$0x4] =	stream.indirect_vreg.gather [hbm4b:s2+s21], $0x80, v63, vm0, $0xb8;
	[tilespmem:$0x10100] =	vst v63  }
0x1ab: {  	v33 =	vperm.xlane v22, v12;
	v32 =	vadd.s32 v4, v31;
	s7 =	simm.s32 $0xCC80  }
0x1ac: {  	[tilespmem:s7], [sflag:$0x4] =	stream.indirect_vreg.gather [hbm4b:s2+s21], $0x80, v29, vm0, $0xb8;
	[tilespmem:$0x10100] =	vst v63  }
0x1ad: {  	v35 =	vperm.xlane v22, v14;
	v34 =	vadd.s32 v4, v33;
	s8 =	simm.s32 $0xCD00  }
0x1ae: {  	[tilespmem:s8], [sflag:$0x4] =	stream.indirect_vreg.gather [hbm4b:s2+s21], $0x80, v23, vm0, $0xb8;
	[tilespmem:$0x10100] =	vst v63  }
0x1af: {  	v36 =	vperm.xlane v22, v15;
	s13 =	simm.s32 $0xCD80;
	v23 =	vadd.s32 v4, v35  }
0x1b0: {  	[tilespmem:s13], [sflag:$0x4] =	stream.indirect_vreg.gather [hbm4b:s2+s21], $0x80, v32, vm0, $0xb8;
	[tilespmem:$0x10100] =	vst v63  }
0x1b1: {  	v38 =	vperm.xlane v22, v16;
	v37 =	vadd.s32 v4, v36;
	s22 =	simm.s32 $0xCE00  }
0x1b2: {  	[tilespmem:s22], [sflag:$0x4] =	stream.indirect_vreg.gather [hbm4b:s2+s21], $0x80, v34, vm0, $0xb8;
	[tilespmem:$0x10100] =	vst v63  }
0x1b3: {  	v22 =	vperm.xlane v22, v17;
	v39 =	vadd.s32 v4, v38;
	s7 =	simm.s32 $0xCE80  }
0x1b4: {  	[tilespmem:s7], [sflag:$0x4] =	stream.indirect_vreg.gather [hbm4b:s2+s21], $0x80, v23, vm0, $0xb8;
	[tilespmem:$0x10100] =	vst v63  }
0x1b5: {  	v22 =	vadd.s32 v4, v22;
	s8 =	simm.s32 $0xCF00  }
0x1b6: {  	[tilespmem:s8], [sflag:$0x4] =	stream.indirect_vreg.gather [hbm4b:s2+s21], $0x80, v37, vm0, $0xb8;
	[tilespmem:$0x10100] =	vst v63  }
0x1b7: {  	s13 =	simm.s32 $0xCF80  }
0x1b8: {  	[tilespmem:s13], [sflag:$0x4] =	stream.indirect_vreg.gather [hbm4b:s2+s21], $0x80, v39, vm0, $0xb8;
	[tilespmem:$0x10100] =	vst v63  }
0x1b9: {  	s22 =	simm.s32 $0xD000  }
0x1ba: {  	[tilespmem:s22], [sflag:$0x4] =	stream.indirect_vreg.gather [hbm4b:s2+s21], $0x80, v22, vm0, $0xb8;
	[tilespmem:$0x10100] =	vst v63  }
0x1bb: {  	v22 =	vld [tilespmem:$0x20];
	_ =	sdelay $0x4  }
0x1bc: {  	v23 =	vshll.u32 v22, $0x3  }
0x1bd: {  	v22 =	vand.u32 $0x7, v22;
	v23 =	vand.u32 $0xFFFFFFC0, v23  }
0x1be: {  	v22 =	vor.u32 v22, v23  }
0x1bf: {  	v23 =	vperm.xlane v22, v2;
	_ =	sdelay $0x1  }
0x1c0: {  	v40 =	vperm.xlane v22, v3;
	v23 =	vadd.s32 v4, v23;
	_ =	sdelay $0x1  }
0x1c1: {  	v41 =	vperm.xlane v22, v5;
	v24 =	vadd.s32 v4, v40;
	_ =	sdelay $0x1  }
0x1c2: {  	s7 =	simm.s32 $0xD080;
	v42 =	vperm.xlane v22, v1;
	v25 =	vadd.s32 v4, v41  }
0x1c3: {  	[tilespmem:s7], [sflag:$0x4] =	stream.indirect_vreg.gather [hbm4b:s2+s21], $0x80, v23, vm0, $0xb8;
	[tilespmem:$0x10100] =	vst v63  }
0x1c4: {  	s8 =	simm.s32 $0xD100;
	v43 =	vperm.xlane v22, v7;
	v23 =	vadd.s32 v4, v42  }
0x1c5: {  	[tilespmem:s8], [sflag:$0x4] =	stream.indirect_vreg.gather [hbm4b:s2+s21], $0x80, v24, vm0, $0xb8;
	[tilespmem:$0x10100] =	vst v63  }
0x1c6: {  	s13 =	simm.s32 $0xD180;
	v45 =	vperm.xlane v22, v8;
	v44 =	vadd.s32 v4, v43  }
0x1c7: {  	[tilespmem:s13], [sflag:$0x4] =	stream.indirect_vreg.gather [hbm4b:s2+s21], $0x80, v25, vm0, $0xb8;
	[tilespmem:$0x10100] =	vst v63  }
0x1c8: {  	s22 =	simm.s32 $0xD200;
	v47 =	vperm.xlane v22, v9;
	v46 =	vadd.s32 v4, v45  }
0x1c9: {  	[tilespmem:s22], [sflag:$0x4] =	stream.indirect_vreg.gather [hbm4b:s2+s21], $0x80, v23, vm0, $0xb8;
	[tilespmem:$0x10100] =	vst v63  }
0x1ca: {  	v48 =	vperm.xlane v22, v0;
	s7 =	simm.s32 $0xD280;
	v23 =	vadd.s32 v4, v47  }
0x1cb: {  	[tilespmem:s7], [sflag:$0x4] =	stream.indirect_vreg.gather [hbm4b:s2+s21], $0x80, v44, vm0, $0xb8;
	[tilespmem:$0x10100] =	vst v63  }
0x1cc: {  	v50 =	vperm.xlane v22, v13;
	v49 =	vadd.s32 v4, v48;
	s8 =	simm.s32 $0xD300  }
0x1cd: {  	[tilespmem:s8], [sflag:$0x4] =	stream.indirect_vreg.gather [hbm4b:s2+s21], $0x80, v46, vm0, $0xb8;
	[tilespmem:$0x10100] =	vst v63  }
0x1ce: {  	v52 =	vperm.xlane v22, v10;
	v51 =	vadd.s32 v4, v50;
	s13 =	simm.s32 $0xD380  }
0x1cf: {  	[tilespmem:s13], [sflag:$0x4] =	stream.indirect_vreg.gather [hbm4b:s2+s21], $0x80, v23, vm0, $0xb8;
	[tilespmem:$0x10100] =	vst v63  }
0x1d0: {  	v53 =	vperm.xlane v22, v11;
	s22 =	simm.s32 $0xD400;
	v23 =	vadd.s32 v4, v52  }
0x1d1: {  	[tilespmem:s22], [sflag:$0x4] =	stream.indirect_vreg.gather [hbm4b:s2+s21], $0x80, v49, vm0, $0xb8;
	[tilespmem:$0x10100] =	vst v63  }
0x1d2: {  	v55 =	vperm.xlane v22, v12;
	v54 =	vadd.s32 v4, v53;
	s7 =	simm.s32 $0xD480  }
0x1d3: {  	[tilespmem:s7], [sflag:$0x4] =	stream.indirect_vreg.gather [hbm4b:s2+s21], $0x80, v51, vm0, $0xb8;
	[tilespmem:$0x10100] =	vst v63  }
0x1d4: {  	v57 =	vperm.xlane v22, v14;
	v56 =	vadd.s32 v4, v55;
	s8 =	simm.s32 $0xD500  }
0x1d5: {  	[tilespmem:s8], [sflag:$0x4] =	stream.indirect_vreg.gather [hbm4b:s2+s21], $0x80, v23, vm0, $0xb8;
	[tilespmem:$0x10100] =	vst v63  }
0x1d6: {  	v58 =	vperm.xlane v22, v15;
	s13 =	simm.s32 $0xD580;
	v23 =	vadd.s32 v4, v57  }
0x1d7: {  	[tilespmem:s13], [sflag:$0x4] =	stream.indirect_vreg.gather [hbm4b:s2+s21], $0x80, v54, vm0, $0xb8;
	[tilespmem:$0x10100] =	vst v63  }
0x1d8: {  	v60 =	vperm.xlane v22, v16;
	v59 =	vadd.s32 v4, v58;
	s22 =	simm.s32 $0xD600  }
0x1d9: {  	[tilespmem:s22], [sflag:$0x4] =	stream.indirect_vreg.gather [hbm4b:s2+s21], $0x80, v56, vm0, $0xb8;
	[tilespmem:$0x10100] =	vst v63  }
0x1da: {  	v22 =	vperm.xlane v22, v17;
	v61 =	vadd.s32 v4, v60;
	s7 =	simm.s32 $0xD680  }
0x1db: {  	[tilespmem:s7], [sflag:$0x4] =	stream.indirect_vreg.gather [hbm4b:s2+s21], $0x80, v23, vm0, $0xb8;
	[tilespmem:$0x10100] =	vst v63  }
0x1dc: {  	v22 =	vadd.s32 v4, v22;
	s8 =	simm.s32 $0xD700  }
0x1dd: {  	[tilespmem:s8], [sflag:$0x4] =	stream.indirect_vreg.gather [hbm4b:s2+s21], $0x80, v59, vm0, $0xb8;
	[tilespmem:$0x10100] =	vst v63  }
0x1de: {  	s13 =	simm.s32 $0xD780  }
0x1df: {  	[tilespmem:s13], [sflag:$0x4] =	stream.indirect_vreg.gather [hbm4b:s2+s21], $0x80, v61, vm0, $0xb8;
	[tilespmem:$0x10100] =	vst v63  }
0x1e0: {  	s22 =	simm.s32 $0xD800  }
0x1e1: {  	[tilespmem:s22], [sflag:$0x4] =	stream.indirect_vreg.gather [hbm4b:s2+s21], $0x80, v22, vm0, $0xb8;
	[tilespmem:$0x10100] =	vst v63  }
0x1e2: {  	v22 =	vld [tilespmem:$0x30];
	_ =	sdelay $0x4  }
0x1e3: {  	v23 =	vshll.u32 v22, $0x3  }
0x1e4: {  	v22 =	vand.u32 $0x7, v22;
	v23 =	vand.u32 $0xFFFFFFC0, v23  }
0x1e5: {  	v22 =	vor.u32 v22, v23  }
0x1e6: {  	v23 =	vperm.xlane v22, v2;
	_ =	sdelay $0x1  }
0x1e7: {  	v62 =	vperm.xlane v22, v3;
	v23 =	vadd.s32 v4, v23;
	_ =	sdelay $0x1  }
0x1e8: {  	v63 =	vperm.xlane v22, v5;
	v24 =	vadd.s32 v4, v62;
	_ =	sdelay $0x1  }
0x1e9: {  	s7 =	simm.s32 $0xD880;
	v28 =	vperm.xlane v22, v1;
	v25 =	vadd.s32 v4, v63  }
0x1ea: {  	[tilespmem:s7], [sflag:$0x4] =	stream.indirect_vreg.gather [hbm4b:s2+s21], $0x80, v23, vm0, $0xb8;
	[tilespmem:$0x10100] =	vst v63  }
0x1eb: {  	s8 =	simm.s32 $0xD900;
	v29 =	vperm.xlane v22, v7;
	v23 =	vadd.s32 v4, v28  }
0x1ec: {  	[tilespmem:s8], [sflag:$0x4] =	stream.indirect_vreg.gather [hbm4b:s2+s21], $0x80, v24, vm0, $0xb8;
	[tilespmem:$0x10100] =	vst v63  }
0x1ed: {  	s13 =	simm.s32 $0xD980;
	v31 =	vperm.xlane v22, v8;
	v30 =	vadd.s32 v4, v29  }
0x1ee: {  	[tilespmem:s13], [sflag:$0x4] =	stream.indirect_vreg.gather [hbm4b:s2+s21], $0x80, v25, vm0, $0xb8;
	[tilespmem:$0x10100] =	vst v63  }
0x1ef: {  	s22 =	simm.s32 $0xDA00;
	v33 =	vperm.xlane v22, v9;
	v32 =	vadd.s32 v4, v31  }
0x1f0: {  	[tilespmem:s22], [sflag:$0x4] =	stream.indirect_vreg.gather [hbm4b:s2+s21], $0x80, v23, vm0, $0xb8;
	[tilespmem:$0x10100] =	vst v63  }
0x1f1: {  	v34 =	vperm.xlane v22, v0;
	s7 =	simm.s32 $0xDA80;
	v23 =	vadd.s32 v4, v33  }
0x1f2: {  	[tilespmem:s7], [sflag:$0x4] =	stream.indirect_vreg.gather [hbm4b:s2+s21], $0x80, v30, vm0, $0xb8;
	[tilespmem:$0x10100] =	vst v63  }
0x1f3: {  	v36 =	vperm.xlane v22, v13;
	v35 =	vadd.s32 v4, v34;
	s8 =	simm.s32 $0xDB00  }
0x1f4: {  	[tilespmem:s8], [sflag:$0x4] =	stream.indirect_vreg.gather [hbm4b:s2+s21], $0x80, v32, vm0, $0xb8;
	[tilespmem:$0x10100] =	vst v63  }
0x1f5: {  	v38 =	vperm.xlane v22, v10;
	v37 =	vadd.s32 v4, v36;
	s13 =	simm.s32 $0xDB80  }
0x1f6: {  	[tilespmem:s13], [sflag:$0x4] =	stream.indirect_vreg.gather [hbm4b:s2+s21], $0x80, v23, vm0, $0xb8;
	[tilespmem:$0x10100] =	vst v63  }
0x1f7: {  	v39 =	vperm.xlane v22, v11;
	s22 =	simm.s32 $0xDC00;
	v23 =	vadd.s32 v4, v38  }
0x1f8: {  	[tilespmem:s22], [sflag:$0x4] =	stream.indirect_vreg.gather [hbm4b:s2+s21], $0x80, v35, vm0, $0xb8;
	[tilespmem:$0x10100] =	vst v63  }
0x1f9: {  	v41 =	vperm.xlane v22, v12;
	v40 =	vadd.s32 v4, v39;
	s7 =	simm.s32 $0xDC80  }
0x1fa: {  	[tilespmem:s7], [sflag:$0x4] =	stream.indirect_vreg.gather [hbm4b:s2+s21], $0x80, v37, vm0, $0xb8;
	[tilespmem:$0x10100] =	vst v63  }
0x1fb: {  	v43 =	vperm.xlane v22, v14;
	v42 =	vadd.s32 v4, v41;
	s8 =	simm.s32 $0xDD00  }
0x1fc: {  	[tilespmem:s8], [sflag:$0x4] =	stream.indirect_vreg.gather [hbm4b:s2+s21], $0x80, v23, vm0, $0xb8;
	[tilespmem:$0x10100] =	vst v63  }
0x1fd: {  	v44 =	vperm.xlane v22, v15;
	s13 =	simm.s32 $0xDD80;
	v23 =	vadd.s32 v4, v43  }
0x1fe: {  	[tilespmem:s13], [sflag:$0x4] =	stream.indirect_vreg.gather [hbm4b:s2+s21], $0x80, v40, vm0, $0xb8;
	[tilespmem:$0x10100] =	vst v63  }
0x1ff: {  	v46 =	vperm.xlane v22, v16;
	v45 =	vadd.s32 v4, v44;
	s22 =	simm.s32 $0xDE00  }
0x200: {  	[tilespmem:s22], [sflag:$0x4] =	stream.indirect_vreg.gather [hbm4b:s2+s21], $0x80, v42, vm0, $0xb8;
	[tilespmem:$0x10100] =	vst v63  }
0x201: {  	v22 =	vperm.xlane v22, v17;
	v47 =	vadd.s32 v4, v46;
	s7 =	simm.s32 $0xDE80  }
0x202: {  	[tilespmem:s7], [sflag:$0x4] =	stream.indirect_vreg.gather [hbm4b:s2+s21], $0x80, v23, vm0, $0xb8;
	[tilespmem:$0x10100] =	vst v63  }
0x203: {  	v22 =	vadd.s32 v4, v22;
	s8 =	simm.s32 $0xDF00  }
0x204: {  	[tilespmem:s8], [sflag:$0x4] =	stream.indirect_vreg.gather [hbm4b:s2+s21], $0x80, v45, vm0, $0xb8;
	[tilespmem:$0x10100] =	vst v63  }
0x205: {  	s13 =	simm.s32 $0xDF80  }
0x206: {  	[tilespmem:s13], [sflag:$0x4] =	stream.indirect_vreg.gather [hbm4b:s2+s21], $0x80, v47, vm0, $0xb8;
	[tilespmem:$0x10100] =	vst v63  }
0x207: {  	s22 =	simm.s32 $0xE000  }
0x208: {  	[tilespmem:s22], [sflag:$0x4] =	stream.indirect_vreg.gather [hbm4b:s2+s21], $0x80, v22, vm0, $0xb8;
	[tilespmem:$0x10100] =	vst v63  }
0x209: {  	v22 =	vld [tilespmem:$0x40];
	_ =	sdelay $0x4  }
0x20a: {  	v23 =	vshll.u32 v22, $0x3  }
0x20b: {  	v22 =	vand.u32 $0x7, v22;
	v23 =	vand.u32 $0xFFFFFFC0, v23  }
0x20c: {  	v22 =	vor.u32 v22, v23  }
0x20d: {  	v23 =	vperm.xlane v22, v2;
	_ =	sdelay $0x1  }
0x20e: {  	v48 =	vperm.xlane v22, v3;
	v23 =	vadd.s32 v4, v23;
	_ =	sdelay $0x1  }
0x20f: {  	v49 =	vperm.xlane v22, v5;
	v24 =	vadd.s32 v4, v48;
	_ =	sdelay $0x1  }
0x210: {  	s7 =	simm.s32 $0xE080;
	v50 =	vperm.xlane v22, v1;
	v25 =	vadd.s32 v4, v49  }
0x211: {  	[tilespmem:s7], [sflag:$0x4] =	stream.indirect_vreg.gather [hbm4b:s2+s21], $0x80, v23, vm0, $0xb8;
	[tilespmem:$0x10100] =	vst v63  }
0x212: {  	s8 =	simm.s32 $0xE100;
	v51 =	vperm.xlane v22, v7;
	v23 =	vadd.s32 v4, v50  }
0x213: {  	[tilespmem:s8], [sflag:$0x4] =	stream.indirect_vreg.gather [hbm4b:s2+s21], $0x80, v24, vm0, $0xb8;
	[tilespmem:$0x10100] =	vst v63  }
0x214: {  	s13 =	simm.s32 $0xE180;
	v53 =	vperm.xlane v22, v8;
	v52 =	vadd.s32 v4, v51  }
0x215: {  	[tilespmem:s13], [sflag:$0x4] =	stream.indirect_vreg.gather [hbm4b:s2+s21], $0x80, v25, vm0, $0xb8;
	[tilespmem:$0x10100] =	vst v63  }
0x216: {  	s22 =	simm.s32 $0xE200;
	v55 =	vperm.xlane v22, v9;
	v54 =	vadd.s32 v4, v53  }
0x217: {  	[tilespmem:s22], [sflag:$0x4] =	stream.indirect_vreg.gather [hbm4b:s2+s21], $0x80, v23, vm0, $0xb8;
	[tilespmem:$0x10100] =	vst v63  }
0x218: {  	v56 =	vperm.xlane v22, v0;
	s7 =	simm.s32 $0xE280;
	v23 =	vadd.s32 v4, v55  }
0x219: {  	[tilespmem:s7], [sflag:$0x4] =	stream.indirect_vreg.gather [hbm4b:s2+s21], $0x80, v52, vm0, $0xb8;
	[tilespmem:$0x10100] =	vst v63  }
0x21a: {  	v58 =	vperm.xlane v22, v13;
	v57 =	vadd.s32 v4, v56;
	s8 =	simm.s32 $0xE300  }
0x21b: {  	[tilespmem:s8], [sflag:$0x4] =	stream.indirect_vreg.gather [hbm4b:s2+s21], $0x80, v54, vm0, $0xb8;
	[tilespmem:$0x10100] =	vst v63  }
0x21c: {  	v60 =	vperm.xlane v22, v10;
	v59 =	vadd.s32 v4, v58;
	s13 =	simm.s32 $0xE380  }
0x21d: {  	[tilespmem:s13], [sflag:$0x4] =	stream.indirect_vreg.gather [hbm4b:s2+s21], $0x80, v23, vm0, $0xb8;
	[tilespmem:$0x10100] =	vst v63  }
0x21e: {  	v61 =	vperm.xlane v22, v11;
	s22 =	simm.s32 $0xE400;
	v23 =	vadd.s32 v4, v60  }
0x21f: {  	[tilespmem:s22], [sflag:$0x4] =	stream.indirect_vreg.gather [hbm4b:s2+s21], $0x80, v57, vm0, $0xb8;
	[tilespmem:$0x10100] =	vst v63  }
0x220: {  	v63 =	vperm.xlane v22, v12;
	v62 =	vadd.s32 v4, v61;
	s7 =	simm.s32 $0xE480  }
0x221: {  	[tilespmem:s7], [sflag:$0x4] =	stream.indirect_vreg.gather [hbm4b:s2+s21], $0x80, v59, vm0, $0xb8;
	[tilespmem:$0x10100] =	vst v63  }
0x222: {  	v29 =	vperm.xlane v22, v14;
	v28 =	vadd.s32 v4, v63;
	s8 =	simm.s32 $0xE500  }
0x223: {  	[tilespmem:s8], [sflag:$0x4] =	stream.indirect_vreg.gather [hbm4b:s2+s21], $0x80, v23, vm0, $0xb8;
	[tilespmem:$0x10100] =	vst v63  }
0x224: {  	v30 =	vperm.xlane v22, v15;
	s13 =	simm.s32 $0xE580;
	v23 =	vadd.s32 v4, v29  }
0x225: {  	[tilespmem:s13], [sflag:$0x4] =	stream.indirect_vreg.gather [hbm4b:s2+s21], $0x80, v62, vm0, $0xb8;
	[tilespmem:$0x10100] =	vst v63  }
0x226: {  	v32 =	vperm.xlane v22, v16;
	v31 =	vadd.s32 v4, v30;
	s22 =	simm.s32 $0xE600  }
0x227: {  	[tilespmem:s22], [sflag:$0x4] =	stream.indirect_vreg.gather [hbm4b:s2+s21], $0x80, v28, vm0, $0xb8;
	[tilespmem:$0x10100] =	vst v63  }
0x228: {  	v22 =	vperm.xlane v22, v17;
	v33 =	vadd.s32 v4, v32;
	s7 =	simm.s32 $0xE680  }
0x229: {  	[tilespmem:s7], [sflag:$0x4] =	stream.indirect_vreg.gather [hbm4b:s2+s21], $0x80, v23, vm0, $0xb8;
	[tilespmem:$0x10100] =	vst v63  }
0x22a: {  	v22 =	vadd.s32 v4, v22;
	s8 =	simm.s32 $0xE700  }
0x22b: {  	[tilespmem:s8], [sflag:$0x4] =	stream.indirect_vreg.gather [hbm4b:s2+s21], $0x80, v31, vm0, $0xb8;
	[tilespmem:$0x10100] =	vst v63  }
0x22c: {  	s13 =	simm.s32 $0xE780  }
0x22d: {  	[tilespmem:s13], [sflag:$0x4] =	stream.indirect_vreg.gather [hbm4b:s2+s21], $0x80, v33, vm0, $0xb8;
	[tilespmem:$0x10100] =	vst v63  }
0x22e: {  	s22 =	simm.s32 $0xE800  }
0x22f: {  	[tilespmem:s22], [sflag:$0x4] =	stream.indirect_vreg.gather [hbm4b:s2+s21], $0x80, v22, vm0, $0xb8;
	[tilespmem:$0x10100] =	vst v63  }
0x230: {  	v22 =	vld [tilespmem:$0x50];
	_ =	sdelay $0x4  }
0x231: {  	v23 =	vshll.u32 v22, $0x3  }
0x232: {  	v22 =	vand.u32 $0x7, v22;
	v23 =	vand.u32 $0xFFFFFFC0, v23  }
0x233: {  	v22 =	vor.u32 v22, v23  }
0x234: {  	v23 =	vperm.xlane v22, v2;
	_ =	sdelay $0x1  }
0x235: {  	v34 =	vperm.xlane v22, v3;
	v23 =	vadd.s32 v4, v23;
	_ =	sdelay $0x1  }
0x236: {  	v35 =	vperm.xlane v22, v5;
	v24 =	vadd.s32 v4, v34;
	_ =	sdelay $0x1  }
0x237: {  	s7 =	simm.s32 $0xE880;
	v36 =	vperm.xlane v22, v1;
	v25 =	vadd.s32 v4, v35  }
0x238: {  	[tilespmem:s7], [sflag:$0x4] =	stream.indirect_vreg.gather [hbm4b:s2+s21], $0x80, v23, vm0, $0xb8;
	[tilespmem:$0x10100] =	vst v63  }
0x239: {  	s8 =	simm.s32 $0xE900;
	v37 =	vperm.xlane v22, v7;
	v23 =	vadd.s32 v4, v36  }
0x23a: {  	[tilespmem:s8], [sflag:$0x4] =	stream.indirect_vreg.gather [hbm4b:s2+s21], $0x80, v24, vm0, $0xb8;
	[tilespmem:$0x10100] =	vst v63  }
0x23b: {  	s13 =	simm.s32 $0xE980;
	v39 =	vperm.xlane v22, v8;
	v38 =	vadd.s32 v4, v37  }
0x23c: {  	[tilespmem:s13], [sflag:$0x4] =	stream.indirect_vreg.gather [hbm4b:s2+s21], $0x80, v25, vm0, $0xb8;
	[tilespmem:$0x10100] =	vst v63  }
0x23d: {  	s22 =	simm.s32 $0xEA00;
	v41 =	vperm.xlane v22, v9;
	v40 =	vadd.s32 v4, v39  }
0x23e: {  	[tilespmem:s22], [sflag:$0x4] =	stream.indirect_vreg.gather [hbm4b:s2+s21], $0x80, v23, vm0, $0xb8;
	[tilespmem:$0x10100] =	vst v63  }
0x23f: {  	v42 =	vperm.xlane v22, v0;
	s7 =	simm.s32 $0xEA80;
	v23 =	vadd.s32 v4, v41  }
0x240: {  	[tilespmem:s7], [sflag:$0x4] =	stream.indirect_vreg.gather [hbm4b:s2+s21], $0x80, v38, vm0, $0xb8;
	[tilespmem:$0x10100] =	vst v63  }
0x241: {  	v44 =	vperm.xlane v22, v13;
	v43 =	vadd.s32 v4, v42;
	s8 =	simm.s32 $0xEB00  }
0x242: {  	[tilespmem:s8], [sflag:$0x4] =	stream.indirect_vreg.gather [hbm4b:s2+s21], $0x80, v40, vm0, $0xb8;
	[tilespmem:$0x10100] =	vst v63  }
0x243: {  	v46 =	vperm.xlane v22, v10;
	v45 =	vadd.s32 v4, v44;
	s13 =	simm.s32 $0xEB80  }
0x244: {  	[tilespmem:s13], [sflag:$0x4] =	stream.indirect_vreg.gather [hbm4b:s2+s21], $0x80, v23, vm0, $0xb8;
	[tilespmem:$0x10100] =	vst v63  }
0x245: {  	v47 =	vperm.xlane v22, v11;
	s22 =	simm.s32 $0xEC00;
	v23 =	vadd.s32 v4, v46  }
0x246: {  	[tilespmem:s22], [sflag:$0x4] =	stream.indirect_vreg.gather [hbm4b:s2+s21], $0x80, v43, vm0, $0xb8;
	[tilespmem:$0x10100] =	vst v63  }
0x247: {  	v49 =	vperm.xlane v22, v12;
	v48 =	vadd.s32 v4, v47;
	s7 =	simm.s32 $0xEC80  }
0x248: {  	[tilespmem:s7], [sflag:$0x4] =	stream.indirect_vreg.gather [hbm4b:s2+s21], $0x80, v45, vm0, $0xb8;
	[tilespmem:$0x10100] =	vst v63  }
0x249: {  	v51 =	vperm.xlane v22, v14;
	v50 =	vadd.s32 v4, v49;
	s8 =	simm.s32 $0xED00  }
0x24a: {  	[tilespmem:s8], [sflag:$0x4] =	stream.indirect_vreg.gather [hbm4b:s2+s21], $0x80, v23, vm0, $0xb8;
	[tilespmem:$0x10100] =	vst v63  }
0x24b: {  	v52 =	vperm.xlane v22, v15;
	s13 =	simm.s32 $0xED80;
	v23 =	vadd.s32 v4, v51  }
0x24c: {  	[tilespmem:s13], [sflag:$0x4] =	stream.indirect_vreg.gather [hbm4b:s2+s21], $0x80, v48, vm0, $0xb8;
	[tilespmem:$0x10100] =	vst v63  }
0x24d: {  	v54 =	vperm.xlane v22, v16;
	v53 =	vadd.s32 v4, v52;
	s22 =	simm.s32 $0xEE00  }
0x24e: {  	[tilespmem:s22], [sflag:$0x4] =	stream.indirect_vreg.gather [hbm4b:s2+s21], $0x80, v50, vm0, $0xb8;
	[tilespmem:$0x10100] =	vst v63  }
0x24f: {  	v22 =	vperm.xlane v22, v17;
	v55 =	vadd.s32 v4, v54;
	s7 =	simm.s32 $0xEE80  }
0x250: {  	[tilespmem:s7], [sflag:$0x4] =	stream.indirect_vreg.gather [hbm4b:s2+s21], $0x80, v23, vm0, $0xb8;
	[tilespmem:$0x10100] =	vst v63  }
0x251: {  	v22 =	vadd.s32 v4, v22;
	s8 =	simm.s32 $0xEF00  }
0x252: {  	[tilespmem:s8], [sflag:$0x4] =	stream.indirect_vreg.gather [hbm4b:s2+s21], $0x80, v53, vm0, $0xb8;
	[tilespmem:$0x10100] =	vst v63  }
0x253: {  	s13 =	simm.s32 $0xEF80  }
0x254: {  	[tilespmem:s13], [sflag:$0x4] =	stream.indirect_vreg.gather [hbm4b:s2+s21], $0x80, v55, vm0, $0xb8;
	[tilespmem:$0x10100] =	vst v63  }
0x255: {  	s22 =	simm.s32 $0xF000  }
0x256: {  	[tilespmem:s22], [sflag:$0x4] =	stream.indirect_vreg.gather [hbm4b:s2+s21], $0x80, v22, vm0, $0xb8;
	[tilespmem:$0x10100] =	vst v63  }
0x257: {  	v22 =	vld [tilespmem:$0x60];
	_ =	sdelay $0x4  }
0x258: {  	v23 =	vshll.u32 v22, $0x3  }
0x259: {  	v22 =	vand.u32 $0x7, v22;
	v23 =	vand.u32 $0xFFFFFFC0, v23  }
0x25a: {  	v22 =	vor.u32 v22, v23  }
0x25b: {  	v23 =	vperm.xlane v22, v2;
	_ =	sdelay $0x1  }
0x25c: {  	v56 =	vperm.xlane v22, v3;
	v23 =	vadd.s32 v4, v23;
	_ =	sdelay $0x1  }
0x25d: {  	v57 =	vperm.xlane v22, v5;
	v24 =	vadd.s32 v4, v56;
	_ =	sdelay $0x1  }
0x25e: {  	s7 =	simm.s32 $0xF080;
	v58 =	vperm.xlane v22, v1;
	v25 =	vadd.s32 v4, v57  }
0x25f: {  	[tilespmem:s7], [sflag:$0x4] =	stream.indirect_vreg.gather [hbm4b:s2+s21], $0x80, v23, vm0, $0xb8;
	[tilespmem:$0x10100] =	vst v63  }
0x260: {  	s8 =	simm.s32 $0xF100;
	v59 =	vperm.xlane v22, v7;
	v23 =	vadd.s32 v4, v58  }
0x261: {  	[tilespmem:s8], [sflag:$0x4] =	stream.indirect_vreg.gather [hbm4b:s2+s21], $0x80, v24, vm0, $0xb8;
	[tilespmem:$0x10100] =	vst v63  }
0x262: {  	s13 =	simm.s32 $0xF180;
	v61 =	vperm.xlane v22, v8;
	v60 =	vadd.s32 v4, v59  }
0x263: {  	[tilespmem:s13], [sflag:$0x4] =	stream.indirect_vreg.gather [hbm4b:s2+s21], $0x80, v25, vm0, $0xb8;
	[tilespmem:$0x10100] =	vst v63  }
0x264: {  	s22 =	simm.s32 $0xF200;
	v63 =	vperm.xlane v22, v9;
	v62 =	vadd.s32 v4, v61  }
0x265: {  	[tilespmem:s22], [sflag:$0x4] =	stream.indirect_vreg.gather [hbm4b:s2+s21], $0x80, v23, vm0, $0xb8;
	[tilespmem:$0x10100] =	vst v63  }
0x266: {  	v28 =	vperm.xlane v22, v0;
	s7 =	simm.s32 $0xF280;
	v23 =	vadd.s32 v4, v63  }
0x267: {  	[tilespmem:s7], [sflag:$0x4] =	stream.indirect_vreg.gather [hbm4b:s2+s21], $0x80, v60, vm0, $0xb8;
	[tilespmem:$0x10100] =	vst v63  }
0x268: {  	v30 =	vperm.xlane v22, v13;
	v29 =	vadd.s32 v4, v28;
	s8 =	simm.s32 $0xF300  }
0x269: {  	[tilespmem:s8], [sflag:$0x4] =	stream.indirect_vreg.gather [hbm4b:s2+s21], $0x80, v62, vm0, $0xb8;
	[tilespmem:$0x10100] =	vst v63  }
0x26a: {  	v32 =	vperm.xlane v22, v10;
	v31 =	vadd.s32 v4, v30;
	s13 =	simm.s32 $0xF380  }
0x26b: {  	[tilespmem:s13], [sflag:$0x4] =	stream.indirect_vreg.gather [hbm4b:s2+s21], $0x80, v23, vm0, $0xb8;
	[tilespmem:$0x10100] =	vst v63  }
0x26c: {  	v33 =	vperm.xlane v22, v11;
	s22 =	simm.s32 $0xF400;
	v23 =	vadd.s32 v4, v32  }
0x26d: {  	[tilespmem:s22], [sflag:$0x4] =	stream.indirect_vreg.gather [hbm4b:s2+s21], $0x80, v29, vm0, $0xb8;
	[tilespmem:$0x10100] =	vst v63  }
0x26e: {  	v35 =	vperm.xlane v22, v12;
	v34 =	vadd.s32 v4, v33;
	s7 =	simm.s32 $0xF480  }
0x26f: {  	[tilespmem:s7], [sflag:$0x4] =	stream.indirect_vreg.gather [hbm4b:s2+s21], $0x80, v31, vm0, $0xb8;
	[tilespmem:$0x10100] =	vst v63  }
0x270: {  	v37 =	vperm.xlane v22, v14;
	v36 =	vadd.s32 v4, v35  }
0x271: {  	[tilespmem:s15], [sflag:$0x4] =	stream.indirect_vreg.gather [hbm4b:s2+s21], $0x80, v23, vm0, $0xb8;
	[tilespmem:$0x10100] =	vst v63  }
0x272: {  	v38 =	vperm.xlane v22, v15;
	v23 =	vadd.s32 v4, v37  }
0x273: {  	[tilespmem:s16], [sflag:$0x4] =	stream.indirect_vreg.gather [hbm4b:s2+s21], $0x80, v34, vm0, $0xb8;
	[tilespmem:$0x10100] =	vst v63  }
0x274: {  	v40 =	vperm.xlane v22, v16;
	v39 =	vadd.s32 v4, v38  }
0x275: {  	[tilespmem:s19], [sflag:$0x4] =	stream.indirect_vreg.gather [hbm4b:s2+s21], $0x80, v36, vm0, $0xb8;
	[tilespmem:$0x10100] =	vst v63  }
0x276: {  	v22 =	vperm.xlane v22, v17;
	v41 =	vadd.s32 v4, v40  }
0x277: {  	[tilespmem:s25], [sflag:$0x4] =	stream.indirect_vreg.gather [hbm4b:s2+s21], $0x80, v23, vm0, $0xb8;
	[tilespmem:$0x10100] =	vst v63  }
0x278: {  	v22 =	vadd.s32 v4, v22  }
0x279: {  	[tilespmem:s18], [sflag:$0x4] =	stream.indirect_vreg.gather [hbm4b:s2+s21], $0x80, v39, vm0, $0xb8;
	[tilespmem:$0x10100] =	vst v63  }
0x27a: {  	_ = 	snop  }
0x27b: {  	[tilespmem:s26], [sflag:$0x4] =	stream.indirect_vreg.gather [hbm4b:s2+s21], $0x80, v41, vm0, $0xb8;
	[tilespmem:$0x10100] =	vst v63  }
0x27c: {  	_ = 	snop  }
0x27d: {  	[tilespmem:s28], [sflag:$0x4] =	stream.indirect_vreg.gather [hbm4b:s2+s21], $0x80, v22, vm0, $0xb8;
	[tilespmem:$0x10100] =	vst v63  }
0x27e: {  	v22 =	vld [tilespmem:$0x70];
	_ =	sdelay $0x4  }
0x27f: {  	v23 =	vshll.u32 v22, $0x3  }
0x280: {  	v22 =	vand.u32 $0x7, v22;
	v23 =	vand.u32 $0xFFFFFFC0, v23  }
0x281: {  	v22 =	vor.u32 v22, v23  }
0x282: {  	v23 =	vperm.xlane v22, v2;
	_ =	sdelay $0x1  }
0x283: {  	v42 =	vperm.xlane v22, v3;
	v23 =	vadd.s32 v4, v23;
	_ =	sdelay $0x1  }
0x284: {  	v43 =	vperm.xlane v22, v5;
	v24 =	vadd.s32 v4, v42;
	_ =	sdelay $0x1  }
0x285: {  	v44 =	vperm.xlane v22, v1;
	v25 =	vadd.s32 v4, v43  }
0x286: {  	[tilespmem:s29], [sflag:$0x4] =	stream.indirect_vreg.gather [hbm4b:s2+s21], $0x80, v23, vm0, $0xb8;
	[tilespmem:$0x10100] =	vst v63  }
0x287: {  	v45 =	vperm.xlane v22, v7;
	v23 =	vadd.s32 v4, v44  }
0x288: {  	[tilespmem:s30], [sflag:$0x4] =	stream.indirect_vreg.gather [hbm4b:s2+s21], $0x80, v24, vm0, $0xb8;
	[tilespmem:$0x10100] =	vst v63  }
0x289: {  	s8 =	simm.s32 $0xF980;
	v47 =	vperm.xlane v22, v8;
	v46 =	vadd.s32 v4, v45  }
0x28a: {  	[tilespmem:s8], [sflag:$0x4] =	stream.indirect_vreg.gather [hbm4b:s2+s21], $0x80, v25, vm0, $0xb8;
	[tilespmem:$0x10100] =	vst v63  }
0x28b: {  	s13 =	simm.s32 $0xFA00;
	v49 =	vperm.xlane v22, v9;
	v48 =	vadd.s32 v4, v47  }
0x28c: {  	[tilespmem:s13], [sflag:$0x4] =	stream.indirect_vreg.gather [hbm4b:s2+s21], $0x80, v23, vm0, $0xb8;
	[tilespmem:$0x10100] =	vst v63  }
0x28d: {  	v50 =	vperm.xlane v22, v0;
	v23 =	vadd.s32 v4, v49  }
0x28e: {  	[tilespmem:s24], [sflag:$0x4] =	stream.indirect_vreg.gather [hbm4b:s2+s21], $0x80, v46, vm0, $0xb8;
	[tilespmem:$0x10100] =	vst v63  }
0x28f: {  	v52 =	vperm.xlane v22, v13;
	v51 =	vadd.s32 v4, v50  }
0x290: {  	[tilespmem:s17], [sflag:$0x4] =	stream.indirect_vreg.gather [hbm4b:s2+s21], $0x80, v48, vm0, $0xb8;
	[tilespmem:$0x10100] =	vst v63  }
0x291: {  	v54 =	vperm.xlane v22, v10;
	v53 =	vadd.s32 v4, v52  }
0x292: {  	[tilespmem:s9], [sflag:$0x4] =	stream.indirect_vreg.gather [hbm4b:s2+s21], $0x80, v23, vm0, $0xb8;
	[tilespmem:$0x10100] =	vst v63  }
0x293: {  	s22 =	simm.s32 $0xFC00;
	v55 =	vperm.xlane v22, v11;
	v23 =	vadd.s32 v4, v54  }
0x294: {  	[tilespmem:s22], [sflag:$0x4] =	stream.indirect_vreg.gather [hbm4b:s2+s21], $0x80, v51, vm0, $0xb8;
	[tilespmem:$0x10100] =	vst v63  }
0x295: {  	s7 =	simm.s32 $0xFC80;
	v57 =	vperm.xlane v22, v12;
	v56 =	vadd.s32 v4, v55  }
0x296: {  	[tilespmem:s7], [sflag:$0x4] =	stream.indirect_vreg.gather [hbm4b:s2+s21], $0x80, v53, vm0, $0xb8;
	[tilespmem:$0x10100] =	vst v63  }
0x297: {  	v59 =	vperm.xlane v22, v14;
	v58 =	vadd.s32 v4, v57;
	s8 =	simm.s32 $0xFD00  }
0x298: {  	[tilespmem:s8], [sflag:$0x4] =	stream.indirect_vreg.gather [hbm4b:s2+s21], $0x80, v23, vm0, $0xb8;
	[tilespmem:$0x10100] =	vst v63  }
0x299: {  	v60 =	vperm.xlane v22, v15;
	s13 =	simm.s32 $0xFD80;
	v23 =	vadd.s32 v4, v59  }
0x29a: {  	[tilespmem:s13], [sflag:$0x4] =	stream.indirect_vreg.gather [hbm4b:s2+s21], $0x80, v56, vm0, $0xb8;
	[tilespmem:$0x10100] =	vst v63  }
0x29b: {  	v62 =	vperm.xlane v22, v16;
	v61 =	vadd.s32 v4, v60;
	s22 =	simm.s32 $0xFE00  }
0x29c: {  	[tilespmem:s22], [sflag:$0x4] =	stream.indirect_vreg.gather [hbm4b:s2+s21], $0x80, v58, vm0, $0xb8;
	[tilespmem:$0x10100] =	vst v63  }
0x29d: {  	v22 =	vperm.xlane v22, v17;
	v63 =	vadd.s32 v4, v62;
	s7 =	simm.s32 $0xFE80  }
0x29e: {  	[tilespmem:s7], [sflag:$0x4] =	stream.indirect_vreg.gather [hbm4b:s2+s21], $0x80, v23, vm0, $0xb8;
	[tilespmem:$0x10100] =	vst v63  }
0x29f: {  	v22 =	vadd.s32 v4, v22;
	s8 =	simm.s32 $0xFF00  }
0x2a0: {  	[tilespmem:s8], [sflag:$0x4] =	stream.indirect_vreg.gather [hbm4b:s2+s21], $0x80, v61, vm0, $0xb8;
	[tilespmem:$0x10100] =	vst v63  }
0x2a1: {  	s13 =	simm.s32 $0xFF80  }
0x2a2: {  	[tilespmem:s13], [sflag:$0x4] =	stream.indirect_vreg.gather [hbm4b:s2+s21], $0x80, v63, vm0, $0xb8;
	[tilespmem:$0x10100] =	vst v63  }
0x2a3: {  	s22 =	simm.s32 $0x10000  }
0x2a4: {  	[tilespmem:s22], [sflag:$0x4] =	stream.indirect_vreg.gather [hbm4b:s2+s21], $0x80, v22, vm0, $0xb8;
	[tilespmem:$0x10100] =	vst v63  }
0x2a5: {  	_ =	swait.ge [sflag:s14], $0x4000  }
0x2a6: {  	[sflag:s14] =	ssyncset.done $0x0  }
0x2a7: {  	[sflag:s14] =	ssyncadd.s32 $0xFFFFC000  }
0x2a8: {  	_ =	swait.ge [sflag:s23], $0x4000  }
0x2a9: {  	[sflag:s23] =	ssyncset.done $0x0  }
0x2aa: {  	s5 =	simm.s32 $0x480;
	s2 =	simm.s32 $0x8080;
	[sflag:s23] =	ssyncadd.s32 $0xFFFFC000  }
.LBB2_3:
0x2ab: {  	v22 =	vmov s2;
	_ =	sdelay $0x3  }
0x2ac: {  	s7 =	simm.s32 $0x380  }
0x2ad: {  	v23 =	vld.idx.msk [tilespmem:v22+s7+$0xFFFFFC80 ss:$0x1], $0xffff  }
0x2ae: {  	v24 =	vld.idx.msk [tilespmem:v22+s7+$0xFFFFFD00 ss:$0x1], $0xffff  }
0x2af: {  	v25 =	vld.idx.msk [tilespmem:v22+s7+$0xFFFFFD80 ss:$0x1], $0xffff  }
0x2b0: {  	v26 =	vld.idx.msk [tilespmem:v22+s7+$0xFFFFFE80 ss:$0x1], $0xffff  }
0x2b1: {  	v27 =	vld.idx.msk [tilespmem:v22+s7+$0x80 ss:$0x1], $0xffff  }
0x2b2: {  	v28 =	vld.idx.msk [tilespmem:v22+s7+$0xFFFFFE00 ss:$0x1], $0xffff  }
0x2b3: {  	v29 =	vld.idx.msk [tilespmem:v22+s7+$0xFFFFFF00 ss:$0x1], $0xffff  }
0x2b4: {  	v30 =	vld.idx.msk [tilespmem:v22+s7+$0xFFFFFF80 ss:$0x1], $0xffff  }
0x2b5: {  	v31 =	vld.idx.msk [tilespmem:v22+s7+$0x100 ss:$0x1], $0xffff  }
0x2b6: {  	v32 =	vld.idx.msk [tilespmem:v22+s7+$0x180 ss:$0x1], $0xffff  }
0x2b7: {  	v33 =	vld.idx.msk [tilespmem:v22+s7+$0x280 ss:$0x1], $0xffff  }
0x2b8: {  	v34 =	vld.idx.msk [tilespmem:v22+s7+$0x0 ss:$0x1], $0xffff  }
0x2b9: {  	v35 =	vld.idx.msk [tilespmem:v22+s7+$0x200 ss:$0x1], $0xffff  }
0x2ba: {  	v38 =	vld.idx.msk [tilespmem:v22+s7+$0x300 ss:$0x1], $0xffff;
	v36 =	vperm.xlane v23, v18;
	v37 =	vperm.xlane v24, v18  }
0x2bb: {  	v41 =	vld.idx.msk [tilespmem:v22+s7+$0x380 ss:$0x1], $0xffff;
	v39 =	vperm.xlane v25, v18;
	v40 =	vperm.xlane v26, v18  }
0x2bc: {  	v44 =	vld.idx.msk [tilespmem:v22+s7+$0x400 ss:$0x1], $0xffff;
	v42 =	vperm.xlane v27, v18;
	v43 =	vperm.xlane v28, v18  }
0x2bd: {  	v45 =	vperm.xlane v29, v18;
	v46 =	vperm.xlane v30, v18  }
0x2be: {  	v47 =	vperm.xlane v31, v18;
	v48 =	vperm.xlane v32, v18  }
0x2bf: {  	v49 =	vperm.xlane v33, v18;
	v50 =	vperm.xlane v34, v18  }
0x2c0: {  	v51 =	vperm.xlane v35, v18;
	v52 =	vperm.xlane v38, v18  }
0x2c1: {  	v53 =	vperm.xlane v41, v18;
	v60 =	vperm.xlane v44, v18  }
0x2c2: {  	v24 =	vsel vm1, v36, v24;
	v23 =	vsel vm1, v23, v37;
	v28 =	vsel vm1, v39, v28  }
0x2c3: {  	v29 =	vsel vm1, v40, v29;
	v31 =	vsel vm1, v42, v31;
	v25 =	vsel vm1, v25, v43  }
0x2c4: {  	v26 =	vsel vm1, v26, v45;
	v34 =	vsel vm1, v46, v34;
	v27 =	vsel vm1, v27, v47  }
0x2c5: {  	v35 =	vsel vm1, v48, v35;
	v61 =	vperm.xlane v24, v19;
	v62 =	vperm.xlane v23, v19  }
0x2c6: {  	v38 =	vsel vm1, v49, v38;
	v40 =	vperm.xlane v29, v19;
	v63 =	vperm.xlane v28, v19  }
0x2c7: {  	v30 =	vsel vm1, v30, v50;
	v0 =	vperm.xlane v31, v19;
	v45 =	vperm.xlane v26, v19  }
0x2c8: {  	v32 =	vsel vm1, v32, v51;
	v1 =	vperm.xlane v27, v19;
	v2 =	vperm.xlane v25, v19  }
0x2c9: {  	v33 =	vsel vm1, v33, v52;
	v56 =	vperm.xlane v38, v19;
	v57 =	vperm.xlane v34, v19  }
0x2ca: {  	v44 =	vsel vm1, v53, v44;
	v58 =	vperm.xlane v35, v19;
	v59 =	vperm.xlane v30, v19  }
0x2cb: {  	v36 =	vsel vm1, v41, v60;
	v52 =	vperm.xlane v33, v19;
	v60 =	vperm.xlane v32, v19  }
0x2cc: {  	v53 =	vperm.xlane v44, v19;
	v25 =	vsel vm2, v62, v25;
	v28 =	vsel vm2, v61, v28  }
0x2cd: {  	v61 =	vperm.xlane v36, v19;
	v24 =	vsel vm2, v24, v63;
	v34 =	vsel vm2, v40, v34  }
0x2ce: {  	v35 =	vsel vm2, v0, v35;
	v30 =	vsel vm2, v45, v30;
	v32 =	vsel vm2, v1, v32  }
0x2cf: {  	v39 =	vsel vm2, v56, v44;
	v62 =	vsel vm2, v23, v2;
	v29 =	vsel vm2, v29, v57  }
0x2d0: {  	v31 =	vsel vm2, v31, v58;
	v42 =	vperm.xlane v28, v20;
	v43 =	vperm.xlane v25, v20  }
0x2d1: {  	v26 =	vsel vm2, v26, v59;
	v44 =	vperm.xlane v35, v20;
	v45 =	vperm.xlane v24, v20  }
0x2d2: {  	v27 =	vsel vm2, v27, v60;
	v46 =	vperm.xlane v32, v20;
	v37 =	vperm.xlane v62, v20  }
0x2d3: {  	s13 =	sshll.u32 s21, $0x4;
	v48 =	vperm.xlane v31, v20;
	v41 =	vperm.xlane v34, v20;
	v33 =	vsel vm2, v33, v61  }
0x2d4: {  	v47 =	vld [tilespmem:s13+$0x10080];
	v38 =	vsel vm2, v38, v53;
	v50 =	vperm.xlane v30, v20;
	v63 =	vperm.xlane v33, v20  }
0x2d5: {  	s22 =	simm.s32 $0x390;
	v53 =	vld [tilespmem:s5+$0xFFFFFC00];
	v36 =	vsel vm2, v52, v36;
	v51 =	vperm.xlane v27, v20;
	v55 =	vperm.xlane v26, v20  }
0x2d6: {  	v49 =	vld.idx.msk [tilespmem:v22+s22+$0xFFFFFF00 ss:$0x1], $0xffff;
	v0 =	vperm.xlane v38, v20;
	v1 =	vperm.xlane v29, v20;
	v27 =	vsel vm3, v27, v63  }
0x2d7: {  	v57 =	vld [tilespmem:s5+$0xFFFFFC80];
	v2 =	vperm.xlane v36, v20;
	v40 =	vsel vm3, v62, v55;
	v56 =	vperm.xlane v27, v21  }
0x2d8: {  	v58 =	vld [tilespmem:s5+$0x200];
	v31 =	vsel vm3, v31, v0;
	v55 =	vperm.xlane v39, v20;
	v24 =	vsel vm3, v24, v1  }
0x2d9: {  	v60 =	vld [tilespmem:s5+$0xFFFFFD00];
	v32 =	vsel vm3, v32, v2;
	v59 =	vperm.xlane v31, v21;
	v56 =	vsel vm4, v40, v56  }
0x2da: {  	v61 =	vld [tilespmem:s5+$0x180];
	v25 =	vsel vm3, v25, v50;
	v28 =	vsel vm3, v28, v41;
	v0 =	vmul.f32 v53, v56  }
0x2db: {  	v33 =	vsel vm3, v51, v33;
	v2 =	vperm.xlane v32, v21;
	v1 =	vsel vm4, v24, v59;
	v53 =	vld [tilespmem:s5+$0xFFFFFD80]  }
0x2dc: {  	v51 =	vld [tilespmem:s5+$0x0];
	v35 =	vsel vm3, v35, v55;
	v59 =	vmul.f32 v57, v1;
	v47 =	vadd.f32 v0, v47  }
0x2dd: {  	v37 =	vsel vm3, v37, v26;
	v62 =	vsel vm4, v25, v2;
	v63 =	vperm.xlane v35, v21;
	v0 =	vld [tilespmem:s5+$0xFFFFFE00]  }
0x2de: {  	v38 =	vsel vm3, v48, v38;
	v50 =	vld.idx.msk [tilespmem:v22+s22+$0xFFFFFD80 ss:$0x1], $0xffff;
	v41 =	vmul.f32 v60, v62;
	v47 =	vadd.f32 v59, v47  }
0x2df: {  	v29 =	vsel vm3, v45, v29;
	v2 =	vld [tilespmem:s5+$0xFFFFFE80];
	v1 =	vperm.xlane v33, v21;
	v26 =	vsel vm4, v28, v63  }
0x2e0: {  	v46 =	vsel vm3, v46, v36;
	v45 =	vld.idx.msk [tilespmem:v22+s22+$0xFFFFFE80 ss:$0x1], $0xffff;
	v26 =	vmul.f32 v53, v26;
	v41 =	vadd.f32 v41, v47  }
0x2e1: {  	v43 =	vsel vm3, v43, v30;
	v57 =	vperm.xlane v38, v21;
	v59 =	vld [tilespmem:s5+$0xFFFFFF00];
	v53 =	vsel vm4, v37, v1  }
0x2e2: {  	v44 =	vsel vm3, v44, v39;
	v48 =	vld.idx.msk [tilespmem:v22+s22+$0x80 ss:$0x1], $0xffff;
	v62 =	vmul.f32 v0, v53;
	v26 =	vadd.f32 v26, v41  }
0x2e3: {  	v34 =	vsel vm3, v42, v34;
	v60 =	vld [tilespmem:s5+$0xFFFFFF80];
	v63 =	vperm.xlane v46, v21;
	v30 =	vsel vm4, v29, v57  }
0x2e4: {  	v42 =	vld.idx.msk [tilespmem:v22+s22+$0xFFFFFE00 ss:$0x1], $0xffff;
	v39 =	vperm.xlane v44, v21;
	v30 =	vmul.f32 v2, v30;
	v26 =	vadd.f32 v62, v26  }
0x2e5: {  	v55 =	vld [tilespmem:s5+$0x80];
	v25 =	vperm.xlane v25, v21;
	v0 =	vsel vm4, v43, v63  }
0x2e6: {  	v39 =	vsel vm4, v34, v39;
	v56 =	vld [tilespmem:s5+$0x100];
	v26 =	vadd.f32 v30, v26;
	v30 =	vmul.f32 v59, v0  }
0x2e7: {  	v25 =	vsel vm4, v25, v32;
	v2 =	vperm.xlane v24, v21;
	v24 =	vld.idx.msk [tilespmem:v22+s22+$0xFFFFFF80 ss:$0x1], $0xffff;
	v1 =	vperm.xlane v40, v21  }
0x2e8: {  	v28 =	vperm.xlane v28, v21;
	v47 =	vld.idx.msk [tilespmem:v22+s22+$0xFFFFFD00 ss:$0x1], $0xffff;
	v26 =	vadd.f32 v30, v26;
	v30 =	vmul.f32 v60, v39  }
0x2e9: {  	v32 =	vperm.xlane v49, v18;
	v57 =	vperm.xlane v45, v18;
	v27 =	vsel vm4, v1, v27;
	v63 =	vld.idx.msk [tilespmem:v22+s22+$0x300 ss:$0x1], $0xffff  }
0x2ea: {  	v28 =	vsel vm4, v28, v35;
	v41 =	vld.idx.msk [tilespmem:v22+s22+$0xFFFFFC80 ss:$0x1], $0xffff;
	v27 =	vmul.f32 v51, v27;
	v30 =	vadd.f32 v30, v26  }
0x2eb: {  	v29 =	vperm.xlane v29, v21;
	v28 =	vmul.f32 v61, v28;
	v31 =	vsel vm4, v2, v31;
	v51 =	vld.idx.msk [tilespmem:v22+s22+$0x100 ss:$0x1], $0xffff  }
0x2ec: {  	v31 =	vmul.f32 v55, v31;
	v55 =	vperm.xlane v42, v18;
	v60 =	vld.idx.msk [tilespmem:v22+s22+$0x0 ss:$0x1], $0xffff;
	v30 =	vadd.f32 v27, v30  }
0x2ed: {  	v32 =	vsel vm1, v45, v32;
	v25 =	vmul.f32 v56, v25;
	v56 =	vld.idx.msk [tilespmem:v22+s22+$0x200 ss:$0x1], $0xffff;
	v53 =	vperm.xlane v50, v18  }
0x2ee: {  	v62 =	vperm.xlane v24, v18;
	v52 =	vperm.xlane v47, v18;
	v26 =	vld.idx.msk [tilespmem:v22+s22+$0x180 ss:$0x1], $0xffff;
	v30 =	vadd.f32 v31, v30  }
0x2ef: {  	v29 =	vsel vm4, v29, v38;
	v59 =	vperm.xlane v48, v18;
	v27 =	vld.idx.msk [tilespmem:v22+s22+$0x280 ss:$0x1], $0xffff;
	v31 =	vperm.xlane v37, v21  }
0x2f0: {  	v54 =	vld [tilespmem:s5+$0x280];
	v38 =	vperm.xlane v63, v18;
	v40 =	vperm.xlane v41, v18;
	v25 =	vadd.f32 v25, v30  }
0x2f1: {  	v23 =	vld [tilespmem:s5+$0x300];
	v0 =	vperm.xlane v51, v18;
	v36 =	vperm.xlane v60, v18;
	v33 =	vsel vm4, v31, v33  }
0x2f2: {  	v37 =	vperm.xlane v56, v18;
	v30 =	vld.idx.msk [tilespmem:v22+s22+$0x380 ss:$0x1], $0xffff;
	v25 =	vadd.f32 v28, v25;
	v28 =	vmul.f32 v58, v33  }
0x2f3: {  	v35 =	vsel vm1, v57, v49;
	v61 =	vperm.xlane v26, v18;
	v31 =	vld.idx.msk [tilespmem:v22+s22+$0x400 ss:$0x1], $0xffff;
	v58 =	vperm.xlane v43, v21  }
0x2f4: {  	v1 =	vperm.xlane v27, v18;
	v33 =	vsel vm1, v59, v51;
	v25 =	vadd.f32 v28, v25  }
0x2f5: {  	v2 =	vld [tilespmem:s5+$0x380];
	v28 =	vmul.f32 v54, v29;
	v29 =	vsel vm4, v58, v46;
	v58 =	vperm.xlane v34, v21  }
0x2f6: {  	v34 =	vsel vm1, v40, v47;
	v46 =	vperm.xlane v35, v19;
	v47 =	vperm.xlane v33, v19  }
0x2f7: {  	v43 =	vsel vm1, v50, v55;
	v39 =	vperm.xlane v30, v18;
	v23 =	vmul.f32 v23, v29  }
0x2f8: {  	v40 =	vperm.xlane v31, v18;
	v45 =	vperm.xlane v34, v19;
	v28 =	vadd.f32 v28, v25  }
0x2f9: {  	v29 =	vsel vm4, v58, v44;
	v25 =	vsel vm1, v41, v52;
	v41 =	vsel vm1, v53, v42  }
0x2fa: {  	v42 =	vsel vm1, v62, v60;
	v23 =	vadd.f32 v23, v28;
	v28 =	vmul.f32 v2, v29  }
0x2fb: {  	v44 =	vsel vm1, v61, v56;
	v49 =	vperm.xlane v41, v19;
	v29 =	vsel vm1, v1, v63  }
0x2fc: {  	s7 =	simm.s32 $0xE80;
	s22 =	smov.u32 s5;
	v23 =	vadd.f32 v28, v23;
	v28 =	vsel vm1, v48, v0;
	v48 =	vperm.xlane v25, v19  }
.LBB2_4:
0x2fd: {  	p0 =	sne.s32 s7, $0xFC0;
	v0 =	vsel vm1, v24, v36;
	v1 =	vperm.xlane v32, v19;
	v24 =	vperm.xlane v28, v19  }
0x2fe: {  	v26 =	vsel vm1, v26, v37;
	v36 =	vperm.xlane v43, v19;
	v37 =	vperm.xlane v29, v19  }
0x2ff: {  	v27 =	vsel vm1, v27, v38;
	v38 =	vperm.xlane v42, v19;
	v50 =	vperm.xlane v44, v19  }
0x300: {  	v31 =	vsel vm1, v39, v31;
	v39 =	vperm.xlane v0, v19;
	v51 =	vperm.xlane v27, v19  }
0x301: {  	v30 =	vsel vm1, v30, v40;
	v40 =	vperm.xlane v26, v19;
	v52 =	vperm.xlane v31, v19  }
0x302: {  	v43 =	vsel vm2, v48, v43;
	v41 =	vsel vm2, v45, v41;
	v45 =	vperm.xlane v30, v19  }
0x303: {  	v42 =	vsel vm2, v46, v42;
	v34 =	vsel vm2, v34, v49;
	v44 =	vsel vm2, v47, v44  }
0x304: {  	v0 =	vsel vm2, v1, v0;
	v1 =	vsel vm2, v24, v26;
	v24 =	vsel vm2, v37, v31  }
0x305: {  	v26 =	vsel vm2, v25, v36;
	v31 =	vsel vm2, v35, v38;
	v35 =	vperm.xlane v41, v20  }
0x306: {  	v33 =	vsel vm2, v33, v50;
	v36 =	vperm.xlane v43, v20;
	v37 =	vperm.xlane v44, v20  }
0x307: {  	s22 =	sadd.s32 $0x800, s22;
	v38 =	vperm.xlane v34, v20;
	v32 =	vsel vm2, v32, v39;
	v39 =	vperm.xlane v1, v20  }
0x308: {  	v27 =	vsel vm2, v27, v45;
	v45 =	vperm.xlane v26, v20;
	v46 =	vperm.xlane v33, v20;
	v25 =	vld [tilespmem:s22+$0x300]  }
0x309: {  	v47 =	vperm.xlane v42, v20;
	v40 =	vsel vm2, v28, v40;
	v48 =	vperm.xlane v27, v20;
	v28 =	vld [tilespmem:s22+$0x280]  }
0x30a: {  	v49 =	vsel vm2, v29, v52;
	v50 =	vperm.xlane v0, v20;
	v52 =	vperm.xlane v40, v20;
	v53 =	vld [tilespmem:s22+$0xFFFFFC00]  }
0x30b: {  	v54 =	vperm.xlane v32, v20;
	v40 =	vsel vm3, v40, v48;
	v48 =	vperm.xlane v49, v20;
	v29 =	vld [tilespmem:s22+$0x200]  }
0x30c: {  	v30 =	vsel vm2, v51, v30;
	v51 =	vperm.xlane v31, v20;
	v55 =	vperm.xlane v40, v21;
	v56 =	vld [tilespmem:s22+$0xFFFFFC80]  }
0x30d: {  	v26 =	vsel vm3, v26, v54;
	v33 =	vsel vm3, v33, v48;
	v48 =	vperm.xlane v30, v20;
	v54 =	vld [tilespmem:s22+$0x180]  }
0x30e: {  	v57 =	vperm.xlane v24, v20;
	v55 =	vsel vm4, v26, v55;
	v58 =	vperm.xlane v33, v21;
	v59 =	vld [tilespmem:s22+$0xFFFFFD00]  }
0x30f: {  	v34 =	vsel vm3, v34, v51;
	v1 =	vsel vm3, v1, v48;
	v48 =	vmul.f32 v53, v55;
	v51 =	vld [tilespmem:s22+$0x100]  }
0x310: {  	v43 =	vsel vm3, v43, v50;
	v50 =	vsel vm4, v34, v58;
	v53 =	vperm.xlane v1, v21;
	v55 =	vld [tilespmem:s22+$0xFFFFFD80]  }
0x311: {  	v44 =	vsel vm3, v44, v57;
	v23 =	vadd.f32 v48, v23;
	v48 =	vmul.f32 v56, v50;
	v50 =	vld [tilespmem:s22+$0x80]  }
0x312: {  	v41 =	vsel vm3, v41, v47;
	v47 =	vsel vm4, v43, v53;
	v53 =	vperm.xlane v44, v21;
	v56 =	vld [tilespmem:s22+$0xFFFFFE00]  }
0x313: {  	v52 =	vsel vm3, v52, v27;
	v23 =	vadd.f32 v48, v23;
	v27 =	vmul.f32 v59, v47;
	v47 =	vld [tilespmem:s22+$0x0]  }
0x314: {  	v32 =	vsel vm3, v45, v32;
	v45 =	vsel vm4, v41, v53;
	v48 =	vperm.xlane v52, v21;
	v53 =	vld [tilespmem:s22+$0xFFFFFE80]  }
0x315: {  	v46 =	vsel vm3, v46, v49;
	v23 =	vadd.f32 v27, v23;
	v27 =	vmul.f32 v55, v45;
	v45 =	vld [tilespmem:s22+$0xFFFFFF80]  }
0x316: {  	s8 =	sshra.s32 s7, $0x2;
	v38 =	vsel vm3, v38, v31;
	v31 =	vsel vm4, v32, v48;
	v48 =	vperm.xlane v46, v21;
	v49 =	vld [tilespmem:s22+$0xFFFFFF00]  }
0x317: {  	v39 =	vsel vm3, v39, v30;
	v55 =	vld.idx.msk [tilespmem:v22+s8+$0xFFFFFC80 ss:$0x1], $0xffff;
	v23 =	vadd.f32 v27, v23;
	v27 =	vmul.f32 v56, v31  }
0x318: {  	v0 =	vsel vm3, v36, v0;
	v30 =	vsel vm4, v38, v48;
	v31 =	vperm.xlane v39, v21;
	v56 =	vld.idx.msk [tilespmem:v22+s8+$0xFFFFFD00 ss:$0x1], $0xffff  }
0x319: {  	v57 =	vsel vm3, v37, v24;
	v48 =	vld.idx.msk [tilespmem:v22+s8+$0xFFFFFD80 ss:$0x1], $0xffff;
	v23 =	vadd.f32 v27, v23;
	v24 =	vmul.f32 v53, v30  }
0x31a: {  	v27 =	vsel vm4, v0, v31;
	v30 =	vperm.xlane v57, v21;
	v53 =	vld.idx.msk [tilespmem:v22+s8+$0xFFFFFE80 ss:$0x1], $0xffff  }
0x31b: {  	v35 =	vsel vm3, v35, v42;
	v58 =	vld.idx.msk [tilespmem:v22+s8+$0x80 ss:$0x1], $0xffff;
	v23 =	vadd.f32 v24, v23;
	v24 =	vmul.f32 v49, v27  }
0x31c: {  	v26 =	vperm.xlane v26, v21;
	v27 =	vsel vm4, v35, v30;
	v42 =	vld.idx.msk [tilespmem:v22+s8+$0xFFFFFE00 ss:$0x1], $0xffff  }
0x31d: {  	v59 =	vperm.xlane v55, v18;
	v27 =	vmul.f32 v45, v27;
	v49 =	vld.idx.msk [tilespmem:v22+s8+$0xFFFFFF00 ss:$0x1], $0xffff;
	v23 =	vadd.f32 v24, v23  }
0x31e: {  	v26 =	vsel vm4, v26, v40;
	v30 =	vperm.xlane v34, v21;
	v45 =	vperm.xlane v56, v18;
	v24 =	vld.idx.msk [tilespmem:v22+s8+$0xFFFFFF80 ss:$0x1], $0xffff  }
0x31f: {  	v31 =	vmul.f32 v47, v26;
	v61 =	vperm.xlane v48, v18;
	v60 =	vld.idx.msk [tilespmem:v22+s8+$0x100 ss:$0x1], $0xffff;
	v23 =	vadd.f32 v27, v23  }
0x320: {  	v30 =	vsel vm4, v30, v33;
	v33 =	vperm.xlane v43, v21;
	v47 =	vperm.xlane v53, v18;
	v26 =	vld.idx.msk [tilespmem:v22+s8+$0x180 ss:$0x1], $0xffff  }
0x321: {  	v30 =	vmul.f32 v50, v30;
	v43 =	vperm.xlane v58, v18;
	v27 =	vld.idx.msk [tilespmem:v22+s8+$0x280 ss:$0x1], $0xffff;
	v23 =	vadd.f32 v31, v23  }
0x322: {  	v1 =	vsel vm4, v33, v1;
	v62 =	vperm.xlane v42, v18;
	v31 =	vperm.xlane v41, v21;
	v50 =	vld.idx.msk [tilespmem:v22+s8+$0x0 ss:$0x1], $0xffff  }
0x323: {  	v1 =	vmul.f32 v51, v1;
	v2 =	vperm.xlane v49, v18;
	v63 =	vld.idx.msk [tilespmem:v22+s8+$0x200 ss:$0x1], $0xffff;
	v23 =	vadd.f32 v30, v23  }
0x324: {  	v32 =	vperm.xlane v32, v21;
	v3 =	vperm.xlane v24, v18;
	v31 =	vsel vm4, v31, v44;
	v51 =	vld.idx.msk [tilespmem:v22+s8+$0x300 ss:$0x1], $0xffff  }
0x325: {  	v44 =	vperm.xlane v60, v18;
	v30 =	vld.idx.msk [tilespmem:v22+s8+$0x380 ss:$0x1], $0xffff;
	v1 =	vadd.f32 v1, v23;
	v23 =	vmul.f32 v54, v31  }
0x326: {  	v32 =	vsel vm4, v32, v52;
	v33 =	vperm.xlane v38, v21;
	v54 =	vperm.xlane v26, v18;
	v31 =	vld.idx.msk [tilespmem:v22+s8+$0x400 ss:$0x1], $0xffff  }
0x327: {  	v52 =	vperm.xlane v27, v18;
	v1 =	vadd.f32 v23, v1;
	v23 =	vmul.f32 v29, v32  }
0x328: {  	v0 =	vperm.xlane v0, v21;
	v36 =	vperm.xlane v50, v18;
	v29 =	vsel vm4, v33, v46;
	v32 =	vld [tilespmem:s22+$0x380]  }
0x329: {  	v37 =	vperm.xlane v63, v18;
	v1 =	vadd.f32 v23, v1;
	v23 =	vmul.f32 v28, v29  }
0x32a: {  	v0 =	vsel vm4, v0, v39;
	v38 =	vperm.xlane v51, v18;
	v28 =	vperm.xlane v35, v21  }
0x32b: {  	v0 =	vmul.f32 v25, v0;
	v39 =	vperm.xlane v30, v18;
	v1 =	vadd.f32 v23, v1  }
0x32c: {  	v34 =	vsel vm1, v59, v56;
	v40 =	vperm.xlane v31, v18;
	v23 =	vsel vm4, v28, v57  }
0x32d: {  	v25 =	vsel vm1, v55, v45;
	v0 =	vadd.f32 v0, v1;
	v1 =	vmul.f32 v32, v23  }
.Ltmp0:
0x32e: {  	v41 =	vsel vm1, v61, v42;
	v33 =	vsel vm1, v43, v60;
	v35 =	vsel vm1, v47, v49;
	(pc) =	sbr.rel @p0 .LBB2_4-.Ltmp0, $4  }
0x32f: {  	v43 =	vsel vm1, v48, v62;
	v32 =	vsel vm1, v53, v2;
	v23 =	vadd.f32 v1, v0  }
0x330: {  	v45 =	vperm.xlane v34, v19;
	v42 =	vsel vm1, v3, v50;
	v28 =	vsel vm1, v58, v44  }
0x331: {  	v48 =	vperm.xlane v25, v19;
	v46 =	vperm.xlane v35, v19;
	v44 =	vsel vm1, v54, v63  }
0x332: {  	s7 =	sadd.s32 $0x40, s7;
	v29 =	vsel vm1, v52, v51;
	v49 =	vperm.xlane v41, v19;
	v47 =	vperm.xlane v33, v19  }
0x333: {  	v0 =	vsel vm1, v24, v36;
	v1 =	vperm.xlane v32, v19;
	v2 =	vperm.xlane v28, v19  }
0x334: {  	v3 =	vsel vm1, v26, v37;
	v22 =	vperm.xlane v43, v19;
	v60 =	vperm.xlane v29, v19  }
0x335: {  	v61 =	vsel vm1, v27, v38;
	v62 =	vperm.xlane v42, v19;
	v63 =	vperm.xlane v44, v19  }
0x336: {  	v31 =	vsel vm1, v39, v31;
	v30 =	vsel vm1, v30, v40;
	v43 =	vsel vm2, v48, v43  }
0x337: {  	v41 =	vsel vm2, v45, v41;
	v50 =	vperm.xlane v0, v19;
	v38 =	vperm.xlane v61, v19  }
0x338: {  	v42 =	vsel vm2, v46, v42;
	v51 =	vperm.xlane v3, v19;
	v52 =	vperm.xlane v31, v19  }
0x339: {  	v53 =	vperm.xlane v30, v19;
	v34 =	vsel vm2, v34, v49;
	v24 =	vperm.xlane v41, v20  }
0x33a: {  	v44 =	vsel vm2, v47, v44;
	v27 =	vperm.xlane v43, v20;
	v39 =	vperm.xlane v42, v20  }
0x33b: {  	v0 =	vsel vm2, v1, v0;
	v1 =	vsel vm2, v2, v3;
	v2 =	vsel vm2, v60, v31  }
0x33c: {  	v3 =	vsel vm2, v25, v22;
	v22 =	vsel vm2, v35, v62;
	v54 =	vsel vm2, v33, v63  }
0x33d: {  	v31 =	vperm.xlane v44, v20;
	v33 =	vperm.xlane v34, v20;
	v32 =	vsel vm2, v32, v50  }
0x33e: {  	v35 =	vperm.xlane v1, v20;
	v26 =	vsel vm2, v61, v53;
	v36 =	vperm.xlane v3, v20  }
0x33f: {  	s7 =	sadd.s32 $0x800, s22;
	v37 =	vperm.xlane v54, v20;
	v55 =	vsel vm2, v28, v51;
	v45 =	vperm.xlane v26, v20  }
0x340: {  	v57 =	vld [tilespmem:s7+$0xFFFFFC00];
	v29 =	vsel vm2, v29, v52;
	v56 =	vperm.xlane v0, v20;
	v60 =	vperm.xlane v22, v20  }
0x341: {  	v58 =	vperm.xlane v32, v20;
	v59 =	vperm.xlane v29, v20;
	v28 =	vsel vm3, v55, v45  }
0x342: {  	v30 =	vsel vm2, v38, v30;
	v50 =	vld [tilespmem:s7+$0xFFFFFC80];
	v63 =	vperm.xlane v2, v20;
	v61 =	vperm.xlane v28, v21  }
0x343: {  	v62 =	vperm.xlane v30, v20;
	v3 =	vsel vm3, v3, v58;
	v25 =	vsel vm3, v54, v59  }
0x344: {  	v52 =	vld [tilespmem:s7+$0xFFFFFD00];
	v46 =	vperm.xlane v55, v20;
	v51 =	vperm.xlane v25, v21;
	v49 =	vsel vm4, v3, v61  }
0x345: {  	v34 =	vsel vm3, v34, v60;
	v1 =	vsel vm3, v1, v62;
	v49 =	vmul.f32 v57, v49  }
0x346: {  	v40 =	vsel vm3, v43, v56;
	v54 =	vld [tilespmem:s7+$0xFFFFFD80];
	v45 =	vperm.xlane v1, v21;
	v53 =	vsel vm4, v34, v51  }
0x347: {  	v44 =	vsel vm3, v44, v63;
	v55 =	vmul.f32 v50, v53;
	v23 =	vadd.f32 v49, v23  }
0x348: {  	v39 =	vsel vm3, v41, v39;
	v58 =	vld [tilespmem:s7+$0xFFFFFE00];
	v56 =	vsel vm4, v40, v45;
	v57 =	vperm.xlane v44, v21  }
0x349: {  	v26 =	vsel vm3, v46, v26;
	v59 =	vmul.f32 v52, v56;
	v23 =	vadd.f32 v55, v23  }
0x34a: {  	v32 =	vsel vm3, v36, v32;
	v62 =	vld [tilespmem:s7+$0xFFFFFE80];
	v61 =	vperm.xlane v26, v21;
	v60 =	vsel vm4, v39, v57  }
0x34b: {  	v29 =	vsel vm3, v37, v29;
	v36 =	vmul.f32 v54, v60;
	v23 =	vadd.f32 v59, v23  }
0x34c: {  	v41 =	vld [tilespmem:s7+$0xFFFFFF00];
	v22 =	vsel vm3, v33, v22;
	v37 =	vperm.xlane v29, v21;
	v63 =	vsel vm4, v32, v61  }
0x34d: {  	v30 =	vsel vm3, v35, v30;
	v33 =	vmul.f32 v58, v63;
	v23 =	vadd.f32 v36, v23  }
0x34e: {  	v0 =	vsel vm3, v27, v0;
	v47 =	vperm.xlane v30, v21;
	v46 =	vsel vm4, v22, v37;
	v45 =	vld [tilespmem:s7+$0xFFFFFF80]  }
0x34f: {  	v2 =	vsel vm3, v31, v2;
	v27 =	vmul.f32 v62, v46;
	v23 =	vadd.f32 v33, v23  }
0x350: {  	v48 =	vld [tilespmem:s7+$0x0];
	v50 =	vperm.xlane v2, v21;
	v49 =	vsel vm4, v0, v47  }
0x351: {  	v24 =	vsel vm3, v24, v42;
	v51 =	vmul.f32 v41, v49;
	v23 =	vadd.f32 v27, v23  }
0x352: {  	v3 =	vperm.xlane v3, v21;
	v52 =	vld [tilespmem:s7+$0x80];
	v36 =	vsel vm4, v24, v50  }
0x353: {  	v53 =	vmul.f32 v45, v36;
	v23 =	vadd.f32 v51, v23  }
0x354: {  	v3 =	vsel vm4, v3, v28;
	v54 =	vld [tilespmem:s7+$0x100];
	v55 =	vperm.xlane v34, v21  }
0x355: {  	v3 =	vmul.f32 v48, v3;
	v23 =	vadd.f32 v53, v23  }
0x356: {  	v56 =	vld [tilespmem:s7+$0x180];
	v57 =	vperm.xlane v40, v21;
	v25 =	vsel vm4, v55, v25  }
0x357: {  	v3 =	vadd.f32 v3, v23;
	v23 =	vmul.f32 v52, v25  }
0x358: {  	v58 =	vld [tilespmem:s7+$0x200];
	v1 =	vsel vm4, v57, v1;
	v59 =	vperm.xlane v39, v21  }
0x359: {  	v1 =	vmul.f32 v54, v1;
	v3 =	vadd.f32 v23, v3  }
0x35a: {  	v60 =	vperm.xlane v32, v21;
	v28 =	vsel vm4, v59, v44;
	v23 =	vld [tilespmem:s7+$0x280]  }
0x35b: {  	v1 =	vadd.f32 v1, v3;
	v3 =	vmul.f32 v56, v28  }
0x35c: {  	v22 =	vperm.xlane v22, v21;
	v61 =	vld [tilespmem:s7+$0x300];
	v26 =	vsel vm4, v60, v26  }
0x35d: {  	v1 =	vadd.f32 v3, v1;
	v3 =	vmul.f32 v58, v26  }
0x35e: {  	v22 =	vsel vm4, v22, v29;
	v62 =	vld [tilespmem:s7+$0x380];
	v0 =	vperm.xlane v0, v21  }
0x35f: {  	v1 =	vadd.f32 v3, v1;
	v3 =	vmul.f32 v23, v22  }
0x360: {  	v0 =	vsel vm4, v0, v30;
	v22 =	vperm.xlane v24, v21  }
0x361: {  	s21 =	sadd.s32 $0x1, s21;
	v0 =	vmul.f32 v61, v0;
	v1 =	vadd.f32 v3, v1  }
0x362: {  	p0 =	sne.s32 s21, $0x8;
	v2 =	vsel vm4, v22, v2  }
.Ltmp1:
0x363: {  	v63 =	vmul.f32 v62, v2;
	v0 =	vadd.f32 v0, v1;
	(pc) =	sbr.rel @p0 .LBB2_3-.Ltmp1, $3  }
0x364: {  	_ = 	snop  }
0x365: {  	v0 =	vadd.f32 v63, v0;
	_ =	sdelay $0x1  }
0x366: {  	s2 =	sadd.s32 $0x800, s2;
	s5 =	sadd.s32 $0x10, s5;
	[tilespmem:s13+$0x10080] =	vst v0  }
0x367: {  	s2 =	sadd.s32 $0x100, s0  }
0x368: {  	s0 =	sshll.u32 s2, $0xE  }
0x369: {  	s0 =	sor.u32 s6, s0  }
0x36a: {  	s0 =	sshrl.u32 s0, $0x3  }
0x36b: {  	s5 =	sadd.s32 s1, s0;
	s0 =	simm.s32 $0x80  }
0x36c: {  	[tilespmem:s0], [sflag:$0x1] =	stream.strided.gather [hbm4b:s5+s11], $0x4000, s12, s11, $0x38;
	[tilespmem:$0x10100] =	vst v63  }
0x36d: {  	v0 =	vld [tilespmem:$0x0];
	_ =	sdelay $0x4  }
0x36e: {  	v1 =	vshll.u32 v0, $0x3  }
0x36f: {  	v0 =	vand.u32 $0x7, v0;
	v1 =	vand.u32 $0xFFFFFFC0, v1  }
0x370: {  	v23 =	vimm.s32 $0x0;
	v0 =	vor.u32 v0, v1  }
0x371: {  	v1 =	vperm.xlane v0, v23  }
0x372: {  	v24 =	vimm.s32 $0x1  }
0x373: {  	v2 =	vperm.xlane v0, v24;
	v1 =	vadd.s32 v4, v1  }
0x374: {  	v25 =	vimm.s32 $0x2  }
0x375: {  	v3 =	vperm.xlane v0, v25;
	v2 =	vadd.s32 v4, v2  }
0x376: {  	v6 =	vimm.s32 $0x3  }
0x377: {  	s21 =	simm.s32 $0x0;
	s7 =	simm.s32 $0x8080;
	s2 =	sadd.s32 s3, s2;
	v22 =	vperm.xlane v0, v6;
	v3 =	vadd.s32 v4, v3  }
0x378: {  	[tilespmem:s7], [sflag:$0x3] =	stream.indirect_vreg.gather [hbm4b:s2+s21], $0x80, v1, vm0, $0xb8;
	[tilespmem:$0x10100] =	vst v63  }
0x379: {  	s8 =	simm.s32 $0x8100;
	v62 =	vadd.s32 v4, v22;
	v22 =	vperm.xlane v0, v7  }
0x37a: {  	[tilespmem:s8], [sflag:$0x3] =	stream.indirect_vreg.gather [hbm4b:s2+s21], $0x80, v2, vm0, $0xb8;
	[tilespmem:$0x10100] =	vst v63  }
0x37b: {  	s13 =	simm.s32 $0x8180;
	v63 =	vadd.s32 v4, v22;
	v22 =	vperm.xlane v0, v8  }
0x37c: {  	[tilespmem:s13], [sflag:$0x3] =	stream.indirect_vreg.gather [hbm4b:s2+s21], $0x80, v3, vm0, $0xb8;
	[tilespmem:$0x10100] =	vst v63  }
0x37d: {  	s22 =	simm.s32 $0x8200;
	v3 =	vadd.s32 v4, v22;
	v22 =	vperm.xlane v0, v9  }
0x37e: {  	v5 =	vimm.s32 $0x7;
	[tilespmem:s22], [sflag:$0x3] =	stream.indirect_vreg.gather [hbm4b:s2+s21], $0x80, v62, vm0, $0xb8;
	[tilespmem:$0x10100] =	vst v63  }
0x37f: {  	s7 =	simm.s32 $0x8280;
	v26 =	vadd.s32 v4, v22;
	v22 =	vperm.xlane v0, v5  }
0x380: {  	[tilespmem:s7], [sflag:$0x3] =	stream.indirect_vreg.gather [hbm4b:s2+s21], $0x80, v63, vm0, $0xb8;
	[tilespmem:$0x10100] =	vst v63  }
0x381: {  	s8 =	simm.s32 $0x8300;
	v27 =	vadd.s32 v4, v22;
	v22 =	vperm.xlane v0, v13  }
0x382: {  	[tilespmem:s8], [sflag:$0x3] =	stream.indirect_vreg.gather [hbm4b:s2+s21], $0x80, v3, vm0, $0xb8;
	[tilespmem:$0x10100] =	vst v63  }
0x383: {  	s13 =	simm.s32 $0x8380;
	v3 =	vadd.s32 v4, v22;
	v22 =	vperm.xlane v0, v10  }
0x384: {  	[tilespmem:s13], [sflag:$0x3] =	stream.indirect_vreg.gather [hbm4b:s2+s21], $0x80, v26, vm0, $0xb8;
	[tilespmem:$0x10100] =	vst v63  }
0x385: {  	s22 =	simm.s32 $0x8400;
	v28 =	vadd.s32 v4, v22;
	v22 =	vperm.xlane v0, v11  }
0x386: {  	[tilespmem:s22], [sflag:$0x3] =	stream.indirect_vreg.gather [hbm4b:s2+s21], $0x80, v27, vm0, $0xb8;
	[tilespmem:$0x10100] =	vst v63  }
0x387: {  	s7 =	simm.s32 $0x8480;
	v29 =	vadd.s32 v4, v22;
	v22 =	vperm.xlane v0, v12  }
0x388: {  	[tilespmem:s7], [sflag:$0x3] =	stream.indirect_vreg.gather [hbm4b:s2+s21], $0x80, v3, vm0, $0xb8;
	[tilespmem:$0x10100] =	vst v63  }
0x389: {  	s8 =	simm.s32 $0x8500;
	v3 =	vadd.s32 v4, v22;
	v22 =	vperm.xlane v0, v14  }
0x38a: {  	[tilespmem:s8], [sflag:$0x3] =	stream.indirect_vreg.gather [hbm4b:s2+s21], $0x80, v28, vm0, $0xb8;
	[tilespmem:$0x10100] =	vst v63  }
0x38b: {  	s13 =	simm.s32 $0x8580;
	v30 =	vadd.s32 v4, v22;
	v22 =	vperm.xlane v0, v15  }
0x38c: {  	[tilespmem:s13], [sflag:$0x3] =	stream.indirect_vreg.gather [hbm4b:s2+s21], $0x80, v29, vm0, $0xb8;
	[tilespmem:$0x10100] =	vst v63  }
0x38d: {  	s22 =	simm.s32 $0x8600;
	v31 =	vadd.s32 v4, v22;
	v22 =	vperm.xlane v0, v16  }
0x38e: {  	[tilespmem:s22], [sflag:$0x3] =	stream.indirect_vreg.gather [hbm4b:s2+s21], $0x80, v3, vm0, $0xb8;
	[tilespmem:$0x10100] =	vst v63  }
0x38f: {  	s7 =	simm.s32 $0x8680;
	v0 =	vperm.xlane v0, v17;
	v3 =	vadd.s32 v4, v22  }
0x390: {  	[tilespmem:s7], [sflag:$0x3] =	stream.indirect_vreg.gather [hbm4b:s2+s21], $0x80, v30, vm0, $0xb8;
	[tilespmem:$0x10100] =	vst v63  }
0x391: {  	s8 =	simm.s32 $0x8700;
	v0 =	vadd.s32 v4, v0  }
0x392: {  	[tilespmem:s8], [sflag:$0x3] =	stream.indirect_vreg.gather [hbm4b:s2+s21], $0x80, v31, vm0, $0xb8;
	[tilespmem:$0x10100] =	vst v63  }
0x393: {  	s13 =	simm.s32 $0x8780  }
0x394: {  	[tilespmem:s13], [sflag:$0x3] =	stream.indirect_vreg.gather [hbm4b:s2+s21], $0x80, v3, vm0, $0xb8;
	[tilespmem:$0x10100] =	vst v63  }
0x395: {  	s22 =	simm.s32 $0x8800  }
0x396: {  	[tilespmem:s22], [sflag:$0x3] =	stream.indirect_vreg.gather [hbm4b:s2+s21], $0x80, v0, vm0, $0xb8;
	[tilespmem:$0x10100] =	vst v63  }
0x397: {  	v0 =	vld [tilespmem:$0x10];
	_ =	sdelay $0x4  }
0x398: {  	v32 =	vshll.u32 v0, $0x3  }
0x399: {  	v0 =	vand.u32 $0x7, v0;
	v1 =	vand.u32 $0xFFFFFFC0, v32  }
0x39a: {  	v0 =	vor.u32 v0, v1  }
0x39b: {  	v1 =	vperm.xlane v0, v23;
	_ =	sdelay $0x1  }
0x39c: {  	v33 =	vperm.xlane v0, v24;
	v1 =	vadd.s32 v4, v1;
	_ =	sdelay $0x1  }
0x39d: {  	v3 =	vperm.xlane v0, v25;
	v2 =	vadd.s32 v4, v33;
	_ =	sdelay $0x1  }
0x39e: {  	s7 =	simm.s32 $0x8880;
	v22 =	vperm.xlane v0, v6;
	v3 =	vadd.s32 v4, v3  }
0x39f: {  	[tilespmem:s7], [sflag:$0x3] =	stream.indirect_vreg.gather [hbm4b:s2+s21], $0x80, v1, vm0, $0xb8;
	[tilespmem:$0x10100] =	vst v63  }
0x3a0: {  	s8 =	simm.s32 $0x8900;
	v34 =	vadd.s32 v4, v22;
	v22 =	vperm.xlane v0, v7  }
0x3a1: {  	[tilespmem:s8], [sflag:$0x3] =	stream.indirect_vreg.gather [hbm4b:s2+s21], $0x80, v2, vm0, $0xb8;
	[tilespmem:$0x10100] =	vst v63  }
0x3a2: {  	s13 =	simm.s32 $0x8980;
	v35 =	vadd.s32 v4, v22;
	v22 =	vperm.xlane v0, v8  }
0x3a3: {  	[tilespmem:s13], [sflag:$0x3] =	stream.indirect_vreg.gather [hbm4b:s2+s21], $0x80, v3, vm0, $0xb8;
	[tilespmem:$0x10100] =	vst v63  }
0x3a4: {  	s22 =	simm.s32 $0x8A00;
	v3 =	vadd.s32 v4, v22;
	v22 =	vperm.xlane v0, v9  }
0x3a5: {  	[tilespmem:s22], [sflag:$0x3] =	stream.indirect_vreg.gather [hbm4b:s2+s21], $0x80, v34, vm0, $0xb8;
	[tilespmem:$0x10100] =	vst v63  }
0x3a6: {  	s7 =	simm.s32 $0x8A80;
	v36 =	vadd.s32 v4, v22;
	v22 =	vperm.xlane v0, v5  }
0x3a7: {  	[tilespmem:s7], [sflag:$0x3] =	stream.indirect_vreg.gather [hbm4b:s2+s21], $0x80, v35, vm0, $0xb8;
	[tilespmem:$0x10100] =	vst v63  }
0x3a8: {  	s8 =	simm.s32 $0x8B00;
	v37 =	vadd.s32 v4, v22;
	v22 =	vperm.xlane v0, v13  }
0x3a9: {  	[tilespmem:s8], [sflag:$0x3] =	stream.indirect_vreg.gather [hbm4b:s2+s21], $0x80, v3, vm0, $0xb8;
	[tilespmem:$0x10100] =	vst v63  }
0x3aa: {  	s13 =	simm.s32 $0x8B80;
	v3 =	vadd.s32 v4, v22;
	v22 =	vperm.xlane v0, v10  }
0x3ab: {  	[tilespmem:s13], [sflag:$0x3] =	stream.indirect_vreg.gather [hbm4b:s2+s21], $0x80, v36, vm0, $0xb8;
	[tilespmem:$0x10100] =	vst v63  }
0x3ac: {  	s22 =	simm.s32 $0x8C00;
	v38 =	vadd.s32 v4, v22;
	v22 =	vperm.xlane v0, v11  }
0x3ad: {  	[tilespmem:s22], [sflag:$0x3] =	stream.indirect_vreg.gather [hbm4b:s2+s21], $0x80, v37, vm0, $0xb8;
	[tilespmem:$0x10100] =	vst v63  }
0x3ae: {  	s7 =	simm.s32 $0x8C80;
	v39 =	vadd.s32 v4, v22;
	v22 =	vperm.xlane v0, v12  }
0x3af: {  	[tilespmem:s7], [sflag:$0x3] =	stream.indirect_vreg.gather [hbm4b:s2+s21], $0x80, v3, vm0, $0xb8;
	[tilespmem:$0x10100] =	vst v63  }
0x3b0: {  	s8 =	simm.s32 $0x8D00;
	v3 =	vadd.s32 v4, v22;
	v22 =	vperm.xlane v0, v14  }
0x3b1: {  	[tilespmem:s8], [sflag:$0x3] =	stream.indirect_vreg.gather [hbm4b:s2+s21], $0x80, v38, vm0, $0xb8;
	[tilespmem:$0x10100] =	vst v63  }
0x3b2: {  	s13 =	simm.s32 $0x8D80;
	v40 =	vadd.s32 v4, v22;
	v22 =	vperm.xlane v0, v15  }
0x3b3: {  	[tilespmem:s13], [sflag:$0x3] =	stream.indirect_vreg.gather [hbm4b:s2+s21], $0x80, v39, vm0, $0xb8;
	[tilespmem:$0x10100] =	vst v63  }
0x3b4: {  	s22 =	simm.s32 $0x8E00;
	v41 =	vadd.s32 v4, v22;
	v22 =	vperm.xlane v0, v16  }
0x3b5: {  	[tilespmem:s22], [sflag:$0x3] =	stream.indirect_vreg.gather [hbm4b:s2+s21], $0x80, v3, vm0, $0xb8;
	[tilespmem:$0x10100] =	vst v63  }
0x3b6: {  	s7 =	simm.s32 $0x8E80;
	v0 =	vperm.xlane v0, v17;
	v3 =	vadd.s32 v4, v22  }
0x3b7: {  	[tilespmem:s7], [sflag:$0x3] =	stream.indirect_vreg.gather [hbm4b:s2+s21], $0x80, v40, vm0, $0xb8;
	[tilespmem:$0x10100] =	vst v63  }
0x3b8: {  	s8 =	simm.s32 $0x8F00;
	v0 =	vadd.s32 v4, v0  }
0x3b9: {  	[tilespmem:s8], [sflag:$0x3] =	stream.indirect_vreg.gather [hbm4b:s2+s21], $0x80, v41, vm0, $0xb8;
	[tilespmem:$0x10100] =	vst v63  }
0x3ba: {  	s13 =	simm.s32 $0x8F80  }
0x3bb: {  	[tilespmem:s13], [sflag:$0x3] =	stream.indirect_vreg.gather [hbm4b:s2+s21], $0x80, v3, vm0, $0xb8;
	[tilespmem:$0x10100] =	vst v63  }
0x3bc: {  	s22 =	simm.s32 $0x9000  }
0x3bd: {  	[tilespmem:s22], [sflag:$0x3] =	stream.indirect_vreg.gather [hbm4b:s2+s21], $0x80, v0, vm0, $0xb8;
	[tilespmem:$0x10100] =	vst v63  }
0x3be: {  	v0 =	vld [tilespmem:$0x20];
	_ =	sdelay $0x4  }
0x3bf: {  	v42 =	vshll.u32 v0, $0x3  }
0x3c0: {  	v0 =	vand.u32 $0x7, v0;
	v1 =	vand.u32 $0xFFFFFFC0, v42  }
0x3c1: {  	v0 =	vor.u32 v0, v1  }
0x3c2: {  	v1 =	vperm.xlane v0, v23;
	_ =	sdelay $0x1  }
0x3c3: {  	v43 =	vperm.xlane v0, v24;
	v1 =	vadd.s32 v4, v1;
	_ =	sdelay $0x1  }
0x3c4: {  	v3 =	vperm.xlane v0, v25;
	v2 =	vadd.s32 v4, v43;
	_ =	sdelay $0x1  }
0x3c5: {  	s7 =	simm.s32 $0x9080;
	v22 =	vperm.xlane v0, v6;
	v3 =	vadd.s32 v4, v3  }
0x3c6: {  	[tilespmem:s7], [sflag:$0x3] =	stream.indirect_vreg.gather [hbm4b:s2+s21], $0x80, v1, vm0, $0xb8;
	[tilespmem:$0x10100] =	vst v63  }
0x3c7: {  	s8 =	simm.s32 $0x9100;
	v44 =	vadd.s32 v4, v22;
	v22 =	vperm.xlane v0, v7  }
0x3c8: {  	[tilespmem:s8], [sflag:$0x3] =	stream.indirect_vreg.gather [hbm4b:s2+s21], $0x80, v2, vm0, $0xb8;
	[tilespmem:$0x10100] =	vst v63  }
0x3c9: {  	s13 =	simm.s32 $0x9180;
	v45 =	vadd.s32 v4, v22;
	v22 =	vperm.xlane v0, v8  }
0x3ca: {  	[tilespmem:s13], [sflag:$0x3] =	stream.indirect_vreg.gather [hbm4b:s2+s21], $0x80, v3, vm0, $0xb8;
	[tilespmem:$0x10100] =	vst v63  }
0x3cb: {  	s22 =	simm.s32 $0x9200;
	v3 =	vadd.s32 v4, v22;
	v22 =	vperm.xlane v0, v9  }
0x3cc: {  	[tilespmem:s22], [sflag:$0x3] =	stream.indirect_vreg.gather [hbm4b:s2+s21], $0x80, v44, vm0, $0xb8;
	[tilespmem:$0x10100] =	vst v63  }
0x3cd: {  	s7 =	simm.s32 $0x9280;
	v46 =	vadd.s32 v4, v22;
	v22 =	vperm.xlane v0, v5  }
0x3ce: {  	[tilespmem:s7], [sflag:$0x3] =	stream.indirect_vreg.gather [hbm4b:s2+s21], $0x80, v45, vm0, $0xb8;
	[tilespmem:$0x10100] =	vst v63  }
0x3cf: {  	s8 =	simm.s32 $0x9300;
	v47 =	vadd.s32 v4, v22;
	v22 =	vperm.xlane v0, v13  }
0x3d0: {  	[tilespmem:s8], [sflag:$0x3] =	stream.indirect_vreg.gather [hbm4b:s2+s21], $0x80, v3, vm0, $0xb8;
	[tilespmem:$0x10100] =	vst v63  }
0x3d1: {  	s13 =	simm.s32 $0x9380;
	v3 =	vadd.s32 v4, v22;
	v22 =	vperm.xlane v0, v10  }
0x3d2: {  	[tilespmem:s13], [sflag:$0x3] =	stream.indirect_vreg.gather [hbm4b:s2+s21], $0x80, v46, vm0, $0xb8;
	[tilespmem:$0x10100] =	vst v63  }
0x3d3: {  	s22 =	simm.s32 $0x9400;
	v48 =	vadd.s32 v4, v22;
	v22 =	vperm.xlane v0, v11  }
0x3d4: {  	[tilespmem:s22], [sflag:$0x3] =	stream.indirect_vreg.gather [hbm4b:s2+s21], $0x80, v47, vm0, $0xb8;
	[tilespmem:$0x10100] =	vst v63  }
0x3d5: {  	s7 =	simm.s32 $0x9480;
	v49 =	vadd.s32 v4, v22;
	v22 =	vperm.xlane v0, v12  }
0x3d6: {  	[tilespmem:s7], [sflag:$0x3] =	stream.indirect_vreg.gather [hbm4b:s2+s21], $0x80, v3, vm0, $0xb8;
	[tilespmem:$0x10100] =	vst v63  }
0x3d7: {  	s8 =	simm.s32 $0x9500;
	v3 =	vadd.s32 v4, v22;
	v22 =	vperm.xlane v0, v14  }
0x3d8: {  	[tilespmem:s8], [sflag:$0x3] =	stream.indirect_vreg.gather [hbm4b:s2+s21], $0x80, v48, vm0, $0xb8;
	[tilespmem:$0x10100] =	vst v63  }
0x3d9: {  	s13 =	simm.s32 $0x9580;
	v50 =	vadd.s32 v4, v22;
	v22 =	vperm.xlane v0, v15  }
0x3da: {  	[tilespmem:s13], [sflag:$0x3] =	stream.indirect_vreg.gather [hbm4b:s2+s21], $0x80, v49, vm0, $0xb8;
	[tilespmem:$0x10100] =	vst v63  }
0x3db: {  	s22 =	simm.s32 $0x9600;
	v51 =	vadd.s32 v4, v22;
	v22 =	vperm.xlane v0, v16  }
0x3dc: {  	[tilespmem:s22], [sflag:$0x3] =	stream.indirect_vreg.gather [hbm4b:s2+s21], $0x80, v3, vm0, $0xb8;
	[tilespmem:$0x10100] =	vst v63  }
0x3dd: {  	s7 =	simm.s32 $0x9680;
	v0 =	vperm.xlane v0, v17;
	v3 =	vadd.s32 v4, v22  }
0x3de: {  	[tilespmem:s7], [sflag:$0x3] =	stream.indirect_vreg.gather [hbm4b:s2+s21], $0x80, v50, vm0, $0xb8;
	[tilespmem:$0x10100] =	vst v63  }
0x3df: {  	s8 =	simm.s32 $0x9700;
	v0 =	vadd.s32 v4, v0  }
0x3e0: {  	[tilespmem:s8], [sflag:$0x3] =	stream.indirect_vreg.gather [hbm4b:s2+s21], $0x80, v51, vm0, $0xb8;
	[tilespmem:$0x10100] =	vst v63  }
0x3e1: {  	s13 =	simm.s32 $0x9780  }
0x3e2: {  	[tilespmem:s13], [sflag:$0x3] =	stream.indirect_vreg.gather [hbm4b:s2+s21], $0x80, v3, vm0, $0xb8;
	[tilespmem:$0x10100] =	vst v63  }
0x3e3: {  	s22 =	simm.s32 $0x9800  }
0x3e4: {  	[tilespmem:s22], [sflag:$0x3] =	stream.indirect_vreg.gather [hbm4b:s2+s21], $0x80, v0, vm0, $0xb8;
	[tilespmem:$0x10100] =	vst v63  }
0x3e5: {  	v0 =	vld [tilespmem:$0x30];
	_ =	sdelay $0x4  }
0x3e6: {  	v52 =	vshll.u32 v0, $0x3  }
0x3e7: {  	v0 =	vand.u32 $0x7, v0;
	v1 =	vand.u32 $0xFFFFFFC0, v52  }
0x3e8: {  	v0 =	vor.u32 v0, v1  }
0x3e9: {  	v1 =	vperm.xlane v0, v23;
	_ =	sdelay $0x1  }
0x3ea: {  	v53 =	vperm.xlane v0, v24;
	v1 =	vadd.s32 v4, v1;
	_ =	sdelay $0x1  }
0x3eb: {  	v3 =	vperm.xlane v0, v25;
	v2 =	vadd.s32 v4, v53;
	_ =	sdelay $0x1  }
0x3ec: {  	s7 =	simm.s32 $0x9880;
	v22 =	vperm.xlane v0, v6;
	v3 =	vadd.s32 v4, v3  }
0x3ed: {  	[tilespmem:s7], [sflag:$0x3] =	stream.indirect_vreg.gather [hbm4b:s2+s21], $0x80, v1, vm0, $0xb8;
	[tilespmem:$0x10100] =	vst v63  }
0x3ee: {  	s8 =	simm.s32 $0x9900;
	v54 =	vadd.s32 v4, v22;
	v22 =	vperm.xlane v0, v7  }
0x3ef: {  	[tilespmem:s8], [sflag:$0x3] =	stream.indirect_vreg.gather [hbm4b:s2+s21], $0x80, v2, vm0, $0xb8;
	[tilespmem:$0x10100] =	vst v63  }
0x3f0: {  	s13 =	simm.s32 $0x9980;
	v55 =	vadd.s32 v4, v22;
	v22 =	vperm.xlane v0, v8  }
0x3f1: {  	[tilespmem:s13], [sflag:$0x3] =	stream.indirect_vreg.gather [hbm4b:s2+s21], $0x80, v3, vm0, $0xb8;
	[tilespmem:$0x10100] =	vst v63  }
0x3f2: {  	s22 =	simm.s32 $0x9A00;
	v3 =	vadd.s32 v4, v22;
	v22 =	vperm.xlane v0, v9  }
0x3f3: {  	[tilespmem:s22], [sflag:$0x3] =	stream.indirect_vreg.gather [hbm4b:s2+s21], $0x80, v54, vm0, $0xb8;
	[tilespmem:$0x10100] =	vst v63  }
0x3f4: {  	s7 =	simm.s32 $0x9A80;
	v56 =	vadd.s32 v4, v22;
	v22 =	vperm.xlane v0, v5  }
0x3f5: {  	[tilespmem:s7], [sflag:$0x3] =	stream.indirect_vreg.gather [hbm4b:s2+s21], $0x80, v55, vm0, $0xb8;
	[tilespmem:$0x10100] =	vst v63  }
0x3f6: {  	s8 =	simm.s32 $0x9B00;
	v57 =	vadd.s32 v4, v22;
	v22 =	vperm.xlane v0, v13  }
0x3f7: {  	[tilespmem:s8], [sflag:$0x3] =	stream.indirect_vreg.gather [hbm4b:s2+s21], $0x80, v3, vm0, $0xb8;
	[tilespmem:$0x10100] =	vst v63  }
0x3f8: {  	s13 =	simm.s32 $0x9B80;
	v3 =	vadd.s32 v4, v22;
	v22 =	vperm.xlane v0, v10  }
0x3f9: {  	[tilespmem:s13], [sflag:$0x3] =	stream.indirect_vreg.gather [hbm4b:s2+s21], $0x80, v56, vm0, $0xb8;
	[tilespmem:$0x10100] =	vst v63  }
0x3fa: {  	s22 =	simm.s32 $0x9C00;
	v58 =	vadd.s32 v4, v22;
	v22 =	vperm.xlane v0, v11  }
0x3fb: {  	[tilespmem:s22], [sflag:$0x3] =	stream.indirect_vreg.gather [hbm4b:s2+s21], $0x80, v57, vm0, $0xb8;
	[tilespmem:$0x10100] =	vst v63  }
0x3fc: {  	s7 =	simm.s32 $0x9C80;
	v59 =	vadd.s32 v4, v22;
	v22 =	vperm.xlane v0, v12  }
0x3fd: {  	[tilespmem:s7], [sflag:$0x3] =	stream.indirect_vreg.gather [hbm4b:s2+s21], $0x80, v3, vm0, $0xb8;
	[tilespmem:$0x10100] =	vst v63  }
0x3fe: {  	s8 =	simm.s32 $0x9D00;
	v3 =	vadd.s32 v4, v22;
	v22 =	vperm.xlane v0, v14  }
0x3ff: {  	[tilespmem:s8], [sflag:$0x3] =	stream.indirect_vreg.gather [hbm4b:s2+s21], $0x80, v58, vm0, $0xb8;
	[tilespmem:$0x10100] =	vst v63  }
0x400: {  	s13 =	simm.s32 $0x9D80;
	v60 =	vadd.s32 v4, v22;
	v22 =	vperm.xlane v0, v15  }
0x401: {  	[tilespmem:s13], [sflag:$0x3] =	stream.indirect_vreg.gather [hbm4b:s2+s21], $0x80, v59, vm0, $0xb8;
	[tilespmem:$0x10100] =	vst v63  }
0x402: {  	s22 =	simm.s32 $0x9E00;
	v61 =	vadd.s32 v4, v22;
	v22 =	vperm.xlane v0, v16  }
0x403: {  	[tilespmem:s22], [sflag:$0x3] =	stream.indirect_vreg.gather [hbm4b:s2+s21], $0x80, v3, vm0, $0xb8;
	[tilespmem:$0x10100] =	vst v63  }
0x404: {  	s7 =	simm.s32 $0x9E80;
	v0 =	vperm.xlane v0, v17;
	v3 =	vadd.s32 v4, v22  }
0x405: {  	[tilespmem:s7], [sflag:$0x3] =	stream.indirect_vreg.gather [hbm4b:s2+s21], $0x80, v60, vm0, $0xb8;
	[tilespmem:$0x10100] =	vst v63  }
0x406: {  	s8 =	simm.s32 $0x9F00;
	v0 =	vadd.s32 v4, v0  }
0x407: {  	[tilespmem:s8], [sflag:$0x3] =	stream.indirect_vreg.gather [hbm4b:s2+s21], $0x80, v61, vm0, $0xb8;
	[tilespmem:$0x10100] =	vst v63  }
0x408: {  	s13 =	simm.s32 $0x9F80  }
0x409: {  	[tilespmem:s13], [sflag:$0x3] =	stream.indirect_vreg.gather [hbm4b:s2+s21], $0x80, v3, vm0, $0xb8;
	[tilespmem:$0x10100] =	vst v63  }
0x40a: {  	s22 =	simm.s32 $0xA000  }
0x40b: {  	[tilespmem:s22], [sflag:$0x3] =	stream.indirect_vreg.gather [hbm4b:s2+s21], $0x80, v0, vm0, $0xb8;
	[tilespmem:$0x10100] =	vst v63  }
0x40c: {  	v0 =	vld [tilespmem:$0x40];
	_ =	sdelay $0x4  }
0x40d: {  	v62 =	vshll.u32 v0, $0x3  }
0x40e: {  	v0 =	vand.u32 $0x7, v0;
	v1 =	vand.u32 $0xFFFFFFC0, v62  }
0x40f: {  	v0 =	vor.u32 v0, v1  }
0x410: {  	v1 =	vperm.xlane v0, v23;
	_ =	sdelay $0x1  }
0x411: {  	v63 =	vperm.xlane v0, v24;
	v1 =	vadd.s32 v4, v1;
	_ =	sdelay $0x1  }
0x412: {  	v3 =	vperm.xlane v0, v25;
	v2 =	vadd.s32 v4, v63;
	_ =	sdelay $0x1  }
0x413: {  	s7 =	simm.s32 $0xA080;
	v22 =	vperm.xlane v0, v6;
	v3 =	vadd.s32 v4, v3  }
0x414: {  	[tilespmem:s7], [sflag:$0x3] =	stream.indirect_vreg.gather [hbm4b:s2+s21], $0x80, v1, vm0, $0xb8;
	[tilespmem:$0x10100] =	vst v63  }
0x415: {  	s8 =	simm.s32 $0xA100;
	v26 =	vadd.s32 v4, v22;
	v22 =	vperm.xlane v0, v7  }
0x416: {  	[tilespmem:s8], [sflag:$0x3] =	stream.indirect_vreg.gather [hbm4b:s2+s21], $0x80, v2, vm0, $0xb8;
	[tilespmem:$0x10100] =	vst v63  }
0x417: {  	s13 =	simm.s32 $0xA180;
	v27 =	vadd.s32 v4, v22;
	v22 =	vperm.xlane v0, v8  }
0x418: {  	[tilespmem:s13], [sflag:$0x3] =	stream.indirect_vreg.gather [hbm4b:s2+s21], $0x80, v3, vm0, $0xb8;
	[tilespmem:$0x10100] =	vst v63  }
0x419: {  	s22 =	simm.s32 $0xA200;
	v3 =	vadd.s32 v4, v22;
	v22 =	vperm.xlane v0, v9  }
0x41a: {  	[tilespmem:s22], [sflag:$0x3] =	stream.indirect_vreg.gather [hbm4b:s2+s21], $0x80, v26, vm0, $0xb8;
	[tilespmem:$0x10100] =	vst v63  }
0x41b: {  	s7 =	simm.s32 $0xA280;
	v28 =	vadd.s32 v4, v22;
	v22 =	vperm.xlane v0, v5  }
0x41c: {  	[tilespmem:s7], [sflag:$0x3] =	stream.indirect_vreg.gather [hbm4b:s2+s21], $0x80, v27, vm0, $0xb8;
	[tilespmem:$0x10100] =	vst v63  }
0x41d: {  	s8 =	simm.s32 $0xA300;
	v29 =	vadd.s32 v4, v22;
	v22 =	vperm.xlane v0, v13  }
0x41e: {  	[tilespmem:s8], [sflag:$0x3] =	stream.indirect_vreg.gather [hbm4b:s2+s21], $0x80, v3, vm0, $0xb8;
	[tilespmem:$0x10100] =	vst v63  }
0x41f: {  	s13 =	simm.s32 $0xA380;
	v3 =	vadd.s32 v4, v22;
	v22 =	vperm.xlane v0, v10  }
0x420: {  	[tilespmem:s13], [sflag:$0x3] =	stream.indirect_vreg.gather [hbm4b:s2+s21], $0x80, v28, vm0, $0xb8;
	[tilespmem:$0x10100] =	vst v63  }
0x421: {  	s22 =	simm.s32 $0xA400;
	v30 =	vadd.s32 v4, v22;
	v22 =	vperm.xlane v0, v11  }
0x422: {  	[tilespmem:s22], [sflag:$0x3] =	stream.indirect_vreg.gather [hbm4b:s2+s21], $0x80, v29, vm0, $0xb8;
	[tilespmem:$0x10100] =	vst v63  }
0x423: {  	s7 =	simm.s32 $0xA480;
	v31 =	vadd.s32 v4, v22;
	v22 =	vperm.xlane v0, v12  }
0x424: {  	[tilespmem:s7], [sflag:$0x3] =	stream.indirect_vreg.gather [hbm4b:s2+s21], $0x80, v3, vm0, $0xb8;
	[tilespmem:$0x10100] =	vst v63  }
0x425: {  	s8 =	simm.s32 $0xA500;
	v3 =	vadd.s32 v4, v22;
	v22 =	vperm.xlane v0, v14  }
0x426: {  	[tilespmem:s8], [sflag:$0x3] =	stream.indirect_vreg.gather [hbm4b:s2+s21], $0x80, v30, vm0, $0xb8;
	[tilespmem:$0x10100] =	vst v63  }
0x427: {  	s13 =	simm.s32 $0xA580;
	v32 =	vadd.s32 v4, v22;
	v22 =	vperm.xlane v0, v15  }
0x428: {  	[tilespmem:s13], [sflag:$0x3] =	stream.indirect_vreg.gather [hbm4b:s2+s21], $0x80, v31, vm0, $0xb8;
	[tilespmem:$0x10100] =	vst v63  }
0x429: {  	s22 =	simm.s32 $0xA600;
	v33 =	vadd.s32 v4, v22;
	v22 =	vperm.xlane v0, v16  }
0x42a: {  	[tilespmem:s22], [sflag:$0x3] =	stream.indirect_vreg.gather [hbm4b:s2+s21], $0x80, v3, vm0, $0xb8;
	[tilespmem:$0x10100] =	vst v63  }
0x42b: {  	s7 =	simm.s32 $0xA680;
	v0 =	vperm.xlane v0, v17;
	v3 =	vadd.s32 v4, v22  }
0x42c: {  	[tilespmem:s7], [sflag:$0x3] =	stream.indirect_vreg.gather [hbm4b:s2+s21], $0x80, v32, vm0, $0xb8;
	[tilespmem:$0x10100] =	vst v63  }
0x42d: {  	s8 =	simm.s32 $0xA700;
	v0 =	vadd.s32 v4, v0  }
0x42e: {  	[tilespmem:s8], [sflag:$0x3] =	stream.indirect_vreg.gather [hbm4b:s2+s21], $0x80, v33, vm0, $0xb8;
	[tilespmem:$0x10100] =	vst v63  }
0x42f: {  	s13 =	simm.s32 $0xA780  }
0x430: {  	[tilespmem:s13], [sflag:$0x3] =	stream.indirect_vreg.gather [hbm4b:s2+s21], $0x80, v3, vm0, $0xb8;
	[tilespmem:$0x10100] =	vst v63  }
0x431: {  	s22 =	simm.s32 $0xA800  }
0x432: {  	[tilespmem:s22], [sflag:$0x3] =	stream.indirect_vreg.gather [hbm4b:s2+s21], $0x80, v0, vm0, $0xb8;
	[tilespmem:$0x10100] =	vst v63  }
0x433: {  	v0 =	vld [tilespmem:$0x50];
	_ =	sdelay $0x4  }
0x434: {  	v34 =	vshll.u32 v0, $0x3  }
0x435: {  	v0 =	vand.u32 $0x7, v0;
	v1 =	vand.u32 $0xFFFFFFC0, v34  }
0x436: {  	v0 =	vor.u32 v0, v1  }
0x437: {  	v1 =	vperm.xlane v0, v23;
	_ =	sdelay $0x1  }
0x438: {  	v35 =	vperm.xlane v0, v24;
	v1 =	vadd.s32 v4, v1;
	_ =	sdelay $0x1  }
0x439: {  	v3 =	vperm.xlane v0, v25;
	v2 =	vadd.s32 v4, v35;
	_ =	sdelay $0x1  }
0x43a: {  	s7 =	simm.s32 $0xA880;
	v22 =	vperm.xlane v0, v6;
	v3 =	vadd.s32 v4, v3  }
0x43b: {  	[tilespmem:s7], [sflag:$0x3] =	stream.indirect_vreg.gather [hbm4b:s2+s21], $0x80, v1, vm0, $0xb8;
	[tilespmem:$0x10100] =	vst v63  }
0x43c: {  	s8 =	simm.s32 $0xA900;
	v36 =	vadd.s32 v4, v22;
	v22 =	vperm.xlane v0, v7  }
0x43d: {  	[tilespmem:s8], [sflag:$0x3] =	stream.indirect_vreg.gather [hbm4b:s2+s21], $0x80, v2, vm0, $0xb8;
	[tilespmem:$0x10100] =	vst v63  }
0x43e: {  	s13 =	simm.s32 $0xA980;
	v37 =	vadd.s32 v4, v22;
	v22 =	vperm.xlane v0, v8  }
0x43f: {  	[tilespmem:s13], [sflag:$0x3] =	stream.indirect_vreg.gather [hbm4b:s2+s21], $0x80, v3, vm0, $0xb8;
	[tilespmem:$0x10100] =	vst v63  }
0x440: {  	s22 =	simm.s32 $0xAA00;
	v3 =	vadd.s32 v4, v22;
	v22 =	vperm.xlane v0, v9  }
0x441: {  	[tilespmem:s22], [sflag:$0x3] =	stream.indirect_vreg.gather [hbm4b:s2+s21], $0x80, v36, vm0, $0xb8;
	[tilespmem:$0x10100] =	vst v63  }
0x442: {  	s7 =	simm.s32 $0xAA80;
	v38 =	vadd.s32 v4, v22;
	v22 =	vperm.xlane v0, v5  }
0x443: {  	[tilespmem:s7], [sflag:$0x3] =	stream.indirect_vreg.gather [hbm4b:s2+s21], $0x80, v37, vm0, $0xb8;
	[tilespmem:$0x10100] =	vst v63  }
0x444: {  	s8 =	simm.s32 $0xAB00;
	v39 =	vadd.s32 v4, v22;
	v22 =	vperm.xlane v0, v13  }
0x445: {  	[tilespmem:s8], [sflag:$0x3] =	stream.indirect_vreg.gather [hbm4b:s2+s21], $0x80, v3, vm0, $0xb8;
	[tilespmem:$0x10100] =	vst v63  }
0x446: {  	s13 =	simm.s32 $0xAB80;
	v3 =	vadd.s32 v4, v22;
	v22 =	vperm.xlane v0, v10  }
0x447: {  	[tilespmem:s13], [sflag:$0x3] =	stream.indirect_vreg.gather [hbm4b:s2+s21], $0x80, v38, vm0, $0xb8;
	[tilespmem:$0x10100] =	vst v63  }
0x448: {  	s22 =	simm.s32 $0xAC00;
	v40 =	vadd.s32 v4, v22;
	v22 =	vperm.xlane v0, v11  }
0x449: {  	[tilespmem:s22], [sflag:$0x3] =	stream.indirect_vreg.gather [hbm4b:s2+s21], $0x80, v39, vm0, $0xb8;
	[tilespmem:$0x10100] =	vst v63  }
0x44a: {  	s7 =	simm.s32 $0xAC80;
	v41 =	vadd.s32 v4, v22;
	v22 =	vperm.xlane v0, v12  }
0x44b: {  	[tilespmem:s7], [sflag:$0x3] =	stream.indirect_vreg.gather [hbm4b:s2+s21], $0x80, v3, vm0, $0xb8;
	[tilespmem:$0x10100] =	vst v63  }
0x44c: {  	s8 =	simm.s32 $0xAD00;
	v3 =	vadd.s32 v4, v22;
	v22 =	vperm.xlane v0, v14  }
0x44d: {  	[tilespmem:s8], [sflag:$0x3] =	stream.indirect_vreg.gather [hbm4b:s2+s21], $0x80, v40, vm0, $0xb8;
	[tilespmem:$0x10100] =	vst v63  }
0x44e: {  	s13 =	simm.s32 $0xAD80;
	v42 =	vadd.s32 v4, v22;
	v22 =	vperm.xlane v0, v15  }
0x44f: {  	[tilespmem:s13], [sflag:$0x3] =	stream.indirect_vreg.gather [hbm4b:s2+s21], $0x80, v41, vm0, $0xb8;
	[tilespmem:$0x10100] =	vst v63  }
0x450: {  	s22 =	simm.s32 $0xAE00;
	v43 =	vadd.s32 v4, v22;
	v22 =	vperm.xlane v0, v16  }
0x451: {  	[tilespmem:s22], [sflag:$0x3] =	stream.indirect_vreg.gather [hbm4b:s2+s21], $0x80, v3, vm0, $0xb8;
	[tilespmem:$0x10100] =	vst v63  }
0x452: {  	s7 =	simm.s32 $0xAE80;
	v0 =	vperm.xlane v0, v17;
	v3 =	vadd.s32 v4, v22  }
0x453: {  	[tilespmem:s7], [sflag:$0x3] =	stream.indirect_vreg.gather [hbm4b:s2+s21], $0x80, v42, vm0, $0xb8;
	[tilespmem:$0x10100] =	vst v63  }
0x454: {  	s8 =	simm.s32 $0xAF00;
	v0 =	vadd.s32 v4, v0  }
0x455: {  	[tilespmem:s8], [sflag:$0x3] =	stream.indirect_vreg.gather [hbm4b:s2+s21], $0x80, v43, vm0, $0xb8;
	[tilespmem:$0x10100] =	vst v63  }
0x456: {  	s13 =	simm.s32 $0xAF80  }
0x457: {  	[tilespmem:s13], [sflag:$0x3] =	stream.indirect_vreg.gather [hbm4b:s2+s21], $0x80, v3, vm0, $0xb8;
	[tilespmem:$0x10100] =	vst v63  }
0x458: {  	s22 =	simm.s32 $0xB000  }
0x459: {  	[tilespmem:s22], [sflag:$0x3] =	stream.indirect_vreg.gather [hbm4b:s2+s21], $0x80, v0, vm0, $0xb8;
	[tilespmem:$0x10100] =	vst v63  }
0x45a: {  	v0 =	vld [tilespmem:$0x60];
	_ =	sdelay $0x4  }
0x45b: {  	v44 =	vshll.u32 v0, $0x3  }
0x45c: {  	v0 =	vand.u32 $0x7, v0;
	v1 =	vand.u32 $0xFFFFFFC0, v44  }
0x45d: {  	v0 =	vor.u32 v0, v1  }
0x45e: {  	v1 =	vperm.xlane v0, v23;
	_ =	sdelay $0x1  }
0x45f: {  	v45 =	vperm.xlane v0, v24;
	v1 =	vadd.s32 v4, v1;
	_ =	sdelay $0x1  }
0x460: {  	v3 =	vperm.xlane v0, v25;
	v2 =	vadd.s32 v4, v45;
	_ =	sdelay $0x1  }
0x461: {  	s7 =	simm.s32 $0xB080;
	v22 =	vperm.xlane v0, v6;
	v3 =	vadd.s32 v4, v3  }
0x462: {  	[tilespmem:s7], [sflag:$0x3] =	stream.indirect_vreg.gather [hbm4b:s2+s21], $0x80, v1, vm0, $0xb8;
	[tilespmem:$0x10100] =	vst v63  }
0x463: {  	s8 =	simm.s32 $0xB100;
	v46 =	vadd.s32 v4, v22;
	v22 =	vperm.xlane v0, v7  }
0x464: {  	[tilespmem:s8], [sflag:$0x3] =	stream.indirect_vreg.gather [hbm4b:s2+s21], $0x80, v2, vm0, $0xb8;
	[tilespmem:$0x10100] =	vst v63  }
0x465: {  	s13 =	simm.s32 $0xB180;
	v47 =	vadd.s32 v4, v22;
	v22 =	vperm.xlane v0, v8  }
0x466: {  	[tilespmem:s13], [sflag:$0x3] =	stream.indirect_vreg.gather [hbm4b:s2+s21], $0x80, v3, vm0, $0xb8;
	[tilespmem:$0x10100] =	vst v63  }
0x467: {  	s22 =	simm.s32 $0xB200;
	v3 =	vadd.s32 v4, v22;
	v22 =	vperm.xlane v0, v9  }
0x468: {  	[tilespmem:s22], [sflag:$0x3] =	stream.indirect_vreg.gather [hbm4b:s2+s21], $0x80, v46, vm0, $0xb8;
	[tilespmem:$0x10100] =	vst v63  }
0x469: {  	s7 =	simm.s32 $0xB280;
	v48 =	vadd.s32 v4, v22;
	v22 =	vperm.xlane v0, v5  }
0x46a: {  	[tilespmem:s7], [sflag:$0x3] =	stream.indirect_vreg.gather [hbm4b:s2+s21], $0x80, v47, vm0, $0xb8;
	[tilespmem:$0x10100] =	vst v63  }
0x46b: {  	s8 =	simm.s32 $0xB300;
	v49 =	vadd.s32 v4, v22;
	v22 =	vperm.xlane v0, v13  }
0x46c: {  	[tilespmem:s8], [sflag:$0x3] =	stream.indirect_vreg.gather [hbm4b:s2+s21], $0x80, v3, vm0, $0xb8;
	[tilespmem:$0x10100] =	vst v63  }
0x46d: {  	s13 =	simm.s32 $0xB380;
	v3 =	vadd.s32 v4, v22;
	v22 =	vperm.xlane v0, v10  }
0x46e: {  	[tilespmem:s13], [sflag:$0x3] =	stream.indirect_vreg.gather [hbm4b:s2+s21], $0x80, v48, vm0, $0xb8;
	[tilespmem:$0x10100] =	vst v63  }
0x46f: {  	s22 =	simm.s32 $0xB400;
	v50 =	vadd.s32 v4, v22;
	v22 =	vperm.xlane v0, v11  }
0x470: {  	[tilespmem:s22], [sflag:$0x3] =	stream.indirect_vreg.gather [hbm4b:s2+s21], $0x80, v49, vm0, $0xb8;
	[tilespmem:$0x10100] =	vst v63  }
0x471: {  	s7 =	simm.s32 $0xB480;
	v51 =	vadd.s32 v4, v22;
	v22 =	vperm.xlane v0, v12  }
0x472: {  	[tilespmem:s7], [sflag:$0x3] =	stream.indirect_vreg.gather [hbm4b:s2+s21], $0x80, v3, vm0, $0xb8;
	[tilespmem:$0x10100] =	vst v63  }
0x473: {  	s8 =	simm.s32 $0xB500;
	v3 =	vadd.s32 v4, v22;
	v22 =	vperm.xlane v0, v14  }
0x474: {  	[tilespmem:s8], [sflag:$0x3] =	stream.indirect_vreg.gather [hbm4b:s2+s21], $0x80, v50, vm0, $0xb8;
	[tilespmem:$0x10100] =	vst v63  }
0x475: {  	s13 =	simm.s32 $0xB580;
	v52 =	vadd.s32 v4, v22;
	v22 =	vperm.xlane v0, v15  }
0x476: {  	[tilespmem:s13], [sflag:$0x3] =	stream.indirect_vreg.gather [hbm4b:s2+s21], $0x80, v51, vm0, $0xb8;
	[tilespmem:$0x10100] =	vst v63  }
0x477: {  	s22 =	simm.s32 $0xB600;
	v53 =	vadd.s32 v4, v22;
	v22 =	vperm.xlane v0, v16  }
0x478: {  	[tilespmem:s22], [sflag:$0x3] =	stream.indirect_vreg.gather [hbm4b:s2+s21], $0x80, v3, vm0, $0xb8;
	[tilespmem:$0x10100] =	vst v63  }
0x479: {  	s7 =	simm.s32 $0xB680;
	v0 =	vperm.xlane v0, v17;
	v3 =	vadd.s32 v4, v22  }
0x47a: {  	[tilespmem:s7], [sflag:$0x3] =	stream.indirect_vreg.gather [hbm4b:s2+s21], $0x80, v52, vm0, $0xb8;
	[tilespmem:$0x10100] =	vst v63  }
0x47b: {  	s8 =	simm.s32 $0xB700;
	v0 =	vadd.s32 v4, v0  }
0x47c: {  	[tilespmem:s8], [sflag:$0x3] =	stream.indirect_vreg.gather [hbm4b:s2+s21], $0x80, v53, vm0, $0xb8;
	[tilespmem:$0x10100] =	vst v63  }
0x47d: {  	s13 =	simm.s32 $0xB780  }
0x47e: {  	[tilespmem:s13], [sflag:$0x3] =	stream.indirect_vreg.gather [hbm4b:s2+s21], $0x80, v3, vm0, $0xb8;
	[tilespmem:$0x10100] =	vst v63  }
0x47f: {  	s22 =	simm.s32 $0xB800  }
0x480: {  	[tilespmem:s22], [sflag:$0x3] =	stream.indirect_vreg.gather [hbm4b:s2+s21], $0x80, v0, vm0, $0xb8;
	[tilespmem:$0x10100] =	vst v63  }
0x481: {  	v0 =	vld [tilespmem:$0x70];
	_ =	sdelay $0x4  }
0x482: {  	v54 =	vshll.u32 v0, $0x3  }
0x483: {  	v0 =	vand.u32 $0x7, v0;
	v1 =	vand.u32 $0xFFFFFFC0, v54  }
0x484: {  	v0 =	vor.u32 v0, v1  }
0x485: {  	v1 =	vperm.xlane v0, v23;
	_ =	sdelay $0x1  }
0x486: {  	v55 =	vperm.xlane v0, v24;
	v1 =	vadd.s32 v4, v1;
	_ =	sdelay $0x1  }
0x487: {  	v3 =	vperm.xlane v0, v25;
	v2 =	vadd.s32 v4, v55;
	_ =	sdelay $0x1  }
0x488: {  	s7 =	simm.s32 $0xB880;
	v22 =	vperm.xlane v0, v6;
	v3 =	vadd.s32 v4, v3  }
0x489: {  	[tilespmem:s7], [sflag:$0x3] =	stream.indirect_vreg.gather [hbm4b:s2+s21], $0x80, v1, vm0, $0xb8;
	[tilespmem:$0x10100] =	vst v63  }
0x48a: {  	s8 =	simm.s32 $0xB900;
	v56 =	vadd.s32 v4, v22;
	v22 =	vperm.xlane v0, v7  }
0x48b: {  	[tilespmem:s8], [sflag:$0x3] =	stream.indirect_vreg.gather [hbm4b:s2+s21], $0x80, v2, vm0, $0xb8;
	[tilespmem:$0x10100] =	vst v63  }
0x48c: {  	s13 =	simm.s32 $0xB980;
	v57 =	vadd.s32 v4, v22;
	v22 =	vperm.xlane v0, v8  }
0x48d: {  	[tilespmem:s13], [sflag:$0x3] =	stream.indirect_vreg.gather [hbm4b:s2+s21], $0x80, v3, vm0, $0xb8;
	[tilespmem:$0x10100] =	vst v63  }
0x48e: {  	s22 =	simm.s32 $0xBA00;
	v3 =	vadd.s32 v4, v22;
	v22 =	vperm.xlane v0, v9  }
0x48f: {  	[tilespmem:s22], [sflag:$0x3] =	stream.indirect_vreg.gather [hbm4b:s2+s21], $0x80, v56, vm0, $0xb8;
	[tilespmem:$0x10100] =	vst v63  }
0x490: {  	s7 =	simm.s32 $0xBA80;
	v58 =	vadd.s32 v4, v22;
	v22 =	vperm.xlane v0, v5  }
0x491: {  	[tilespmem:s7], [sflag:$0x3] =	stream.indirect_vreg.gather [hbm4b:s2+s21], $0x80, v57, vm0, $0xb8;
	[tilespmem:$0x10100] =	vst v63  }
0x492: {  	s8 =	simm.s32 $0xBB00;
	v59 =	vadd.s32 v4, v22;
	v22 =	vperm.xlane v0, v13  }
0x493: {  	[tilespmem:s8], [sflag:$0x3] =	stream.indirect_vreg.gather [hbm4b:s2+s21], $0x80, v3, vm0, $0xb8;
	[tilespmem:$0x10100] =	vst v63  }
0x494: {  	s13 =	simm.s32 $0xBB80;
	v3 =	vadd.s32 v4, v22;
	v22 =	vperm.xlane v0, v10  }
0x495: {  	[tilespmem:s13], [sflag:$0x3] =	stream.indirect_vreg.gather [hbm4b:s2+s21], $0x80, v58, vm0, $0xb8;
	[tilespmem:$0x10100] =	vst v63  }
0x496: {  	s22 =	simm.s32 $0xBC00;
	v60 =	vadd.s32 v4, v22;
	v22 =	vperm.xlane v0, v11  }
0x497: {  	[tilespmem:s22], [sflag:$0x3] =	stream.indirect_vreg.gather [hbm4b:s2+s21], $0x80, v59, vm0, $0xb8;
	[tilespmem:$0x10100] =	vst v63  }
0x498: {  	s7 =	simm.s32 $0xBC80;
	v61 =	vadd.s32 v4, v22;
	v22 =	vperm.xlane v0, v12  }
0x499: {  	[tilespmem:s7], [sflag:$0x3] =	stream.indirect_vreg.gather [hbm4b:s2+s21], $0x80, v3, vm0, $0xb8;
	[tilespmem:$0x10100] =	vst v63  }
0x49a: {  	s8 =	simm.s32 $0xBD00;
	v3 =	vadd.s32 v4, v22;
	v22 =	vperm.xlane v0, v14  }
0x49b: {  	[tilespmem:s8], [sflag:$0x3] =	stream.indirect_vreg.gather [hbm4b:s2+s21], $0x80, v60, vm0, $0xb8;
	[tilespmem:$0x10100] =	vst v63  }
0x49c: {  	s13 =	simm.s32 $0xBD80;
	v62 =	vadd.s32 v4, v22;
	v22 =	vperm.xlane v0, v15  }
0x49d: {  	[tilespmem:s13], [sflag:$0x3] =	stream.indirect_vreg.gather [hbm4b:s2+s21], $0x80, v61, vm0, $0xb8;
	[tilespmem:$0x10100] =	vst v63  }
0x49e: {  	s22 =	simm.s32 $0xBE00;
	v63 =	vadd.s32 v4, v22;
	v22 =	vperm.xlane v0, v16  }
0x49f: {  	[tilespmem:s22], [sflag:$0x3] =	stream.indirect_vreg.gather [hbm4b:s2+s21], $0x80, v3, vm0, $0xb8;
	[tilespmem:$0x10100] =	vst v63  }
0x4a0: {  	s7 =	simm.s32 $0xBE80;
	v0 =	vperm.xlane v0, v17;
	v3 =	vadd.s32 v4, v22  }
0x4a1: {  	[tilespmem:s7], [sflag:$0x3] =	stream.indirect_vreg.gather [hbm4b:s2+s21], $0x80, v62, vm0, $0xb8;
	[tilespmem:$0x10100] =	vst v63  }
0x4a2: {  	s8 =	simm.s32 $0xBF00;
	v0 =	vadd.s32 v4, v0  }
0x4a3: {  	[tilespmem:s8], [sflag:$0x3] =	stream.indirect_vreg.gather [hbm4b:s2+s21], $0x80, v63, vm0, $0xb8;
	[tilespmem:$0x10100] =	vst v63  }
0x4a4: {  	s13 =	simm.s32 $0xBF80  }
0x4a5: {  	[tilespmem:s13], [sflag:$0x3] =	stream.indirect_vreg.gather [hbm4b:s2+s21], $0x80, v3, vm0, $0xb8;
	[tilespmem:$0x10100] =	vst v63  }
0x4a6: {  	s22 =	simm.s32 $0xC000  }
0x4a7: {  	[tilespmem:s22], [sflag:$0x3] =	stream.indirect_vreg.gather [hbm4b:s2+s21], $0x80, v0, vm0, $0xb8;
	[tilespmem:$0x10100] =	vst v63  }
0x4a8: {  	_ =	swait.ge [sflag:s10], $0x4000  }
0x4a9: {  	[sflag:s10] =	ssyncset.done $0x0  }
0x4aa: {  	[sflag:s10] =	ssyncadd.s32 $0xFFFFC000  }
0x4ab: {  	_ =	swait.ge [sflag:s31], $0x4000  }
0x4ac: {  	[sflag:s31] =	ssyncset.done $0x0  }
0x4ad: {  	s2 =	simm.s32 $0xC080;
	[sflag:s31] =	ssyncadd.s32 $0xFFFFC000  }
.LBB2_7:
0x4ae: {  	v0 =	vld [tilespmem:s2+$0x0]  }
0x4af: {  	v1 =	vld [tilespmem:s2+$0x80]  }
0x4b0: {  	v2 =	vld [tilespmem:s2+$0x100]  }
0x4b1: {  	v3 =	vld [tilespmem:s2+$0x200]  }
0x4b2: {  	v23 =	vld [tilespmem:s2+$0x400]  }
0x4b3: {  	v24 =	vld [tilespmem:s2+$0x180]  }
0x4b4: {  	v25 =	vld [tilespmem:s2+$0x280]  }
0x4b5: {  	v44 =	vld [tilespmem:s2+$0x300]  }
0x4b6: {  	v26 =	vld [tilespmem:s2+$0x480]  }
0x4b7: {  	v49 =	vld [tilespmem:s2+$0x500]  }
0x4b8: {  	v27 =	vld [tilespmem:s2+$0x600]  }
0x4b9: {  	v38 =	vld [tilespmem:s2+$0x380]  }
0x4ba: {  	v40 =	vld [tilespmem:s2+$0x580]  }
0x4bb: {  	v43 =	vld [tilespmem:s2+$0x680];
	v30 =	vperm.xlane v0, v18;
	v31 =	vperm.xlane v1, v18  }
0x4bc: {  	v28 =	vld [tilespmem:s2+$0x700];
	v32 =	vperm.xlane v2, v18;
	v39 =	vperm.xlane v3, v18  }
0x4bd: {  	v29 =	vld [tilespmem:s2+$0x780];
	v41 =	vperm.xlane v23, v18;
	v42 =	vperm.xlane v24, v18  }
0x4be: {  	v45 =	vperm.xlane v25, v18;
	v46 =	vperm.xlane v44, v18  }
0x4bf: {  	v47 =	vperm.xlane v26, v18;
	v48 =	vperm.xlane v49, v18  }
0x4c0: {  	v50 =	vperm.xlane v27, v18;
	v51 =	vperm.xlane v38, v18  }
0x4c1: {  	v22 =	vmov s0;
	v52 =	vperm.xlane v40, v18;
	v37 =	vperm.xlane v43, v18  }
0x4c2: {  	v34 =	vperm.xlane v28, v18;
	v35 =	vperm.xlane v29, v18;
	v33 =	vsel vm1, v30, v1  }
0x4c3: {  	v30 =	vsel vm1, v0, v31;
	v36 =	vsel vm1, v32, v24;
	v32 =	vsel vm1, v39, v25  }
0x4c4: {  	v31 =	vsel vm1, v41, v26;
	v39 =	vsel vm1, v2, v42;
	v24 =	vsel vm1, v3, v45  }
0x4c5: {  	v38 =	vsel vm1, v46, v38;
	v25 =	vsel vm1, v23, v47;
	v41 =	vperm.xlane v33, v19  }
0x4c6: {  	v40 =	vsel vm1, v48, v40;
	v45 =	vperm.xlane v30, v19;
	v42 =	vperm.xlane v32, v19  }
0x4c7: {  	v26 =	vsel vm1, v50, v43;
	v46 =	vperm.xlane v36, v19;
	v43 =	vperm.xlane v31, v19  }
0x4c8: {  	s13 =	sshll.u32 s21, $0x4;
	v44 =	vsel vm1, v44, v51;
	v47 =	vperm.xlane v24, v19;
	v48 =	vperm.xlane v25, v19  }
0x4c9: {  	s22 =	simm.s32 $0x2000;
	s5 =	simm.s32 $0x0;
	s7 =	smov.u32 s2;
	v23 =	vld [tilespmem:s13+$0x10080];
	v50 =	vsel vm1, v49, v52;
	v49 =	vperm.xlane v39, v19;
	v51 =	vperm.xlane v26, v19  }
.LBB2_8:
0x4ca: {  	p0 =	sne.s32 s22, $0xE000;
	v0 =	vsel vm1, v27, v37;
	v1 =	vperm.xlane v38, v19;
	v2 =	vperm.xlane v40, v19  }
0x4cb: {  	v3 =	vsel vm1, v34, v29;
	v27 =	vperm.xlane v44, v19;
	v29 =	vperm.xlane v0, v19  }
0x4cc: {  	v28 =	vsel vm1, v28, v35;
	v34 =	vperm.xlane v50, v19;
	v35 =	vperm.xlane v3, v19  }
0x4cd: {  	v37 =	vsel vm2, v45, v39;
	v36 =	vsel vm2, v41, v36;
	v39 =	vperm.xlane v28, v19  }
0x4ce: {  	v33 =	vsel vm2, v33, v46;
	v38 =	vsel vm2, v42, v38;
	v40 =	vsel vm2, v43, v40  }
0x4cf: {  	v41 =	vsel vm2, v47, v44;
	v42 =	vsel vm2, v48, v50;
	v3 =	vsel vm2, v51, v3  }
0x4d0: {  	v30 =	vsel vm2, v30, v49;
	v1 =	vsel vm2, v32, v1;
	v32 =	vperm.xlane v36, v20  }
0x4d1: {  	v43 =	vperm.xlane v40, v20;
	v2 =	vsel vm2, v31, v2;
	v31 =	vperm.xlane v37, v20  }
0x4d2: {  	s8 =	sshra.s32 s5, $0x2;
	s5 =	smov.u32 s22;
	v44 =	vperm.xlane v33, v20;
	v45 =	vperm.xlane v42, v20;
	v27 =	vsel vm2, v24, v27  }
0x4d3: {  	v0 =	vsel vm2, v0, v39;
	v39 =	vperm.xlane v30, v20;
	v46 =	vperm.xlane v2, v20;
	v24 =	vld.idx.msk [tilespmem:v22+s8+$0x4780 ss:$0x1], $0xffff  }
0x4d4: {  	v47 =	vperm.xlane v38, v20;
	v34 =	vsel vm2, v25, v34;
	v48 =	vperm.xlane v0, v20;
	v49 =	vld.idx.msk [tilespmem:v22+s8+$0x4000 ss:$0x1], $0xffff  }
0x4d5: {  	v50 =	vperm.xlane v41, v20;
	v35 =	vsel vm2, v26, v35;
	v51 =	vperm.xlane v34, v20;
	v25 =	vld.idx.msk [tilespmem:v22+s8+$0x4700 ss:$0x1], $0xffff  }
0x4d6: {  	v52 =	vperm.xlane v27, v20;
	v34 =	vsel vm3, v34, v48;
	v48 =	vperm.xlane v35, v20;
	v53 =	vld.idx.msk [tilespmem:v22+s8+$0x4080 ss:$0x1], $0xffff  }
0x4d7: {  	v28 =	vsel vm2, v29, v28;
	v29 =	vperm.xlane v1, v20;
	v54 =	vperm.xlane v34, v21;
	v26 =	vld.idx.msk [tilespmem:v22+s8+$0x4680 ss:$0x1], $0xffff  }
0x4d8: {  	v30 =	vsel vm3, v30, v52;
	v2 =	vsel vm3, v2, v48;
	v48 =	vperm.xlane v28, v20;
	v52 =	vld.idx.msk [tilespmem:v22+s8+$0x4100 ss:$0x1], $0xffff  }
0x4d9: {  	v55 =	vperm.xlane v3, v20;
	v54 =	vsel vm4, v30, v54;
	v56 =	vperm.xlane v2, v21;
	v57 =	vld.idx.msk [tilespmem:v22+s8+$0x4600 ss:$0x1], $0xffff  }
0x4da: {  	v29 =	vsel vm3, v33, v29;
	v33 =	vsel vm3, v42, v48;
	v42 =	vmul.f32 v49, v54;
	v48 =	vld.idx.msk [tilespmem:v22+s8+$0x4180 ss:$0x1], $0xffff  }
0x4db: {  	v37 =	vsel vm3, v37, v50;
	v50 =	vperm.xlane v33, v21;
	v49 =	vsel vm4, v29, v56;
	v54 =	vld.idx.msk [tilespmem:v22+s8+$0x4580 ss:$0x1], $0xffff  }
0x4dc: {  	v40 =	vsel vm3, v40, v55;
	v23 =	vadd.f32 v42, v23;
	v42 =	vmul.f32 v53, v49;
	v49 =	vld.idx.msk [tilespmem:v22+s8+$0x4200 ss:$0x1], $0xffff  }
0x4dd: {  	v36 =	vsel vm3, v36, v47;
	v47 =	vsel vm4, v37, v50;
	v50 =	vperm.xlane v40, v21;
	v53 =	vld.idx.msk [tilespmem:v22+s8+$0x4500 ss:$0x1], $0xffff  }
0x4de: {  	v0 =	vsel vm3, v51, v0;
	v23 =	vadd.f32 v42, v23;
	v42 =	vmul.f32 v52, v47;
	v47 =	vld.idx.msk [tilespmem:v22+s8+$0x4280 ss:$0x1], $0xffff  }
0x4df: {  	v39 =	vsel vm3, v39, v27;
	v27 =	vsel vm4, v36, v50;
	v50 =	vperm.xlane v0, v21;
	v51 =	vld.idx.msk [tilespmem:v22+s8+$0x4480 ss:$0x1], $0xffff  }
0x4e0: {  	v35 =	vsel vm3, v46, v35;
	v23 =	vadd.f32 v42, v23;
	v27 =	vmul.f32 v48, v27;
	v42 =	vld.idx.msk [tilespmem:v22+s8+$0x4300 ss:$0x1], $0xffff  }
0x4e1: {  	v1 =	vsel vm3, v44, v1;
	v46 =	vperm.xlane v35, v21;
	v44 =	vsel vm4, v39, v50;
	v48 =	vld.idx.msk [tilespmem:v22+s8+$0x4400 ss:$0x1], $0xffff  }
0x4e2: {  	s7 =	sadd.s32 $0x10, s7;
	v45 =	vsel vm3, v45, v28;
	v23 =	vadd.f32 v27, v23;
	v27 =	vmul.f32 v49, v44;
	v28 =	vld.idx.msk [tilespmem:v22+s8+$0x4380 ss:$0x1], $0xffff  }
0x4e3: {  	v31 =	vsel vm3, v31, v41;
	v41 =	vsel vm4, v1, v46;
	v46 =	vperm.xlane v45, v21;
	v44 =	vld [tilespmem:s7+$0x0]  }
0x4e4: {  	v3 =	vsel vm3, v43, v3;
	v23 =	vadd.f32 v27, v23;
	v27 =	vmul.f32 v47, v41;
	v49 =	vld [tilespmem:s7+$0x80]  }
0x4e5: {  	v43 =	vsel vm4, v31, v46;
	v46 =	vperm.xlane v3, v21;
	v41 =	vld [tilespmem:s7+$0x100]  }
0x4e6: {  	v32 =	vsel vm3, v32, v38;
	v23 =	vadd.f32 v27, v23;
	v27 =	vmul.f32 v42, v43;
	v47 =	vld [tilespmem:s7+$0x200]  }
0x4e7: {  	v30 =	vperm.xlane v30, v21;
	v38 =	vsel vm4, v32, v46;
	v42 =	vld [tilespmem:s7+$0x400]  }
0x4e8: {  	v23 =	vadd.f32 v27, v23;
	v27 =	vmul.f32 v28, v38;
	v43 =	vld [tilespmem:s7+$0x180];
	v46 =	vperm.xlane v44, v18  }
0x4e9: {  	v29 =	vperm.xlane v29, v21;
	v28 =	vsel vm4, v30, v34;
	v38 =	vld [tilespmem:s7+$0x280];
	v50 =	vperm.xlane v49, v18  }
0x4ea: {  	v23 =	vadd.f32 v27, v23;
	v27 =	vmul.f32 v48, v28;
	v52 =	vld [tilespmem:s7+$0x300];
	v55 =	vperm.xlane v41, v18  }
0x4eb: {  	v2 =	vsel vm4, v29, v2;
	v28 =	vperm.xlane v37, v21;
	v48 =	vld [tilespmem:s7+$0x480];
	v56 =	vperm.xlane v47, v18  }
0x4ec: {  	v2 =	vmul.f32 v51, v2;
	v23 =	vadd.f32 v27, v23;
	v58 =	vld [tilespmem:s7+$0x500];
	v59 =	vperm.xlane v42, v18  }
0x4ed: {  	v29 =	vperm.xlane v36, v21;
	v28 =	vsel vm4, v28, v33;
	v27 =	vld [tilespmem:s7+$0x600];
	v51 =	vperm.xlane v43, v18  }
0x4ee: {  	v2 =	vadd.f32 v2, v23;
	v23 =	vmul.f32 v53, v28;
	v60 =	vld [tilespmem:s7+$0x380];
	v61 =	vperm.xlane v38, v18  }
0x4ef: {  	v28 =	vsel vm4, v29, v40;
	v29 =	vperm.xlane v39, v21;
	v53 =	vld [tilespmem:s7+$0x580];
	v62 =	vperm.xlane v52, v18  }
0x4f0: {  	v2 =	vadd.f32 v23, v2;
	v23 =	vmul.f32 v54, v28;
	v63 =	vld [tilespmem:s7+$0x680];
	v40 =	vperm.xlane v48, v18  }
0x4f1: {  	v1 =	vperm.xlane v1, v21;
	v0 =	vsel vm4, v29, v0;
	v28 =	vld [tilespmem:s7+$0x700];
	v54 =	vperm.xlane v58, v18  }
0x4f2: {  	v0 =	vmul.f32 v57, v0;
	v2 =	vadd.f32 v23, v2;
	v29 =	vld [tilespmem:s7+$0x780];
	v5 =	vperm.xlane v27, v18  }
0x4f3: {  	v1 =	vsel vm4, v1, v35;
	v23 =	vperm.xlane v31, v21;
	v57 =	vperm.xlane v60, v18  }
0x4f4: {  	v1 =	vmul.f32 v26, v1;
	v0 =	vadd.f32 v0, v2;
	v6 =	vperm.xlane v53, v18  }
0x4f5: {  	v2 =	vsel vm4, v23, v45;
	v23 =	vperm.xlane v32, v21;
	v37 =	vperm.xlane v63, v18  }
0x4f6: {  	v0 =	vadd.f32 v1, v0;
	v1 =	vmul.f32 v25, v2;
	v34 =	vperm.xlane v28, v18  }
0x4f7: {  	v33 =	vsel vm1, v46, v49;
	v2 =	vsel vm4, v23, v3;
	v35 =	vperm.xlane v29, v18  }
0x4f8: {  	v30 =	vsel vm1, v44, v50;
	v0 =	vadd.f32 v1, v0;
	v1 =	vmul.f32 v24, v2  }
0x4f9: {  	v36 =	vsel vm1, v55, v43;
	v31 =	vsel vm1, v59, v48;
	v32 =	vsel vm1, v56, v38  }
0x4fa: {  	v39 =	vsel vm1, v41, v51;
	v24 =	vsel vm1, v47, v61;
	v23 =	vadd.f32 v1, v0  }
.Ltmp2:
0x4fb: {  	v41 =	vperm.xlane v33, v19;
	v38 =	vsel vm1, v62, v60;
	v25 =	vsel vm1, v42, v40;
	(pc) =	sbr.rel @p0 .LBB2_8-.Ltmp2, $4  }
0x4fc: {  	v45 =	vperm.xlane v30, v19;
	v40 =	vsel vm1, v54, v53;
	v42 =	vperm.xlane v32, v19  }
0x4fd: {  	v46 =	vperm.xlane v36, v19;
	v43 =	vperm.xlane v31, v19;
	v26 =	vsel vm1, v5, v63  }
0x4fe: {  	v44 =	vsel vm1, v52, v57;
	v48 =	vperm.xlane v25, v19;
	v47 =	vperm.xlane v24, v19  }
0x4ff: {  	s22 =	sadd.s32 $0x2000, s22;
	v49 =	vperm.xlane v39, v19;
	v50 =	vsel vm1, v58, v6;
	v51 =	vperm.xlane v26, v19  }
0x500: {  	v0 =	vsel vm1, v27, v37;
	v1 =	vperm.xlane v38, v19;
	v2 =	vperm.xlane v40, v19  }
0x501: {  	v3 =	vsel vm1, v34, v29;
	v5 =	vperm.xlane v44, v19;
	v59 =	vsel vm1, v28, v35  }
0x502: {  	v60 =	vperm.xlane v50, v19;
	v34 =	vsel vm2, v45, v39;
	v35 =	vsel vm2, v41, v36  }
0x503: {  	v33 =	vsel vm2, v33, v46;
	v37 =	vsel vm2, v42, v38;
	v38 =	vsel vm2, v43, v40  }
0x504: {  	v39 =	vsel vm2, v47, v44;
	v40 =	vsel vm2, v48, v50;
	v6 =	vperm.xlane v0, v19  }
0x505: {  	v29 =	vperm.xlane v3, v19;
	v61 =	vperm.xlane v59, v19;
	v3 =	vsel vm2, v51, v3  }
0x506: {  	v30 =	vsel vm2, v30, v49;
	v41 =	vperm.xlane v38, v20;
	v42 =	vperm.xlane v40, v20  }
0x507: {  	v28 =	vperm.xlane v37, v20;
	v1 =	vsel vm2, v32, v1;
	v32 =	vperm.xlane v35, v20  }
0x508: {  	v2 =	vsel vm2, v31, v2;
	v31 =	vperm.xlane v34, v20;
	v5 =	vsel vm2, v24, v5  }
0x509: {  	v24 =	vperm.xlane v33, v20;
	v36 =	vperm.xlane v30, v20;
	v0 =	vsel vm2, v0, v61  }
0x50a: {  	s5 =	sshra.s32 s5, $0x2;
	v25 =	vsel vm2, v25, v60;
	v43 =	vperm.xlane v2, v20;
	v62 =	vperm.xlane v0, v20  }
0x50b: {  	v63 =	vld.idx.msk [tilespmem:v22+s5+$0x4000 ss:$0x1], $0xffff;
	v26 =	vsel vm2, v26, v29;
	v29 =	vperm.xlane v39, v20;
	v46 =	vperm.xlane v25, v20  }
0x50c: {  	v54 =	vperm.xlane v5, v20;
	v55 =	vperm.xlane v26, v20;
	v25 =	vsel vm3, v25, v62  }
0x50d: {  	v56 =	vld.idx.msk [tilespmem:v22+s5+$0x4080 ss:$0x1], $0xffff;
	v6 =	vsel vm2, v6, v59;
	v57 =	vperm.xlane v1, v20;
	v58 =	vperm.xlane v25, v21  }
0x50e: {  	v59 =	vperm.xlane v6, v20;
	v30 =	vsel vm3, v30, v54;
	v2 =	vsel vm3, v2, v55  }
0x50f: {  	v60 =	vld.idx.msk [tilespmem:v22+s5+$0x4100 ss:$0x1], $0xffff;
	v61 =	vperm.xlane v3, v20;
	v62 =	vperm.xlane v2, v21;
	v49 =	vsel vm4, v30, v58  }
0x510: {  	v27 =	vsel vm3, v33, v57;
	v33 =	vsel vm3, v40, v59;
	v63 =	vmul.f32 v63, v49  }
0x511: {  	v29 =	vsel vm3, v34, v29;
	v52 =	vperm.xlane v33, v21;
	v51 =	vsel vm4, v27, v62;
	v49 =	vld.idx.msk [tilespmem:v22+s5+$0x4180 ss:$0x1], $0xffff  }
0x512: {  	v38 =	vsel vm3, v38, v61;
	v34 =	vmul.f32 v56, v51;
	v23 =	vadd.f32 v63, v23  }
0x513: {  	v53 =	vld.idx.msk [tilespmem:v22+s5+$0x4200 ss:$0x1], $0xffff;
	v28 =	vsel vm3, v35, v28;
	v55 =	vperm.xlane v38, v21;
	v54 =	vsel vm4, v29, v52  }
0x514: {  	v0 =	vsel vm3, v46, v0;
	v56 =	vmul.f32 v60, v54;
	v23 =	vadd.f32 v34, v23  }
0x515: {  	v5 =	vsel vm3, v36, v5;
	v57 =	vld.idx.msk [tilespmem:v22+s5+$0x4280 ss:$0x1], $0xffff;
	v59 =	vperm.xlane v0, v21;
	v58 =	vsel vm4, v28, v55  }
0x516: {  	v26 =	vsel vm3, v43, v26;
	v60 =	vmul.f32 v49, v58;
	v23 =	vadd.f32 v56, v23  }
0x517: {  	v1 =	vsel vm3, v24, v1;
	v61 =	vld.idx.msk [tilespmem:v22+s5+$0x4300 ss:$0x1], $0xffff;
	v43 =	vperm.xlane v26, v21;
	v62 =	vsel vm4, v5, v59  }
0x518: {  	v6 =	vsel vm3, v42, v6;
	v24 =	vmul.f32 v53, v62;
	v23 =	vadd.f32 v60, v23  }
0x519: {  	v3 =	vsel vm3, v41, v3;
	v45 =	vperm.xlane v6, v21;
	v44 =	vsel vm4, v1, v43;
	v63 =	vld.idx.msk [tilespmem:v22+s5+$0x4380 ss:$0x1], $0xffff  }
0x51a: {  	v31 =	vsel vm3, v31, v39;
	v46 =	vmul.f32 v57, v44;
	v23 =	vadd.f32 v24, v23  }
0x51b: {  	v47 =	vld.idx.msk [tilespmem:v22+s5+$0x4400 ss:$0x1], $0xffff;
	v48 =	vsel vm4, v31, v45;
	v49 =	vperm.xlane v3, v21  }
0x51c: {  	v32 =	vsel vm3, v32, v37;
	v50 =	vmul.f32 v61, v48;
	v23 =	vadd.f32 v46, v23  }
0x51d: {  	v30 =	vperm.xlane v30, v21;
	v51 =	vld.idx.msk [tilespmem:v22+s5+$0x4480 ss:$0x1], $0xffff;
	v37 =	vsel vm4, v32, v49  }
0x51e: {  	v52 =	vmul.f32 v63, v37;
	v23 =	vadd.f32 v50, v23  }
0x51f: {  	v27 =	vperm.xlane v27, v21;
	v53 =	vld.idx.msk [tilespmem:v22+s5+$0x4500 ss:$0x1], $0xffff;
	v25 =	vsel vm4, v30, v25  }
0x520: {  	v54 =	vmul.f32 v47, v25;
	v23 =	vadd.f32 v52, v23  }
0x521: {  	v55 =	vld.idx.msk [tilespmem:v22+s5+$0x4580 ss:$0x1], $0xffff;
	v2 =	vsel vm4, v27, v2;
	v56 =	vperm.xlane v29, v21  }
0x522: {  	v2 =	vmul.f32 v51, v2;
	v23 =	vadd.f32 v54, v23  }
0x523: {  	v28 =	vperm.xlane v28, v21;
	v57 =	vld.idx.msk [tilespmem:v22+s5+$0x4600 ss:$0x1], $0xffff;
	v27 =	vsel vm4, v56, v33  }
0x524: {  	v2 =	vadd.f32 v2, v23;
	v23 =	vmul.f32 v53, v27  }
0x525: {  	v5 =	vperm.xlane v5, v21;
	v28 =	vsel vm4, v28, v38;
	v58 =	vld.idx.msk [tilespmem:v22+s5+$0x4680 ss:$0x1], $0xffff  }
0x526: {  	v2 =	vadd.f32 v23, v2;
	v23 =	vmul.f32 v55, v28  }
0x527: {  	v1 =	vperm.xlane v1, v21;
	v59 =	vld.idx.msk [tilespmem:v22+s5+$0x4700 ss:$0x1], $0xffff;
	v0 =	vsel vm4, v5, v0  }
0x528: {  	v0 =	vmul.f32 v57, v0;
	v2 =	vadd.f32 v23, v2  }
0x529: {  	v1 =	vsel vm4, v1, v26;
	v5 =	vld.idx.msk [tilespmem:v22+s5+$0x4780 ss:$0x1], $0xffff;
	v22 =	vperm.xlane v31, v21  }
0x52a: {  	v1 =	vmul.f32 v58, v1;
	v0 =	vadd.f32 v0, v2  }
0x52b: {  	v60 =	vsel vm4, v22, v6;
	v6 =	vperm.xlane v32, v21  }
0x52c: {  	s21 =	sadd.s32 $0x1, s21;
	v61 =	vmul.f32 v59, v60;
	v0 =	vadd.f32 v1, v0  }
0x52d: {  	p0 =	sne.s32 s21, $0x8;
	v62 =	vsel vm4, v6, v3  }
.Ltmp3:
0x52e: {  	v63 =	vmul.f32 v5, v62;
	v0 =	vadd.f32 v61, v0;
	(pc) =	sbr.rel @p0 .LBB2_7-.Ltmp3, $3  }
0x52f: {  	_ = 	snop  }
0x530: {  	v0 =	vadd.f32 v63, v0;
	_ =	sdelay $0x1  }
0x531: {  	s0 =	sadd.s32 $0x10, s0;
	s2 =	sadd.s32 $0x800, s2;
	[tilespmem:s13+$0x10080] =	vst v0  }
0x532: {  	s20 =	sadd.s32 $0x1, s20  }
0x533: {  	p0 =	sne.s32 s20, $0x3  }
.Ltmp4:
0x534: {  	_ = 	snop;
	(pc) =	sbr.rel @p0 .LBB2_2-.Ltmp4, $1  }
0x535: {  	_ =	sdelay $0x3  }
0x536: {  	_ =	swait.ge [sflag:s14], $0x4000  }
0x537: {  	[sflag:s14] =	ssyncset.done $0x0  }
0x538: {  	[sflag:s14] =	ssyncadd.s32 $0xFFFFC000  }
0x539: {  	_ =	swait.ge [sflag:s23], $0x4000  }
0x53a: {  	s0 =	simm.s32 $0x0;
	[sflag:s23] =	ssyncset.done $0x0  }
0x53b: {  	s2 =	simm.s32 $0x8080;
	s20 =	simm.s32 $0x480;
	[sflag:s23] =	ssyncadd.s32 $0xFFFFC000  }
.LBB2_12:
0x53c: {  	v22 =	vmov s2;
	_ =	sdelay $0x3  }
0x53d: {  	s5 =	simm.s32 $0x380  }
0x53e: {  	v0 =	vld.idx.msk [tilespmem:v22+s5+$0xFFFFFC80 ss:$0x1], $0xffff  }
0x53f: {  	v1 =	vld.idx.msk [tilespmem:v22+s5+$0xFFFFFD00 ss:$0x1], $0xffff  }
0x540: {  	v2 =	vld.idx.msk [tilespmem:v22+s5+$0xFFFFFD80 ss:$0x1], $0xffff  }
0x541: {  	v3 =	vld.idx.msk [tilespmem:v22+s5+$0xFFFFFE80 ss:$0x1], $0xffff  }
0x542: {  	v5 =	vld.idx.msk [tilespmem:v22+s5+$0x80 ss:$0x1], $0xffff  }
0x543: {  	v6 =	vld.idx.msk [tilespmem:v22+s5+$0xFFFFFE00 ss:$0x1], $0xffff  }
0x544: {  	v23 =	vld.idx.msk [tilespmem:v22+s5+$0xFFFFFF00 ss:$0x1], $0xffff  }
0x545: {  	v24 =	vld.idx.msk [tilespmem:v22+s5+$0xFFFFFF80 ss:$0x1], $0xffff  }
0x546: {  	v25 =	vld.idx.msk [tilespmem:v22+s5+$0x100 ss:$0x1], $0xffff  }
0x547: {  	v26 =	vld.idx.msk [tilespmem:v22+s5+$0x180 ss:$0x1], $0xffff  }
0x548: {  	v27 =	vld.idx.msk [tilespmem:v22+s5+$0x280 ss:$0x1], $0xffff  }
0x549: {  	v28 =	vld.idx.msk [tilespmem:v22+s5+$0x0 ss:$0x1], $0xffff  }
0x54a: {  	v29 =	vld.idx.msk [tilespmem:v22+s5+$0x200 ss:$0x1], $0xffff;
	v30 =	vperm.xlane v0, v18  }
0x54b: {  	v32 =	vld.idx.msk [tilespmem:v22+s5+$0x300 ss:$0x1], $0xffff;
	v31 =	vperm.xlane v1, v18;
	v33 =	vperm.xlane v2, v18  }
0x54c: {  	v35 =	vld.idx.msk [tilespmem:v22+s5+$0x380 ss:$0x1], $0xffff;
	v34 =	vperm.xlane v3, v18;
	v36 =	vperm.xlane v5, v18  }
0x54d: {  	v38 =	vld.idx.msk [tilespmem:v22+s5+$0x400 ss:$0x1], $0xffff;
	v37 =	vperm.xlane v6, v18;
	v39 =	vperm.xlane v23, v18  }
0x54e: {  	v40 =	vperm.xlane v24, v18;
	v41 =	vperm.xlane v25, v18  }
0x54f: {  	v42 =	vperm.xlane v26, v18;
	v43 =	vperm.xlane v27, v18  }
0x550: {  	v44 =	vperm.xlane v28, v18;
	v45 =	vperm.xlane v29, v18  }
0x551: {  	v46 =	vperm.xlane v32, v18;
	v47 =	vperm.xlane v35, v18  }
0x552: {  	v1 =	vsel vm1, v30, v1;
	v30 =	vperm.xlane v38, v18;
	v0 =	vsel vm1, v0, v31  }
0x553: {  	v6 =	vsel vm1, v33, v6;
	v23 =	vsel vm1, v34, v23;
	v25 =	vsel vm1, v36, v25  }
0x554: {  	v2 =	vsel vm1, v2, v37;
	v3 =	vsel vm1, v3, v39;
	v28 =	vsel vm1, v40, v28  }
0x555: {  	v5 =	vsel vm1, v5, v41;
	v31 =	vperm.xlane v1, v19;
	v51 =	vperm.xlane v0, v19  }
0x556: {  	v29 =	vsel vm1, v42, v29;
	v34 =	vperm.xlane v23, v19;
	v52 =	vperm.xlane v6, v19  }
0x557: {  	v32 =	vsel vm1, v43, v32;
	v53 =	vperm.xlane v25, v19;
	v39 =	vperm.xlane v3, v19  }
0x558: {  	v24 =	vsel vm1, v24, v44;
	v54 =	vperm.xlane v5, v19;
	v55 =	vperm.xlane v2, v19  }
0x559: {  	v26 =	vsel vm1, v26, v45;
	v56 =	vperm.xlane v32, v19;
	v57 =	vperm.xlane v28, v19  }
0x55a: {  	v27 =	vsel vm1, v27, v46;
	v58 =	vperm.xlane v29, v19;
	v59 =	vperm.xlane v24, v19  }
0x55b: {  	v38 =	vsel vm1, v47, v38;
	v46 =	vperm.xlane v27, v19;
	v60 =	vperm.xlane v26, v19  }
0x55c: {  	v47 =	vperm.xlane v38, v19;
	v30 =	vsel vm1, v35, v30;
	v2 =	vsel vm2, v51, v2  }
0x55d: {  	v6 =	vsel vm2, v31, v6;
	v31 =	vperm.xlane v30, v19;
	v1 =	vsel vm2, v1, v52  }
0x55e: {  	v28 =	vsel vm2, v34, v28;
	v29 =	vsel vm2, v53, v29;
	v24 =	vsel vm2, v39, v24  }
0x55f: {  	v26 =	vsel vm2, v54, v26;
	v33 =	vsel vm2, v56, v38;
	v0 =	vsel vm2, v0, v55  }
0x560: {  	v34 =	vsel vm2, v23, v57;
	v36 =	vperm.xlane v6, v20;
	v37 =	vperm.xlane v2, v20  }
0x561: {  	v25 =	vsel vm2, v25, v58;
	v38 =	vperm.xlane v29, v20;
	v39 =	vperm.xlane v1, v20  }
0x562: {  	v3 =	vsel vm2, v3, v59;
	v40 =	vperm.xlane v26, v20;
	v42 =	vperm.xlane v25, v20  }
0x563: {  	v5 =	vsel vm2, v5, v60;
	v35 =	vperm.xlane v28, v20;
	v62 =	vperm.xlane v24, v20  }
0x564: {  	v32 =	vsel vm2, v32, v47;
	v45 =	vperm.xlane v5, v20;
	v49 =	vperm.xlane v3, v20  }
0x565: {  	v30 =	vsel vm2, v46, v30;
	v56 =	vperm.xlane v32, v20;
	v57 =	vperm.xlane v34, v20  }
0x566: {  	s13 =	sshll.u32 s0, $0x4;
	v63 =	vld [tilespmem:s20+$0xFFFFFC00];
	v58 =	vperm.xlane v30, v20;
	v59 =	vperm.xlane v33, v20;
	v27 =	vsel vm2, v27, v31  }
0x567: {  	v41 =	vld [tilespmem:s13+$0x10080];
	v31 =	vperm.xlane v0, v20;
	v61 =	vperm.xlane v27, v20  }
0x568: {  	v44 =	vld [tilespmem:s20+$0x0];
	v0 =	vsel vm3, v0, v49;
	v25 =	vsel vm3, v25, v56;
	v1 =	vsel vm3, v1, v57  }
0x569: {  	v51 =	vld [tilespmem:s20+$0xFFFFFC80];
	v43 =	vsel vm3, v26, v58;
	v2 =	vsel vm3, v2, v62;
	v5 =	vsel vm3, v5, v61  }
0x56a: {  	v52 =	vld [tilespmem:s20+$0x200];
	v29 =	vsel vm3, v29, v59;
	v6 =	vsel vm3, v6, v35;
	v50 =	vperm.xlane v5, v21  }
0x56b: {  	v54 =	vld [tilespmem:s20+$0xFFFFFD00];
	v45 =	vsel vm3, v45, v27;
	v32 =	vsel vm3, v42, v32;
	v40 =	vsel vm3, v40, v30  }
0x56c: {  	s22 =	simm.s32 $0x390;
	v55 =	vld [tilespmem:s20+$0x180];
	v33 =	vsel vm3, v38, v33;
	v53 =	vperm.xlane v25, v21;
	v50 =	vsel vm4, v0, v50  }
0x56d: {  	v46 =	vld.idx.msk [tilespmem:v22+s22+$0xFFFFFC80 ss:$0x1], $0xffff;
	v56 =	vperm.xlane v29, v21;
	v3 =	vsel vm3, v31, v3;
	v26 =	vmul.f32 v63, v50  }
0x56e: {  	v62 =	vld [tilespmem:s20+$0xFFFFFD80];
	v58 =	vperm.xlane v45, v21;
	v61 =	vperm.xlane v43, v21;
	v60 =	vsel vm4, v1, v53  }
0x56f: {  	v35 =	vld.idx.msk [tilespmem:v22+s22+$0xFFFFFD00 ss:$0x1], $0xffff;
	v30 =	vperm.xlane v40, v21;
	v63 =	vmul.f32 v51, v60;
	v26 =	vadd.f32 v26, v41  }
0x570: {  	v57 =	vld [tilespmem:s20+$0xFFFFFE00];
	v31 =	vsel vm4, v6, v56;
	v1 =	vperm.xlane v1, v21;
	v53 =	vsel vm4, v2, v61  }
0x571: {  	v47 =	vld.idx.msk [tilespmem:v22+s22+$0xFFFFFD80 ss:$0x1], $0xffff;
	v6 =	vperm.xlane v6, v21;
	v27 =	vmul.f32 v54, v53;
	v26 =	vadd.f32 v63, v26  }
0x572: {  	v59 =	vld [tilespmem:s20+$0xFFFFFE80];
	v28 =	vsel vm3, v36, v28;
	v61 =	vperm.xlane v32, v21;
	v2 =	vperm.xlane v2, v21  }
0x573: {  	v49 =	vld [tilespmem:s20+$0x80];
	v0 =	vperm.xlane v0, v21;
	v26 =	vadd.f32 v27, v26;
	v27 =	vmul.f32 v62, v31  }
0x574: {  	v54 =	vperm.xlane v46, v18;
	v56 =	vperm.xlane v35, v18;
	v60 =	vsel vm4, v3, v58;
	v62 =	vld [tilespmem:s20+$0xFFFFFF00]  }
0x575: {  	v42 =	vld.idx.msk [tilespmem:v22+s22+$0xFFFFFF00 ss:$0x1], $0xffff;
	v31 =	vsel vm3, v39, v34;
	v26 =	vadd.f32 v27, v26;
	v27 =	vmul.f32 v57, v60  }
0x576: {  	v1 =	vsel vm4, v1, v25;
	v63 =	vld [tilespmem:s20+$0xFFFFFF80];
	v34 =	vsel vm3, v37, v24;
	v24 =	vsel vm4, v31, v61  }
0x577: {  	v53 =	vld.idx.msk [tilespmem:v22+s22+$0x80 ss:$0x1], $0xffff;
	v6 =	vsel vm4, v6, v29;
	v24 =	vmul.f32 v59, v24;
	v26 =	vadd.f32 v27, v26  }
0x578: {  	v50 =	vld [tilespmem:s20+$0x100];
	v3 =	vperm.xlane v3, v21;
	v27 =	vsel vm4, v34, v30;
	v30 =	vperm.xlane v33, v21  }
0x579: {  	v0 =	vsel vm4, v0, v5;
	v41 =	vld.idx.msk [tilespmem:v22+s22+$0xFFFFFE00 ss:$0x1], $0xffff;
	v24 =	vadd.f32 v24, v26;
	v26 =	vmul.f32 v62, v27  }
0x57a: {  	v1 =	vmul.f32 v49, v1;
	v0 =	vmul.f32 v44, v0;
	v44 =	vld.idx.msk [tilespmem:v22+s22+$0x100 ss:$0x1], $0xffff;
	v27 =	vsel vm4, v28, v30  }
0x57b: {  	v51 =	vld.idx.msk [tilespmem:v22+s22+$0xFFFFFE80 ss:$0x1], $0xffff;
	v3 =	vsel vm4, v3, v45;
	v27 =	vmul.f32 v63, v27;
	v26 =	vadd.f32 v26, v24  }
0x57c: {  	v48 =	vld [tilespmem:s20+$0x280];
	v2 =	vsel vm4, v2, v43;
	v5 =	vperm.xlane v47, v18;
	v43 =	vmul.f32 v52, v3  }
0x57d: {  	v58 =	vperm.xlane v53, v18;
	v38 =	vmul.f32 v50, v2;
	v2 =	vld.idx.msk [tilespmem:v22+s22+$0x200 ss:$0x1], $0xffff;
	v27 =	vadd.f32 v27, v26  }
0x57e: {  	v39 =	vmul.f32 v55, v6;
	v49 =	vperm.xlane v41, v18  }
0x57f: {  	v23 =	vld [tilespmem:s20+$0x300];
	v61 =	vperm.xlane v44, v18;
	v25 =	vperm.xlane v31, v21;
	v0 =	vadd.f32 v0, v27  }
0x580: {  	v31 =	vld.idx.msk [tilespmem:v22+s22+$0x400 ss:$0x1], $0xffff;
	v57 =	vperm.xlane v51, v18;
	v60 =	vperm.xlane v42, v18  }
0x581: {  	v59 =	vld.idx.msk [tilespmem:v22+s22+$0x0 ss:$0x1], $0xffff;
	v3 =	vsel vm4, v25, v32;
	v25 =	vperm.xlane v34, v21;
	v0 =	vadd.f32 v1, v0  }
0x582: {  	v45 =	vld [tilespmem:s20+$0x380];
	v41 =	vsel vm1, v5, v41;
	v37 =	vperm.xlane v2, v18;
	v52 =	vmul.f32 v48, v3  }
0x583: {  	v34 =	vsel vm1, v54, v35;
	v35 =	vsel vm1, v57, v42;
	v24 =	vld.idx.msk [tilespmem:v22+s22+$0xFFFFFF80 ss:$0x1], $0xffff;
	v0 =	vadd.f32 v38, v0  }
0x584: {  	v32 =	vsel vm1, v51, v60;
	v3 =	vsel vm4, v25, v40;
	v25 =	vperm.xlane v28, v21;
	v26 =	vld.idx.msk [tilespmem:v22+s22+$0x180 ss:$0x1], $0xffff  }
0x585: {  	v62 =	vmul.f32 v23, v3;
	v40 =	vperm.xlane v31, v18;
	v27 =	vld.idx.msk [tilespmem:v22+s22+$0x280 ss:$0x1], $0xffff;
	v0 =	vadd.f32 v39, v0  }
0x586: {  	v29 =	vld.idx.msk [tilespmem:v22+s22+$0x300 ss:$0x1], $0xffff;
	v28 =	vsel vm1, v53, v61;
	v36 =	vperm.xlane v59, v18;
	v3 =	vsel vm4, v25, v33  }
0x587: {  	v30 =	vld.idx.msk [tilespmem:v22+s22+$0x380 ss:$0x1], $0xffff;
	v25 =	vsel vm1, v46, v56;
	v46 =	vperm.xlane v35, v19;
	v0 =	vadd.f32 v43, v0  }
0x588: {  	v33 =	vsel vm1, v58, v44;
	v63 =	vmul.f32 v45, v3;
	v50 =	vperm.xlane v24, v18  }
0x589: {  	v45 =	vperm.xlane v34, v19;
	v6 =	vperm.xlane v26, v18;
	v0 =	vadd.f32 v52, v0  }
0x58a: {  	v48 =	vperm.xlane v25, v19;
	v42 =	vsel vm1, v50, v59;
	v55 =	vperm.xlane v27, v18  }
0x58b: {  	v38 =	vperm.xlane v29, v18;
	v44 =	vsel vm1, v6, v2;
	v0 =	vadd.f32 v62, v0  }
0x58c: {  	v39 =	vperm.xlane v30, v18;
	v29 =	vsel vm1, v55, v29;
	v43 =	vsel vm1, v47, v49  }
0x58d: {  	s7 =	simm.s32 $0xE80;
	s5 =	smov.u32 s20;
	v49 =	vperm.xlane v41, v19;
	v47 =	vperm.xlane v33, v19;
	v23 =	vadd.f32 v63, v0  }
.LBB2_13:
0x58e: {  	p0 =	sne.s32 s7, $0xFC0;
	v0 =	vsel vm1, v24, v36;
	v1 =	vperm.xlane v32, v19;
	v2 =	vperm.xlane v28, v19  }
0x58f: {  	v3 =	vsel vm1, v26, v37;
	v5 =	vperm.xlane v43, v19;
	v6 =	vperm.xlane v29, v19  }
0x590: {  	v24 =	vsel vm1, v27, v38;
	v26 =	vperm.xlane v42, v19;
	v27 =	vperm.xlane v44, v19  }
0x591: {  	v31 =	vsel vm1, v39, v31;
	v36 =	vperm.xlane v0, v19;
	v37 =	vperm.xlane v24, v19  }
0x592: {  	v30 =	vsel vm1, v30, v40;
	v38 =	vperm.xlane v3, v19;
	v39 =	vperm.xlane v31, v19  }
0x593: {  	v40 =	vsel vm2, v48, v43;
	v41 =	vsel vm2, v45, v41;
	v43 =	vperm.xlane v30, v19  }
0x594: {  	v42 =	vsel vm2, v46, v42;
	v34 =	vsel vm2, v34, v49;
	v44 =	vsel vm2, v47, v44  }
0x595: {  	v0 =	vsel vm2, v1, v0;
	v1 =	vsel vm2, v2, v3;
	v2 =	vsel vm2, v6, v31  }
0x596: {  	v3 =	vsel vm2, v25, v5;
	v5 =	vsel vm2, v35, v26;
	v6 =	vperm.xlane v41, v20  }
0x597: {  	v26 =	vsel vm2, v33, v27;
	v27 =	vperm.xlane v40, v20;
	v31 =	vperm.xlane v44, v20  }
0x598: {  	s5 =	sadd.s32 $0x800, s5;
	v33 =	vperm.xlane v34, v20;
	v32 =	vsel vm2, v32, v36;
	v35 =	vperm.xlane v1, v20  }
0x599: {  	v24 =	vsel vm2, v24, v43;
	v36 =	vperm.xlane v3, v20;
	v43 =	vperm.xlane v26, v20;
	v25 =	vld [tilespmem:s5+$0x300]  }
0x59a: {  	v45 =	vperm.xlane v42, v20;
	v38 =	vsel vm2, v28, v38;
	v46 =	vperm.xlane v24, v20;
	v28 =	vld [tilespmem:s5+$0x280]  }
0x59b: {  	v39 =	vsel vm2, v29, v39;
	v47 =	vperm.xlane v0, v20;
	v48 =	vperm.xlane v38, v20;
	v49 =	vld [tilespmem:s5+$0xFFFFFC00]  }
0x59c: {  	v50 =	vperm.xlane v32, v20;
	v38 =	vsel vm3, v38, v46;
	v46 =	vperm.xlane v39, v20;
	v29 =	vld [tilespmem:s5+$0x200]  }
0x59d: {  	v30 =	vsel vm2, v37, v30;
	v37 =	vperm.xlane v5, v20;
	v51 =	vperm.xlane v38, v21;
	v52 =	vld [tilespmem:s5+$0xFFFFFC80]  }
0x59e: {  	v3 =	vsel vm3, v3, v50;
	v46 =	vsel vm3, v26, v46;
	v26 =	vperm.xlane v30, v20;
	v50 =	vld [tilespmem:s5+$0x180]  }
0x59f: {  	v53 =	vperm.xlane v2, v20;
	v51 =	vsel vm4, v3, v51;
	v54 =	vperm.xlane v46, v21;
	v55 =	vld [tilespmem:s5+$0xFFFFFD00]  }
0x5a0: {  	v34 =	vsel vm3, v34, v37;
	v1 =	vsel vm3, v1, v26;
	v26 =	vmul.f32 v49, v51;
	v37 =	vld [tilespmem:s5+$0x100]  }
0x5a1: {  	v40 =	vsel vm3, v40, v47;
	v47 =	vsel vm4, v34, v54;
	v49 =	vperm.xlane v1, v21;
	v51 =	vld [tilespmem:s5+$0xFFFFFD80]  }
0x5a2: {  	v44 =	vsel vm3, v44, v53;
	v23 =	vadd.f32 v26, v23;
	v26 =	vmul.f32 v52, v47;
	v47 =	vld [tilespmem:s5+$0x80]  }
0x5a3: {  	v41 =	vsel vm3, v41, v45;
	v45 =	vsel vm4, v40, v49;
	v49 =	vperm.xlane v44, v21;
	v52 =	vld [tilespmem:s5+$0xFFFFFE00]  }
0x5a4: {  	v48 =	vsel vm3, v48, v24;
	v23 =	vadd.f32 v26, v23;
	v24 =	vmul.f32 v55, v45;
	v26 =	vld [tilespmem:s5+$0x0]  }
0x5a5: {  	v32 =	vsel vm3, v36, v32;
	v36 =	vsel vm4, v41, v49;
	v45 =	vperm.xlane v48, v21;
	v49 =	vld [tilespmem:s5+$0xFFFFFE80]  }
0x5a6: {  	v39 =	vsel vm3, v43, v39;
	v23 =	vadd.f32 v24, v23;
	v24 =	vmul.f32 v51, v36;
	v36 =	vld [tilespmem:s5+$0xFFFFFF80]  }
0x5a7: {  	s8 =	sshra.s32 s7, $0x2;
	v5 =	vsel vm3, v33, v5;
	v43 =	vperm.xlane v39, v21;
	v33 =	vsel vm4, v32, v45;
	v45 =	vld [tilespmem:s5+$0xFFFFFF00]  }
0x5a8: {  	v35 =	vsel vm3, v35, v30;
	v51 =	vld.idx.msk [tilespmem:v22+s8+$0xFFFFFC80 ss:$0x1], $0xffff;
	v23 =	vadd.f32 v24, v23;
	v24 =	vmul.f32 v52, v33  }
0x5a9: {  	v0 =	vsel vm3, v27, v0;
	v30 =	vperm.xlane v35, v21;
	v27 =	vsel vm4, v5, v43;
	v33 =	vld.idx.msk [tilespmem:v22+s8+$0xFFFFFD00 ss:$0x1], $0xffff  }
0x5aa: {  	v2 =	vsel vm3, v31, v2;
	v43 =	vld.idx.msk [tilespmem:v22+s8+$0xFFFFFD80 ss:$0x1], $0xffff;
	v23 =	vadd.f32 v24, v23;
	v24 =	vmul.f32 v49, v27  }
0x5ab: {  	v27 =	vsel vm4, v0, v30;
	v30 =	vperm.xlane v2, v21;
	v49 =	vld.idx.msk [tilespmem:v22+s8+$0xFFFFFE80 ss:$0x1], $0xffff  }
0x5ac: {  	v6 =	vsel vm3, v6, v42;
	v52 =	vld.idx.msk [tilespmem:v22+s8+$0x80 ss:$0x1], $0xffff;
	v23 =	vadd.f32 v24, v23;
	v24 =	vmul.f32 v45, v27  }
0x5ad: {  	v3 =	vperm.xlane v3, v21;
	v27 =	vsel vm4, v6, v30;
	v42 =	vld.idx.msk [tilespmem:v22+s8+$0xFFFFFE00 ss:$0x1], $0xffff  }
0x5ae: {  	v53 =	vperm.xlane v51, v18;
	v27 =	vmul.f32 v36, v27;
	v45 =	vld.idx.msk [tilespmem:v22+s8+$0xFFFFFF00 ss:$0x1], $0xffff;
	v23 =	vadd.f32 v24, v23  }
0x5af: {  	v3 =	vsel vm4, v3, v38;
	v30 =	vperm.xlane v34, v21;
	v54 =	vperm.xlane v33, v18;
	v24 =	vld.idx.msk [tilespmem:v22+s8+$0xFFFFFF80 ss:$0x1], $0xffff  }
0x5b0: {  	v3 =	vmul.f32 v26, v3;
	v56 =	vperm.xlane v43, v18;
	v55 =	vld.idx.msk [tilespmem:v22+s8+$0x100 ss:$0x1], $0xffff;
	v23 =	vadd.f32 v27, v23  }
0x5b1: {  	v31 =	vperm.xlane v40, v21;
	v30 =	vsel vm4, v30, v46;
	v57 =	vperm.xlane v49, v18;
	v26 =	vld.idx.msk [tilespmem:v22+s8+$0x180 ss:$0x1], $0xffff  }
0x5b2: {  	v46 =	vperm.xlane v52, v18;
	v27 =	vld.idx.msk [tilespmem:v22+s8+$0x280 ss:$0x1], $0xffff;
	v3 =	vadd.f32 v3, v23;
	v23 =	vmul.f32 v47, v30  }
0x5b3: {  	v1 =	vsel vm4, v31, v1;
	v58 =	vperm.xlane v42, v18;
	v30 =	vperm.xlane v41, v21;
	v47 =	vld.idx.msk [tilespmem:v22+s8+$0x0 ss:$0x1], $0xffff  }
0x5b4: {  	v1 =	vmul.f32 v37, v1;
	v60 =	vperm.xlane v45, v18;
	v59 =	vld.idx.msk [tilespmem:v22+s8+$0x200 ss:$0x1], $0xffff;
	v3 =	vadd.f32 v23, v3  }
0x5b5: {  	v32 =	vperm.xlane v32, v21;
	v62 =	vperm.xlane v24, v18;
	v23 =	vsel vm4, v30, v44;
	v61 =	vld.idx.msk [tilespmem:v22+s8+$0x300 ss:$0x1], $0xffff  }
0x5b6: {  	v44 =	vperm.xlane v55, v18;
	v30 =	vld.idx.msk [tilespmem:v22+s8+$0x380 ss:$0x1], $0xffff;
	v1 =	vadd.f32 v1, v3;
	v3 =	vmul.f32 v50, v23  }
0x5b7: {  	v5 =	vperm.xlane v5, v21;
	v50 =	vperm.xlane v26, v18;
	v23 =	vsel vm4, v32, v48;
	v31 =	vld.idx.msk [tilespmem:v22+s8+$0x400 ss:$0x1], $0xffff  }
0x5b8: {  	v63 =	vperm.xlane v27, v18;
	v1 =	vadd.f32 v3, v1;
	v3 =	vmul.f32 v29, v23  }
0x5b9: {  	v5 =	vsel vm4, v5, v39;
	v0 =	vperm.xlane v0, v21;
	v36 =	vperm.xlane v47, v18;
	v23 =	vld [tilespmem:s5+$0x380]  }
0x5ba: {  	v37 =	vperm.xlane v59, v18;
	v1 =	vadd.f32 v3, v1;
	v3 =	vmul.f32 v28, v5  }
0x5bb: {  	v0 =	vsel vm4, v0, v35;
	v38 =	vperm.xlane v61, v18;
	v5 =	vperm.xlane v6, v21  }
0x5bc: {  	v0 =	vmul.f32 v25, v0;
	v39 =	vperm.xlane v30, v18;
	v1 =	vadd.f32 v3, v1  }
0x5bd: {  	v34 =	vsel vm1, v53, v33;
	v40 =	vperm.xlane v31, v18;
	v2 =	vsel vm4, v5, v2  }
0x5be: {  	v25 =	vsel vm1, v51, v54;
	v0 =	vadd.f32 v0, v1;
	v1 =	vmul.f32 v23, v2  }
.Ltmp5:
0x5bf: {  	v41 =	vsel vm1, v56, v42;
	v35 =	vsel vm1, v57, v45;
	v33 =	vsel vm1, v46, v55;
	(pc) =	sbr.rel @p0 .LBB2_13-.Ltmp5, $4  }
0x5c0: {  	v43 =	vsel vm1, v43, v58;
	v32 =	vsel vm1, v49, v60;
	v23 =	vadd.f32 v1, v0  }
0x5c1: {  	v45 =	vperm.xlane v34, v19;
	v42 =	vsel vm1, v62, v47;
	v28 =	vsel vm1, v52, v44  }
0x5c2: {  	v46 =	vperm.xlane v35, v19;
	v48 =	vperm.xlane v25, v19;
	v44 =	vsel vm1, v50, v59  }
0x5c3: {  	s7 =	sadd.s32 $0x40, s7;
	v49 =	vperm.xlane v41, v19;
	v47 =	vperm.xlane v33, v19;
	v29 =	vsel vm1, v63, v61  }
0x5c4: {  	v0 =	vsel vm1, v24, v36;
	v1 =	vperm.xlane v32, v19;
	v2 =	vperm.xlane v28, v19  }
0x5c5: {  	v3 =	vsel vm1, v26, v37;
	v5 =	vperm.xlane v43, v19;
	v6 =	vperm.xlane v29, v19  }
0x5c6: {  	v22 =	vsel vm1, v27, v38;
	v61 =	vperm.xlane v42, v19;
	v62 =	vperm.xlane v44, v19  }
0x5c7: {  	v63 =	vsel vm1, v39, v31;
	v30 =	vsel vm1, v30, v40;
	v39 =	vsel vm2, v48, v43  }
0x5c8: {  	v40 =	vsel vm2, v45, v41;
	v50 =	vperm.xlane v0, v19;
	v51 =	vperm.xlane v22, v19  }
0x5c9: {  	v42 =	vsel vm2, v46, v42;
	v37 =	vperm.xlane v3, v19;
	v52 =	vperm.xlane v63, v19  }
0x5ca: {  	v53 =	vperm.xlane v30, v19;
	v34 =	vsel vm2, v34, v49;
	v43 =	vsel vm2, v47, v44  }
0x5cb: {  	v0 =	vsel vm2, v1, v0;
	v1 =	vsel vm2, v2, v3;
	v2 =	vsel vm2, v6, v63  }
0x5cc: {  	v3 =	vsel vm2, v25, v5;
	v5 =	vsel vm2, v35, v61;
	v6 =	vperm.xlane v40, v20  }
0x5cd: {  	v54 =	vsel vm2, v33, v62;
	v25 =	vperm.xlane v39, v20;
	v26 =	vperm.xlane v43, v20  }
0x5ce: {  	v31 =	vperm.xlane v34, v20;
	v27 =	vsel vm2, v32, v50;
	v32 =	vperm.xlane v1, v20  }
0x5cf: {  	v22 =	vsel vm2, v22, v53;
	v33 =	vperm.xlane v3, v20;
	v35 =	vperm.xlane v54, v20  }
0x5d0: {  	s5 =	sadd.s32 $0x800, s5;
	v55 =	vsel vm2, v28, v37;
	v37 =	vperm.xlane v42, v20;
	v41 =	vperm.xlane v22, v20  }
0x5d1: {  	v57 =	vld [tilespmem:s5+$0xFFFFFC00];
	v29 =	vsel vm2, v29, v52;
	v56 =	vperm.xlane v0, v20;
	v60 =	vperm.xlane v5, v20  }
0x5d2: {  	v58 =	vperm.xlane v27, v20;
	v59 =	vperm.xlane v29, v20;
	v28 =	vsel vm3, v55, v41  }
0x5d3: {  	v62 =	vld [tilespmem:s5+$0xFFFFFC80];
	v30 =	vsel vm2, v51, v30;
	v52 =	vperm.xlane v2, v20;
	v61 =	vperm.xlane v28, v21  }
0x5d4: {  	v63 =	vperm.xlane v30, v20;
	v3 =	vsel vm3, v3, v58;
	v24 =	vsel vm3, v54, v59  }
0x5d5: {  	v50 =	vld [tilespmem:s5+$0xFFFFFD00];
	v44 =	vperm.xlane v55, v20;
	v53 =	vperm.xlane v24, v21;
	v47 =	vsel vm4, v3, v61  }
0x5d6: {  	v34 =	vsel vm3, v34, v60;
	v1 =	vsel vm3, v1, v63;
	v54 =	vmul.f32 v57, v47  }
0x5d7: {  	v38 =	vsel vm3, v39, v56;
	v56 =	vld [tilespmem:s5+$0xFFFFFD80];
	v41 =	vperm.xlane v1, v21;
	v55 =	vsel vm4, v34, v53  }
0x5d8: {  	v43 =	vsel vm3, v43, v52;
	v57 =	vmul.f32 v62, v55;
	v23 =	vadd.f32 v54, v23  }
0x5d9: {  	v37 =	vsel vm3, v40, v37;
	v60 =	vld [tilespmem:s5+$0xFFFFFE00];
	v59 =	vperm.xlane v43, v21;
	v58 =	vsel vm4, v38, v41  }
0x5da: {  	v22 =	vsel vm3, v44, v22;
	v61 =	vmul.f32 v50, v58;
	v23 =	vadd.f32 v57, v23  }
0x5db: {  	v27 =	vsel vm3, v33, v27;
	v44 =	vld [tilespmem:s5+$0xFFFFFE80];
	v63 =	vperm.xlane v22, v21;
	v62 =	vsel vm4, v37, v59  }
0x5dc: {  	v29 =	vsel vm3, v35, v29;
	v33 =	vmul.f32 v56, v62;
	v23 =	vadd.f32 v61, v23  }
0x5dd: {  	v46 =	vld [tilespmem:s5+$0xFFFFFF00];
	v5 =	vsel vm3, v31, v5;
	v35 =	vperm.xlane v29, v21;
	v45 =	vsel vm4, v27, v63  }
0x5de: {  	v30 =	vsel vm3, v32, v30;
	v31 =	vmul.f32 v60, v45;
	v23 =	vadd.f32 v33, v23  }
0x5df: {  	v0 =	vsel vm3, v25, v0;
	v49 =	vperm.xlane v30, v21;
	v48 =	vsel vm4, v5, v35;
	v47 =	vld [tilespmem:s5+$0xFFFFFF80]  }
0x5e0: {  	v2 =	vsel vm3, v26, v2;
	v25 =	vmul.f32 v44, v48;
	v23 =	vadd.f32 v31, v23  }
0x5e1: {  	v52 =	vperm.xlane v2, v21;
	v51 =	vsel vm4, v0, v49;
	v50 =	vld [tilespmem:s5+$0x0]  }
0x5e2: {  	v6 =	vsel vm3, v6, v42;
	v53 =	vmul.f32 v46, v51;
	v23 =	vadd.f32 v25, v23  }
0x5e3: {  	v3 =	vperm.xlane v3, v21;
	v54 =	vld [tilespmem:s5+$0x80];
	v33 =	vsel vm4, v6, v52  }
0x5e4: {  	v55 =	vmul.f32 v47, v33;
	v23 =	vadd.f32 v53, v23  }
0x5e5: {  	v56 =	vld [tilespmem:s5+$0x100];
	v3 =	vsel vm4, v3, v28;
	v57 =	vperm.xlane v34, v21  }
0x5e6: {  	v3 =	vmul.f32 v50, v3;
	v23 =	vadd.f32 v55, v23  }
0x5e7: {  	v58 =	vld [tilespmem:s5+$0x180];
	v59 =	vperm.xlane v38, v21;
	v24 =	vsel vm4, v57, v24  }
0x5e8: {  	v3 =	vadd.f32 v3, v23;
	v23 =	vmul.f32 v54, v24  }
0x5e9: {  	v60 =	vld [tilespmem:s5+$0x200];
	v1 =	vsel vm4, v59, v1;
	v61 =	vperm.xlane v37, v21  }
0x5ea: {  	v1 =	vmul.f32 v56, v1;
	v3 =	vadd.f32 v23, v3  }
0x5eb: {  	v27 =	vperm.xlane v27, v21;
	v26 =	vsel vm4, v61, v43;
	v23 =	vld [tilespmem:s5+$0x280]  }
0x5ec: {  	v1 =	vadd.f32 v1, v3;
	v3 =	vmul.f32 v58, v26  }
0x5ed: {  	v5 =	vperm.xlane v5, v21;
	v62 =	vld [tilespmem:s5+$0x300];
	v22 =	vsel vm4, v27, v22  }
0x5ee: {  	v1 =	vadd.f32 v3, v1;
	v3 =	vmul.f32 v60, v22  }
0x5ef: {  	v0 =	vperm.xlane v0, v21;
	v5 =	vsel vm4, v5, v29;
	v22 =	vld [tilespmem:s5+$0x380]  }
0x5f0: {  	v1 =	vadd.f32 v3, v1;
	v3 =	vmul.f32 v23, v5  }
0x5f1: {  	v0 =	vsel vm4, v0, v30;
	v5 =	vperm.xlane v6, v21  }
0x5f2: {  	s0 =	sadd.s32 $0x1, s0;
	v0 =	vmul.f32 v62, v0;
	v1 =	vadd.f32 v3, v1  }
0x5f3: {  	p0 =	sne.s32 s0, $0x8;
	v2 =	vsel vm4, v5, v2  }
.Ltmp6:
0x5f4: {  	v63 =	vmul.f32 v22, v2;
	v0 =	vadd.f32 v0, v1;
	(pc) =	sbr.rel @p0 .LBB2_12-.Ltmp6, $3  }
0x5f5: {  	_ = 	snop  }
0x5f6: {  	v0 =	vadd.f32 v63, v0;
	_ =	sdelay $0x1  }
0x5f7: {  	s2 =	sadd.s32 $0x800, s2;
	s20 =	sadd.s32 $0x10, s20;
	[tilespmem:s13+$0x10080] =	vst v0  }
0x5f8: {  	s0 =	rddreg [dreg:$0x7];
	s2 =	simm.s32 $0x10080  }
0x5f9: {  	[hbm4b:s0+s4] =	stream.linear.scatter [tilespmem:s2], [sflag:$0x5], $0x80, $0x38;
	[tilespmem:$0x10100] =	vst v63  }
0x5fa: {  	s2 =	simm.s32 $0x5  }
0x5fb: {  	_ =	swait.ge [sflag:s2], $0x80  }
0x5fc: {  	s5 =	rddreg [dreg:$0x9]  }
0x5fd: {  	s22 =	rddreg [dreg:$0x8];
	s5 =	sadd.s32 $0x1, s5  }
0x5fe: {  	p0 =	sne.s32 s5, s22  }
.Ltmp7:
0x5ff: {  	_ = 	snop;
	(pc) =	sbr.rel @p0 .LBB2_1-.Ltmp7, $3  }
0x600: {  	_ =	sdelay $0x1  }
0x601: {  	[sflag:s2] =	ssyncset.done $0x0  }
0x602: {  	[sflag:s2] =	ssyncadd.s32 $0xFFFFFF80  }
0x603: {  	_ =	sfence.sel $0x180000  }
0x604: {  	[bflag:$0x0] =	sbarrier.arrive $0xFFFF  }
0x605: {  	_ =	strace $0x90000047  }
0x606: {  	s0 =	stileid.u32;
	[bflag:$0x2] =	sbarrier.arrive $0xFFFF  }
0x607: {  	p0 =	sne.s32 s0, $0x0;
	s0 =	rddreg [dreg:$0x4]  }
0x608: {  	s0 =	sadd.s32 @!p0 $0x100000, s0  }
0x609: {  	[sflag:s0] =	ssyncadd.tile.s32 @!p0 $0x1;
	_ =	shalt  }
.Lfunc_end2:
_tile_overlayer_lowered:
.L_overlay_start_2:
0x60a: {  	(tag) =	ssettag $0x2  }
0x60b: {  	s0 =	rddreg [dreg:$0x0];
	s2 =	stileid.u32  }
0x60c: {  	s1 =	rddreg [dreg:$0x1];
	p0 =	sne.s32 s2, $0x0  }
0x60d: {  	s3 =	rddreg [dreg:$0x2];
	[bflag:$0x3] =	sbarrier.arrive $0xFFFF;
	s2 =	simm.s32 @!p0 $0x1C05  }
0x60e: {  	[timem:s3], [sflag:s2] =	dma.local @!p0 [hbm:s0], s1  }
0x60f: {  	s0 =	simm.s32 @!p0 $0x5  }
0x610: {  	_ =	swait.ge @!p0 [sflag:s0], s1  }
0x611: {  	s1 =	ssub.s32 @!p0 $0x0, s1;
	[sflag:s0] =	ssyncset.done @!p0 $0x0  }
0x612: {  	[sflag:s0] =	ssyncadd.s32 @!p0 s1  }
0x613: {  	[bflag:$0x3] =	sbarrier.arrive $0xFFFF  }
0x614: {  	_ =	shalt  }

</sc_bundles>
